<compile_context>
chip_gen: v7x
topology: tpu7x:2x2x1
jax: 0.10.2.dev20260603
libtpu: 0.0.44.dev20260713+nightly
codegen_flags: <defaults>
</compile_context>

<pallas_src>
import functools

import jax
import jax.numpy as jnp
from jax import lax
from jax.experimental import pallas as pl
from jax.experimental.pallas import tpu as pltpu
from jax.experimental.pallas import tpu_sc as plsc

N = 10000
NP = 10240
E = 320000
DN = 128
DE = 16
H = 64

HP = 128

NC = 2
NS = 16
NW = NC * NS
EW = E // NW
GPH = 2
GNCH = 125
GCH = EW // (GPH * GNCH)
GSUB = GCH
GBUF = 6
SPH = 2
SNCH = 125
SCH = EW // (SPH * SNCH)
NBUF = 6
RPT = NP // NS

_mesh = plsc.VectorSubcoreMesh(core_axis_name="c", subcore_axis_name="s")



@functools.partial(
    pl.kernel,
    mesh=_mesh,
    out_type=jax.ShapeDtypeStruct((E, HP), jnp.float32),
    scratch_types=[
        pltpu.VMEM((GNCH, GSUB), jnp.int32),
        pltpu.VMEM((GBUF, GCH, HP), jnp.float32),
        pltpu.VMEM_SHARED((NP, HP), jnp.float32),
        pltpu.SemaphoreType.DMA,
        pltpu.SemaphoreType.DMA,
    ],
)
def _sc_gather(table_hbm, src_hbm, out_hbm, idx_v, rows_v, tab_sh,
               sem_g, sem_o):
    cid = lax.axis_index("c")
    sid = lax.axis_index("s")
    wid = sid * NC + cid
    pltpu.sync_copy(table_hbm.at[pl.ds(sid * RPT, RPT)],
                    tab_sh.at[pl.ds(sid * RPT, RPT)])
    plsc.subcore_barrier()

    def gfire(pbase, c):
        pltpu.async_copy(tab_sh.at[idx_v.at[c]],
                         rows_v.at[lax.rem(c, GBUF)], sem_g)

    def drain(sem):
        pltpu.make_async_copy(
            out_hbm.at[pl.ds(0, GCH)], rows_v.at[0], sem).wait()

    for p in range(GPH):
        pltpu.sync_copy(src_hbm.at[wid, p], idx_v)
        pbase = wid * EW + p * GNCH * GCH
        gfire(pbase, 0)
        gfire(pbase, 1)

        def chunk(c, _):
            @pl.when(c >= 4)
            def _():
                drain(sem_o)

            @pl.when(c + 2 < GNCH)
            def _():
                gfire(pbase, c + 2)
            drain(sem_g)
            pltpu.async_copy(rows_v.at[lax.rem(c, GBUF)],
                             out_hbm.at[pl.ds(pbase + c * GCH, GCH)], sem_o)
            return 0
        lax.fori_loop(0, GNCH, chunk, 0)
        for _ in range(4):
            drain(sem_o)


@functools.partial(
    pl.kernel,
    mesh=_mesh,
    out_type=jax.ShapeDtypeStruct((NC, NP, HP), jnp.float32),
    scratch_types=[
        pltpu.VMEM((SNCH, SCH), jnp.int32),
        pltpu.VMEM((NBUF, SCH, HP), jnp.float32),
        pltpu.VMEM_SHARED((NP, HP), jnp.float32),
        pltpu.SemaphoreType.DMA,
        pltpu.SemaphoreType.DMA,
    ],
)
def _sc_scatter(m_hbm, dst_hbm, zeros_hbm, out_hbm, idx_v, rows_v, acc_sh,
                sem_st, sem_ad):
    cid = lax.axis_index("c")
    sid = lax.axis_index("s")
    wid = sid * NC + cid
    pltpu.sync_copy(zeros_hbm.at[pl.ds(sid * RPT, RPT)],
                    acc_sh.at[pl.ds(sid * RPT, RPT)])
    plsc.subcore_barrier()

    def stage(pbase, c, buf):
        return pltpu.async_copy(
            m_hbm.at[pl.ds(pbase + c * SCH, SCH)], rows_v.at[buf], sem_st)

    def drain(sem):
        pltpu.make_async_copy(
            m_hbm.at[pl.ds(0, SCH)], rows_v.at[0], sem).wait()

    for p in range(SPH):
        pltpu.sync_copy(dst_hbm.at[wid, p], idx_v)
        pbase = wid * EW + p * SNCH * SCH
        stage(pbase, 0, 0)
        stage(pbase, 1, 1)

        def chunk(c, _):
            @pl.when(c >= 4)
            def _():
                drain(sem_ad)

            @pl.when(c + 2 < SNCH)
            def _():
                stage(pbase, c + 2, lax.rem(c + 2, NBUF))
            drain(sem_st)
            pltpu.async_copy(rows_v.at[lax.rem(c, NBUF)],
                             acc_sh.at[idx_v.at[c]], sem_ad, add=True)
            return 0
        lax.fori_loop(0, SNCH, chunk, 0)
        for _ in range(4):
            drain(sem_ad)
    plsc.subcore_barrier()
    pltpu.sync_copy(acc_sh.at[pl.ds(sid * RPT, RPT)],
                    out_hbm.at[cid, pl.ds(sid * RPT, RPT)])



def _tc_in_body(x_ref, w1_ref, b1_ref, w2_ref, b2_ref, w1a_ref,
                h_ref, hw_ref):
    h0 = jnp.maximum(x_ref[...] @ w1_ref[...] + b1_ref[...], 0.0)
    h = jnp.maximum(h0 @ w2_ref[...] + b2_ref[...], 0.0)
    h_ref[...] = h
    hw_ref[...] = h @ w1a_ref[...]


def _tc_input(x, w1, b1, w2, b2, w1a0):
    return pl.pallas_call(
        _tc_in_body,
        out_shape=(
            jax.ShapeDtypeStruct((N, H), jnp.float32),
            jax.ShapeDtypeStruct((N, HP), jnp.float32),
        ),
    )(x, w1, b1, w2, b2, w1a0)


BE = 8000


def _tc_edge_body(xjw_ref, ea_ref, w1b_ref, b1_ref, w2_ref, b2_ref, m_ref):
    t = jnp.maximum(xjw_ref[...][:, :H] + ea_ref[...] @ w1b_ref[...]
                    + b1_ref[...], 0.0)
    m_ref[...] = jnp.maximum(t @ w2_ref[...] + b2_ref[...], 0.0)


def _tc_edge(xjw, ea, w1b, b1, w2, b2):
    return pl.pallas_call(
        _tc_edge_body,
        grid=(E // BE,),
        in_specs=[
            pl.BlockSpec((BE, HP), lambda i: (i, 0)),
            pl.BlockSpec((BE, DE), lambda i: (i, 0)),
            pl.BlockSpec((DE, H), lambda i: (0, 0)),
            pl.BlockSpec((1, H), lambda i: (0, 0)),
            pl.BlockSpec((H, HP), lambda i: (0, 0)),
            pl.BlockSpec((1, HP), lambda i: (0, 0)),
        ],
        out_specs=pl.BlockSpec((BE, HP), lambda i: (i, 0)),
        out_shape=jax.ShapeDtypeStruct((E, HP), jnp.float32),
    )(xjw, ea, w1b, b1, w2, b2)


def _node_common(h_ref, p_ref, w3a_ref, w3b_ref, b3_ref, w4_ref,
                 b4_ref, g_ref, bb_ref):
    h = h_ref[...]
    p = p_ref[...]
    ps = p[0, :N] + p[1, :N]
    den = jnp.maximum(ps[:, H:H + 1], 1.0)
    agg = ps[:, :H] / den
    u = jnp.maximum(h @ w3a_ref[...] + agg @ w3b_ref[...] + b3_ref[...], 0.0)
    s = jax.nn.sigmoid(u @ w4_ref[...] + b4_ref[...])
    z = h + s
    mean = jnp.mean(z, axis=0, keepdims=True)
    var = jnp.mean((z - mean) ** 2, axis=0, keepdims=True)
    return (z - mean) / jnp.sqrt(var + 1e-5) * g_ref[...] + bb_ref[...]


def _tc_node_mid_body(h_ref, p_ref, w3a_ref, w3b_ref, b3_ref,
                      w4_ref, b4_ref, g_ref, bb_ref, w1a_ref,
                      h_out, hw_out):
    hn = _node_common(h_ref, p_ref, w3a_ref, w3b_ref, b3_ref,
                      w4_ref, b4_ref, g_ref, bb_ref)
    h_out[...] = hn
    hw_out[pl.ds(0, N), :] = hn @ w1a_ref[...]


def _tc_node_mid(h, parts, w3a, w3b, b3, w4, b4, g, bb, w1a_next):
    return pl.pallas_call(
        _tc_node_mid_body,
        out_shape=(
            jax.ShapeDtypeStruct((N, H), jnp.float32),
            jax.ShapeDtypeStruct((NP, HP), jnp.float32),
        ),
    )(h, parts, w3a, w3b, b3, w4, b4, g, bb, w1a_next)


def _tc_node_last_body(h_ref, p_ref, w3a_ref, w3b_ref, b3_ref,
                       w4_ref, b4_ref, g_ref, bb_ref, f1_ref, c1_ref,
                       f2_ref, c2_ref, o_out):
    hn = _node_common(h_ref, p_ref, w3a_ref, w3b_ref, b3_ref,
                      w4_ref, b4_ref, g_ref, bb_ref)
    t = jnp.maximum(hn @ f1_ref[...] + c1_ref[...], 0.0)
    o_out[...] = jax.nn.sigmoid(t @ f2_ref[...] + c2_ref[...])


def _tc_node_last(h, parts, w3a, w3b, b3, w4, b4, g, bb, f1, c1, f2, c2):
    return pl.pallas_call(
        _tc_node_last_body,
        out_shape=jax.ShapeDtypeStruct((N, 1), jnp.float32),
    )(h, parts, w3a, w3b, b3, w4, b4, g, bb, f1, c1, f2, c2)



def kernel(x, edge_attr, edge_index, batch, params):
    src = edge_index[0].reshape(NW, GPH, GNCH, GSUB)
    dst = edge_index[1].reshape(NW, SPH, SNCH, SCH)

    def row(b):
        return b.reshape(1, -1)

    layers = params["layers"]
    w1a = [jnp.pad(lp["m1_1"][0][:H], ((0, 0), (0, HP - H))) for lp in layers]
    w1b = [lp["m1_1"][0][H:] for lp in layers]
    b1 = [row(lp["m1_1"][1]) for lp in layers]
    w2 = [jnp.pad(lp["m1_2"][0], ((0, 0), (0, HP - H))) for lp in layers]
    cpad = jnp.zeros((1, HP - H), jnp.float32).at[0, 0].set(1.0)
    b2 = [jnp.concatenate([row(lp["m1_2"][1]), cpad], axis=1) for lp in layers]
    w3a = [lp["m2_1"][0][:H] for lp in layers]
    w3b = [lp["m2_1"][0][H:] for lp in layers]
    b3 = [row(lp["m2_1"][1]) for lp in layers]
    w4 = [lp["m2_2"][0] for lp in layers]
    b4 = [row(lp["m2_2"][1]) for lp in layers]
    g = [row(lp["bn_g"]) for lp in layers]
    bb = [row(lp["bn_b"]) for lp in layers]

    zeros_h = jnp.zeros((NP, HP), jnp.float32)

    h, hw = _tc_input(x, params["in1"][0], row(params["in1"][1]),
                      params["in2"][0], row(params["in2"][1]), w1a[0])

    for l in range(len(layers)):
        xjw = _sc_gather(hw, src)
        m = _tc_edge(xjw, edge_attr, w1b[l], b1[l], w2[l], b2[l])
        parts = _sc_scatter(m, dst, zeros_h)
        if l + 1 < len(layers):
            h, hw = _tc_node_mid(h, parts, w3a[l], w3b[l], b3[l],
                                 w4[l], b4[l], g[l], bb[l], w1a[l + 1])
        else:
            o = _tc_node_last(h, parts, w3a[l], w3b[l], b3[l],
                              w4[l], b4[l], g[l], bb[l],
                              params["f1"][0], row(params["f1"][1]),
                              params["f2"][0], row(params["f2"][1]))
    return o

# --- scband reference (transcript-rebuilt; emitter-appended) ---
"""Pipeline reference for scband-igcnet-85375359910092 (READ-ONLY COPY).

The authoritative reference and input builder live on the scoring server;
editing this copy changes nothing except your own understanding.
"""

import jax, jax.numpy as jnp
import numpy as np

N = 10000
E = 320000
D_NODE = 128
D_EDGE = 16
H = 64
L = 3


def _lin(key, din, dout):
    W = jax.random.normal(key, (din, dout), jnp.float32) * 0.05
    b = jnp.zeros((dout,), jnp.float32)
    return (W, b)


def setup_inputs(seed: int = 0):
    key = jax.random.key(seed)
    ks = jax.random.split(key, 40)
    x = jax.random.normal(ks[0], (N, D_NODE), jnp.float32)
    edge_attr = jax.random.normal(ks[1], (E, D_EDGE), jnp.float32)
    edge_index = jax.random.randint(ks[2], (2, E), 0, N, dtype=jnp.int32)
    batch = jnp.zeros((N,), dtype=jnp.int32)
    idx = [3]

    def nxt():
        k = ks[idx[0]]
        idx[0] += 1
        return k

    params = {}
    params["in1"] = _lin(nxt(), D_NODE, H)
    params["in2"] = _lin(nxt(), H, H)
    layers = []
    for _ in range(L):
        lp = {}
        lp["m1_1"] = _lin(nxt(), H + D_EDGE, H)
        lp["m1_2"] = _lin(nxt(), H, H)
        lp["m2_1"] = _lin(nxt(), 2 * H, H)
        lp["m2_2"] = _lin(nxt(), H, H)
        lp["bn_g"] = jnp.ones((H,), jnp.float32)
        lp["bn_b"] = jnp.zeros((H,), jnp.float32)
        layers.append(lp)
    params["layers"] = layers
    params["f1"] = _lin(nxt(), H, H)
    params["f2"] = _lin(nxt(), H, 1)
    return {"x": x, "edge_attr": edge_attr, "edge_index": edge_index, "batch": batch, "params": params}


def _forward(x, edge_attr, edge_index, params):
    def lin(t, p):
        return t @ p[0] + p[1]

    h = jax.nn.relu(lin(x, params["in1"]))
    h = jax.nn.relu(lin(h, params["in2"]))
    src = edge_index[0]
    dst = edge_index[1]
    n = x.shape[0]
    ones = jnp.ones((edge_index.shape[1],), jnp.float32)
    cnt = jax.ops.segment_sum(ones, dst, num_segments=n)
    denom = jnp.clip(cnt, 1.0, None)[:, None]
    for lp in params["layers"]:
        xj = jnp.take(h, src, axis=0)
        m = jnp.concatenate([xj, edge_attr], axis=1)
        m = jax.nn.relu(lin(m, lp["m1_1"]))
        m = jax.nn.relu(lin(m, lp["m1_2"]))
        agg = jax.ops.segment_sum(m, dst, num_segments=n) / denom
        u = jnp.concatenate([h, agg], axis=1)
        u = jax.nn.relu(lin(u, lp["m2_1"]))
        u = jax.nn.sigmoid(lin(u, lp["m2_2"]))
        z = h + u
        mean = jnp.mean(z, axis=0)
        var = jnp.var(z, axis=0)
        h = (z - mean) / jnp.sqrt(var + 1e-5) * lp["bn_g"] + lp["bn_b"]
    o = jax.nn.relu(lin(h, params["f1"]))
    o = jax.nn.sigmoid(lin(o, params["f2"]))
    return o


def reference(x, edge_attr, edge_index, batch, params):
    return _forward(x, edge_attr, edge_index, params)

if __name__ == "__main__":
    import jax
    _d = setup_inputs()
    print(jax.jit(kernel)(*tuple(_d.values())))

</pallas_src>

<mosaic_0001>
#map = affine_map<(d0, d1) -> (0, 0)>
#map1 = affine_map<(d0, d1) -> (0, 0, 0, 0)>
module attributes {stable_mosaic.version = 14 : i64} {
  func.func @_sc_gather(%arg0: i32, %arg1: i32, %arg2: memref<10240x128xf32, #tpu.memory_space<hbm>>, %arg3: memref<32x2x125x40xi32, #tpu.memory_space<hbm>>, %arg4: memref<320000x128xf32, #tpu.memory_space<hbm>>, %arg5: memref<125x40xi32, #tpu.memory_space<vmem>>, %arg6: memref<6x40x128xf32, #tpu.memory_space<vmem>>, %arg7: memref<10240x128xf32, #tpu.memory_space<vmem_shared>>, %arg8: memref<!tpu.dma_semaphore, #tpu.memory_space<semaphore_mem>>, %arg9: memref<!tpu.dma_semaphore, #tpu.memory_space<semaphore_mem>>) attributes {dimension_semantics = [#tpu.dimension_semantics<core_parallel>, #tpu.dimension_semantics<subcore_parallel>], iteration_bounds = array<i64: 2, 16>, scalar_prefetch = 0 : i64, scratch_operands = 5 : i64, tpu.core_type = #tpu.core_type<sc_vector_subcore>, window_params = [{transform_indices = #map}, {transform_indices = #map1}, {transform_indices = #map}]} {
    %mul3A = arith.constant 2 : i32
    %mul3A_0 = arith.muli %arg1, %mul3A : i32
    %add3A = arith.addi %mul3A_0, %arg0 : i32
    %mul3A_1 = arith.constant 640 : i32
    %mul3A_2 = arith.muli %arg1, %mul3A_1 : i32
    %mul3A_3 = arith.constant 640 : i32
    %mul3A_4 = arith.muli %arg1, %mul3A_3 : i32
    "tpu.region"() ({
      %run_scoped3A_200 = tpu.sem_alloc : memref<!tpu.dma_semaphore, #tpu.memory_space<semaphore_mem>>
      %dma_start3A_201 = arith.constant 0 : i32
      %dma_start3A_202 = tpu.memref_slice %arg7[%mul3A_4, %dma_start3A_201] : memref<10240x128xf32, #tpu.memory_space<vmem_shared>> -> memref<640x128xf32, #tpu.memory_space<vmem_shared>>
      %dma_start3A_203 = arith.constant 0 : i32
      %dma_start3A_204 = tpu.memref_slice %arg2[%mul3A_2, %dma_start3A_203] : memref<10240x128xf32, #tpu.memory_space<hbm>> -> memref<640x128xf32, #tpu.memory_space<hbm>>
      tpu.enqueue_dma source(%dma_start3A_204 : memref<640x128xf32, #tpu.memory_space<hbm>>) target(%dma_start3A_202 : memref<640x128xf32, #tpu.memory_space<vmem_shared>>) target_semaphore(%run_scoped3A_200 : memref<!tpu.dma_semaphore, #tpu.memory_space<semaphore_mem>>)
      %dma_wait3A_205 = arith.constant 0 : i32
      %dma_wait3A_206 = tpu.memref_slice %arg7[%mul3A_4, %dma_wait3A_205] : memref<10240x128xf32, #tpu.memory_space<vmem_shared>> -> memref<640x128xf32, #tpu.memory_space<vmem_shared>>
      %dma_wait3A_207 = arith.constant 0 : i32
      %dma_wait3A_208 = tpu.memref_slice %arg2[%mul3A_2, %dma_wait3A_207] : memref<10240x128xf32, #tpu.memory_space<hbm>> -> memref<640x128xf32, #tpu.memory_space<hbm>>
      tpu.wait_dma2 semaphore(%run_scoped3A_200 : memref<!tpu.dma_semaphore, #tpu.memory_space<semaphore_mem>>) src(%dma_wait3A_208 : memref<640x128xf32, #tpu.memory_space<hbm>>) dst(%dma_wait3A_206 : memref<640x128xf32, #tpu.memory_space<vmem_shared>>)
      tpu.yield
    }) : () -> ()
    %barrier3A = arith.constant 0 : index
    tpu.barrier barrier_id(%barrier3A)
    %run_scoped3A = arith.constant 0 : i32
    "tpu.region"() ({
      %run_scoped3A_200 = tpu.sem_alloc : memref<!tpu.dma_semaphore, #tpu.memory_space<semaphore_mem>>
      %dma_start3A_201 = arith.constant 0 : i32
      %dma_start3A_202 = arith.constant 0 : i32
      %dma_start3A_203 = tpu.memref_slice %arg3[%add3A, %run_scoped3A, %dma_start3A_201, %dma_start3A_202] : memref<32x2x125x40xi32, #tpu.memory_space<hbm>> -> memref<1x1x125x40xi32, #tpu.memory_space<hbm>>
      %dma_start3A_204 = tpu.memref_squeeze %dma_start3A_203 : memref<1x1x125x40xi32, #tpu.memory_space<hbm>> -> memref<125x40xi32, #tpu.memory_space<hbm>>
      %dma_start3A_205 = arith.constant 0 : i32
      %dma_start3A_206 = arith.constant 0 : i32
      %dma_start3A_207 = tpu.memref_slice %arg3[%add3A, %run_scoped3A, %dma_start3A_205, %dma_start3A_206] : memref<32x2x125x40xi32, #tpu.memory_space<hbm>> -> memref<1x1x125x40xi32, #tpu.memory_space<hbm>>
      %dma_start3A_208 = tpu.memref_squeeze %dma_start3A_207 : memref<1x1x125x40xi32, #tpu.memory_space<hbm>> -> memref<125x40xi32, #tpu.memory_space<hbm>>
      tpu.enqueue_dma source(%dma_start3A_208 : memref<125x40xi32, #tpu.memory_space<hbm>>) target(%arg5 : memref<125x40xi32, #tpu.memory_space<vmem>>) target_semaphore(%run_scoped3A_200 : memref<!tpu.dma_semaphore, #tpu.memory_space<semaphore_mem>>)
      %dma_wait3A_209 = arith.constant 0 : i32
      %dma_wait3A_210 = arith.constant 0 : i32
      %dma_wait3A_211 = tpu.memref_slice %arg3[%add3A, %run_scoped3A, %dma_wait3A_209, %dma_wait3A_210] : memref<32x2x125x40xi32, #tpu.memory_space<hbm>> -> memref<1x1x125x40xi32, #tpu.memory_space<hbm>>
      %dma_wait3A_212 = tpu.memref_squeeze %dma_wait3A_211 : memref<1x1x125x40xi32, #tpu.memory_space<hbm>> -> memref<125x40xi32, #tpu.memory_space<hbm>>
      %dma_wait3A_213 = arith.constant 0 : i32
      %dma_wait3A_214 = arith.constant 0 : i32
      %dma_wait3A_215 = tpu.memref_slice %arg3[%add3A, %run_scoped3A, %dma_wait3A_213, %dma_wait3A_214] : memref<32x2x125x40xi32, #tpu.memory_space<hbm>> -> memref<1x1x125x40xi32, #tpu.memory_space<hbm>>
      %dma_wait3A_216 = tpu.memref_squeeze %dma_wait3A_215 : memref<1x1x125x40xi32, #tpu.memory_space<hbm>> -> memref<125x40xi32, #tpu.memory_space<hbm>>
      tpu.wait_dma2 semaphore(%run_scoped3A_200 : memref<!tpu.dma_semaphore, #tpu.memory_space<semaphore_mem>>) src(%dma_wait3A_216 : memref<125x40xi32, #tpu.memory_space<hbm>>) dst(%arg5 : memref<125x40xi32, #tpu.memory_space<vmem>>)
      tpu.yield
    }) : () -> ()
    %mul3A_5 = arith.constant 10000 : i32
    %mul3A_6 = arith.muli %add3A, %mul3A_5 : i32
    %add3A_7 = arith.constant 0 : i32
    %add3A_8 = arith.addi %mul3A_6, %add3A_7 : i32
    %rem3A = arith.constant 0 : i32
    %rem3A_9 = arith.constant 6 : i32
    %rem3A_10 = arith.remsi %rem3A, %rem3A_9 : i32
    %dma_start3A = arith.constant 0 : i32
    %dma_start3A_11 = arith.constant 0 : i32
    %dma_start3A_12 = arith.constant 0 : i32
    %dma_start3A_13 = tpu.memref_slice %arg6[%rem3A_10, %dma_start3A_11, %dma_start3A_12] : memref<6x40x128xf32, #tpu.memory_space<vmem>> -> memref<1x40x128xf32, #tpu.memory_space<vmem>>
    %dma_start3A_14 = tpu.memref_squeeze %dma_start3A_13 : memref<1x40x128xf32, #tpu.memory_space<vmem>> -> memref<40x128xf32, #tpu.memory_space<vmem>>
    %dma_start3A_15 = arith.constant 0 : i32
    %dma_start3A_16 = tpu.memref_slice %arg5[%dma_start3A, %dma_start3A_15] : memref<125x40xi32, #tpu.memory_space<vmem>> -> memref<1x40xi32, #tpu.memory_space<vmem>>
    %dma_start3A_17 = tpu.memref_squeeze %dma_start3A_16 : memref<1x40xi32, #tpu.memory_space<vmem>> -> memref<40xi32, #tpu.memory_space<vmem>>
    %dma_start3A_18 = arith.constant 0 : i32
    %dma_start3A_19 = arith.constant 0 : i32
    %dma_start3A_20 = tpu.memref_slice %arg7[%dma_start3A_18, %dma_start3A_19] : memref<10240x128xf32, #tpu.memory_space<vmem_shared>> -> memref<10240x128xf32, #tpu.memory_space<vmem_shared>>
    tpu.enqueue_indirect_dma source(%dma_start3A_20 : memref<10240x128xf32, #tpu.memory_space<vmem_shared>>) target(%dma_start3A_14 : memref<40x128xf32, #tpu.memory_space<vmem>>) offsets(%dma_start3A_17 : memref<40xi32, #tpu.memory_space<vmem>>) semaphore(%arg8 : memref<!tpu.dma_semaphore, #tpu.memory_space<semaphore_mem>>)
    %rem3A_21 = arith.constant 1 : i32
    %rem3A_22 = arith.constant 6 : i32
    %rem3A_23 = arith.remsi %rem3A_21, %rem3A_22 : i32
    %dma_start3A_24 = arith.constant 1 : i32
    %dma_start3A_25 = arith.constant 0 : i32
    %dma_start3A_26 = arith.constant 0 : i32
    %dma_start3A_27 = tpu.memref_slice %arg6[%rem3A_23, %dma_start3A_25, %dma_start3A_26] : memref<6x40x128xf32, #tpu.memory_space<vmem>> -> memref<1x40x128xf32, #tpu.memory_space<vmem>>
    %dma_start3A_28 = tpu.memref_squeeze %dma_start3A_27 : memref<1x40x128xf32, #tpu.memory_space<vmem>> -> memref<40x128xf32, #tpu.memory_space<vmem>>
    %dma_start3A_29 = arith.constant 0 : i32
    %dma_start3A_30 = tpu.memref_slice %arg5[%dma_start3A_24, %dma_start3A_29] : memref<125x40xi32, #tpu.memory_space<vmem>> -> memref<1x40xi32, #tpu.memory_space<vmem>>
    %dma_start3A_31 = tpu.memref_squeeze %dma_start3A_30 : memref<1x40xi32, #tpu.memory_space<vmem>> -> memref<40xi32, #tpu.memory_space<vmem>>
    %dma_start3A_32 = arith.constant 0 : i32
    %dma_start3A_33 = arith.constant 0 : i32
    %dma_start3A_34 = tpu.memref_slice %arg7[%dma_start3A_32, %dma_start3A_33] : memref<10240x128xf32, #tpu.memory_space<vmem_shared>> -> memref<10240x128xf32, #tpu.memory_space<vmem_shared>>
    tpu.enqueue_indirect_dma source(%dma_start3A_34 : memref<10240x128xf32, #tpu.memory_space<vmem_shared>>) target(%dma_start3A_28 : memref<40x128xf32, #tpu.memory_space<vmem>>) offsets(%dma_start3A_31 : memref<40xi32, #tpu.memory_space<vmem>>) semaphore(%arg8 : memref<!tpu.dma_semaphore, #tpu.memory_space<semaphore_mem>>)
    %scan3A = arith.constant 0 : i32
    %scan3A_35 = arith.constant 0 : i32
    %scan3A_36 = arith.constant 125 : i32
    %scan3A_37 = arith.addi %scan3A_35, %scan3A_36 : i32
    %scan3A_38 = arith.constant 1 : i32
    %scan3A_39 = scf.for %scan3A_200 = %scan3A_35 to %scan3A_37 step %scan3A_38 iter_args(%scan3A_201 = %scan3A) -> (i32)  : i32 {
      %ge3A = arith.constant 4 : i32
      %ge3A_202 = arith.cmpi sge, %scan3A_200, %ge3A : i32
      %convert_element_type3A = arith.extui %ge3A_202 : i1 to i32
      %cond3A = arith.constant 0 : i32
      %cond3A_203 = arith.cmpi ne, %convert_element_type3A, %cond3A : i32
      scf.if %cond3A_203 {
        %dma_wait3A_243 = arith.constant 0 : i32
        %dma_wait3A_244 = arith.constant 0 : i32
        %dma_wait3A_245 = arith.constant 0 : i32
        %dma_wait3A_246 = tpu.memref_slice %arg6[%dma_wait3A_243, %dma_wait3A_244, %dma_wait3A_245] : memref<6x40x128xf32, #tpu.memory_space<vmem>> -> memref<1x40x128xf32, #tpu.memory_space<vmem>>
        %dma_wait3A_247 = tpu.memref_squeeze %dma_wait3A_246 : memref<1x40x128xf32, #tpu.memory_space<vmem>> -> memref<40x128xf32, #tpu.memory_space<vmem>>
        %dma_wait3A_248 = arith.constant 0 : i32
        %dma_wait3A_249 = arith.constant 0 : i32
        %dma_wait3A_250 = tpu.memref_slice %arg4[%dma_wait3A_248, %dma_wait3A_249] : memref<320000x128xf32, #tpu.memory_space<hbm>> -> memref<40x128xf32, #tpu.memory_space<hbm>>
        %dma_wait3A_251 = arith.constant 0 : i32
        %dma_wait3A_252 = arith.constant 0 : i32
        %dma_wait3A_253 = tpu.memref_slice %arg6[%dma_wait3A_243, %dma_wait3A_251, %dma_wait3A_252] : memref<6x40x128xf32, #tpu.memory_space<vmem>> -> memref<1x40x128xf32, #tpu.memory_space<vmem>>
        %dma_wait3A_254 = tpu.memref_squeeze %dma_wait3A_253 : memref<1x40x128xf32, #tpu.memory_space<vmem>> -> memref<40x128xf32, #tpu.memory_space<vmem>>
        %dma_wait3A_255 = arith.constant 0 : i32
        %dma_wait3A_256 = arith.constant 0 : i32
        %dma_wait3A_257 = tpu.memref_slice %arg4[%dma_wait3A_255, %dma_wait3A_256] : memref<320000x128xf32, #tpu.memory_space<hbm>> -> memref<40x128xf32, #tpu.memory_space<hbm>>
        tpu.wait_dma2 semaphore(%arg9 : memref<!tpu.dma_semaphore, #tpu.memory_space<semaphore_mem>>) src(%dma_wait3A_257 : memref<40x128xf32, #tpu.memory_space<hbm>>) dst(%dma_wait3A_254 : memref<40x128xf32, #tpu.memory_space<vmem>>)
      } else {
      }
      %add3A_204 = arith.constant 2 : i32
      %add3A_205 = arith.addi %scan3A_200, %add3A_204 : i32
      %lt3A = arith.constant 125 : i32
      %lt3A_206 = arith.cmpi slt, %add3A_205, %lt3A : i32
      %convert_element_type3A_207 = arith.extui %lt3A_206 : i1 to i32
      %cond3A_208 = arith.constant 0 : i32
      %cond3A_209 = arith.cmpi ne, %convert_element_type3A_207, %cond3A_208 : i32
      scf.if %cond3A_209 {
        %add3A_243 = arith.constant 2 : i32
        %add3A_244 = arith.addi %scan3A_200, %add3A_243 : i32
        %rem3A_245 = arith.constant 6 : i32
        %rem3A_246 = arith.remsi %add3A_244, %rem3A_245 : i32
        %dma_start3A_247 = arith.constant 0 : i32
        %dma_start3A_248 = arith.constant 0 : i32
        %dma_start3A_249 = tpu.memref_slice %arg6[%rem3A_246, %dma_start3A_247, %dma_start3A_248] : memref<6x40x128xf32, #tpu.memory_space<vmem>> -> memref<1x40x128xf32, #tpu.memory_space<vmem>>
        %dma_start3A_250 = tpu.memref_squeeze %dma_start3A_249 : memref<1x40x128xf32, #tpu.memory_space<vmem>> -> memref<40x128xf32, #tpu.memory_space<vmem>>
        %dma_start3A_251 = arith.constant 0 : i32
        %dma_start3A_252 = tpu.memref_slice %arg5[%add3A_244, %dma_start3A_251] : memref<125x40xi32, #tpu.memory_space<vmem>> -> memref<1x40xi32, #tpu.memory_space<vmem>>
        %dma_start3A_253 = tpu.memref_squeeze %dma_start3A_252 : memref<1x40xi32, #tpu.memory_space<vmem>> -> memref<40xi32, #tpu.memory_space<vmem>>
        %dma_start3A_254 = arith.constant 0 : i32
        %dma_start3A_255 = arith.constant 0 : i32
        %dma_start3A_256 = tpu.memref_slice %arg7[%dma_start3A_254, %dma_start3A_255] : memref<10240x128xf32, #tpu.memory_space<vmem_shared>> -> memref<10240x128xf32, #tpu.memory_space<vmem_shared>>
        tpu.enqueue_indirect_dma source(%dma_start3A_256 : memref<10240x128xf32, #tpu.memory_space<vmem_shared>>) target(%dma_start3A_250 : memref<40x128xf32, #tpu.memory_space<vmem>>) offsets(%dma_start3A_253 : memref<40xi32, #tpu.memory_space<vmem>>) semaphore(%arg8 : memref<!tpu.dma_semaphore, #tpu.memory_space<semaphore_mem>>)
      } else {
      }
      %dma_wait3A_210 = arith.constant 0 : i32
      %dma_wait3A_211 = arith.constant 0 : i32
      %dma_wait3A_212 = arith.constant 0 : i32
      %dma_wait3A_213 = tpu.memref_slice %arg6[%dma_wait3A_210, %dma_wait3A_211, %dma_wait3A_212] : memref<6x40x128xf32, #tpu.memory_space<vmem>> -> memref<1x40x128xf32, #tpu.memory_space<vmem>>
      %dma_wait3A_214 = tpu.memref_squeeze %dma_wait3A_213 : memref<1x40x128xf32, #tpu.memory_space<vmem>> -> memref<40x128xf32, #tpu.memory_space<vmem>>
      %dma_wait3A_215 = arith.constant 0 : i32
      %dma_wait3A_216 = arith.constant 0 : i32
      %dma_wait3A_217 = tpu.memref_slice %arg4[%dma_wait3A_215, %dma_wait3A_216] : memref<320000x128xf32, #tpu.memory_space<hbm>> -> memref<40x128xf32, #tpu.memory_space<hbm>>
      %dma_wait3A_218 = arith.constant 0 : i32
      %dma_wait3A_219 = arith.constant 0 : i32
      %dma_wait3A_220 = tpu.memref_slice %arg6[%dma_wait3A_210, %dma_wait3A_218, %dma_wait3A_219] : memref<6x40x128xf32, #tpu.memory_space<vmem>> -> memref<1x40x128xf32, #tpu.memory_space<vmem>>
      %dma_wait3A_221 = tpu.memref_squeeze %dma_wait3A_220 : memref<1x40x128xf32, #tpu.memory_space<vmem>> -> memref<40x128xf32, #tpu.memory_space<vmem>>
      %dma_wait3A_222 = arith.constant 0 : i32
      %dma_wait3A_223 = arith.constant 0 : i32
      %dma_wait3A_224 = tpu.memref_slice %arg4[%dma_wait3A_222, %dma_wait3A_223] : memref<320000x128xf32, #tpu.memory_space<hbm>> -> memref<40x128xf32, #tpu.memory_space<hbm>>
      tpu.wait_dma2 semaphore(%arg8 : memref<!tpu.dma_semaphore, #tpu.memory_space<semaphore_mem>>) src(%dma_wait3A_224 : memref<40x128xf32, #tpu.memory_space<hbm>>) dst(%dma_wait3A_221 : memref<40x128xf32, #tpu.memory_space<vmem>>)
      %rem3A_225 = arith.constant 6 : i32
      %rem3A_226 = arith.remsi %scan3A_200, %rem3A_225 : i32
      %mul3A_227 = arith.constant 40 : i32
      %mul3A_228 = arith.muli %scan3A_200, %mul3A_227 : i32
      %add3A_229 = arith.addi %add3A_8, %mul3A_228 : i32
      %dma_start3A_230 = arith.constant 0 : i32
      %dma_start3A_231 = arith.constant 0 : i32
      %dma_start3A_232 = tpu.memref_slice %arg6[%rem3A_226, %dma_start3A_230, %dma_start3A_231] : memref<6x40x128xf32, #tpu.memory_space<vmem>> -> memref<1x40x128xf32, #tpu.memory_space<vmem>>
      %dma_start3A_233 = tpu.memref_squeeze %dma_start3A_232 : memref<1x40x128xf32, #tpu.memory_space<vmem>> -> memref<40x128xf32, #tpu.memory_space<vmem>>
      %dma_start3A_234 = arith.constant 0 : i32
      %dma_start3A_235 = tpu.memref_slice %arg4[%add3A_229, %dma_start3A_234] : memref<320000x128xf32, #tpu.memory_space<hbm>> -> memref<40x128xf32, #tpu.memory_space<hbm>>
      %dma_start3A_236 = arith.constant 0 : i32
      %dma_start3A_237 = tpu.memref_slice %arg4[%add3A_229, %dma_start3A_236] : memref<320000x128xf32, #tpu.memory_space<hbm>> -> memref<40x128xf32, #tpu.memory_space<hbm>>
      %dma_start3A_238 = arith.constant 0 : i32
      %dma_start3A_239 = arith.constant 0 : i32
      %dma_start3A_240 = tpu.memref_slice %arg6[%rem3A_226, %dma_start3A_238, %dma_start3A_239] : memref<6x40x128xf32, #tpu.memory_space<vmem>> -> memref<1x40x128xf32, #tpu.memory_space<vmem>>
      %dma_start3A_241 = tpu.memref_squeeze %dma_start3A_240 : memref<1x40x128xf32, #tpu.memory_space<vmem>> -> memref<40x128xf32, #tpu.memory_space<vmem>>
      tpu.enqueue_dma source(%dma_start3A_241 : memref<40x128xf32, #tpu.memory_space<vmem>>) target(%dma_start3A_237 : memref<40x128xf32, #tpu.memory_space<hbm>>) target_semaphore(%arg9 : memref<!tpu.dma_semaphore, #tpu.memory_space<semaphore_mem>>)
      %scan3A_242 = arith.constant 0 : i32
      scf.yield %scan3A_242 : i32
    }
    %scan3A_40 = arith.constant 125 : i32
    %dma_wait3A = arith.constant 0 : i32
    %dma_wait3A_41 = arith.constant 0 : i32
    %dma_wait3A_42 = arith.constant 0 : i32
    %dma_wait3A_43 = tpu.memref_slice %arg6[%dma_wait3A, %dma_wait3A_41, %dma_wait3A_42] : memref<6x40x128xf32, #tpu.memory_space<vmem>> -> memref<1x40x128xf32, #tpu.memory_space<vmem>>
    %dma_wait3A_44 = tpu.memref_squeeze %dma_wait3A_43 : memref<1x40x128xf32, #tpu.memory_space<vmem>> -> memref<40x128xf32, #tpu.memory_space<vmem>>
    %dma_wait3A_45 = arith.constant 0 : i32
    %dma_wait3A_46 = arith.constant 0 : i32
    %dma_wait3A_47 = tpu.memref_slice %arg4[%dma_wait3A_45, %dma_wait3A_46] : memref<320000x128xf32, #tpu.memory_space<hbm>> -> memref<40x128xf32, #tpu.memory_space<hbm>>
    %dma_wait3A_48 = arith.constant 0 : i32
    %dma_wait3A_49 = arith.constant 0 : i32
    %dma_wait3A_50 = tpu.memref_slice %arg6[%dma_wait3A, %dma_wait3A_48, %dma_wait3A_49] : memref<6x40x128xf32, #tpu.memory_space<vmem>> -> memref<1x40x128xf32, #tpu.memory_space<vmem>>
    %dma_wait3A_51 = tpu.memref_squeeze %dma_wait3A_50 : memref<1x40x128xf32, #tpu.memory_space<vmem>> -> memref<40x128xf32, #tpu.memory_space<vmem>>
    %dma_wait3A_52 = arith.constant 0 : i32
    %dma_wait3A_53 = arith.constant 0 : i32
    %dma_wait3A_54 = tpu.memref_slice %arg4[%dma_wait3A_52, %dma_wait3A_53] : memref<320000x128xf32, #tpu.memory_space<hbm>> -> memref<40x128xf32, #tpu.memory_space<hbm>>
    tpu.wait_dma2 semaphore(%arg9 : memref<!tpu.dma_semaphore, #tpu.memory_space<semaphore_mem>>) src(%dma_wait3A_54 : memref<40x128xf32, #tpu.memory_space<hbm>>) dst(%dma_wait3A_51 : memref<40x128xf32, #tpu.memory_space<vmem>>)
    %dma_wait3A_55 = arith.constant 0 : i32
    %dma_wait3A_56 = arith.constant 0 : i32
    %dma_wait3A_57 = arith.constant 0 : i32
    %dma_wait3A_58 = tpu.memref_slice %arg6[%dma_wait3A_55, %dma_wait3A_56, %dma_wait3A_57] : memref<6x40x128xf32, #tpu.memory_space<vmem>> -> memref<1x40x128xf32, #tpu.memory_space<vmem>>
    %dma_wait3A_59 = tpu.memref_squeeze %dma_wait3A_58 : memref<1x40x128xf32, #tpu.memory_space<vmem>> -> memref<40x128xf32, #tpu.memory_space<vmem>>
    %dma_wait3A_60 = arith.constant 0 : i32
    %dma_wait3A_61 = arith.constant 0 : i32
    %dma_wait3A_62 = tpu.memref_slice %arg4[%dma_wait3A_60, %dma_wait3A_61] : memref<320000x128xf32, #tpu.memory_space<hbm>> -> memref<40x128xf32, #tpu.memory_space<hbm>>
    %dma_wait3A_63 = arith.constant 0 : i32
    %dma_wait3A_64 = arith.constant 0 : i32
    %dma_wait3A_65 = tpu.memref_slice %arg6[%dma_wait3A_55, %dma_wait3A_63, %dma_wait3A_64] : memref<6x40x128xf32, #tpu.memory_space<vmem>> -> memref<1x40x128xf32, #tpu.memory_space<vmem>>
    %dma_wait3A_66 = tpu.memref_squeeze %dma_wait3A_65 : memref<1x40x128xf32, #tpu.memory_space<vmem>> -> memref<40x128xf32, #tpu.memory_space<vmem>>
    %dma_wait3A_67 = arith.constant 0 : i32
    %dma_wait3A_68 = arith.constant 0 : i32
    %dma_wait3A_69 = tpu.memref_slice %arg4[%dma_wait3A_67, %dma_wait3A_68] : memref<320000x128xf32, #tpu.memory_space<hbm>> -> memref<40x128xf32, #tpu.memory_space<hbm>>
    tpu.wait_dma2 semaphore(%arg9 : memref<!tpu.dma_semaphore, #tpu.memory_space<semaphore_mem>>) src(%dma_wait3A_69 : memref<40x128xf32, #tpu.memory_space<hbm>>) dst(%dma_wait3A_66 : memref<40x128xf32, #tpu.memory_space<vmem>>)
    %dma_wait3A_70 = arith.constant 0 : i32
    %dma_wait3A_71 = arith.constant 0 : i32
    %dma_wait3A_72 = arith.constant 0 : i32
    %dma_wait3A_73 = tpu.memref_slice %arg6[%dma_wait3A_70, %dma_wait3A_71, %dma_wait3A_72] : memref<6x40x128xf32, #tpu.memory_space<vmem>> -> memref<1x40x128xf32, #tpu.memory_space<vmem>>
    %dma_wait3A_74 = tpu.memref_squeeze %dma_wait3A_73 : memref<1x40x128xf32, #tpu.memory_space<vmem>> -> memref<40x128xf32, #tpu.memory_space<vmem>>
    %dma_wait3A_75 = arith.constant 0 : i32
    %dma_wait3A_76 = arith.constant 0 : i32
    %dma_wait3A_77 = tpu.memref_slice %arg4[%dma_wait3A_75, %dma_wait3A_76] : memref<320000x128xf32, #tpu.memory_space<hbm>> -> memref<40x128xf32, #tpu.memory_space<hbm>>
    %dma_wait3A_78 = arith.constant 0 : i32
    %dma_wait3A_79 = arith.constant 0 : i32
    %dma_wait3A_80 = tpu.memref_slice %arg6[%dma_wait3A_70, %dma_wait3A_78, %dma_wait3A_79] : memref<6x40x128xf32, #tpu.memory_space<vmem>> -> memref<1x40x128xf32, #tpu.memory_space<vmem>>
    %dma_wait3A_81 = tpu.memref_squeeze %dma_wait3A_80 : memref<1x40x128xf32, #tpu.memory_space<vmem>> -> memref<40x128xf32, #tpu.memory_space<vmem>>
    %dma_wait3A_82 = arith.constant 0 : i32
    %dma_wait3A_83 = arith.constant 0 : i32
    %dma_wait3A_84 = tpu.memref_slice %arg4[%dma_wait3A_82, %dma_wait3A_83] : memref<320000x128xf32, #tpu.memory_space<hbm>> -> memref<40x128xf32, #tpu.memory_space<hbm>>
    tpu.wait_dma2 semaphore(%arg9 : memref<!tpu.dma_semaphore, #tpu.memory_space<semaphore_mem>>) src(%dma_wait3A_84 : memref<40x128xf32, #tpu.memory_space<hbm>>) dst(%dma_wait3A_81 : memref<40x128xf32, #tpu.memory_space<vmem>>)
    %dma_wait3A_85 = arith.constant 0 : i32
    %dma_wait3A_86 = arith.constant 0 : i32
    %dma_wait3A_87 = arith.constant 0 : i32
    %dma_wait3A_88 = tpu.memref_slice %arg6[%dma_wait3A_85, %dma_wait3A_86, %dma_wait3A_87] : memref<6x40x128xf32, #tpu.memory_space<vmem>> -> memref<1x40x128xf32, #tpu.memory_space<vmem>>
    %dma_wait3A_89 = tpu.memref_squeeze %dma_wait3A_88 : memref<1x40x128xf32, #tpu.memory_space<vmem>> -> memref<40x128xf32, #tpu.memory_space<vmem>>
    %dma_wait3A_90 = arith.constant 0 : i32
    %dma_wait3A_91 = arith.constant 0 : i32
    %dma_wait3A_92 = tpu.memref_slice %arg4[%dma_wait3A_90, %dma_wait3A_91] : memref<320000x128xf32, #tpu.memory_space<hbm>> -> memref<40x128xf32, #tpu.memory_space<hbm>>
    %dma_wait3A_93 = arith.constant 0 : i32
    %dma_wait3A_94 = arith.constant 0 : i32
    %dma_wait3A_95 = tpu.memref_slice %arg6[%dma_wait3A_85, %dma_wait3A_93, %dma_wait3A_94] : memref<6x40x128xf32, #tpu.memory_space<vmem>> -> memref<1x40x128xf32, #tpu.memory_space<vmem>>
    %dma_wait3A_96 = tpu.memref_squeeze %dma_wait3A_95 : memref<1x40x128xf32, #tpu.memory_space<vmem>> -> memref<40x128xf32, #tpu.memory_space<vmem>>
    %dma_wait3A_97 = arith.constant 0 : i32
    %dma_wait3A_98 = arith.constant 0 : i32
    %dma_wait3A_99 = tpu.memref_slice %arg4[%dma_wait3A_97, %dma_wait3A_98] : memref<320000x128xf32, #tpu.memory_space<hbm>> -> memref<40x128xf32, #tpu.memory_space<hbm>>
    tpu.wait_dma2 semaphore(%arg9 : memref<!tpu.dma_semaphore, #tpu.memory_space<semaphore_mem>>) src(%dma_wait3A_99 : memref<40x128xf32, #tpu.memory_space<hbm>>) dst(%dma_wait3A_96 : memref<40x128xf32, #tpu.memory_space<vmem>>)
    %run_scoped3A_100 = arith.constant 1 : i32
    "tpu.region"() ({
      %run_scoped3A_200 = tpu.sem_alloc : memref<!tpu.dma_semaphore, #tpu.memory_space<semaphore_mem>>
      %dma_start3A_201 = arith.constant 0 : i32
      %dma_start3A_202 = arith.constant 0 : i32
      %dma_start3A_203 = tpu.memref_slice %arg3[%add3A, %run_scoped3A_100, %dma_start3A_201, %dma_start3A_202] : memref<32x2x125x40xi32, #tpu.memory_space<hbm>> -> memref<1x1x125x40xi32, #tpu.memory_space<hbm>>
      %dma_start3A_204 = tpu.memref_squeeze %dma_start3A_203 : memref<1x1x125x40xi32, #tpu.memory_space<hbm>> -> memref<125x40xi32, #tpu.memory_space<hbm>>
      %dma_start3A_205 = arith.constant 0 : i32
      %dma_start3A_206 = arith.constant 0 : i32
      %dma_start3A_207 = tpu.memref_slice %arg3[%add3A, %run_scoped3A_100, %dma_start3A_205, %dma_start3A_206] : memref<32x2x125x40xi32, #tpu.memory_space<hbm>> -> memref<1x1x125x40xi32, #tpu.memory_space<hbm>>
      %dma_start3A_208 = tpu.memref_squeeze %dma_start3A_207 : memref<1x1x125x40xi32, #tpu.memory_space<hbm>> -> memref<125x40xi32, #tpu.memory_space<hbm>>
      tpu.enqueue_dma source(%dma_start3A_208 : memref<125x40xi32, #tpu.memory_space<hbm>>) target(%arg5 : memref<125x40xi32, #tpu.memory_space<vmem>>) target_semaphore(%run_scoped3A_200 : memref<!tpu.dma_semaphore, #tpu.memory_space<semaphore_mem>>)
      %dma_wait3A_209 = arith.constant 0 : i32
      %dma_wait3A_210 = arith.constant 0 : i32
      %dma_wait3A_211 = tpu.memref_slice %arg3[%add3A, %run_scoped3A_100, %dma_wait3A_209, %dma_wait3A_210] : memref<32x2x125x40xi32, #tpu.memory_space<hbm>> -> memref<1x1x125x40xi32, #tpu.memory_space<hbm>>
      %dma_wait3A_212 = tpu.memref_squeeze %dma_wait3A_211 : memref<1x1x125x40xi32, #tpu.memory_space<hbm>> -> memref<125x40xi32, #tpu.memory_space<hbm>>
      %dma_wait3A_213 = arith.constant 0 : i32
      %dma_wait3A_214 = arith.constant 0 : i32
      %dma_wait3A_215 = tpu.memref_slice %arg3[%add3A, %run_scoped3A_100, %dma_wait3A_213, %dma_wait3A_214] : memref<32x2x125x40xi32, #tpu.memory_space<hbm>> -> memref<1x1x125x40xi32, #tpu.memory_space<hbm>>
      %dma_wait3A_216 = tpu.memref_squeeze %dma_wait3A_215 : memref<1x1x125x40xi32, #tpu.memory_space<hbm>> -> memref<125x40xi32, #tpu.memory_space<hbm>>
      tpu.wait_dma2 semaphore(%run_scoped3A_200 : memref<!tpu.dma_semaphore, #tpu.memory_space<semaphore_mem>>) src(%dma_wait3A_216 : memref<125x40xi32, #tpu.memory_space<hbm>>) dst(%arg5 : memref<125x40xi32, #tpu.memory_space<vmem>>)
      tpu.yield
    }) : () -> ()
    %mul3A_101 = arith.constant 10000 : i32
    %mul3A_102 = arith.muli %add3A, %mul3A_101 : i32
    %add3A_103 = arith.constant 5000 : i32
    %add3A_104 = arith.addi %mul3A_102, %add3A_103 : i32
    %rem3A_105 = arith.constant 0 : i32
    %rem3A_106 = arith.constant 6 : i32
    %rem3A_107 = arith.remsi %rem3A_105, %rem3A_106 : i32
    %dma_start3A_108 = arith.constant 0 : i32
    %dma_start3A_109 = arith.constant 0 : i32
    %dma_start3A_110 = arith.constant 0 : i32
    %dma_start3A_111 = tpu.memref_slice %arg6[%rem3A_107, %dma_start3A_109, %dma_start3A_110] : memref<6x40x128xf32, #tpu.memory_space<vmem>> -> memref<1x40x128xf32, #tpu.memory_space<vmem>>
    %dma_start3A_112 = tpu.memref_squeeze %dma_start3A_111 : memref<1x40x128xf32, #tpu.memory_space<vmem>> -> memref<40x128xf32, #tpu.memory_space<vmem>>
    %dma_start3A_113 = arith.constant 0 : i32
    %dma_start3A_114 = tpu.memref_slice %arg5[%dma_start3A_108, %dma_start3A_113] : memref<125x40xi32, #tpu.memory_space<vmem>> -> memref<1x40xi32, #tpu.memory_space<vmem>>
    %dma_start3A_115 = tpu.memref_squeeze %dma_start3A_114 : memref<1x40xi32, #tpu.memory_space<vmem>> -> memref<40xi32, #tpu.memory_space<vmem>>
    %dma_start3A_116 = arith.constant 0 : i32
    %dma_start3A_117 = arith.constant 0 : i32
    %dma_start3A_118 = tpu.memref_slice %arg7[%dma_start3A_116, %dma_start3A_117] : memref<10240x128xf32, #tpu.memory_space<vmem_shared>> -> memref<10240x128xf32, #tpu.memory_space<vmem_shared>>
    tpu.enqueue_indirect_dma source(%dma_start3A_118 : memref<10240x128xf32, #tpu.memory_space<vmem_shared>>) target(%dma_start3A_112 : memref<40x128xf32, #tpu.memory_space<vmem>>) offsets(%dma_start3A_115 : memref<40xi32, #tpu.memory_space<vmem>>) semaphore(%arg8 : memref<!tpu.dma_semaphore, #tpu.memory_space<semaphore_mem>>)
    %rem3A_119 = arith.constant 1 : i32
    %rem3A_120 = arith.constant 6 : i32
    %rem3A_121 = arith.remsi %rem3A_119, %rem3A_120 : i32
    %dma_start3A_122 = arith.constant 1 : i32
    %dma_start3A_123 = arith.constant 0 : i32
    %dma_start3A_124 = arith.constant 0 : i32
    %dma_start3A_125 = tpu.memref_slice %arg6[%rem3A_121, %dma_start3A_123, %dma_start3A_124] : memref<6x40x128xf32, #tpu.memory_space<vmem>> -> memref<1x40x128xf32, #tpu.memory_space<vmem>>
    %dma_start3A_126 = tpu.memref_squeeze %dma_start3A_125 : memref<1x40x128xf32, #tpu.memory_space<vmem>> -> memref<40x128xf32, #tpu.memory_space<vmem>>
    %dma_start3A_127 = arith.constant 0 : i32
    %dma_start3A_128 = tpu.memref_slice %arg5[%dma_start3A_122, %dma_start3A_127] : memref<125x40xi32, #tpu.memory_space<vmem>> -> memref<1x40xi32, #tpu.memory_space<vmem>>
    %dma_start3A_129 = tpu.memref_squeeze %dma_start3A_128 : memref<1x40xi32, #tpu.memory_space<vmem>> -> memref<40xi32, #tpu.memory_space<vmem>>
    %dma_start3A_130 = arith.constant 0 : i32
    %dma_start3A_131 = arith.constant 0 : i32
    %dma_start3A_132 = tpu.memref_slice %arg7[%dma_start3A_130, %dma_start3A_131] : memref<10240x128xf32, #tpu.memory_space<vmem_shared>> -> memref<10240x128xf32, #tpu.memory_space<vmem_shared>>
    tpu.enqueue_indirect_dma source(%dma_start3A_132 : memref<10240x128xf32, #tpu.memory_space<vmem_shared>>) target(%dma_start3A_126 : memref<40x128xf32, #tpu.memory_space<vmem>>) offsets(%dma_start3A_129 : memref<40xi32, #tpu.memory_space<vmem>>) semaphore(%arg8 : memref<!tpu.dma_semaphore, #tpu.memory_space<semaphore_mem>>)
    %scan3A_133 = arith.constant 0 : i32
    %scan3A_134 = arith.constant 0 : i32
    %scan3A_135 = arith.constant 125 : i32
    %scan3A_136 = arith.addi %scan3A_134, %scan3A_135 : i32
    %scan3A_137 = arith.constant 1 : i32
    %scan3A_138 = scf.for %scan3A_200 = %scan3A_134 to %scan3A_136 step %scan3A_137 iter_args(%scan3A_201 = %scan3A_133) -> (i32)  : i32 {
      %ge3A = arith.constant 4 : i32
      %ge3A_202 = arith.cmpi sge, %scan3A_200, %ge3A : i32
      %convert_element_type3A = arith.extui %ge3A_202 : i1 to i32
      %cond3A = arith.constant 0 : i32
      %cond3A_203 = arith.cmpi ne, %convert_element_type3A, %cond3A : i32
      scf.if %cond3A_203 {
        %dma_wait3A_243 = arith.constant 0 : i32
        %dma_wait3A_244 = arith.constant 0 : i32
        %dma_wait3A_245 = arith.constant 0 : i32
        %dma_wait3A_246 = tpu.memref_slice %arg6[%dma_wait3A_243, %dma_wait3A_244, %dma_wait3A_245] : memref<6x40x128xf32, #tpu.memory_space<vmem>> -> memref<1x40x128xf32, #tpu.memory_space<vmem>>
        %dma_wait3A_247 = tpu.memref_squeeze %dma_wait3A_246 : memref<1x40x128xf32, #tpu.memory_space<vmem>> -> memref<40x128xf32, #tpu.memory_space<vmem>>
        %dma_wait3A_248 = arith.constant 0 : i32
        %dma_wait3A_249 = arith.constant 0 : i32
        %dma_wait3A_250 = tpu.memref_slice %arg4[%dma_wait3A_248, %dma_wait3A_249] : memref<320000x128xf32, #tpu.memory_space<hbm>> -> memref<40x128xf32, #tpu.memory_space<hbm>>
        %dma_wait3A_251 = arith.constant 0 : i32
        %dma_wait3A_252 = arith.constant 0 : i32
        %dma_wait3A_253 = tpu.memref_slice %arg6[%dma_wait3A_243, %dma_wait3A_251, %dma_wait3A_252] : memref<6x40x128xf32, #tpu.memory_space<vmem>> -> memref<1x40x128xf32, #tpu.memory_space<vmem>>
        %dma_wait3A_254 = tpu.memref_squeeze %dma_wait3A_253 : memref<1x40x128xf32, #tpu.memory_space<vmem>> -> memref<40x128xf32, #tpu.memory_space<vmem>>
        %dma_wait3A_255 = arith.constant 0 : i32
        %dma_wait3A_256 = arith.constant 0 : i32
        %dma_wait3A_257 = tpu.memref_slice %arg4[%dma_wait3A_255, %dma_wait3A_256] : memref<320000x128xf32, #tpu.memory_space<hbm>> -> memref<40x128xf32, #tpu.memory_space<hbm>>
        tpu.wait_dma2 semaphore(%arg9 : memref<!tpu.dma_semaphore, #tpu.memory_space<semaphore_mem>>) src(%dma_wait3A_257 : memref<40x128xf32, #tpu.memory_space<hbm>>) dst(%dma_wait3A_254 : memref<40x128xf32, #tpu.memory_space<vmem>>)
      } else {
      }
      %add3A_204 = arith.constant 2 : i32
      %add3A_205 = arith.addi %scan3A_200, %add3A_204 : i32
      %lt3A = arith.constant 125 : i32
      %lt3A_206 = arith.cmpi slt, %add3A_205, %lt3A : i32
      %convert_element_type3A_207 = arith.extui %lt3A_206 : i1 to i32
      %cond3A_208 = arith.constant 0 : i32
      %cond3A_209 = arith.cmpi ne, %convert_element_type3A_207, %cond3A_208 : i32
      scf.if %cond3A_209 {
        %add3A_243 = arith.constant 2 : i32
        %add3A_244 = arith.addi %scan3A_200, %add3A_243 : i32
        %rem3A_245 = arith.constant 6 : i32
        %rem3A_246 = arith.remsi %add3A_244, %rem3A_245 : i32
        %dma_start3A_247 = arith.constant 0 : i32
        %dma_start3A_248 = arith.constant 0 : i32
        %dma_start3A_249 = tpu.memref_slice %arg6[%rem3A_246, %dma_start3A_247, %dma_start3A_248] : memref<6x40x128xf32, #tpu.memory_space<vmem>> -> memref<1x40x128xf32, #tpu.memory_space<vmem>>
        %dma_start3A_250 = tpu.memref_squeeze %dma_start3A_249 : memref<1x40x128xf32, #tpu.memory_space<vmem>> -> memref<40x128xf32, #tpu.memory_space<vmem>>
        %dma_start3A_251 = arith.constant 0 : i32
        %dma_start3A_252 = tpu.memref_slice %arg5[%add3A_244, %dma_start3A_251] : memref<125x40xi32, #tpu.memory_space<vmem>> -> memref<1x40xi32, #tpu.memory_space<vmem>>
        %dma_start3A_253 = tpu.memref_squeeze %dma_start3A_252 : memref<1x40xi32, #tpu.memory_space<vmem>> -> memref<40xi32, #tpu.memory_space<vmem>>
        %dma_start3A_254 = arith.constant 0 : i32
        %dma_start3A_255 = arith.constant 0 : i32
        %dma_start3A_256 = tpu.memref_slice %arg7[%dma_start3A_254, %dma_start3A_255] : memref<10240x128xf32, #tpu.memory_space<vmem_shared>> -> memref<10240x128xf32, #tpu.memory_space<vmem_shared>>
        tpu.enqueue_indirect_dma source(%dma_start3A_256 : memref<10240x128xf32, #tpu.memory_space<vmem_shared>>) target(%dma_start3A_250 : memref<40x128xf32, #tpu.memory_space<vmem>>) offsets(%dma_start3A_253 : memref<40xi32, #tpu.memory_space<vmem>>) semaphore(%arg8 : memref<!tpu.dma_semaphore, #tpu.memory_space<semaphore_mem>>)
      } else {
      }
      %dma_wait3A_210 = arith.constant 0 : i32
      %dma_wait3A_211 = arith.constant 0 : i32
      %dma_wait3A_212 = arith.constant 0 : i32
      %dma_wait3A_213 = tpu.memref_slice %arg6[%dma_wait3A_210, %dma_wait3A_211, %dma_wait3A_212] : memref<6x40x128xf32, #tpu.memory_space<vmem>> -> memref<1x40x128xf32, #tpu.memory_space<vmem>>
      %dma_wait3A_214 = tpu.memref_squeeze %dma_wait3A_213 : memref<1x40x128xf32, #tpu.memory_space<vmem>> -> memref<40x128xf32, #tpu.memory_space<vmem>>
      %dma_wait3A_215 = arith.constant 0 : i32
      %dma_wait3A_216 = arith.constant 0 : i32
      %dma_wait3A_217 = tpu.memref_slice %arg4[%dma_wait3A_215, %dma_wait3A_216] : memref<320000x128xf32, #tpu.memory_space<hbm>> -> memref<40x128xf32, #tpu.memory_space<hbm>>
      %dma_wait3A_218 = arith.constant 0 : i32
      %dma_wait3A_219 = arith.constant 0 : i32
      %dma_wait3A_220 = tpu.memref_slice %arg6[%dma_wait3A_210, %dma_wait3A_218, %dma_wait3A_219] : memref<6x40x128xf32, #tpu.memory_space<vmem>> -> memref<1x40x128xf32, #tpu.memory_space<vmem>>
      %dma_wait3A_221 = tpu.memref_squeeze %dma_wait3A_220 : memref<1x40x128xf32, #tpu.memory_space<vmem>> -> memref<40x128xf32, #tpu.memory_space<vmem>>
      %dma_wait3A_222 = arith.constant 0 : i32
      %dma_wait3A_223 = arith.constant 0 : i32
      %dma_wait3A_224 = tpu.memref_slice %arg4[%dma_wait3A_222, %dma_wait3A_223] : memref<320000x128xf32, #tpu.memory_space<hbm>> -> memref<40x128xf32, #tpu.memory_space<hbm>>
      tpu.wait_dma2 semaphore(%arg8 : memref<!tpu.dma_semaphore, #tpu.memory_space<semaphore_mem>>) src(%dma_wait3A_224 : memref<40x128xf32, #tpu.memory_space<hbm>>) dst(%dma_wait3A_221 : memref<40x128xf32, #tpu.memory_space<vmem>>)
      %rem3A_225 = arith.constant 6 : i32
      %rem3A_226 = arith.remsi %scan3A_200, %rem3A_225 : i32
      %mul3A_227 = arith.constant 40 : i32
      %mul3A_228 = arith.muli %scan3A_200, %mul3A_227 : i32
      %add3A_229 = arith.addi %add3A_104, %mul3A_228 : i32
      %dma_start3A_230 = arith.constant 0 : i32
      %dma_start3A_231 = arith.constant 0 : i32
      %dma_start3A_232 = tpu.memref_slice %arg6[%rem3A_226, %dma_start3A_230, %dma_start3A_231] : memref<6x40x128xf32, #tpu.memory_space<vmem>> -> memref<1x40x128xf32, #tpu.memory_space<vmem>>
      %dma_start3A_233 = tpu.memref_squeeze %dma_start3A_232 : memref<1x40x128xf32, #tpu.memory_space<vmem>> -> memref<40x128xf32, #tpu.memory_space<vmem>>
      %dma_start3A_234 = arith.constant 0 : i32
      %dma_start3A_235 = tpu.memref_slice %arg4[%add3A_229, %dma_start3A_234] : memref<320000x128xf32, #tpu.memory_space<hbm>> -> memref<40x128xf32, #tpu.memory_space<hbm>>
      %dma_start3A_236 = arith.constant 0 : i32
      %dma_start3A_237 = tpu.memref_slice %arg4[%add3A_229, %dma_start3A_236] : memref<320000x128xf32, #tpu.memory_space<hbm>> -> memref<40x128xf32, #tpu.memory_space<hbm>>
      %dma_start3A_238 = arith.constant 0 : i32
      %dma_start3A_239 = arith.constant 0 : i32
      %dma_start3A_240 = tpu.memref_slice %arg6[%rem3A_226, %dma_start3A_238, %dma_start3A_239] : memref<6x40x128xf32, #tpu.memory_space<vmem>> -> memref<1x40x128xf32, #tpu.memory_space<vmem>>
      %dma_start3A_241 = tpu.memref_squeeze %dma_start3A_240 : memref<1x40x128xf32, #tpu.memory_space<vmem>> -> memref<40x128xf32, #tpu.memory_space<vmem>>
      tpu.enqueue_dma source(%dma_start3A_241 : memref<40x128xf32, #tpu.memory_space<vmem>>) target(%dma_start3A_237 : memref<40x128xf32, #tpu.memory_space<hbm>>) target_semaphore(%arg9 : memref<!tpu.dma_semaphore, #tpu.memory_space<semaphore_mem>>)
      %scan3A_242 = arith.constant 0 : i32
      scf.yield %scan3A_242 : i32
    }
    %scan3A_139 = arith.constant 125 : i32
    %dma_wait3A_140 = arith.constant 0 : i32
    %dma_wait3A_141 = arith.constant 0 : i32
    %dma_wait3A_142 = arith.constant 0 : i32
    %dma_wait3A_143 = tpu.memref_slice %arg6[%dma_wait3A_140, %dma_wait3A_141, %dma_wait3A_142] : memref<6x40x128xf32, #tpu.memory_space<vmem>> -> memref<1x40x128xf32, #tpu.memory_space<vmem>>
    %dma_wait3A_144 = tpu.memref_squeeze %dma_wait3A_143 : memref<1x40x128xf32, #tpu.memory_space<vmem>> -> memref<40x128xf32, #tpu.memory_space<vmem>>
    %dma_wait3A_145 = arith.constant 0 : i32
    %dma_wait3A_146 = arith.constant 0 : i32
    %dma_wait3A_147 = tpu.memref_slice %arg4[%dma_wait3A_145, %dma_wait3A_146] : memref<320000x128xf32, #tpu.memory_space<hbm>> -> memref<40x128xf32, #tpu.memory_space<hbm>>
    %dma_wait3A_148 = arith.constant 0 : i32
    %dma_wait3A_149 = arith.constant 0 : i32
    %dma_wait3A_150 = tpu.memref_slice %arg6[%dma_wait3A_140, %dma_wait3A_148, %dma_wait3A_149] : memref<6x40x128xf32, #tpu.memory_space<vmem>> -> memref<1x40x128xf32, #tpu.memory_space<vmem>>
    %dma_wait3A_151 = tpu.memref_squeeze %dma_wait3A_150 : memref<1x40x128xf32, #tpu.memory_space<vmem>> -> memref<40x128xf32, #tpu.memory_space<vmem>>
    %dma_wait3A_152 = arith.constant 0 : i32
    %dma_wait3A_153 = arith.constant 0 : i32
    %dma_wait3A_154 = tpu.memref_slice %arg4[%dma_wait3A_152, %dma_wait3A_153] : memref<320000x128xf32, #tpu.memory_space<hbm>> -> memref<40x128xf32, #tpu.memory_space<hbm>>
    tpu.wait_dma2 semaphore(%arg9 : memref<!tpu.dma_semaphore, #tpu.memory_space<semaphore_mem>>) src(%dma_wait3A_154 : memref<40x128xf32, #tpu.memory_space<hbm>>) dst(%dma_wait3A_151 : memref<40x128xf32, #tpu.memory_space<vmem>>)
    %dma_wait3A_155 = arith.constant 0 : i32
    %dma_wait3A_156 = arith.constant 0 : i32
    %dma_wait3A_157 = arith.constant 0 : i32
    %dma_wait3A_158 = tpu.memref_slice %arg6[%dma_wait3A_155, %dma_wait3A_156, %dma_wait3A_157] : memref<6x40x128xf32, #tpu.memory_space<vmem>> -> memref<1x40x128xf32, #tpu.memory_space<vmem>>
    %dma_wait3A_159 = tpu.memref_squeeze %dma_wait3A_158 : memref<1x40x128xf32, #tpu.memory_space<vmem>> -> memref<40x128xf32, #tpu.memory_space<vmem>>
    %dma_wait3A_160 = arith.constant 0 : i32
    %dma_wait3A_161 = arith.constant 0 : i32
    %dma_wait3A_162 = tpu.memref_slice %arg4[%dma_wait3A_160, %dma_wait3A_161] : memref<320000x128xf32, #tpu.memory_space<hbm>> -> memref<40x128xf32, #tpu.memory_space<hbm>>
    %dma_wait3A_163 = arith.constant 0 : i32
    %dma_wait3A_164 = arith.constant 0 : i32
    %dma_wait3A_165 = tpu.memref_slice %arg6[%dma_wait3A_155, %dma_wait3A_163, %dma_wait3A_164] : memref<6x40x128xf32, #tpu.memory_space<vmem>> -> memref<1x40x128xf32, #tpu.memory_space<vmem>>
    %dma_wait3A_166 = tpu.memref_squeeze %dma_wait3A_165 : memref<1x40x128xf32, #tpu.memory_space<vmem>> -> memref<40x128xf32, #tpu.memory_space<vmem>>
    %dma_wait3A_167 = arith.constant 0 : i32
    %dma_wait3A_168 = arith.constant 0 : i32
    %dma_wait3A_169 = tpu.memref_slice %arg4[%dma_wait3A_167, %dma_wait3A_168] : memref<320000x128xf32, #tpu.memory_space<hbm>> -> memref<40x128xf32, #tpu.memory_space<hbm>>
    tpu.wait_dma2 semaphore(%arg9 : memref<!tpu.dma_semaphore, #tpu.memory_space<semaphore_mem>>) src(%dma_wait3A_169 : memref<40x128xf32, #tpu.memory_space<hbm>>) dst(%dma_wait3A_166 : memref<40x128xf32, #tpu.memory_space<vmem>>)
    %dma_wait3A_170 = arith.constant 0 : i32
    %dma_wait3A_171 = arith.constant 0 : i32
    %dma_wait3A_172 = arith.constant 0 : i32
    %dma_wait3A_173 = tpu.memref_slice %arg6[%dma_wait3A_170, %dma_wait3A_171, %dma_wait3A_172] : memref<6x40x128xf32, #tpu.memory_space<vmem>> -> memref<1x40x128xf32, #tpu.memory_space<vmem>>
    %dma_wait3A_174 = tpu.memref_squeeze %dma_wait3A_173 : memref<1x40x128xf32, #tpu.memory_space<vmem>> -> memref<40x128xf32, #tpu.memory_space<vmem>>
    %dma_wait3A_175 = arith.constant 0 : i32
    %dma_wait3A_176 = arith.constant 0 : i32
    %dma_wait3A_177 = tpu.memref_slice %arg4[%dma_wait3A_175, %dma_wait3A_176] : memref<320000x128xf32, #tpu.memory_space<hbm>> -> memref<40x128xf32, #tpu.memory_space<hbm>>
    %dma_wait3A_178 = arith.constant 0 : i32
    %dma_wait3A_179 = arith.constant 0 : i32
    %dma_wait3A_180 = tpu.memref_slice %arg6[%dma_wait3A_170, %dma_wait3A_178, %dma_wait3A_179] : memref<6x40x128xf32, #tpu.memory_space<vmem>> -> memref<1x40x128xf32, #tpu.memory_space<vmem>>
    %dma_wait3A_181 = tpu.memref_squeeze %dma_wait3A_180 : memref<1x40x128xf32, #tpu.memory_space<vmem>> -> memref<40x128xf32, #tpu.memory_space<vmem>>
    %dma_wait3A_182 = arith.constant 0 : i32
    %dma_wait3A_183 = arith.constant 0 : i32
    %dma_wait3A_184 = tpu.memref_slice %arg4[%dma_wait3A_182, %dma_wait3A_183] : memref<320000x128xf32, #tpu.memory_space<hbm>> -> memref<40x128xf32, #tpu.memory_space<hbm>>
    tpu.wait_dma2 semaphore(%arg9 : memref<!tpu.dma_semaphore, #tpu.memory_space<semaphore_mem>>) src(%dma_wait3A_184 : memref<40x128xf32, #tpu.memory_space<hbm>>) dst(%dma_wait3A_181 : memref<40x128xf32, #tpu.memory_space<vmem>>)
    %dma_wait3A_185 = arith.constant 0 : i32
    %dma_wait3A_186 = arith.constant 0 : i32
    %dma_wait3A_187 = arith.constant 0 : i32
    %dma_wait3A_188 = tpu.memref_slice %arg6[%dma_wait3A_185, %dma_wait3A_186, %dma_wait3A_187] : memref<6x40x128xf32, #tpu.memory_space<vmem>> -> memref<1x40x128xf32, #tpu.memory_space<vmem>>
    %dma_wait3A_189 = tpu.memref_squeeze %dma_wait3A_188 : memref<1x40x128xf32, #tpu.memory_space<vmem>> -> memref<40x128xf32, #tpu.memory_space<vmem>>
    %dma_wait3A_190 = arith.constant 0 : i32
    %dma_wait3A_191 = arith.constant 0 : i32
    %dma_wait3A_192 = tpu.memref_slice %arg4[%dma_wait3A_190, %dma_wait3A_191] : memref<320000x128xf32, #tpu.memory_space<hbm>> -> memref<40x128xf32, #tpu.memory_space<hbm>>
    %dma_wait3A_193 = arith.constant 0 : i32
    %dma_wait3A_194 = arith.constant 0 : i32
    %dma_wait3A_195 = tpu.memref_slice %arg6[%dma_wait3A_185, %dma_wait3A_193, %dma_wait3A_194] : memref<6x40x128xf32, #tpu.memory_space<vmem>> -> memref<1x40x128xf32, #tpu.memory_space<vmem>>
    %dma_wait3A_196 = tpu.memref_squeeze %dma_wait3A_195 : memref<1x40x128xf32, #tpu.memory_space<vmem>> -> memref<40x128xf32, #tpu.memory_space<vmem>>
    %dma_wait3A_197 = arith.constant 0 : i32
    %dma_wait3A_198 = arith.constant 0 : i32
    %dma_wait3A_199 = tpu.memref_slice %arg4[%dma_wait3A_197, %dma_wait3A_198] : memref<320000x128xf32, #tpu.memory_space<hbm>> -> memref<40x128xf32, #tpu.memory_space<hbm>>
    tpu.wait_dma2 semaphore(%arg9 : memref<!tpu.dma_semaphore, #tpu.memory_space<semaphore_mem>>) src(%dma_wait3A_199 : memref<40x128xf32, #tpu.memory_space<hbm>>) dst(%dma_wait3A_196 : memref<40x128xf32, #tpu.memory_space<vmem>>)
    return
  }
}

#map = affine_map<(d0, d1) -> (0, 0)>
#map1 = affine_map<(d0, d1) -> (0, 0, 0, 0)>
#map2 = affine_map<(d0, d1) -> (0, 0, 0)>
module attributes {stable_mosaic.version = 14 : i64} {
  func.func @_sc_scatter(%arg0: i32, %arg1: i32, %arg2: memref<320000x128xf32, #tpu.memory_space<hbm>>, %arg3: memref<32x2x125x40xi32, #tpu.memory_space<hbm>>, %arg4: memref<10240x128xf32, #tpu.memory_space<hbm>>, %arg5: memref<2x10240x128xf32, #tpu.memory_space<hbm>>, %arg6: memref<125x40xi32, #tpu.memory_space<vmem>>, %arg7: memref<6x40x128xf32, #tpu.memory_space<vmem>>, %arg8: memref<10240x128xf32, #tpu.memory_space<vmem_shared>>, %arg9: memref<!tpu.dma_semaphore, #tpu.memory_space<semaphore_mem>>, %arg10: memref<!tpu.dma_semaphore, #tpu.memory_space<semaphore_mem>>) attributes {dimension_semantics = [#tpu.dimension_semantics<core_parallel>, #tpu.dimension_semantics<subcore_parallel>], iteration_bounds = array<i64: 2, 16>, scalar_prefetch = 0 : i64, scratch_operands = 5 : i64, tpu.core_type = #tpu.core_type<sc_vector_subcore>, window_params = [{transform_indices = #map}, {transform_indices = #map1}, {transform_indices = #map}, {transform_indices = #map2}]} {
    %mul3A = arith.constant 2 : i32
    %mul3A_0 = arith.muli %arg1, %mul3A : i32
    %add3A = arith.addi %mul3A_0, %arg0 : i32
    %mul3A_1 = arith.constant 640 : i32
    %mul3A_2 = arith.muli %arg1, %mul3A_1 : i32
    %mul3A_3 = arith.constant 640 : i32
    %mul3A_4 = arith.muli %arg1, %mul3A_3 : i32
    "tpu.region"() ({
      %run_scoped3A_210 = tpu.sem_alloc : memref<!tpu.dma_semaphore, #tpu.memory_space<semaphore_mem>>
      %dma_start3A_211 = arith.constant 0 : i32
      %dma_start3A_212 = tpu.memref_slice %arg8[%mul3A_4, %dma_start3A_211] : memref<10240x128xf32, #tpu.memory_space<vmem_shared>> -> memref<640x128xf32, #tpu.memory_space<vmem_shared>>
      %dma_start3A_213 = arith.constant 0 : i32
      %dma_start3A_214 = tpu.memref_slice %arg4[%mul3A_2, %dma_start3A_213] : memref<10240x128xf32, #tpu.memory_space<hbm>> -> memref<640x128xf32, #tpu.memory_space<hbm>>
      tpu.enqueue_dma source(%dma_start3A_214 : memref<640x128xf32, #tpu.memory_space<hbm>>) target(%dma_start3A_212 : memref<640x128xf32, #tpu.memory_space<vmem_shared>>) target_semaphore(%run_scoped3A_210 : memref<!tpu.dma_semaphore, #tpu.memory_space<semaphore_mem>>)
      %dma_wait3A_215 = arith.constant 0 : i32
      %dma_wait3A_216 = tpu.memref_slice %arg8[%mul3A_4, %dma_wait3A_215] : memref<10240x128xf32, #tpu.memory_space<vmem_shared>> -> memref<640x128xf32, #tpu.memory_space<vmem_shared>>
      %dma_wait3A_217 = arith.constant 0 : i32
      %dma_wait3A_218 = tpu.memref_slice %arg4[%mul3A_2, %dma_wait3A_217] : memref<10240x128xf32, #tpu.memory_space<hbm>> -> memref<640x128xf32, #tpu.memory_space<hbm>>
      tpu.wait_dma2 semaphore(%run_scoped3A_210 : memref<!tpu.dma_semaphore, #tpu.memory_space<semaphore_mem>>) src(%dma_wait3A_218 : memref<640x128xf32, #tpu.memory_space<hbm>>) dst(%dma_wait3A_216 : memref<640x128xf32, #tpu.memory_space<vmem_shared>>)
      tpu.yield
    }) : () -> ()
    %barrier3A = arith.constant 0 : index
    tpu.barrier barrier_id(%barrier3A)
    %run_scoped3A = arith.constant 0 : i32
    "tpu.region"() ({
      %run_scoped3A_210 = tpu.sem_alloc : memref<!tpu.dma_semaphore, #tpu.memory_space<semaphore_mem>>
      %dma_start3A_211 = arith.constant 0 : i32
      %dma_start3A_212 = arith.constant 0 : i32
      %dma_start3A_213 = tpu.memref_slice %arg3[%add3A, %run_scoped3A, %dma_start3A_211, %dma_start3A_212] : memref<32x2x125x40xi32, #tpu.memory_space<hbm>> -> memref<1x1x125x40xi32, #tpu.memory_space<hbm>>
      %dma_start3A_214 = tpu.memref_squeeze %dma_start3A_213 : memref<1x1x125x40xi32, #tpu.memory_space<hbm>> -> memref<125x40xi32, #tpu.memory_space<hbm>>
      %dma_start3A_215 = arith.constant 0 : i32
      %dma_start3A_216 = arith.constant 0 : i32
      %dma_start3A_217 = tpu.memref_slice %arg3[%add3A, %run_scoped3A, %dma_start3A_215, %dma_start3A_216] : memref<32x2x125x40xi32, #tpu.memory_space<hbm>> -> memref<1x1x125x40xi32, #tpu.memory_space<hbm>>
      %dma_start3A_218 = tpu.memref_squeeze %dma_start3A_217 : memref<1x1x125x40xi32, #tpu.memory_space<hbm>> -> memref<125x40xi32, #tpu.memory_space<hbm>>
      tpu.enqueue_dma source(%dma_start3A_218 : memref<125x40xi32, #tpu.memory_space<hbm>>) target(%arg6 : memref<125x40xi32, #tpu.memory_space<vmem>>) target_semaphore(%run_scoped3A_210 : memref<!tpu.dma_semaphore, #tpu.memory_space<semaphore_mem>>)
      %dma_wait3A_219 = arith.constant 0 : i32
      %dma_wait3A_220 = arith.constant 0 : i32
      %dma_wait3A_221 = tpu.memref_slice %arg3[%add3A, %run_scoped3A, %dma_wait3A_219, %dma_wait3A_220] : memref<32x2x125x40xi32, #tpu.memory_space<hbm>> -> memref<1x1x125x40xi32, #tpu.memory_space<hbm>>
      %dma_wait3A_222 = tpu.memref_squeeze %dma_wait3A_221 : memref<1x1x125x40xi32, #tpu.memory_space<hbm>> -> memref<125x40xi32, #tpu.memory_space<hbm>>
      %dma_wait3A_223 = arith.constant 0 : i32
      %dma_wait3A_224 = arith.constant 0 : i32
      %dma_wait3A_225 = tpu.memref_slice %arg3[%add3A, %run_scoped3A, %dma_wait3A_223, %dma_wait3A_224] : memref<32x2x125x40xi32, #tpu.memory_space<hbm>> -> memref<1x1x125x40xi32, #tpu.memory_space<hbm>>
      %dma_wait3A_226 = tpu.memref_squeeze %dma_wait3A_225 : memref<1x1x125x40xi32, #tpu.memory_space<hbm>> -> memref<125x40xi32, #tpu.memory_space<hbm>>
      tpu.wait_dma2 semaphore(%run_scoped3A_210 : memref<!tpu.dma_semaphore, #tpu.memory_space<semaphore_mem>>) src(%dma_wait3A_226 : memref<125x40xi32, #tpu.memory_space<hbm>>) dst(%arg6 : memref<125x40xi32, #tpu.memory_space<vmem>>)
      tpu.yield
    }) : () -> ()
    %mul3A_5 = arith.constant 10000 : i32
    %mul3A_6 = arith.muli %add3A, %mul3A_5 : i32
    %add3A_7 = arith.constant 0 : i32
    %add3A_8 = arith.addi %mul3A_6, %add3A_7 : i32
    %add3A_9 = arith.constant 0 : i32
    %add3A_10 = arith.addi %add3A_8, %add3A_9 : i32
    %dma_start3A = arith.constant 0 : i32
    %dma_start3A_11 = arith.constant 0 : i32
    %dma_start3A_12 = arith.constant 0 : i32
    %dma_start3A_13 = tpu.memref_slice %arg7[%dma_start3A, %dma_start3A_11, %dma_start3A_12] : memref<6x40x128xf32, #tpu.memory_space<vmem>> -> memref<1x40x128xf32, #tpu.memory_space<vmem>>
    %dma_start3A_14 = tpu.memref_squeeze %dma_start3A_13 : memref<1x40x128xf32, #tpu.memory_space<vmem>> -> memref<40x128xf32, #tpu.memory_space<vmem>>
    %dma_start3A_15 = arith.constant 0 : i32
    %dma_start3A_16 = tpu.memref_slice %arg2[%add3A_10, %dma_start3A_15] : memref<320000x128xf32, #tpu.memory_space<hbm>> -> memref<40x128xf32, #tpu.memory_space<hbm>>
    %dma_start3A_17 = arith.constant 0 : i32
    %dma_start3A_18 = arith.constant 0 : i32
    %dma_start3A_19 = tpu.memref_slice %arg7[%dma_start3A, %dma_start3A_17, %dma_start3A_18] : memref<6x40x128xf32, #tpu.memory_space<vmem>> -> memref<1x40x128xf32, #tpu.memory_space<vmem>>
    %dma_start3A_20 = tpu.memref_squeeze %dma_start3A_19 : memref<1x40x128xf32, #tpu.memory_space<vmem>> -> memref<40x128xf32, #tpu.memory_space<vmem>>
    %dma_start3A_21 = arith.constant 0 : i32
    %dma_start3A_22 = tpu.memref_slice %arg2[%add3A_10, %dma_start3A_21] : memref<320000x128xf32, #tpu.memory_space<hbm>> -> memref<40x128xf32, #tpu.memory_space<hbm>>
    tpu.enqueue_dma source(%dma_start3A_22 : memref<40x128xf32, #tpu.memory_space<hbm>>) target(%dma_start3A_20 : memref<40x128xf32, #tpu.memory_space<vmem>>) target_semaphore(%arg9 : memref<!tpu.dma_semaphore, #tpu.memory_space<semaphore_mem>>)
    %add3A_23 = arith.constant 40 : i32
    %add3A_24 = arith.addi %add3A_8, %add3A_23 : i32
    %dma_start3A_25 = arith.constant 1 : i32
    %dma_start3A_26 = arith.constant 0 : i32
    %dma_start3A_27 = arith.constant 0 : i32
    %dma_start3A_28 = tpu.memref_slice %arg7[%dma_start3A_25, %dma_start3A_26, %dma_start3A_27] : memref<6x40x128xf32, #tpu.memory_space<vmem>> -> memref<1x40x128xf32, #tpu.memory_space<vmem>>
    %dma_start3A_29 = tpu.memref_squeeze %dma_start3A_28 : memref<1x40x128xf32, #tpu.memory_space<vmem>> -> memref<40x128xf32, #tpu.memory_space<vmem>>
    %dma_start3A_30 = arith.constant 0 : i32
    %dma_start3A_31 = tpu.memref_slice %arg2[%add3A_24, %dma_start3A_30] : memref<320000x128xf32, #tpu.memory_space<hbm>> -> memref<40x128xf32, #tpu.memory_space<hbm>>
    %dma_start3A_32 = arith.constant 0 : i32
    %dma_start3A_33 = arith.constant 0 : i32
    %dma_start3A_34 = tpu.memref_slice %arg7[%dma_start3A_25, %dma_start3A_32, %dma_start3A_33] : memref<6x40x128xf32, #tpu.memory_space<vmem>> -> memref<1x40x128xf32, #tpu.memory_space<vmem>>
    %dma_start3A_35 = tpu.memref_squeeze %dma_start3A_34 : memref<1x40x128xf32, #tpu.memory_space<vmem>> -> memref<40x128xf32, #tpu.memory_space<vmem>>
    %dma_start3A_36 = arith.constant 0 : i32
    %dma_start3A_37 = tpu.memref_slice %arg2[%add3A_24, %dma_start3A_36] : memref<320000x128xf32, #tpu.memory_space<hbm>> -> memref<40x128xf32, #tpu.memory_space<hbm>>
    tpu.enqueue_dma source(%dma_start3A_37 : memref<40x128xf32, #tpu.memory_space<hbm>>) target(%dma_start3A_35 : memref<40x128xf32, #tpu.memory_space<vmem>>) target_semaphore(%arg9 : memref<!tpu.dma_semaphore, #tpu.memory_space<semaphore_mem>>)
    %scan3A = arith.constant 0 : i32
    %scan3A_38 = arith.constant 0 : i32
    %scan3A_39 = arith.constant 125 : i32
    %scan3A_40 = arith.addi %scan3A_38, %scan3A_39 : i32
    %scan3A_41 = arith.constant 1 : i32
    %scan3A_42 = scf.for %scan3A_210 = %scan3A_38 to %scan3A_40 step %scan3A_41 iter_args(%scan3A_211 = %scan3A) -> (i32)  : i32 {
      %ge3A = arith.constant 4 : i32
      %ge3A_212 = arith.cmpi sge, %scan3A_210, %ge3A : i32
      %convert_element_type3A = arith.extui %ge3A_212 : i1 to i32
      %cond3A = arith.constant 0 : i32
      %cond3A_213 = arith.cmpi ne, %convert_element_type3A, %cond3A : i32
      scf.if %cond3A_213 {
        %dma_wait3A_247 = arith.constant 0 : i32
        %dma_wait3A_248 = arith.constant 0 : i32
        %dma_wait3A_249 = arith.constant 0 : i32
        %dma_wait3A_250 = tpu.memref_slice %arg7[%dma_wait3A_247, %dma_wait3A_248, %dma_wait3A_249] : memref<6x40x128xf32, #tpu.memory_space<vmem>> -> memref<1x40x128xf32, #tpu.memory_space<vmem>>
        %dma_wait3A_251 = tpu.memref_squeeze %dma_wait3A_250 : memref<1x40x128xf32, #tpu.memory_space<vmem>> -> memref<40x128xf32, #tpu.memory_space<vmem>>
        %dma_wait3A_252 = arith.constant 0 : i32
        %dma_wait3A_253 = arith.constant 0 : i32
        %dma_wait3A_254 = tpu.memref_slice %arg2[%dma_wait3A_252, %dma_wait3A_253] : memref<320000x128xf32, #tpu.memory_space<hbm>> -> memref<40x128xf32, #tpu.memory_space<hbm>>
        %dma_wait3A_255 = arith.constant 0 : i32
        %dma_wait3A_256 = arith.constant 0 : i32
        %dma_wait3A_257 = tpu.memref_slice %arg7[%dma_wait3A_247, %dma_wait3A_255, %dma_wait3A_256] : memref<6x40x128xf32, #tpu.memory_space<vmem>> -> memref<1x40x128xf32, #tpu.memory_space<vmem>>
        %dma_wait3A_258 = tpu.memref_squeeze %dma_wait3A_257 : memref<1x40x128xf32, #tpu.memory_space<vmem>> -> memref<40x128xf32, #tpu.memory_space<vmem>>
        %dma_wait3A_259 = arith.constant 0 : i32
        %dma_wait3A_260 = arith.constant 0 : i32
        %dma_wait3A_261 = tpu.memref_slice %arg2[%dma_wait3A_259, %dma_wait3A_260] : memref<320000x128xf32, #tpu.memory_space<hbm>> -> memref<40x128xf32, #tpu.memory_space<hbm>>
        tpu.wait_dma2 semaphore(%arg10 : memref<!tpu.dma_semaphore, #tpu.memory_space<semaphore_mem>>) src(%dma_wait3A_261 : memref<40x128xf32, #tpu.memory_space<hbm>>) dst(%dma_wait3A_258 : memref<40x128xf32, #tpu.memory_space<vmem>>)
      } else {
      }
      %add3A_214 = arith.constant 2 : i32
      %add3A_215 = arith.addi %scan3A_210, %add3A_214 : i32
      %lt3A = arith.constant 125 : i32
      %lt3A_216 = arith.cmpi slt, %add3A_215, %lt3A : i32
      %convert_element_type3A_217 = arith.extui %lt3A_216 : i1 to i32
      %cond3A_218 = arith.constant 0 : i32
      %cond3A_219 = arith.cmpi ne, %convert_element_type3A_217, %cond3A_218 : i32
      scf.if %cond3A_219 {
        %add3A_247 = arith.constant 2 : i32
        %add3A_248 = arith.addi %scan3A_210, %add3A_247 : i32
        %add3A_249 = arith.constant 2 : i32
        %add3A_250 = arith.addi %scan3A_210, %add3A_249 : i32
        %rem3A_251 = arith.constant 6 : i32
        %rem3A_252 = arith.remsi %add3A_250, %rem3A_251 : i32
        %mul3A_253 = arith.constant 40 : i32
        %mul3A_254 = arith.muli %add3A_248, %mul3A_253 : i32
        %add3A_255 = arith.addi %add3A_8, %mul3A_254 : i32
        %dma_start3A_256 = arith.constant 0 : i32
        %dma_start3A_257 = arith.constant 0 : i32
        %dma_start3A_258 = tpu.memref_slice %arg7[%rem3A_252, %dma_start3A_256, %dma_start3A_257] : memref<6x40x128xf32, #tpu.memory_space<vmem>> -> memref<1x40x128xf32, #tpu.memory_space<vmem>>
        %dma_start3A_259 = tpu.memref_squeeze %dma_start3A_258 : memref<1x40x128xf32, #tpu.memory_space<vmem>> -> memref<40x128xf32, #tpu.memory_space<vmem>>
        %dma_start3A_260 = arith.constant 0 : i32
        %dma_start3A_261 = tpu.memref_slice %arg2[%add3A_255, %dma_start3A_260] : memref<320000x128xf32, #tpu.memory_space<hbm>> -> memref<40x128xf32, #tpu.memory_space<hbm>>
        %dma_start3A_262 = arith.constant 0 : i32
        %dma_start3A_263 = arith.constant 0 : i32
        %dma_start3A_264 = tpu.memref_slice %arg7[%rem3A_252, %dma_start3A_262, %dma_start3A_263] : memref<6x40x128xf32, #tpu.memory_space<vmem>> -> memref<1x40x128xf32, #tpu.memory_space<vmem>>
        %dma_start3A_265 = tpu.memref_squeeze %dma_start3A_264 : memref<1x40x128xf32, #tpu.memory_space<vmem>> -> memref<40x128xf32, #tpu.memory_space<vmem>>
        %dma_start3A_266 = arith.constant 0 : i32
        %dma_start3A_267 = tpu.memref_slice %arg2[%add3A_255, %dma_start3A_266] : memref<320000x128xf32, #tpu.memory_space<hbm>> -> memref<40x128xf32, #tpu.memory_space<hbm>>
        tpu.enqueue_dma source(%dma_start3A_267 : memref<40x128xf32, #tpu.memory_space<hbm>>) target(%dma_start3A_265 : memref<40x128xf32, #tpu.memory_space<vmem>>) target_semaphore(%arg9 : memref<!tpu.dma_semaphore, #tpu.memory_space<semaphore_mem>>)
      } else {
      }
      %dma_wait3A_220 = arith.constant 0 : i32
      %dma_wait3A_221 = arith.constant 0 : i32
      %dma_wait3A_222 = arith.constant 0 : i32
      %dma_wait3A_223 = tpu.memref_slice %arg7[%dma_wait3A_220, %dma_wait3A_221, %dma_wait3A_222] : memref<6x40x128xf32, #tpu.memory_space<vmem>> -> memref<1x40x128xf32, #tpu.memory_space<vmem>>
      %dma_wait3A_224 = tpu.memref_squeeze %dma_wait3A_223 : memref<1x40x128xf32, #tpu.memory_space<vmem>> -> memref<40x128xf32, #tpu.memory_space<vmem>>
      %dma_wait3A_225 = arith.constant 0 : i32
      %dma_wait3A_226 = arith.constant 0 : i32
      %dma_wait3A_227 = tpu.memref_slice %arg2[%dma_wait3A_225, %dma_wait3A_226] : memref<320000x128xf32, #tpu.memory_space<hbm>> -> memref<40x128xf32, #tpu.memory_space<hbm>>
      %dma_wait3A_228 = arith.constant 0 : i32
      %dma_wait3A_229 = arith.constant 0 : i32
      %dma_wait3A_230 = tpu.memref_slice %arg7[%dma_wait3A_220, %dma_wait3A_228, %dma_wait3A_229] : memref<6x40x128xf32, #tpu.memory_space<vmem>> -> memref<1x40x128xf32, #tpu.memory_space<vmem>>
      %dma_wait3A_231 = tpu.memref_squeeze %dma_wait3A_230 : memref<1x40x128xf32, #tpu.memory_space<vmem>> -> memref<40x128xf32, #tpu.memory_space<vmem>>
      %dma_wait3A_232 = arith.constant 0 : i32
      %dma_wait3A_233 = arith.constant 0 : i32
      %dma_wait3A_234 = tpu.memref_slice %arg2[%dma_wait3A_232, %dma_wait3A_233] : memref<320000x128xf32, #tpu.memory_space<hbm>> -> memref<40x128xf32, #tpu.memory_space<hbm>>
      tpu.wait_dma2 semaphore(%arg9 : memref<!tpu.dma_semaphore, #tpu.memory_space<semaphore_mem>>) src(%dma_wait3A_234 : memref<40x128xf32, #tpu.memory_space<hbm>>) dst(%dma_wait3A_231 : memref<40x128xf32, #tpu.memory_space<vmem>>)
      %rem3A = arith.constant 6 : i32
      %rem3A_235 = arith.remsi %scan3A_210, %rem3A : i32
      %dma_start3A_236 = arith.constant 0 : i32
      %dma_start3A_237 = arith.constant 0 : i32
      %dma_start3A_238 = tpu.memref_slice %arg7[%rem3A_235, %dma_start3A_236, %dma_start3A_237] : memref<6x40x128xf32, #tpu.memory_space<vmem>> -> memref<1x40x128xf32, #tpu.memory_space<vmem>>
      %dma_start3A_239 = tpu.memref_squeeze %dma_start3A_238 : memref<1x40x128xf32, #tpu.memory_space<vmem>> -> memref<40x128xf32, #tpu.memory_space<vmem>>
      %dma_start3A_240 = arith.constant 0 : i32
      %dma_start3A_241 = tpu.memref_slice %arg6[%scan3A_210, %dma_start3A_240] : memref<125x40xi32, #tpu.memory_space<vmem>> -> memref<1x40xi32, #tpu.memory_space<vmem>>
      %dma_start3A_242 = tpu.memref_squeeze %dma_start3A_241 : memref<1x40xi32, #tpu.memory_space<vmem>> -> memref<40xi32, #tpu.memory_space<vmem>>
      %dma_start3A_243 = arith.constant 0 : i32
      %dma_start3A_244 = arith.constant 0 : i32
      %dma_start3A_245 = tpu.memref_slice %arg8[%dma_start3A_243, %dma_start3A_244] : memref<10240x128xf32, #tpu.memory_space<vmem_shared>> -> memref<10240x128xf32, #tpu.memory_space<vmem_shared>>
      tpu.enqueue_indirect_dma source(%dma_start3A_239 : memref<40x128xf32, #tpu.memory_space<vmem>>) target(%dma_start3A_245 : memref<10240x128xf32, #tpu.memory_space<vmem_shared>>) offsets(%dma_start3A_242 : memref<40xi32, #tpu.memory_space<vmem>>) semaphore(%arg10 : memref<!tpu.dma_semaphore, #tpu.memory_space<semaphore_mem>>) {add = true}
      %scan3A_246 = arith.constant 0 : i32
      scf.yield %scan3A_246 : i32
    }
    %scan3A_43 = arith.constant 125 : i32
    %dma_wait3A = arith.constant 0 : i32
    %dma_wait3A_44 = arith.constant 0 : i32
    %dma_wait3A_45 = arith.constant 0 : i32
    %dma_wait3A_46 = tpu.memref_slice %arg7[%dma_wait3A, %dma_wait3A_44, %dma_wait3A_45] : memref<6x40x128xf32, #tpu.memory_space<vmem>> -> memref<1x40x128xf32, #tpu.memory_space<vmem>>
    %dma_wait3A_47 = tpu.memref_squeeze %dma_wait3A_46 : memref<1x40x128xf32, #tpu.memory_space<vmem>> -> memref<40x128xf32, #tpu.memory_space<vmem>>
    %dma_wait3A_48 = arith.constant 0 : i32
    %dma_wait3A_49 = arith.constant 0 : i32
    %dma_wait3A_50 = tpu.memref_slice %arg2[%dma_wait3A_48, %dma_wait3A_49] : memref<320000x128xf32, #tpu.memory_space<hbm>> -> memref<40x128xf32, #tpu.memory_space<hbm>>
    %dma_wait3A_51 = arith.constant 0 : i32
    %dma_wait3A_52 = arith.constant 0 : i32
    %dma_wait3A_53 = tpu.memref_slice %arg7[%dma_wait3A, %dma_wait3A_51, %dma_wait3A_52] : memref<6x40x128xf32, #tpu.memory_space<vmem>> -> memref<1x40x128xf32, #tpu.memory_space<vmem>>
    %dma_wait3A_54 = tpu.memref_squeeze %dma_wait3A_53 : memref<1x40x128xf32, #tpu.memory_space<vmem>> -> memref<40x128xf32, #tpu.memory_space<vmem>>
    %dma_wait3A_55 = arith.constant 0 : i32
    %dma_wait3A_56 = arith.constant 0 : i32
    %dma_wait3A_57 = tpu.memref_slice %arg2[%dma_wait3A_55, %dma_wait3A_56] : memref<320000x128xf32, #tpu.memory_space<hbm>> -> memref<40x128xf32, #tpu.memory_space<hbm>>
    tpu.wait_dma2 semaphore(%arg10 : memref<!tpu.dma_semaphore, #tpu.memory_space<semaphore_mem>>) src(%dma_wait3A_57 : memref<40x128xf32, #tpu.memory_space<hbm>>) dst(%dma_wait3A_54 : memref<40x128xf32, #tpu.memory_space<vmem>>)
    %dma_wait3A_58 = arith.constant 0 : i32
    %dma_wait3A_59 = arith.constant 0 : i32
    %dma_wait3A_60 = arith.constant 0 : i32
    %dma_wait3A_61 = tpu.memref_slice %arg7[%dma_wait3A_58, %dma_wait3A_59, %dma_wait3A_60] : memref<6x40x128xf32, #tpu.memory_space<vmem>> -> memref<1x40x128xf32, #tpu.memory_space<vmem>>
    %dma_wait3A_62 = tpu.memref_squeeze %dma_wait3A_61 : memref<1x40x128xf32, #tpu.memory_space<vmem>> -> memref<40x128xf32, #tpu.memory_space<vmem>>
    %dma_wait3A_63 = arith.constant 0 : i32
    %dma_wait3A_64 = arith.constant 0 : i32
    %dma_wait3A_65 = tpu.memref_slice %arg2[%dma_wait3A_63, %dma_wait3A_64] : memref<320000x128xf32, #tpu.memory_space<hbm>> -> memref<40x128xf32, #tpu.memory_space<hbm>>
    %dma_wait3A_66 = arith.constant 0 : i32
    %dma_wait3A_67 = arith.constant 0 : i32
    %dma_wait3A_68 = tpu.memref_slice %arg7[%dma_wait3A_58, %dma_wait3A_66, %dma_wait3A_67] : memref<6x40x128xf32, #tpu.memory_space<vmem>> -> memref<1x40x128xf32, #tpu.memory_space<vmem>>
    %dma_wait3A_69 = tpu.memref_squeeze %dma_wait3A_68 : memref<1x40x128xf32, #tpu.memory_space<vmem>> -> memref<40x128xf32, #tpu.memory_space<vmem>>
    %dma_wait3A_70 = arith.constant 0 : i32
    %dma_wait3A_71 = arith.constant 0 : i32
    %dma_wait3A_72 = tpu.memref_slice %arg2[%dma_wait3A_70, %dma_wait3A_71] : memref<320000x128xf32, #tpu.memory_space<hbm>> -> memref<40x128xf32, #tpu.memory_space<hbm>>
    tpu.wait_dma2 semaphore(%arg10 : memref<!tpu.dma_semaphore, #tpu.memory_space<semaphore_mem>>) src(%dma_wait3A_72 : memref<40x128xf32, #tpu.memory_space<hbm>>) dst(%dma_wait3A_69 : memref<40x128xf32, #tpu.memory_space<vmem>>)
    %dma_wait3A_73 = arith.constant 0 : i32
    %dma_wait3A_74 = arith.constant 0 : i32
    %dma_wait3A_75 = arith.constant 0 : i32
    %dma_wait3A_76 = tpu.memref_slice %arg7[%dma_wait3A_73, %dma_wait3A_74, %dma_wait3A_75] : memref<6x40x128xf32, #tpu.memory_space<vmem>> -> memref<1x40x128xf32, #tpu.memory_space<vmem>>
    %dma_wait3A_77 = tpu.memref_squeeze %dma_wait3A_76 : memref<1x40x128xf32, #tpu.memory_space<vmem>> -> memref<40x128xf32, #tpu.memory_space<vmem>>
    %dma_wait3A_78 = arith.constant 0 : i32
    %dma_wait3A_79 = arith.constant 0 : i32
    %dma_wait3A_80 = tpu.memref_slice %arg2[%dma_wait3A_78, %dma_wait3A_79] : memref<320000x128xf32, #tpu.memory_space<hbm>> -> memref<40x128xf32, #tpu.memory_space<hbm>>
    %dma_wait3A_81 = arith.constant 0 : i32
    %dma_wait3A_82 = arith.constant 0 : i32
    %dma_wait3A_83 = tpu.memref_slice %arg7[%dma_wait3A_73, %dma_wait3A_81, %dma_wait3A_82] : memref<6x40x128xf32, #tpu.memory_space<vmem>> -> memref<1x40x128xf32, #tpu.memory_space<vmem>>
    %dma_wait3A_84 = tpu.memref_squeeze %dma_wait3A_83 : memref<1x40x128xf32, #tpu.memory_space<vmem>> -> memref<40x128xf32, #tpu.memory_space<vmem>>
    %dma_wait3A_85 = arith.constant 0 : i32
    %dma_wait3A_86 = arith.constant 0 : i32
    %dma_wait3A_87 = tpu.memref_slice %arg2[%dma_wait3A_85, %dma_wait3A_86] : memref<320000x128xf32, #tpu.memory_space<hbm>> -> memref<40x128xf32, #tpu.memory_space<hbm>>
    tpu.wait_dma2 semaphore(%arg10 : memref<!tpu.dma_semaphore, #tpu.memory_space<semaphore_mem>>) src(%dma_wait3A_87 : memref<40x128xf32, #tpu.memory_space<hbm>>) dst(%dma_wait3A_84 : memref<40x128xf32, #tpu.memory_space<vmem>>)
    %dma_wait3A_88 = arith.constant 0 : i32
    %dma_wait3A_89 = arith.constant 0 : i32
    %dma_wait3A_90 = arith.constant 0 : i32
    %dma_wait3A_91 = tpu.memref_slice %arg7[%dma_wait3A_88, %dma_wait3A_89, %dma_wait3A_90] : memref<6x40x128xf32, #tpu.memory_space<vmem>> -> memref<1x40x128xf32, #tpu.memory_space<vmem>>
    %dma_wait3A_92 = tpu.memref_squeeze %dma_wait3A_91 : memref<1x40x128xf32, #tpu.memory_space<vmem>> -> memref<40x128xf32, #tpu.memory_space<vmem>>
    %dma_wait3A_93 = arith.constant 0 : i32
    %dma_wait3A_94 = arith.constant 0 : i32
    %dma_wait3A_95 = tpu.memref_slice %arg2[%dma_wait3A_93, %dma_wait3A_94] : memref<320000x128xf32, #tpu.memory_space<hbm>> -> memref<40x128xf32, #tpu.memory_space<hbm>>
    %dma_wait3A_96 = arith.constant 0 : i32
    %dma_wait3A_97 = arith.constant 0 : i32
    %dma_wait3A_98 = tpu.memref_slice %arg7[%dma_wait3A_88, %dma_wait3A_96, %dma_wait3A_97] : memref<6x40x128xf32, #tpu.memory_space<vmem>> -> memref<1x40x128xf32, #tpu.memory_space<vmem>>
    %dma_wait3A_99 = tpu.memref_squeeze %dma_wait3A_98 : memref<1x40x128xf32, #tpu.memory_space<vmem>> -> memref<40x128xf32, #tpu.memory_space<vmem>>
    %dma_wait3A_100 = arith.constant 0 : i32
    %dma_wait3A_101 = arith.constant 0 : i32
    %dma_wait3A_102 = tpu.memref_slice %arg2[%dma_wait3A_100, %dma_wait3A_101] : memref<320000x128xf32, #tpu.memory_space<hbm>> -> memref<40x128xf32, #tpu.memory_space<hbm>>
    tpu.wait_dma2 semaphore(%arg10 : memref<!tpu.dma_semaphore, #tpu.memory_space<semaphore_mem>>) src(%dma_wait3A_102 : memref<40x128xf32, #tpu.memory_space<hbm>>) dst(%dma_wait3A_99 : memref<40x128xf32, #tpu.memory_space<vmem>>)
    %run_scoped3A_103 = arith.constant 1 : i32
    "tpu.region"() ({
      %run_scoped3A_210 = tpu.sem_alloc : memref<!tpu.dma_semaphore, #tpu.memory_space<semaphore_mem>>
      %dma_start3A_211 = arith.constant 0 : i32
      %dma_start3A_212 = arith.constant 0 : i32
      %dma_start3A_213 = tpu.memref_slice %arg3[%add3A, %run_scoped3A_103, %dma_start3A_211, %dma_start3A_212] : memref<32x2x125x40xi32, #tpu.memory_space<hbm>> -> memref<1x1x125x40xi32, #tpu.memory_space<hbm>>
      %dma_start3A_214 = tpu.memref_squeeze %dma_start3A_213 : memref<1x1x125x40xi32, #tpu.memory_space<hbm>> -> memref<125x40xi32, #tpu.memory_space<hbm>>
      %dma_start3A_215 = arith.constant 0 : i32
      %dma_start3A_216 = arith.constant 0 : i32
      %dma_start3A_217 = tpu.memref_slice %arg3[%add3A, %run_scoped3A_103, %dma_start3A_215, %dma_start3A_216] : memref<32x2x125x40xi32, #tpu.memory_space<hbm>> -> memref<1x1x125x40xi32, #tpu.memory_space<hbm>>
      %dma_start3A_218 = tpu.memref_squeeze %dma_start3A_217 : memref<1x1x125x40xi32, #tpu.memory_space<hbm>> -> memref<125x40xi32, #tpu.memory_space<hbm>>
      tpu.enqueue_dma source(%dma_start3A_218 : memref<125x40xi32, #tpu.memory_space<hbm>>) target(%arg6 : memref<125x40xi32, #tpu.memory_space<vmem>>) target_semaphore(%run_scoped3A_210 : memref<!tpu.dma_semaphore, #tpu.memory_space<semaphore_mem>>)
      %dma_wait3A_219 = arith.constant 0 : i32
      %dma_wait3A_220 = arith.constant 0 : i32
      %dma_wait3A_221 = tpu.memref_slice %arg3[%add3A, %run_scoped3A_103, %dma_wait3A_219, %dma_wait3A_220] : memref<32x2x125x40xi32, #tpu.memory_space<hbm>> -> memref<1x1x125x40xi32, #tpu.memory_space<hbm>>
      %dma_wait3A_222 = tpu.memref_squeeze %dma_wait3A_221 : memref<1x1x125x40xi32, #tpu.memory_space<hbm>> -> memref<125x40xi32, #tpu.memory_space<hbm>>
      %dma_wait3A_223 = arith.constant 0 : i32
      %dma_wait3A_224 = arith.constant 0 : i32
      %dma_wait3A_225 = tpu.memref_slice %arg3[%add3A, %run_scoped3A_103, %dma_wait3A_223, %dma_wait3A_224] : memref<32x2x125x40xi32, #tpu.memory_space<hbm>> -> memref<1x1x125x40xi32, #tpu.memory_space<hbm>>
      %dma_wait3A_226 = tpu.memref_squeeze %dma_wait3A_225 : memref<1x1x125x40xi32, #tpu.memory_space<hbm>> -> memref<125x40xi32, #tpu.memory_space<hbm>>
      tpu.wait_dma2 semaphore(%run_scoped3A_210 : memref<!tpu.dma_semaphore, #tpu.memory_space<semaphore_mem>>) src(%dma_wait3A_226 : memref<125x40xi32, #tpu.memory_space<hbm>>) dst(%arg6 : memref<125x40xi32, #tpu.memory_space<vmem>>)
      tpu.yield
    }) : () -> ()
    %mul3A_104 = arith.constant 10000 : i32
    %mul3A_105 = arith.muli %add3A, %mul3A_104 : i32
    %add3A_106 = arith.constant 5000 : i32
    %add3A_107 = arith.addi %mul3A_105, %add3A_106 : i32
    %add3A_108 = arith.constant 0 : i32
    %add3A_109 = arith.addi %add3A_107, %add3A_108 : i32
    %dma_start3A_110 = arith.constant 0 : i32
    %dma_start3A_111 = arith.constant 0 : i32
    %dma_start3A_112 = arith.constant 0 : i32
    %dma_start3A_113 = tpu.memref_slice %arg7[%dma_start3A_110, %dma_start3A_111, %dma_start3A_112] : memref<6x40x128xf32, #tpu.memory_space<vmem>> -> memref<1x40x128xf32, #tpu.memory_space<vmem>>
    %dma_start3A_114 = tpu.memref_squeeze %dma_start3A_113 : memref<1x40x128xf32, #tpu.memory_space<vmem>> -> memref<40x128xf32, #tpu.memory_space<vmem>>
    %dma_start3A_115 = arith.constant 0 : i32
    %dma_start3A_116 = tpu.memref_slice %arg2[%add3A_109, %dma_start3A_115] : memref<320000x128xf32, #tpu.memory_space<hbm>> -> memref<40x128xf32, #tpu.memory_space<hbm>>
    %dma_start3A_117 = arith.constant 0 : i32
    %dma_start3A_118 = arith.constant 0 : i32
    %dma_start3A_119 = tpu.memref_slice %arg7[%dma_start3A_110, %dma_start3A_117, %dma_start3A_118] : memref<6x40x128xf32, #tpu.memory_space<vmem>> -> memref<1x40x128xf32, #tpu.memory_space<vmem>>
    %dma_start3A_120 = tpu.memref_squeeze %dma_start3A_119 : memref<1x40x128xf32, #tpu.memory_space<vmem>> -> memref<40x128xf32, #tpu.memory_space<vmem>>
    %dma_start3A_121 = arith.constant 0 : i32
    %dma_start3A_122 = tpu.memref_slice %arg2[%add3A_109, %dma_start3A_121] : memref<320000x128xf32, #tpu.memory_space<hbm>> -> memref<40x128xf32, #tpu.memory_space<hbm>>
    tpu.enqueue_dma source(%dma_start3A_122 : memref<40x128xf32, #tpu.memory_space<hbm>>) target(%dma_start3A_120 : memref<40x128xf32, #tpu.memory_space<vmem>>) target_semaphore(%arg9 : memref<!tpu.dma_semaphore, #tpu.memory_space<semaphore_mem>>)
    %add3A_123 = arith.constant 40 : i32
    %add3A_124 = arith.addi %add3A_107, %add3A_123 : i32
    %dma_start3A_125 = arith.constant 1 : i32
    %dma_start3A_126 = arith.constant 0 : i32
    %dma_start3A_127 = arith.constant 0 : i32
    %dma_start3A_128 = tpu.memref_slice %arg7[%dma_start3A_125, %dma_start3A_126, %dma_start3A_127] : memref<6x40x128xf32, #tpu.memory_space<vmem>> -> memref<1x40x128xf32, #tpu.memory_space<vmem>>
    %dma_start3A_129 = tpu.memref_squeeze %dma_start3A_128 : memref<1x40x128xf32, #tpu.memory_space<vmem>> -> memref<40x128xf32, #tpu.memory_space<vmem>>
    %dma_start3A_130 = arith.constant 0 : i32
    %dma_start3A_131 = tpu.memref_slice %arg2[%add3A_124, %dma_start3A_130] : memref<320000x128xf32, #tpu.memory_space<hbm>> -> memref<40x128xf32, #tpu.memory_space<hbm>>
    %dma_start3A_132 = arith.constant 0 : i32
    %dma_start3A_133 = arith.constant 0 : i32
    %dma_start3A_134 = tpu.memref_slice %arg7[%dma_start3A_125, %dma_start3A_132, %dma_start3A_133] : memref<6x40x128xf32, #tpu.memory_space<vmem>> -> memref<1x40x128xf32, #tpu.memory_space<vmem>>
    %dma_start3A_135 = tpu.memref_squeeze %dma_start3A_134 : memref<1x40x128xf32, #tpu.memory_space<vmem>> -> memref<40x128xf32, #tpu.memory_space<vmem>>
    %dma_start3A_136 = arith.constant 0 : i32
    %dma_start3A_137 = tpu.memref_slice %arg2[%add3A_124, %dma_start3A_136] : memref<320000x128xf32, #tpu.memory_space<hbm>> -> memref<40x128xf32, #tpu.memory_space<hbm>>
    tpu.enqueue_dma source(%dma_start3A_137 : memref<40x128xf32, #tpu.memory_space<hbm>>) target(%dma_start3A_135 : memref<40x128xf32, #tpu.memory_space<vmem>>) target_semaphore(%arg9 : memref<!tpu.dma_semaphore, #tpu.memory_space<semaphore_mem>>)
    %scan3A_138 = arith.constant 0 : i32
    %scan3A_139 = arith.constant 0 : i32
    %scan3A_140 = arith.constant 125 : i32
    %scan3A_141 = arith.addi %scan3A_139, %scan3A_140 : i32
    %scan3A_142 = arith.constant 1 : i32
    %scan3A_143 = scf.for %scan3A_210 = %scan3A_139 to %scan3A_141 step %scan3A_142 iter_args(%scan3A_211 = %scan3A_138) -> (i32)  : i32 {
      %ge3A = arith.constant 4 : i32
      %ge3A_212 = arith.cmpi sge, %scan3A_210, %ge3A : i32
      %convert_element_type3A = arith.extui %ge3A_212 : i1 to i32
      %cond3A = arith.constant 0 : i32
      %cond3A_213 = arith.cmpi ne, %convert_element_type3A, %cond3A : i32
      scf.if %cond3A_213 {
        %dma_wait3A_247 = arith.constant 0 : i32
        %dma_wait3A_248 = arith.constant 0 : i32
        %dma_wait3A_249 = arith.constant 0 : i32
        %dma_wait3A_250 = tpu.memref_slice %arg7[%dma_wait3A_247, %dma_wait3A_248, %dma_wait3A_249] : memref<6x40x128xf32, #tpu.memory_space<vmem>> -> memref<1x40x128xf32, #tpu.memory_space<vmem>>
        %dma_wait3A_251 = tpu.memref_squeeze %dma_wait3A_250 : memref<1x40x128xf32, #tpu.memory_space<vmem>> -> memref<40x128xf32, #tpu.memory_space<vmem>>
        %dma_wait3A_252 = arith.constant 0 : i32
        %dma_wait3A_253 = arith.constant 0 : i32
        %dma_wait3A_254 = tpu.memref_slice %arg2[%dma_wait3A_252, %dma_wait3A_253] : memref<320000x128xf32, #tpu.memory_space<hbm>> -> memref<40x128xf32, #tpu.memory_space<hbm>>
        %dma_wait3A_255 = arith.constant 0 : i32
        %dma_wait3A_256 = arith.constant 0 : i32
        %dma_wait3A_257 = tpu.memref_slice %arg7[%dma_wait3A_247, %dma_wait3A_255, %dma_wait3A_256] : memref<6x40x128xf32, #tpu.memory_space<vmem>> -> memref<1x40x128xf32, #tpu.memory_space<vmem>>
        %dma_wait3A_258 = tpu.memref_squeeze %dma_wait3A_257 : memref<1x40x128xf32, #tpu.memory_space<vmem>> -> memref<40x128xf32, #tpu.memory_space<vmem>>
        %dma_wait3A_259 = arith.constant 0 : i32
        %dma_wait3A_260 = arith.constant 0 : i32
        %dma_wait3A_261 = tpu.memref_slice %arg2[%dma_wait3A_259, %dma_wait3A_260] : memref<320000x128xf32, #tpu.memory_space<hbm>> -> memref<40x128xf32, #tpu.memory_space<hbm>>
        tpu.wait_dma2 semaphore(%arg10 : memref<!tpu.dma_semaphore, #tpu.memory_space<semaphore_mem>>) src(%dma_wait3A_261 : memref<40x128xf32, #tpu.memory_space<hbm>>) dst(%dma_wait3A_258 : memref<40x128xf32, #tpu.memory_space<vmem>>)
      } else {
      }
      %add3A_214 = arith.constant 2 : i32
      %add3A_215 = arith.addi %scan3A_210, %add3A_214 : i32
      %lt3A = arith.constant 125 : i32
      %lt3A_216 = arith.cmpi slt, %add3A_215, %lt3A : i32
      %convert_element_type3A_217 = arith.extui %lt3A_216 : i1 to i32
      %cond3A_218 = arith.constant 0 : i32
      %cond3A_219 = arith.cmpi ne, %convert_element_type3A_217, %cond3A_218 : i32
      scf.if %cond3A_219 {
        %add3A_247 = arith.constant 2 : i32
        %add3A_248 = arith.addi %scan3A_210, %add3A_247 : i32
        %add3A_249 = arith.constant 2 : i32
        %add3A_250 = arith.addi %scan3A_210, %add3A_249 : i32
        %rem3A_251 = arith.constant 6 : i32
        %rem3A_252 = arith.remsi %add3A_250, %rem3A_251 : i32
        %mul3A_253 = arith.constant 40 : i32
        %mul3A_254 = arith.muli %add3A_248, %mul3A_253 : i32
        %add3A_255 = arith.addi %add3A_107, %mul3A_254 : i32
        %dma_start3A_256 = arith.constant 0 : i32
        %dma_start3A_257 = arith.constant 0 : i32
        %dma_start3A_258 = tpu.memref_slice %arg7[%rem3A_252, %dma_start3A_256, %dma_start3A_257] : memref<6x40x128xf32, #tpu.memory_space<vmem>> -> memref<1x40x128xf32, #tpu.memory_space<vmem>>
        %dma_start3A_259 = tpu.memref_squeeze %dma_start3A_258 : memref<1x40x128xf32, #tpu.memory_space<vmem>> -> memref<40x128xf32, #tpu.memory_space<vmem>>
        %dma_start3A_260 = arith.constant 0 : i32
        %dma_start3A_261 = tpu.memref_slice %arg2[%add3A_255, %dma_start3A_260] : memref<320000x128xf32, #tpu.memory_space<hbm>> -> memref<40x128xf32, #tpu.memory_space<hbm>>
        %dma_start3A_262 = arith.constant 0 : i32
        %dma_start3A_263 = arith.constant 0 : i32
        %dma_start3A_264 = tpu.memref_slice %arg7[%rem3A_252, %dma_start3A_262, %dma_start3A_263] : memref<6x40x128xf32, #tpu.memory_space<vmem>> -> memref<1x40x128xf32, #tpu.memory_space<vmem>>
        %dma_start3A_265 = tpu.memref_squeeze %dma_start3A_264 : memref<1x40x128xf32, #tpu.memory_space<vmem>> -> memref<40x128xf32, #tpu.memory_space<vmem>>
        %dma_start3A_266 = arith.constant 0 : i32
        %dma_start3A_267 = tpu.memref_slice %arg2[%add3A_255, %dma_start3A_266] : memref<320000x128xf32, #tpu.memory_space<hbm>> -> memref<40x128xf32, #tpu.memory_space<hbm>>
        tpu.enqueue_dma source(%dma_start3A_267 : memref<40x128xf32, #tpu.memory_space<hbm>>) target(%dma_start3A_265 : memref<40x128xf32, #tpu.memory_space<vmem>>) target_semaphore(%arg9 : memref<!tpu.dma_semaphore, #tpu.memory_space<semaphore_mem>>)
      } else {
      }
      %dma_wait3A_220 = arith.constant 0 : i32
      %dma_wait3A_221 = arith.constant 0 : i32
      %dma_wait3A_222 = arith.constant 0 : i32
      %dma_wait3A_223 = tpu.memref_slice %arg7[%dma_wait3A_220, %dma_wait3A_221, %dma_wait3A_222] : memref<6x40x128xf32, #tpu.memory_space<vmem>> -> memref<1x40x128xf32, #tpu.memory_space<vmem>>
      %dma_wait3A_224 = tpu.memref_squeeze %dma_wait3A_223 : memref<1x40x128xf32, #tpu.memory_space<vmem>> -> memref<40x128xf32, #tpu.memory_space<vmem>>
      %dma_wait3A_225 = arith.constant 0 : i32
      %dma_wait3A_226 = arith.constant 0 : i32
      %dma_wait3A_227 = tpu.memref_slice %arg2[%dma_wait3A_225, %dma_wait3A_226] : memref<320000x128xf32, #tpu.memory_space<hbm>> -> memref<40x128xf32, #tpu.memory_space<hbm>>
      %dma_wait3A_228 = arith.constant 0 : i32
      %dma_wait3A_229 = arith.constant 0 : i32
      %dma_wait3A_230 = tpu.memref_slice %arg7[%dma_wait3A_220, %dma_wait3A_228, %dma_wait3A_229] : memref<6x40x128xf32, #tpu.memory_space<vmem>> -> memref<1x40x128xf32, #tpu.memory_space<vmem>>
      %dma_wait3A_231 = tpu.memref_squeeze %dma_wait3A_230 : memref<1x40x128xf32, #tpu.memory_space<vmem>> -> memref<40x128xf32, #tpu.memory_space<vmem>>
      %dma_wait3A_232 = arith.constant 0 : i32
      %dma_wait3A_233 = arith.constant 0 : i32
      %dma_wait3A_234 = tpu.memref_slice %arg2[%dma_wait3A_232, %dma_wait3A_233] : memref<320000x128xf32, #tpu.memory_space<hbm>> -> memref<40x128xf32, #tpu.memory_space<hbm>>
      tpu.wait_dma2 semaphore(%arg9 : memref<!tpu.dma_semaphore, #tpu.memory_space<semaphore_mem>>) src(%dma_wait3A_234 : memref<40x128xf32, #tpu.memory_space<hbm>>) dst(%dma_wait3A_231 : memref<40x128xf32, #tpu.memory_space<vmem>>)
      %rem3A = arith.constant 6 : i32
      %rem3A_235 = arith.remsi %scan3A_210, %rem3A : i32
      %dma_start3A_236 = arith.constant 0 : i32
      %dma_start3A_237 = arith.constant 0 : i32
      %dma_start3A_238 = tpu.memref_slice %arg7[%rem3A_235, %dma_start3A_236, %dma_start3A_237] : memref<6x40x128xf32, #tpu.memory_space<vmem>> -> memref<1x40x128xf32, #tpu.memory_space<vmem>>
      %dma_start3A_239 = tpu.memref_squeeze %dma_start3A_238 : memref<1x40x128xf32, #tpu.memory_space<vmem>> -> memref<40x128xf32, #tpu.memory_space<vmem>>
      %dma_start3A_240 = arith.constant 0 : i32
      %dma_start3A_241 = tpu.memref_slice %arg6[%scan3A_210, %dma_start3A_240] : memref<125x40xi32, #tpu.memory_space<vmem>> -> memref<1x40xi32, #tpu.memory_space<vmem>>
      %dma_start3A_242 = tpu.memref_squeeze %dma_start3A_241 : memref<1x40xi32, #tpu.memory_space<vmem>> -> memref<40xi32, #tpu.memory_space<vmem>>
      %dma_start3A_243 = arith.constant 0 : i32
      %dma_start3A_244 = arith.constant 0 : i32
      %dma_start3A_245 = tpu.memref_slice %arg8[%dma_start3A_243, %dma_start3A_244] : memref<10240x128xf32, #tpu.memory_space<vmem_shared>> -> memref<10240x128xf32, #tpu.memory_space<vmem_shared>>
      tpu.enqueue_indirect_dma source(%dma_start3A_239 : memref<40x128xf32, #tpu.memory_space<vmem>>) target(%dma_start3A_245 : memref<10240x128xf32, #tpu.memory_space<vmem_shared>>) offsets(%dma_start3A_242 : memref<40xi32, #tpu.memory_space<vmem>>) semaphore(%arg10 : memref<!tpu.dma_semaphore, #tpu.memory_space<semaphore_mem>>) {add = true}
      %scan3A_246 = arith.constant 0 : i32
      scf.yield %scan3A_246 : i32
    }
    %scan3A_144 = arith.constant 125 : i32
    %dma_wait3A_145 = arith.constant 0 : i32
    %dma_wait3A_146 = arith.constant 0 : i32
    %dma_wait3A_147 = arith.constant 0 : i32
    %dma_wait3A_148 = tpu.memref_slice %arg7[%dma_wait3A_145, %dma_wait3A_146, %dma_wait3A_147] : memref<6x40x128xf32, #tpu.memory_space<vmem>> -> memref<1x40x128xf32, #tpu.memory_space<vmem>>
    %dma_wait3A_149 = tpu.memref_squeeze %dma_wait3A_148 : memref<1x40x128xf32, #tpu.memory_space<vmem>> -> memref<40x128xf32, #tpu.memory_space<vmem>>
    %dma_wait3A_150 = arith.constant 0 : i32
    %dma_wait3A_151 = arith.constant 0 : i32
    %dma_wait3A_152 = tpu.memref_slice %arg2[%dma_wait3A_150, %dma_wait3A_151] : memref<320000x128xf32, #tpu.memory_space<hbm>> -> memref<40x128xf32, #tpu.memory_space<hbm>>
    %dma_wait3A_153 = arith.constant 0 : i32
    %dma_wait3A_154 = arith.constant 0 : i32
    %dma_wait3A_155 = tpu.memref_slice %arg7[%dma_wait3A_145, %dma_wait3A_153, %dma_wait3A_154] : memref<6x40x128xf32, #tpu.memory_space<vmem>> -> memref<1x40x128xf32, #tpu.memory_space<vmem>>
    %dma_wait3A_156 = tpu.memref_squeeze %dma_wait3A_155 : memref<1x40x128xf32, #tpu.memory_space<vmem>> -> memref<40x128xf32, #tpu.memory_space<vmem>>
    %dma_wait3A_157 = arith.constant 0 : i32
    %dma_wait3A_158 = arith.constant 0 : i32
    %dma_wait3A_159 = tpu.memref_slice %arg2[%dma_wait3A_157, %dma_wait3A_158] : memref<320000x128xf32, #tpu.memory_space<hbm>> -> memref<40x128xf32, #tpu.memory_space<hbm>>
    tpu.wait_dma2 semaphore(%arg10 : memref<!tpu.dma_semaphore, #tpu.memory_space<semaphore_mem>>) src(%dma_wait3A_159 : memref<40x128xf32, #tpu.memory_space<hbm>>) dst(%dma_wait3A_156 : memref<40x128xf32, #tpu.memory_space<vmem>>)
    %dma_wait3A_160 = arith.constant 0 : i32
    %dma_wait3A_161 = arith.constant 0 : i32
    %dma_wait3A_162 = arith.constant 0 : i32
    %dma_wait3A_163 = tpu.memref_slice %arg7[%dma_wait3A_160, %dma_wait3A_161, %dma_wait3A_162] : memref<6x40x128xf32, #tpu.memory_space<vmem>> -> memref<1x40x128xf32, #tpu.memory_space<vmem>>
    %dma_wait3A_164 = tpu.memref_squeeze %dma_wait3A_163 : memref<1x40x128xf32, #tpu.memory_space<vmem>> -> memref<40x128xf32, #tpu.memory_space<vmem>>
    %dma_wait3A_165 = arith.constant 0 : i32
    %dma_wait3A_166 = arith.constant 0 : i32
    %dma_wait3A_167 = tpu.memref_slice %arg2[%dma_wait3A_165, %dma_wait3A_166] : memref<320000x128xf32, #tpu.memory_space<hbm>> -> memref<40x128xf32, #tpu.memory_space<hbm>>
    %dma_wait3A_168 = arith.constant 0 : i32
    %dma_wait3A_169 = arith.constant 0 : i32
    %dma_wait3A_170 = tpu.memref_slice %arg7[%dma_wait3A_160, %dma_wait3A_168, %dma_wait3A_169] : memref<6x40x128xf32, #tpu.memory_space<vmem>> -> memref<1x40x128xf32, #tpu.memory_space<vmem>>
    %dma_wait3A_171 = tpu.memref_squeeze %dma_wait3A_170 : memref<1x40x128xf32, #tpu.memory_space<vmem>> -> memref<40x128xf32, #tpu.memory_space<vmem>>
    %dma_wait3A_172 = arith.constant 0 : i32
    %dma_wait3A_173 = arith.constant 0 : i32
    %dma_wait3A_174 = tpu.memref_slice %arg2[%dma_wait3A_172, %dma_wait3A_173] : memref<320000x128xf32, #tpu.memory_space<hbm>> -> memref<40x128xf32, #tpu.memory_space<hbm>>
    tpu.wait_dma2 semaphore(%arg10 : memref<!tpu.dma_semaphore, #tpu.memory_space<semaphore_mem>>) src(%dma_wait3A_174 : memref<40x128xf32, #tpu.memory_space<hbm>>) dst(%dma_wait3A_171 : memref<40x128xf32, #tpu.memory_space<vmem>>)
    %dma_wait3A_175 = arith.constant 0 : i32
    %dma_wait3A_176 = arith.constant 0 : i32
    %dma_wait3A_177 = arith.constant 0 : i32
    %dma_wait3A_178 = tpu.memref_slice %arg7[%dma_wait3A_175, %dma_wait3A_176, %dma_wait3A_177] : memref<6x40x128xf32, #tpu.memory_space<vmem>> -> memref<1x40x128xf32, #tpu.memory_space<vmem>>
    %dma_wait3A_179 = tpu.memref_squeeze %dma_wait3A_178 : memref<1x40x128xf32, #tpu.memory_space<vmem>> -> memref<40x128xf32, #tpu.memory_space<vmem>>
    %dma_wait3A_180 = arith.constant 0 : i32
    %dma_wait3A_181 = arith.constant 0 : i32
    %dma_wait3A_182 = tpu.memref_slice %arg2[%dma_wait3A_180, %dma_wait3A_181] : memref<320000x128xf32, #tpu.memory_space<hbm>> -> memref<40x128xf32, #tpu.memory_space<hbm>>
    %dma_wait3A_183 = arith.constant 0 : i32
    %dma_wait3A_184 = arith.constant 0 : i32
    %dma_wait3A_185 = tpu.memref_slice %arg7[%dma_wait3A_175, %dma_wait3A_183, %dma_wait3A_184] : memref<6x40x128xf32, #tpu.memory_space<vmem>> -> memref<1x40x128xf32, #tpu.memory_space<vmem>>
    %dma_wait3A_186 = tpu.memref_squeeze %dma_wait3A_185 : memref<1x40x128xf32, #tpu.memory_space<vmem>> -> memref<40x128xf32, #tpu.memory_space<vmem>>
    %dma_wait3A_187 = arith.constant 0 : i32
    %dma_wait3A_188 = arith.constant 0 : i32
    %dma_wait3A_189 = tpu.memref_slice %arg2[%dma_wait3A_187, %dma_wait3A_188] : memref<320000x128xf32, #tpu.memory_space<hbm>> -> memref<40x128xf32, #tpu.memory_space<hbm>>
    tpu.wait_dma2 semaphore(%arg10 : memref<!tpu.dma_semaphore, #tpu.memory_space<semaphore_mem>>) src(%dma_wait3A_189 : memref<40x128xf32, #tpu.memory_space<hbm>>) dst(%dma_wait3A_186 : memref<40x128xf32, #tpu.memory_space<vmem>>)
    %dma_wait3A_190 = arith.constant 0 : i32
    %dma_wait3A_191 = arith.constant 0 : i32
    %dma_wait3A_192 = arith.constant 0 : i32
    %dma_wait3A_193 = tpu.memref_slice %arg7[%dma_wait3A_190, %dma_wait3A_191, %dma_wait3A_192] : memref<6x40x128xf32, #tpu.memory_space<vmem>> -> memref<1x40x128xf32, #tpu.memory_space<vmem>>
    %dma_wait3A_194 = tpu.memref_squeeze %dma_wait3A_193 : memref<1x40x128xf32, #tpu.memory_space<vmem>> -> memref<40x128xf32, #tpu.memory_space<vmem>>
    %dma_wait3A_195 = arith.constant 0 : i32
    %dma_wait3A_196 = arith.constant 0 : i32
    %dma_wait3A_197 = tpu.memref_slice %arg2[%dma_wait3A_195, %dma_wait3A_196] : memref<320000x128xf32, #tpu.memory_space<hbm>> -> memref<40x128xf32, #tpu.memory_space<hbm>>
    %dma_wait3A_198 = arith.constant 0 : i32
    %dma_wait3A_199 = arith.constant 0 : i32
    %dma_wait3A_200 = tpu.memref_slice %arg7[%dma_wait3A_190, %dma_wait3A_198, %dma_wait3A_199] : memref<6x40x128xf32, #tpu.memory_space<vmem>> -> memref<1x40x128xf32, #tpu.memory_space<vmem>>
    %dma_wait3A_201 = tpu.memref_squeeze %dma_wait3A_200 : memref<1x40x128xf32, #tpu.memory_space<vmem>> -> memref<40x128xf32, #tpu.memory_space<vmem>>
    %dma_wait3A_202 = arith.constant 0 : i32
    %dma_wait3A_203 = arith.constant 0 : i32
    %dma_wait3A_204 = tpu.memref_slice %arg2[%dma_wait3A_202, %dma_wait3A_203] : memref<320000x128xf32, #tpu.memory_space<hbm>> -> memref<40x128xf32, #tpu.memory_space<hbm>>
    tpu.wait_dma2 semaphore(%arg10 : memref<!tpu.dma_semaphore, #tpu.memory_space<semaphore_mem>>) src(%dma_wait3A_204 : memref<40x128xf32, #tpu.memory_space<hbm>>) dst(%dma_wait3A_201 : memref<40x128xf32, #tpu.memory_space<vmem>>)
    %barrier3A_205 = arith.constant 0 : index
    tpu.barrier barrier_id(%barrier3A_205)
    %mul3A_206 = arith.constant 640 : i32
    %mul3A_207 = arith.muli %arg1, %mul3A_206 : i32
    %mul3A_208 = arith.constant 640 : i32
    %mul3A_209 = arith.muli %arg1, %mul3A_208 : i32
    "tpu.region"() ({
      %run_scoped3A_210 = tpu.sem_alloc : memref<!tpu.dma_semaphore, #tpu.memory_space<semaphore_mem>>
      %dma_start3A_211 = arith.constant 0 : i32
      %dma_start3A_212 = tpu.memref_slice %arg5[%arg0, %mul3A_209, %dma_start3A_211] : memref<2x10240x128xf32, #tpu.memory_space<hbm>> -> memref<1x640x128xf32, #tpu.memory_space<hbm>>
      %dma_start3A_213 = tpu.memref_squeeze %dma_start3A_212 : memref<1x640x128xf32, #tpu.memory_space<hbm>> -> memref<640x128xf32, #tpu.memory_space<hbm>>
      %dma_start3A_214 = arith.constant 0 : i32
      %dma_start3A_215 = tpu.memref_slice %arg8[%mul3A_207, %dma_start3A_214] : memref<10240x128xf32, #tpu.memory_space<vmem_shared>> -> memref<640x128xf32, #tpu.memory_space<vmem_shared>>
      tpu.enqueue_dma source(%dma_start3A_215 : memref<640x128xf32, #tpu.memory_space<vmem_shared>>) target(%dma_start3A_213 : memref<640x128xf32, #tpu.memory_space<hbm>>) target_semaphore(%run_scoped3A_210 : memref<!tpu.dma_semaphore, #tpu.memory_space<semaphore_mem>>)
      %dma_wait3A_216 = arith.constant 0 : i32
      %dma_wait3A_217 = tpu.memref_slice %arg5[%arg0, %mul3A_209, %dma_wait3A_216] : memref<2x10240x128xf32, #tpu.memory_space<hbm>> -> memref<1x640x128xf32, #tpu.memory_space<hbm>>
      %dma_wait3A_218 = tpu.memref_squeeze %dma_wait3A_217 : memref<1x640x128xf32, #tpu.memory_space<hbm>> -> memref<640x128xf32, #tpu.memory_space<hbm>>
      %dma_wait3A_219 = arith.constant 0 : i32
      %dma_wait3A_220 = tpu.memref_slice %arg8[%mul3A_207, %dma_wait3A_219] : memref<10240x128xf32, #tpu.memory_space<vmem_shared>> -> memref<640x128xf32, #tpu.memory_space<vmem_shared>>
      tpu.wait_dma2 semaphore(%run_scoped3A_210 : memref<!tpu.dma_semaphore, #tpu.memory_space<semaphore_mem>>) src(%dma_wait3A_220 : memref<640x128xf32, #tpu.memory_space<vmem_shared>>) dst(%dma_wait3A_218 : memref<640x128xf32, #tpu.memory_space<hbm>>)
      tpu.yield
    }) : () -> ()
    return
  }
}

#map = affine_map<(d0, d1) -> (0, 0)>
#map1 = affine_map<(d0, d1) -> (0, 0, 0, 0)>
module attributes {stable_mosaic.version = 14 : i64} {
  func.func @_sc_gather(%arg0: i32, %arg1: i32, %arg2: memref<10000x128xf32, #tpu.memory_space<hbm>>, %arg3: memref<32x2x125x40xi32, #tpu.memory_space<hbm>>, %arg4: memref<320000x128xf32, #tpu.memory_space<hbm>>, %arg5: memref<125x40xi32, #tpu.memory_space<vmem>>, %arg6: memref<6x40x128xf32, #tpu.memory_space<vmem>>, %arg7: memref<10240x128xf32, #tpu.memory_space<vmem_shared>>, %arg8: memref<!tpu.dma_semaphore, #tpu.memory_space<semaphore_mem>>, %arg9: memref<!tpu.dma_semaphore, #tpu.memory_space<semaphore_mem>>) attributes {dimension_semantics = [#tpu.dimension_semantics<core_parallel>, #tpu.dimension_semantics<subcore_parallel>], iteration_bounds = array<i64: 2, 16>, scalar_prefetch = 0 : i64, scratch_operands = 5 : i64, tpu.core_type = #tpu.core_type<sc_vector_subcore>, window_params = [{transform_indices = #map}, {transform_indices = #map1}, {transform_indices = #map}]} {
    %mul3A = arith.constant 2 : i32
    %mul3A_0 = arith.muli %arg1, %mul3A : i32
    %add3A = arith.addi %mul3A_0, %arg0 : i32
    %mul3A_1 = arith.constant 640 : i32
    %mul3A_2 = arith.muli %arg1, %mul3A_1 : i32
    %mul3A_3 = arith.constant 640 : i32
    %mul3A_4 = arith.muli %arg1, %mul3A_3 : i32
    "tpu.region"() ({
      %run_scoped3A_200 = tpu.sem_alloc : memref<!tpu.dma_semaphore, #tpu.memory_space<semaphore_mem>>
      %dma_start3A_201 = arith.constant 0 : i32
      %dma_start3A_202 = tpu.memref_slice %arg7[%mul3A_4, %dma_start3A_201] : memref<10240x128xf32, #tpu.memory_space<vmem_shared>> -> memref<640x128xf32, #tpu.memory_space<vmem_shared>>
      %dma_start3A_203 = arith.constant 0 : i32
      %dma_start3A_204 = tpu.memref_slice %arg2[%mul3A_2, %dma_start3A_203] : memref<10000x128xf32, #tpu.memory_space<hbm>> -> memref<640x128xf32, #tpu.memory_space<hbm>>
      tpu.enqueue_dma source(%dma_start3A_204 : memref<640x128xf32, #tpu.memory_space<hbm>>) target(%dma_start3A_202 : memref<640x128xf32, #tpu.memory_space<vmem_shared>>) target_semaphore(%run_scoped3A_200 : memref<!tpu.dma_semaphore, #tpu.memory_space<semaphore_mem>>)
      %dma_wait3A_205 = arith.constant 0 : i32
      %dma_wait3A_206 = tpu.memref_slice %arg7[%mul3A_4, %dma_wait3A_205] : memref<10240x128xf32, #tpu.memory_space<vmem_shared>> -> memref<640x128xf32, #tpu.memory_space<vmem_shared>>
      %dma_wait3A_207 = arith.constant 0 : i32
      %dma_wait3A_208 = tpu.memref_slice %arg2[%mul3A_2, %dma_wait3A_207] : memref<10000x128xf32, #tpu.memory_space<hbm>> -> memref<640x128xf32, #tpu.memory_space<hbm>>
      tpu.wait_dma2 semaphore(%run_scoped3A_200 : memref<!tpu.dma_semaphore, #tpu.memory_space<semaphore_mem>>) src(%dma_wait3A_208 : memref<640x128xf32, #tpu.memory_space<hbm>>) dst(%dma_wait3A_206 : memref<640x128xf32, #tpu.memory_space<vmem_shared>>)
      tpu.yield
    }) : () -> ()
    %barrier3A = arith.constant 0 : index
    tpu.barrier barrier_id(%barrier3A)
    %run_scoped3A = arith.constant 0 : i32
    "tpu.region"() ({
      %run_scoped3A_200 = tpu.sem_alloc : memref<!tpu.dma_semaphore, #tpu.memory_space<semaphore_mem>>
      %dma_start3A_201 = arith.constant 0 : i32
      %dma_start3A_202 = arith.constant 0 : i32
      %dma_start3A_203 = tpu.memref_slice %arg3[%add3A, %run_scoped3A, %dma_start3A_201, %dma_start3A_202] : memref<32x2x125x40xi32, #tpu.memory_space<hbm>> -> memref<1x1x125x40xi32, #tpu.memory_space<hbm>>
      %dma_start3A_204 = tpu.memref_squeeze %dma_start3A_203 : memref<1x1x125x40xi32, #tpu.memory_space<hbm>> -> memref<125x40xi32, #tpu.memory_space<hbm>>
      %dma_start3A_205 = arith.constant 0 : i32
      %dma_start3A_206 = arith.constant 0 : i32
      %dma_start3A_207 = tpu.memref_slice %arg3[%add3A, %run_scoped3A, %dma_start3A_205, %dma_start3A_206] : memref<32x2x125x40xi32, #tpu.memory_space<hbm>> -> memref<1x1x125x40xi32, #tpu.memory_space<hbm>>
      %dma_start3A_208 = tpu.memref_squeeze %dma_start3A_207 : memref<1x1x125x40xi32, #tpu.memory_space<hbm>> -> memref<125x40xi32, #tpu.memory_space<hbm>>
      tpu.enqueue_dma source(%dma_start3A_208 : memref<125x40xi32, #tpu.memory_space<hbm>>) target(%arg5 : memref<125x40xi32, #tpu.memory_space<vmem>>) target_semaphore(%run_scoped3A_200 : memref<!tpu.dma_semaphore, #tpu.memory_space<semaphore_mem>>)
      %dma_wait3A_209 = arith.constant 0 : i32
      %dma_wait3A_210 = arith.constant 0 : i32
      %dma_wait3A_211 = tpu.memref_slice %arg3[%add3A, %run_scoped3A, %dma_wait3A_209, %dma_wait3A_210] : memref<32x2x125x40xi32, #tpu.memory_space<hbm>> -> memref<1x1x125x40xi32, #tpu.memory_space<hbm>>
      %dma_wait3A_212 = tpu.memref_squeeze %dma_wait3A_211 : memref<1x1x125x40xi32, #tpu.memory_space<hbm>> -> memref<125x40xi32, #tpu.memory_space<hbm>>
      %dma_wait3A_213 = arith.constant 0 : i32
      %dma_wait3A_214 = arith.constant 0 : i32
      %dma_wait3A_215 = tpu.memref_slice %arg3[%add3A, %run_scoped3A, %dma_wait3A_213, %dma_wait3A_214] : memref<32x2x125x40xi32, #tpu.memory_space<hbm>> -> memref<1x1x125x40xi32, #tpu.memory_space<hbm>>
      %dma_wait3A_216 = tpu.memref_squeeze %dma_wait3A_215 : memref<1x1x125x40xi32, #tpu.memory_space<hbm>> -> memref<125x40xi32, #tpu.memory_space<hbm>>
      tpu.wait_dma2 semaphore(%run_scoped3A_200 : memref<!tpu.dma_semaphore, #tpu.memory_space<semaphore_mem>>) src(%dma_wait3A_216 : memref<125x40xi32, #tpu.memory_space<hbm>>) dst(%arg5 : memref<125x40xi32, #tpu.memory_space<vmem>>)
      tpu.yield
    }) : () -> ()
    %mul3A_5 = arith.constant 10000 : i32
    %mul3A_6 = arith.muli %add3A, %mul3A_5 : i32
    %add3A_7 = arith.constant 0 : i32
    %add3A_8 = arith.addi %mul3A_6, %add3A_7 : i32
    %rem3A = arith.constant 0 : i32
    %rem3A_9 = arith.constant 6 : i32
    %rem3A_10 = arith.remsi %rem3A, %rem3A_9 : i32
    %dma_start3A = arith.constant 0 : i32
    %dma_start3A_11 = arith.constant 0 : i32
    %dma_start3A_12 = arith.constant 0 : i32
    %dma_start3A_13 = tpu.memref_slice %arg6[%rem3A_10, %dma_start3A_11, %dma_start3A_12] : memref<6x40x128xf32, #tpu.memory_space<vmem>> -> memref<1x40x128xf32, #tpu.memory_space<vmem>>
    %dma_start3A_14 = tpu.memref_squeeze %dma_start3A_13 : memref<1x40x128xf32, #tpu.memory_space<vmem>> -> memref<40x128xf32, #tpu.memory_space<vmem>>
    %dma_start3A_15 = arith.constant 0 : i32
    %dma_start3A_16 = tpu.memref_slice %arg5[%dma_start3A, %dma_start3A_15] : memref<125x40xi32, #tpu.memory_space<vmem>> -> memref<1x40xi32, #tpu.memory_space<vmem>>
    %dma_start3A_17 = tpu.memref_squeeze %dma_start3A_16 : memref<1x40xi32, #tpu.memory_space<vmem>> -> memref<40xi32, #tpu.memory_space<vmem>>
    %dma_start3A_18 = arith.constant 0 : i32
    %dma_start3A_19 = arith.constant 0 : i32
    %dma_start3A_20 = tpu.memref_slice %arg7[%dma_start3A_18, %dma_start3A_19] : memref<10240x128xf32, #tpu.memory_space<vmem_shared>> -> memref<10240x128xf32, #tpu.memory_space<vmem_shared>>
    tpu.enqueue_indirect_dma source(%dma_start3A_20 : memref<10240x128xf32, #tpu.memory_space<vmem_shared>>) target(%dma_start3A_14 : memref<40x128xf32, #tpu.memory_space<vmem>>) offsets(%dma_start3A_17 : memref<40xi32, #tpu.memory_space<vmem>>) semaphore(%arg8 : memref<!tpu.dma_semaphore, #tpu.memory_space<semaphore_mem>>)
    %rem3A_21 = arith.constant 1 : i32
    %rem3A_22 = arith.constant 6 : i32
    %rem3A_23 = arith.remsi %rem3A_21, %rem3A_22 : i32
    %dma_start3A_24 = arith.constant 1 : i32
    %dma_start3A_25 = arith.constant 0 : i32
    %dma_start3A_26 = arith.constant 0 : i32
    %dma_start3A_27 = tpu.memref_slice %arg6[%rem3A_23, %dma_start3A_25, %dma_start3A_26] : memref<6x40x128xf32, #tpu.memory_space<vmem>> -> memref<1x40x128xf32, #tpu.memory_space<vmem>>
    %dma_start3A_28 = tpu.memref_squeeze %dma_start3A_27 : memref<1x40x128xf32, #tpu.memory_space<vmem>> -> memref<40x128xf32, #tpu.memory_space<vmem>>
    %dma_start3A_29 = arith.constant 0 : i32
    %dma_start3A_30 = tpu.memref_slice %arg5[%dma_start3A_24, %dma_start3A_29] : memref<125x40xi32, #tpu.memory_space<vmem>> -> memref<1x40xi32, #tpu.memory_space<vmem>>
    %dma_start3A_31 = tpu.memref_squeeze %dma_start3A_30 : memref<1x40xi32, #tpu.memory_space<vmem>> -> memref<40xi32, #tpu.memory_space<vmem>>
    %dma_start3A_32 = arith.constant 0 : i32
    %dma_start3A_33 = arith.constant 0 : i32
    %dma_start3A_34 = tpu.memref_slice %arg7[%dma_start3A_32, %dma_start3A_33] : memref<10240x128xf32, #tpu.memory_space<vmem_shared>> -> memref<10240x128xf32, #tpu.memory_space<vmem_shared>>
    tpu.enqueue_indirect_dma source(%dma_start3A_34 : memref<10240x128xf32, #tpu.memory_space<vmem_shared>>) target(%dma_start3A_28 : memref<40x128xf32, #tpu.memory_space<vmem>>) offsets(%dma_start3A_31 : memref<40xi32, #tpu.memory_space<vmem>>) semaphore(%arg8 : memref<!tpu.dma_semaphore, #tpu.memory_space<semaphore_mem>>)
    %scan3A = arith.constant 0 : i32
    %scan3A_35 = arith.constant 0 : i32
    %scan3A_36 = arith.constant 125 : i32
    %scan3A_37 = arith.addi %scan3A_35, %scan3A_36 : i32
    %scan3A_38 = arith.constant 1 : i32
    %scan3A_39 = scf.for %scan3A_200 = %scan3A_35 to %scan3A_37 step %scan3A_38 iter_args(%scan3A_201 = %scan3A) -> (i32)  : i32 {
      %ge3A = arith.constant 4 : i32
      %ge3A_202 = arith.cmpi sge, %scan3A_200, %ge3A : i32
      %convert_element_type3A = arith.extui %ge3A_202 : i1 to i32
      %cond3A = arith.constant 0 : i32
      %cond3A_203 = arith.cmpi ne, %convert_element_type3A, %cond3A : i32
      scf.if %cond3A_203 {
        %dma_wait3A_243 = arith.constant 0 : i32
        %dma_wait3A_244 = arith.constant 0 : i32
        %dma_wait3A_245 = arith.constant 0 : i32
        %dma_wait3A_246 = tpu.memref_slice %arg6[%dma_wait3A_243, %dma_wait3A_244, %dma_wait3A_245] : memref<6x40x128xf32, #tpu.memory_space<vmem>> -> memref<1x40x128xf32, #tpu.memory_space<vmem>>
        %dma_wait3A_247 = tpu.memref_squeeze %dma_wait3A_246 : memref<1x40x128xf32, #tpu.memory_space<vmem>> -> memref<40x128xf32, #tpu.memory_space<vmem>>
        %dma_wait3A_248 = arith.constant 0 : i32
        %dma_wait3A_249 = arith.constant 0 : i32
        %dma_wait3A_250 = tpu.memref_slice %arg4[%dma_wait3A_248, %dma_wait3A_249] : memref<320000x128xf32, #tpu.memory_space<hbm>> -> memref<40x128xf32, #tpu.memory_space<hbm>>
        %dma_wait3A_251 = arith.constant 0 : i32
        %dma_wait3A_252 = arith.constant 0 : i32
        %dma_wait3A_253 = tpu.memref_slice %arg6[%dma_wait3A_243, %dma_wait3A_251, %dma_wait3A_252] : memref<6x40x128xf32, #tpu.memory_space<vmem>> -> memref<1x40x128xf32, #tpu.memory_space<vmem>>
        %dma_wait3A_254 = tpu.memref_squeeze %dma_wait3A_253 : memref<1x40x128xf32, #tpu.memory_space<vmem>> -> memref<40x128xf32, #tpu.memory_space<vmem>>
        %dma_wait3A_255 = arith.constant 0 : i32
        %dma_wait3A_256 = arith.constant 0 : i32
        %dma_wait3A_257 = tpu.memref_slice %arg4[%dma_wait3A_255, %dma_wait3A_256] : memref<320000x128xf32, #tpu.memory_space<hbm>> -> memref<40x128xf32, #tpu.memory_space<hbm>>
        tpu.wait_dma2 semaphore(%arg9 : memref<!tpu.dma_semaphore, #tpu.memory_space<semaphore_mem>>) src(%dma_wait3A_257 : memref<40x128xf32, #tpu.memory_space<hbm>>) dst(%dma_wait3A_254 : memref<40x128xf32, #tpu.memory_space<vmem>>)
      } else {
      }
      %add3A_204 = arith.constant 2 : i32
      %add3A_205 = arith.addi %scan3A_200, %add3A_204 : i32
      %lt3A = arith.constant 125 : i32
      %lt3A_206 = arith.cmpi slt, %add3A_205, %lt3A : i32
      %convert_element_type3A_207 = arith.extui %lt3A_206 : i1 to i32
      %cond3A_208 = arith.constant 0 : i32
      %cond3A_209 = arith.cmpi ne, %convert_element_type3A_207, %cond3A_208 : i32
      scf.if %cond3A_209 {
        %add3A_243 = arith.constant 2 : i32
        %add3A_244 = arith.addi %scan3A_200, %add3A_243 : i32
        %rem3A_245 = arith.constant 6 : i32
        %rem3A_246 = arith.remsi %add3A_244, %rem3A_245 : i32
        %dma_start3A_247 = arith.constant 0 : i32
        %dma_start3A_248 = arith.constant 0 : i32
        %dma_start3A_249 = tpu.memref_slice %arg6[%rem3A_246, %dma_start3A_247, %dma_start3A_248] : memref<6x40x128xf32, #tpu.memory_space<vmem>> -> memref<1x40x128xf32, #tpu.memory_space<vmem>>
        %dma_start3A_250 = tpu.memref_squeeze %dma_start3A_249 : memref<1x40x128xf32, #tpu.memory_space<vmem>> -> memref<40x128xf32, #tpu.memory_space<vmem>>
        %dma_start3A_251 = arith.constant 0 : i32
        %dma_start3A_252 = tpu.memref_slice %arg5[%add3A_244, %dma_start3A_251] : memref<125x40xi32, #tpu.memory_space<vmem>> -> memref<1x40xi32, #tpu.memory_space<vmem>>
        %dma_start3A_253 = tpu.memref_squeeze %dma_start3A_252 : memref<1x40xi32, #tpu.memory_space<vmem>> -> memref<40xi32, #tpu.memory_space<vmem>>
        %dma_start3A_254 = arith.constant 0 : i32
        %dma_start3A_255 = arith.constant 0 : i32
        %dma_start3A_256 = tpu.memref_slice %arg7[%dma_start3A_254, %dma_start3A_255] : memref<10240x128xf32, #tpu.memory_space<vmem_shared>> -> memref<10240x128xf32, #tpu.memory_space<vmem_shared>>
        tpu.enqueue_indirect_dma source(%dma_start3A_256 : memref<10240x128xf32, #tpu.memory_space<vmem_shared>>) target(%dma_start3A_250 : memref<40x128xf32, #tpu.memory_space<vmem>>) offsets(%dma_start3A_253 : memref<40xi32, #tpu.memory_space<vmem>>) semaphore(%arg8 : memref<!tpu.dma_semaphore, #tpu.memory_space<semaphore_mem>>)
      } else {
      }
      %dma_wait3A_210 = arith.constant 0 : i32
      %dma_wait3A_211 = arith.constant 0 : i32
      %dma_wait3A_212 = arith.constant 0 : i32
      %dma_wait3A_213 = tpu.memref_slice %arg6[%dma_wait3A_210, %dma_wait3A_211, %dma_wait3A_212] : memref<6x40x128xf32, #tpu.memory_space<vmem>> -> memref<1x40x128xf32, #tpu.memory_space<vmem>>
      %dma_wait3A_214 = tpu.memref_squeeze %dma_wait3A_213 : memref<1x40x128xf32, #tpu.memory_space<vmem>> -> memref<40x128xf32, #tpu.memory_space<vmem>>
      %dma_wait3A_215 = arith.constant 0 : i32
      %dma_wait3A_216 = arith.constant 0 : i32
      %dma_wait3A_217 = tpu.memref_slice %arg4[%dma_wait3A_215, %dma_wait3A_216] : memref<320000x128xf32, #tpu.memory_space<hbm>> -> memref<40x128xf32, #tpu.memory_space<hbm>>
      %dma_wait3A_218 = arith.constant 0 : i32
      %dma_wait3A_219 = arith.constant 0 : i32
      %dma_wait3A_220 = tpu.memref_slice %arg6[%dma_wait3A_210, %dma_wait3A_218, %dma_wait3A_219] : memref<6x40x128xf32, #tpu.memory_space<vmem>> -> memref<1x40x128xf32, #tpu.memory_space<vmem>>
      %dma_wait3A_221 = tpu.memref_squeeze %dma_wait3A_220 : memref<1x40x128xf32, #tpu.memory_space<vmem>> -> memref<40x128xf32, #tpu.memory_space<vmem>>
      %dma_wait3A_222 = arith.constant 0 : i32
      %dma_wait3A_223 = arith.constant 0 : i32
      %dma_wait3A_224 = tpu.memref_slice %arg4[%dma_wait3A_222, %dma_wait3A_223] : memref<320000x128xf32, #tpu.memory_space<hbm>> -> memref<40x128xf32, #tpu.memory_space<hbm>>
      tpu.wait_dma2 semaphore(%arg8 : memref<!tpu.dma_semaphore, #tpu.memory_space<semaphore_mem>>) src(%dma_wait3A_224 : memref<40x128xf32, #tpu.memory_space<hbm>>) dst(%dma_wait3A_221 : memref<40x128xf32, #tpu.memory_space<vmem>>)
      %rem3A_225 = arith.constant 6 : i32
      %rem3A_226 = arith.remsi %scan3A_200, %rem3A_225 : i32
      %mul3A_227 = arith.constant 40 : i32
      %mul3A_228 = arith.muli %scan3A_200, %mul3A_227 : i32
      %add3A_229 = arith.addi %add3A_8, %mul3A_228 : i32
      %dma_start3A_230 = arith.constant 0 : i32
      %dma_start3A_231 = arith.constant 0 : i32
      %dma_start3A_232 = tpu.memref_slice %arg6[%rem3A_226, %dma_start3A_230, %dma_start3A_231] : memref<6x40x128xf32, #tpu.memory_space<vmem>> -> memref<1x40x128xf32, #tpu.memory_space<vmem>>
      %dma_start3A_233 = tpu.memref_squeeze %dma_start3A_232 : memref<1x40x128xf32, #tpu.memory_space<vmem>> -> memref<40x128xf32, #tpu.memory_space<vmem>>
      %dma_start3A_234 = arith.constant 0 : i32
      %dma_start3A_235 = tpu.memref_slice %arg4[%add3A_229, %dma_start3A_234] : memref<320000x128xf32, #tpu.memory_space<hbm>> -> memref<40x128xf32, #tpu.memory_space<hbm>>
      %dma_start3A_236 = arith.constant 0 : i32
      %dma_start3A_237 = tpu.memref_slice %arg4[%add3A_229, %dma_start3A_236] : memref<320000x128xf32, #tpu.memory_space<hbm>> -> memref<40x128xf32, #tpu.memory_space<hbm>>
      %dma_start3A_238 = arith.constant 0 : i32
      %dma_start3A_239 = arith.constant 0 : i32
      %dma_start3A_240 = tpu.memref_slice %arg6[%rem3A_226, %dma_start3A_238, %dma_start3A_239] : memref<6x40x128xf32, #tpu.memory_space<vmem>> -> memref<1x40x128xf32, #tpu.memory_space<vmem>>
      %dma_start3A_241 = tpu.memref_squeeze %dma_start3A_240 : memref<1x40x128xf32, #tpu.memory_space<vmem>> -> memref<40x128xf32, #tpu.memory_space<vmem>>
      tpu.enqueue_dma source(%dma_start3A_241 : memref<40x128xf32, #tpu.memory_space<vmem>>) target(%dma_start3A_237 : memref<40x128xf32, #tpu.memory_space<hbm>>) target_semaphore(%arg9 : memref<!tpu.dma_semaphore, #tpu.memory_space<semaphore_mem>>)
      %scan3A_242 = arith.constant 0 : i32
      scf.yield %scan3A_242 : i32
    }
    %scan3A_40 = arith.constant 125 : i32
    %dma_wait3A = arith.constant 0 : i32
    %dma_wait3A_41 = arith.constant 0 : i32
    %dma_wait3A_42 = arith.constant 0 : i32
    %dma_wait3A_43 = tpu.memref_slice %arg6[%dma_wait3A, %dma_wait3A_41, %dma_wait3A_42] : memref<6x40x128xf32, #tpu.memory_space<vmem>> -> memref<1x40x128xf32, #tpu.memory_space<vmem>>
    %dma_wait3A_44 = tpu.memref_squeeze %dma_wait3A_43 : memref<1x40x128xf32, #tpu.memory_space<vmem>> -> memref<40x128xf32, #tpu.memory_space<vmem>>
    %dma_wait3A_45 = arith.constant 0 : i32
    %dma_wait3A_46 = arith.constant 0 : i32
    %dma_wait3A_47 = tpu.memref_slice %arg4[%dma_wait3A_45, %dma_wait3A_46] : memref<320000x128xf32, #tpu.memory_space<hbm>> -> memref<40x128xf32, #tpu.memory_space<hbm>>
    %dma_wait3A_48 = arith.constant 0 : i32
    %dma_wait3A_49 = arith.constant 0 : i32
    %dma_wait3A_50 = tpu.memref_slice %arg6[%dma_wait3A, %dma_wait3A_48, %dma_wait3A_49] : memref<6x40x128xf32, #tpu.memory_space<vmem>> -> memref<1x40x128xf32, #tpu.memory_space<vmem>>
    %dma_wait3A_51 = tpu.memref_squeeze %dma_wait3A_50 : memref<1x40x128xf32, #tpu.memory_space<vmem>> -> memref<40x128xf32, #tpu.memory_space<vmem>>
    %dma_wait3A_52 = arith.constant 0 : i32
    %dma_wait3A_53 = arith.constant 0 : i32
    %dma_wait3A_54 = tpu.memref_slice %arg4[%dma_wait3A_52, %dma_wait3A_53] : memref<320000x128xf32, #tpu.memory_space<hbm>> -> memref<40x128xf32, #tpu.memory_space<hbm>>
    tpu.wait_dma2 semaphore(%arg9 : memref<!tpu.dma_semaphore, #tpu.memory_space<semaphore_mem>>) src(%dma_wait3A_54 : memref<40x128xf32, #tpu.memory_space<hbm>>) dst(%dma_wait3A_51 : memref<40x128xf32, #tpu.memory_space<vmem>>)
    %dma_wait3A_55 = arith.constant 0 : i32
    %dma_wait3A_56 = arith.constant 0 : i32
    %dma_wait3A_57 = arith.constant 0 : i32
    %dma_wait3A_58 = tpu.memref_slice %arg6[%dma_wait3A_55, %dma_wait3A_56, %dma_wait3A_57] : memref<6x40x128xf32, #tpu.memory_space<vmem>> -> memref<1x40x128xf32, #tpu.memory_space<vmem>>
    %dma_wait3A_59 = tpu.memref_squeeze %dma_wait3A_58 : memref<1x40x128xf32, #tpu.memory_space<vmem>> -> memref<40x128xf32, #tpu.memory_space<vmem>>
    %dma_wait3A_60 = arith.constant 0 : i32
    %dma_wait3A_61 = arith.constant 0 : i32
    %dma_wait3A_62 = tpu.memref_slice %arg4[%dma_wait3A_60, %dma_wait3A_61] : memref<320000x128xf32, #tpu.memory_space<hbm>> -> memref<40x128xf32, #tpu.memory_space<hbm>>
    %dma_wait3A_63 = arith.constant 0 : i32
    %dma_wait3A_64 = arith.constant 0 : i32
    %dma_wait3A_65 = tpu.memref_slice %arg6[%dma_wait3A_55, %dma_wait3A_63, %dma_wait3A_64] : memref<6x40x128xf32, #tpu.memory_space<vmem>> -> memref<1x40x128xf32, #tpu.memory_space<vmem>>
    %dma_wait3A_66 = tpu.memref_squeeze %dma_wait3A_65 : memref<1x40x128xf32, #tpu.memory_space<vmem>> -> memref<40x128xf32, #tpu.memory_space<vmem>>
    %dma_wait3A_67 = arith.constant 0 : i32
    %dma_wait3A_68 = arith.constant 0 : i32
    %dma_wait3A_69 = tpu.memref_slice %arg4[%dma_wait3A_67, %dma_wait3A_68] : memref<320000x128xf32, #tpu.memory_space<hbm>> -> memref<40x128xf32, #tpu.memory_space<hbm>>
    tpu.wait_dma2 semaphore(%arg9 : memref<!tpu.dma_semaphore, #tpu.memory_space<semaphore_mem>>) src(%dma_wait3A_69 : memref<40x128xf32, #tpu.memory_space<hbm>>) dst(%dma_wait3A_66 : memref<40x128xf32, #tpu.memory_space<vmem>>)
    %dma_wait3A_70 = arith.constant 0 : i32
    %dma_wait3A_71 = arith.constant 0 : i32
    %dma_wait3A_72 = arith.constant 0 : i32
    %dma_wait3A_73 = tpu.memref_slice %arg6[%dma_wait3A_70, %dma_wait3A_71, %dma_wait3A_72] : memref<6x40x128xf32, #tpu.memory_space<vmem>> -> memref<1x40x128xf32, #tpu.memory_space<vmem>>
    %dma_wait3A_74 = tpu.memref_squeeze %dma_wait3A_73 : memref<1x40x128xf32, #tpu.memory_space<vmem>> -> memref<40x128xf32, #tpu.memory_space<vmem>>
    %dma_wait3A_75 = arith.constant 0 : i32
    %dma_wait3A_76 = arith.constant 0 : i32
    %dma_wait3A_77 = tpu.memref_slice %arg4[%dma_wait3A_75, %dma_wait3A_76] : memref<320000x128xf32, #tpu.memory_space<hbm>> -> memref<40x128xf32, #tpu.memory_space<hbm>>
    %dma_wait3A_78 = arith.constant 0 : i32
    %dma_wait3A_79 = arith.constant 0 : i32
    %dma_wait3A_80 = tpu.memref_slice %arg6[%dma_wait3A_70, %dma_wait3A_78, %dma_wait3A_79] : memref<6x40x128xf32, #tpu.memory_space<vmem>> -> memref<1x40x128xf32, #tpu.memory_space<vmem>>
    %dma_wait3A_81 = tpu.memref_squeeze %dma_wait3A_80 : memref<1x40x128xf32, #tpu.memory_space<vmem>> -> memref<40x128xf32, #tpu.memory_space<vmem>>
    %dma_wait3A_82 = arith.constant 0 : i32
    %dma_wait3A_83 = arith.constant 0 : i32
    %dma_wait3A_84 = tpu.memref_slice %arg4[%dma_wait3A_82, %dma_wait3A_83] : memref<320000x128xf32, #tpu.memory_space<hbm>> -> memref<40x128xf32, #tpu.memory_space<hbm>>
    tpu.wait_dma2 semaphore(%arg9 : memref<!tpu.dma_semaphore, #tpu.memory_space<semaphore_mem>>) src(%dma_wait3A_84 : memref<40x128xf32, #tpu.memory_space<hbm>>) dst(%dma_wait3A_81 : memref<40x128xf32, #tpu.memory_space<vmem>>)
    %dma_wait3A_85 = arith.constant 0 : i32
    %dma_wait3A_86 = arith.constant 0 : i32
    %dma_wait3A_87 = arith.constant 0 : i32
    %dma_wait3A_88 = tpu.memref_slice %arg6[%dma_wait3A_85, %dma_wait3A_86, %dma_wait3A_87] : memref<6x40x128xf32, #tpu.memory_space<vmem>> -> memref<1x40x128xf32, #tpu.memory_space<vmem>>
    %dma_wait3A_89 = tpu.memref_squeeze %dma_wait3A_88 : memref<1x40x128xf32, #tpu.memory_space<vmem>> -> memref<40x128xf32, #tpu.memory_space<vmem>>
    %dma_wait3A_90 = arith.constant 0 : i32
    %dma_wait3A_91 = arith.constant 0 : i32
    %dma_wait3A_92 = tpu.memref_slice %arg4[%dma_wait3A_90, %dma_wait3A_91] : memref<320000x128xf32, #tpu.memory_space<hbm>> -> memref<40x128xf32, #tpu.memory_space<hbm>>
    %dma_wait3A_93 = arith.constant 0 : i32
    %dma_wait3A_94 = arith.constant 0 : i32
    %dma_wait3A_95 = tpu.memref_slice %arg6[%dma_wait3A_85, %dma_wait3A_93, %dma_wait3A_94] : memref<6x40x128xf32, #tpu.memory_space<vmem>> -> memref<1x40x128xf32, #tpu.memory_space<vmem>>
    %dma_wait3A_96 = tpu.memref_squeeze %dma_wait3A_95 : memref<1x40x128xf32, #tpu.memory_space<vmem>> -> memref<40x128xf32, #tpu.memory_space<vmem>>
    %dma_wait3A_97 = arith.constant 0 : i32
    %dma_wait3A_98 = arith.constant 0 : i32
    %dma_wait3A_99 = tpu.memref_slice %arg4[%dma_wait3A_97, %dma_wait3A_98] : memref<320000x128xf32, #tpu.memory_space<hbm>> -> memref<40x128xf32, #tpu.memory_space<hbm>>
    tpu.wait_dma2 semaphore(%arg9 : memref<!tpu.dma_semaphore, #tpu.memory_space<semaphore_mem>>) src(%dma_wait3A_99 : memref<40x128xf32, #tpu.memory_space<hbm>>) dst(%dma_wait3A_96 : memref<40x128xf32, #tpu.memory_space<vmem>>)
    %run_scoped3A_100 = arith.constant 1 : i32
    "tpu.region"() ({
      %run_scoped3A_200 = tpu.sem_alloc : memref<!tpu.dma_semaphore, #tpu.memory_space<semaphore_mem>>
      %dma_start3A_201 = arith.constant 0 : i32
      %dma_start3A_202 = arith.constant 0 : i32
      %dma_start3A_203 = tpu.memref_slice %arg3[%add3A, %run_scoped3A_100, %dma_start3A_201, %dma_start3A_202] : memref<32x2x125x40xi32, #tpu.memory_space<hbm>> -> memref<1x1x125x40xi32, #tpu.memory_space<hbm>>
      %dma_start3A_204 = tpu.memref_squeeze %dma_start3A_203 : memref<1x1x125x40xi32, #tpu.memory_space<hbm>> -> memref<125x40xi32, #tpu.memory_space<hbm>>
      %dma_start3A_205 = arith.constant 0 : i32
      %dma_start3A_206 = arith.constant 0 : i32
      %dma_start3A_207 = tpu.memref_slice %arg3[%add3A, %run_scoped3A_100, %dma_start3A_205, %dma_start3A_206] : memref<32x2x125x40xi32, #tpu.memory_space<hbm>> -> memref<1x1x125x40xi32, #tpu.memory_space<hbm>>
      %dma_start3A_208 = tpu.memref_squeeze %dma_start3A_207 : memref<1x1x125x40xi32, #tpu.memory_space<hbm>> -> memref<125x40xi32, #tpu.memory_space<hbm>>
      tpu.enqueue_dma source(%dma_start3A_208 : memref<125x40xi32, #tpu.memory_space<hbm>>) target(%arg5 : memref<125x40xi32, #tpu.memory_space<vmem>>) target_semaphore(%run_scoped3A_200 : memref<!tpu.dma_semaphore, #tpu.memory_space<semaphore_mem>>)
      %dma_wait3A_209 = arith.constant 0 : i32
      %dma_wait3A_210 = arith.constant 0 : i32
      %dma_wait3A_211 = tpu.memref_slice %arg3[%add3A, %run_scoped3A_100, %dma_wait3A_209, %dma_wait3A_210] : memref<32x2x125x40xi32, #tpu.memory_space<hbm>> -> memref<1x1x125x40xi32, #tpu.memory_space<hbm>>
      %dma_wait3A_212 = tpu.memref_squeeze %dma_wait3A_211 : memref<1x1x125x40xi32, #tpu.memory_space<hbm>> -> memref<125x40xi32, #tpu.memory_space<hbm>>
      %dma_wait3A_213 = arith.constant 0 : i32
      %dma_wait3A_214 = arith.constant 0 : i32
      %dma_wait3A_215 = tpu.memref_slice %arg3[%add3A, %run_scoped3A_100, %dma_wait3A_213, %dma_wait3A_214] : memref<32x2x125x40xi32, #tpu.memory_space<hbm>> -> memref<1x1x125x40xi32, #tpu.memory_space<hbm>>
      %dma_wait3A_216 = tpu.memref_squeeze %dma_wait3A_215 : memref<1x1x125x40xi32, #tpu.memory_space<hbm>> -> memref<125x40xi32, #tpu.memory_space<hbm>>
      tpu.wait_dma2 semaphore(%run_scoped3A_200 : memref<!tpu.dma_semaphore, #tpu.memory_space<semaphore_mem>>) src(%dma_wait3A_216 : memref<125x40xi32, #tpu.memory_space<hbm>>) dst(%arg5 : memref<125x40xi32, #tpu.memory_space<vmem>>)
      tpu.yield
    }) : () -> ()
    %mul3A_101 = arith.constant 10000 : i32
    %mul3A_102 = arith.muli %add3A, %mul3A_101 : i32
    %add3A_103 = arith.constant 5000 : i32
    %add3A_104 = arith.addi %mul3A_102, %add3A_103 : i32
    %rem3A_105 = arith.constant 0 : i32
    %rem3A_106 = arith.constant 6 : i32
    %rem3A_107 = arith.remsi %rem3A_105, %rem3A_106 : i32
    %dma_start3A_108 = arith.constant 0 : i32
    %dma_start3A_109 = arith.constant 0 : i32
    %dma_start3A_110 = arith.constant 0 : i32
    %dma_start3A_111 = tpu.memref_slice %arg6[%rem3A_107, %dma_start3A_109, %dma_start3A_110] : memref<6x40x128xf32, #tpu.memory_space<vmem>> -> memref<1x40x128xf32, #tpu.memory_space<vmem>>
    %dma_start3A_112 = tpu.memref_squeeze %dma_start3A_111 : memref<1x40x128xf32, #tpu.memory_space<vmem>> -> memref<40x128xf32, #tpu.memory_space<vmem>>
    %dma_start3A_113 = arith.constant 0 : i32
    %dma_start3A_114 = tpu.memref_slice %arg5[%dma_start3A_108, %dma_start3A_113] : memref<125x40xi32, #tpu.memory_space<vmem>> -> memref<1x40xi32, #tpu.memory_space<vmem>>
    %dma_start3A_115 = tpu.memref_squeeze %dma_start3A_114 : memref<1x40xi32, #tpu.memory_space<vmem>> -> memref<40xi32, #tpu.memory_space<vmem>>
    %dma_start3A_116 = arith.constant 0 : i32
    %dma_start3A_117 = arith.constant 0 : i32
    %dma_start3A_118 = tpu.memref_slice %arg7[%dma_start3A_116, %dma_start3A_117] : memref<10240x128xf32, #tpu.memory_space<vmem_shared>> -> memref<10240x128xf32, #tpu.memory_space<vmem_shared>>
    tpu.enqueue_indirect_dma source(%dma_start3A_118 : memref<10240x128xf32, #tpu.memory_space<vmem_shared>>) target(%dma_start3A_112 : memref<40x128xf32, #tpu.memory_space<vmem>>) offsets(%dma_start3A_115 : memref<40xi32, #tpu.memory_space<vmem>>) semaphore(%arg8 : memref<!tpu.dma_semaphore, #tpu.memory_space<semaphore_mem>>)
    %rem3A_119 = arith.constant 1 : i32
    %rem3A_120 = arith.constant 6 : i32
    %rem3A_121 = arith.remsi %rem3A_119, %rem3A_120 : i32
    %dma_start3A_122 = arith.constant 1 : i32
    %dma_start3A_123 = arith.constant 0 : i32
    %dma_start3A_124 = arith.constant 0 : i32
    %dma_start3A_125 = tpu.memref_slice %arg6[%rem3A_121, %dma_start3A_123, %dma_start3A_124] : memref<6x40x128xf32, #tpu.memory_space<vmem>> -> memref<1x40x128xf32, #tpu.memory_space<vmem>>
    %dma_start3A_126 = tpu.memref_squeeze %dma_start3A_125 : memref<1x40x128xf32, #tpu.memory_space<vmem>> -> memref<40x128xf32, #tpu.memory_space<vmem>>
    %dma_start3A_127 = arith.constant 0 : i32
    %dma_start3A_128 = tpu.memref_slice %arg5[%dma_start3A_122, %dma_start3A_127] : memref<125x40xi32, #tpu.memory_space<vmem>> -> memref<1x40xi32, #tpu.memory_space<vmem>>
    %dma_start3A_129 = tpu.memref_squeeze %dma_start3A_128 : memref<1x40xi32, #tpu.memory_space<vmem>> -> memref<40xi32, #tpu.memory_space<vmem>>
    %dma_start3A_130 = arith.constant 0 : i32
    %dma_start3A_131 = arith.constant 0 : i32
    %dma_start3A_132 = tpu.memref_slice %arg7[%dma_start3A_130, %dma_start3A_131] : memref<10240x128xf32, #tpu.memory_space<vmem_shared>> -> memref<10240x128xf32, #tpu.memory_space<vmem_shared>>
    tpu.enqueue_indirect_dma source(%dma_start3A_132 : memref<10240x128xf32, #tpu.memory_space<vmem_shared>>) target(%dma_start3A_126 : memref<40x128xf32, #tpu.memory_space<vmem>>) offsets(%dma_start3A_129 : memref<40xi32, #tpu.memory_space<vmem>>) semaphore(%arg8 : memref<!tpu.dma_semaphore, #tpu.memory_space<semaphore_mem>>)
    %scan3A_133 = arith.constant 0 : i32
    %scan3A_134 = arith.constant 0 : i32
    %scan3A_135 = arith.constant 125 : i32
    %scan3A_136 = arith.addi %scan3A_134, %scan3A_135 : i32
    %scan3A_137 = arith.constant 1 : i32
    %scan3A_138 = scf.for %scan3A_200 = %scan3A_134 to %scan3A_136 step %scan3A_137 iter_args(%scan3A_201 = %scan3A_133) -> (i32)  : i32 {
      %ge3A = arith.constant 4 : i32
      %ge3A_202 = arith.cmpi sge, %scan3A_200, %ge3A : i32
      %convert_element_type3A = arith.extui %ge3A_202 : i1 to i32
      %cond3A = arith.constant 0 : i32
      %cond3A_203 = arith.cmpi ne, %convert_element_type3A, %cond3A : i32
      scf.if %cond3A_203 {
        %dma_wait3A_243 = arith.constant 0 : i32
        %dma_wait3A_244 = arith.constant 0 : i32
        %dma_wait3A_245 = arith.constant 0 : i32
        %dma_wait3A_246 = tpu.memref_slice %arg6[%dma_wait3A_243, %dma_wait3A_244, %dma_wait3A_245] : memref<6x40x128xf32, #tpu.memory_space<vmem>> -> memref<1x40x128xf32, #tpu.memory_space<vmem>>
        %dma_wait3A_247 = tpu.memref_squeeze %dma_wait3A_246 : memref<1x40x128xf32, #tpu.memory_space<vmem>> -> memref<40x128xf32, #tpu.memory_space<vmem>>
        %dma_wait3A_248 = arith.constant 0 : i32
        %dma_wait3A_249 = arith.constant 0 : i32
        %dma_wait3A_250 = tpu.memref_slice %arg4[%dma_wait3A_248, %dma_wait3A_249] : memref<320000x128xf32, #tpu.memory_space<hbm>> -> memref<40x128xf32, #tpu.memory_space<hbm>>
        %dma_wait3A_251 = arith.constant 0 : i32
        %dma_wait3A_252 = arith.constant 0 : i32
        %dma_wait3A_253 = tpu.memref_slice %arg6[%dma_wait3A_243, %dma_wait3A_251, %dma_wait3A_252] : memref<6x40x128xf32, #tpu.memory_space<vmem>> -> memref<1x40x128xf32, #tpu.memory_space<vmem>>
        %dma_wait3A_254 = tpu.memref_squeeze %dma_wait3A_253 : memref<1x40x128xf32, #tpu.memory_space<vmem>> -> memref<40x128xf32, #tpu.memory_space<vmem>>
        %dma_wait3A_255 = arith.constant 0 : i32
        %dma_wait3A_256 = arith.constant 0 : i32
        %dma_wait3A_257 = tpu.memref_slice %arg4[%dma_wait3A_255, %dma_wait3A_256] : memref<320000x128xf32, #tpu.memory_space<hbm>> -> memref<40x128xf32, #tpu.memory_space<hbm>>
        tpu.wait_dma2 semaphore(%arg9 : memref<!tpu.dma_semaphore, #tpu.memory_space<semaphore_mem>>) src(%dma_wait3A_257 : memref<40x128xf32, #tpu.memory_space<hbm>>) dst(%dma_wait3A_254 : memref<40x128xf32, #tpu.memory_space<vmem>>)
      } else {
      }
      %add3A_204 = arith.constant 2 : i32
      %add3A_205 = arith.addi %scan3A_200, %add3A_204 : i32
      %lt3A = arith.constant 125 : i32
      %lt3A_206 = arith.cmpi slt, %add3A_205, %lt3A : i32
      %convert_element_type3A_207 = arith.extui %lt3A_206 : i1 to i32
      %cond3A_208 = arith.constant 0 : i32
      %cond3A_209 = arith.cmpi ne, %convert_element_type3A_207, %cond3A_208 : i32
      scf.if %cond3A_209 {
        %add3A_243 = arith.constant 2 : i32
        %add3A_244 = arith.addi %scan3A_200, %add3A_243 : i32
        %rem3A_245 = arith.constant 6 : i32
        %rem3A_246 = arith.remsi %add3A_244, %rem3A_245 : i32
        %dma_start3A_247 = arith.constant 0 : i32
        %dma_start3A_248 = arith.constant 0 : i32
        %dma_start3A_249 = tpu.memref_slice %arg6[%rem3A_246, %dma_start3A_247, %dma_start3A_248] : memref<6x40x128xf32, #tpu.memory_space<vmem>> -> memref<1x40x128xf32, #tpu.memory_space<vmem>>
        %dma_start3A_250 = tpu.memref_squeeze %dma_start3A_249 : memref<1x40x128xf32, #tpu.memory_space<vmem>> -> memref<40x128xf32, #tpu.memory_space<vmem>>
        %dma_start3A_251 = arith.constant 0 : i32
        %dma_start3A_252 = tpu.memref_slice %arg5[%add3A_244, %dma_start3A_251] : memref<125x40xi32, #tpu.memory_space<vmem>> -> memref<1x40xi32, #tpu.memory_space<vmem>>
        %dma_start3A_253 = tpu.memref_squeeze %dma_start3A_252 : memref<1x40xi32, #tpu.memory_space<vmem>> -> memref<40xi32, #tpu.memory_space<vmem>>
        %dma_start3A_254 = arith.constant 0 : i32
        %dma_start3A_255 = arith.constant 0 : i32
        %dma_start3A_256 = tpu.memref_slice %arg7[%dma_start3A_254, %dma_start3A_255] : memref<10240x128xf32, #tpu.memory_space<vmem_shared>> -> memref<10240x128xf32, #tpu.memory_space<vmem_shared>>
        tpu.enqueue_indirect_dma source(%dma_start3A_256 : memref<10240x128xf32, #tpu.memory_space<vmem_shared>>) target(%dma_start3A_250 : memref<40x128xf32, #tpu.memory_space<vmem>>) offsets(%dma_start3A_253 : memref<40xi32, #tpu.memory_space<vmem>>) semaphore(%arg8 : memref<!tpu.dma_semaphore, #tpu.memory_space<semaphore_mem>>)
      } else {
      }
      %dma_wait3A_210 = arith.constant 0 : i32
      %dma_wait3A_211 = arith.constant 0 : i32
      %dma_wait3A_212 = arith.constant 0 : i32
      %dma_wait3A_213 = tpu.memref_slice %arg6[%dma_wait3A_210, %dma_wait3A_211, %dma_wait3A_212] : memref<6x40x128xf32, #tpu.memory_space<vmem>> -> memref<1x40x128xf32, #tpu.memory_space<vmem>>
      %dma_wait3A_214 = tpu.memref_squeeze %dma_wait3A_213 : memref<1x40x128xf32, #tpu.memory_space<vmem>> -> memref<40x128xf32, #tpu.memory_space<vmem>>
      %dma_wait3A_215 = arith.constant 0 : i32
      %dma_wait3A_216 = arith.constant 0 : i32
      %dma_wait3A_217 = tpu.memref_slice %arg4[%dma_wait3A_215, %dma_wait3A_216] : memref<320000x128xf32, #tpu.memory_space<hbm>> -> memref<40x128xf32, #tpu.memory_space<hbm>>
      %dma_wait3A_218 = arith.constant 0 : i32
      %dma_wait3A_219 = arith.constant 0 : i32
      %dma_wait3A_220 = tpu.memref_slice %arg6[%dma_wait3A_210, %dma_wait3A_218, %dma_wait3A_219] : memref<6x40x128xf32, #tpu.memory_space<vmem>> -> memref<1x40x128xf32, #tpu.memory_space<vmem>>
      %dma_wait3A_221 = tpu.memref_squeeze %dma_wait3A_220 : memref<1x40x128xf32, #tpu.memory_space<vmem>> -> memref<40x128xf32, #tpu.memory_space<vmem>>
      %dma_wait3A_222 = arith.constant 0 : i32
      %dma_wait3A_223 = arith.constant 0 : i32
      %dma_wait3A_224 = tpu.memref_slice %arg4[%dma_wait3A_222, %dma_wait3A_223] : memref<320000x128xf32, #tpu.memory_space<hbm>> -> memref<40x128xf32, #tpu.memory_space<hbm>>
      tpu.wait_dma2 semaphore(%arg8 : memref<!tpu.dma_semaphore, #tpu.memory_space<semaphore_mem>>) src(%dma_wait3A_224 : memref<40x128xf32, #tpu.memory_space<hbm>>) dst(%dma_wait3A_221 : memref<40x128xf32, #tpu.memory_space<vmem>>)
      %rem3A_225 = arith.constant 6 : i32
      %rem3A_226 = arith.remsi %scan3A_200, %rem3A_225 : i32
      %mul3A_227 = arith.constant 40 : i32
      %mul3A_228 = arith.muli %scan3A_200, %mul3A_227 : i32
      %add3A_229 = arith.addi %add3A_104, %mul3A_228 : i32
      %dma_start3A_230 = arith.constant 0 : i32
      %dma_start3A_231 = arith.constant 0 : i32
      %dma_start3A_232 = tpu.memref_slice %arg6[%rem3A_226, %dma_start3A_230, %dma_start3A_231] : memref<6x40x128xf32, #tpu.memory_space<vmem>> -> memref<1x40x128xf32, #tpu.memory_space<vmem>>
      %dma_start3A_233 = tpu.memref_squeeze %dma_start3A_232 : memref<1x40x128xf32, #tpu.memory_space<vmem>> -> memref<40x128xf32, #tpu.memory_space<vmem>>
      %dma_start3A_234 = arith.constant 0 : i32
      %dma_start3A_235 = tpu.memref_slice %arg4[%add3A_229, %dma_start3A_234] : memref<320000x128xf32, #tpu.memory_space<hbm>> -> memref<40x128xf32, #tpu.memory_space<hbm>>
      %dma_start3A_236 = arith.constant 0 : i32
      %dma_start3A_237 = tpu.memref_slice %arg4[%add3A_229, %dma_start3A_236] : memref<320000x128xf32, #tpu.memory_space<hbm>> -> memref<40x128xf32, #tpu.memory_space<hbm>>
      %dma_start3A_238 = arith.constant 0 : i32
      %dma_start3A_239 = arith.constant 0 : i32
      %dma_start3A_240 = tpu.memref_slice %arg6[%rem3A_226, %dma_start3A_238, %dma_start3A_239] : memref<6x40x128xf32, #tpu.memory_space<vmem>> -> memref<1x40x128xf32, #tpu.memory_space<vmem>>
      %dma_start3A_241 = tpu.memref_squeeze %dma_start3A_240 : memref<1x40x128xf32, #tpu.memory_space<vmem>> -> memref<40x128xf32, #tpu.memory_space<vmem>>
      tpu.enqueue_dma source(%dma_start3A_241 : memref<40x128xf32, #tpu.memory_space<vmem>>) target(%dma_start3A_237 : memref<40x128xf32, #tpu.memory_space<hbm>>) target_semaphore(%arg9 : memref<!tpu.dma_semaphore, #tpu.memory_space<semaphore_mem>>)
      %scan3A_242 = arith.constant 0 : i32
      scf.yield %scan3A_242 : i32
    }
    %scan3A_139 = arith.constant 125 : i32
    %dma_wait3A_140 = arith.constant 0 : i32
    %dma_wait3A_141 = arith.constant 0 : i32
    %dma_wait3A_142 = arith.constant 0 : i32
    %dma_wait3A_143 = tpu.memref_slice %arg6[%dma_wait3A_140, %dma_wait3A_141, %dma_wait3A_142] : memref<6x40x128xf32, #tpu.memory_space<vmem>> -> memref<1x40x128xf32, #tpu.memory_space<vmem>>
    %dma_wait3A_144 = tpu.memref_squeeze %dma_wait3A_143 : memref<1x40x128xf32, #tpu.memory_space<vmem>> -> memref<40x128xf32, #tpu.memory_space<vmem>>
    %dma_wait3A_145 = arith.constant 0 : i32
    %dma_wait3A_146 = arith.constant 0 : i32
    %dma_wait3A_147 = tpu.memref_slice %arg4[%dma_wait3A_145, %dma_wait3A_146] : memref<320000x128xf32, #tpu.memory_space<hbm>> -> memref<40x128xf32, #tpu.memory_space<hbm>>
    %dma_wait3A_148 = arith.constant 0 : i32
    %dma_wait3A_149 = arith.constant 0 : i32
    %dma_wait3A_150 = tpu.memref_slice %arg6[%dma_wait3A_140, %dma_wait3A_148, %dma_wait3A_149] : memref<6x40x128xf32, #tpu.memory_space<vmem>> -> memref<1x40x128xf32, #tpu.memory_space<vmem>>
    %dma_wait3A_151 = tpu.memref_squeeze %dma_wait3A_150 : memref<1x40x128xf32, #tpu.memory_space<vmem>> -> memref<40x128xf32, #tpu.memory_space<vmem>>
    %dma_wait3A_152 = arith.constant 0 : i32
    %dma_wait3A_153 = arith.constant 0 : i32
    %dma_wait3A_154 = tpu.memref_slice %arg4[%dma_wait3A_152, %dma_wait3A_153] : memref<320000x128xf32, #tpu.memory_space<hbm>> -> memref<40x128xf32, #tpu.memory_space<hbm>>
    tpu.wait_dma2 semaphore(%arg9 : memref<!tpu.dma_semaphore, #tpu.memory_space<semaphore_mem>>) src(%dma_wait3A_154 : memref<40x128xf32, #tpu.memory_space<hbm>>) dst(%dma_wait3A_151 : memref<40x128xf32, #tpu.memory_space<vmem>>)
    %dma_wait3A_155 = arith.constant 0 : i32
    %dma_wait3A_156 = arith.constant 0 : i32
    %dma_wait3A_157 = arith.constant 0 : i32
    %dma_wait3A_158 = tpu.memref_slice %arg6[%dma_wait3A_155, %dma_wait3A_156, %dma_wait3A_157] : memref<6x40x128xf32, #tpu.memory_space<vmem>> -> memref<1x40x128xf32, #tpu.memory_space<vmem>>
    %dma_wait3A_159 = tpu.memref_squeeze %dma_wait3A_158 : memref<1x40x128xf32, #tpu.memory_space<vmem>> -> memref<40x128xf32, #tpu.memory_space<vmem>>
    %dma_wait3A_160 = arith.constant 0 : i32
    %dma_wait3A_161 = arith.constant 0 : i32
    %dma_wait3A_162 = tpu.memref_slice %arg4[%dma_wait3A_160, %dma_wait3A_161] : memref<320000x128xf32, #tpu.memory_space<hbm>> -> memref<40x128xf32, #tpu.memory_space<hbm>>
    %dma_wait3A_163 = arith.constant 0 : i32
    %dma_wait3A_164 = arith.constant 0 : i32
    %dma_wait3A_165 = tpu.memref_slice %arg6[%dma_wait3A_155, %dma_wait3A_163, %dma_wait3A_164] : memref<6x40x128xf32, #tpu.memory_space<vmem>> -> memref<1x40x128xf32, #tpu.memory_space<vmem>>
    %dma_wait3A_166 = tpu.memref_squeeze %dma_wait3A_165 : memref<1x40x128xf32, #tpu.memory_space<vmem>> -> memref<40x128xf32, #tpu.memory_space<vmem>>
    %dma_wait3A_167 = arith.constant 0 : i32
    %dma_wait3A_168 = arith.constant 0 : i32
    %dma_wait3A_169 = tpu.memref_slice %arg4[%dma_wait3A_167, %dma_wait3A_168] : memref<320000x128xf32, #tpu.memory_space<hbm>> -> memref<40x128xf32, #tpu.memory_space<hbm>>
    tpu.wait_dma2 semaphore(%arg9 : memref<!tpu.dma_semaphore, #tpu.memory_space<semaphore_mem>>) src(%dma_wait3A_169 : memref<40x128xf32, #tpu.memory_space<hbm>>) dst(%dma_wait3A_166 : memref<40x128xf32, #tpu.memory_space<vmem>>)
    %dma_wait3A_170 = arith.constant 0 : i32
    %dma_wait3A_171 = arith.constant 0 : i32
    %dma_wait3A_172 = arith.constant 0 : i32
    %dma_wait3A_173 = tpu.memref_slice %arg6[%dma_wait3A_170, %dma_wait3A_171, %dma_wait3A_172] : memref<6x40x128xf32, #tpu.memory_space<vmem>> -> memref<1x40x128xf32, #tpu.memory_space<vmem>>
    %dma_wait3A_174 = tpu.memref_squeeze %dma_wait3A_173 : memref<1x40x128xf32, #tpu.memory_space<vmem>> -> memref<40x128xf32, #tpu.memory_space<vmem>>
    %dma_wait3A_175 = arith.constant 0 : i32
    %dma_wait3A_176 = arith.constant 0 : i32
    %dma_wait3A_177 = tpu.memref_slice %arg4[%dma_wait3A_175, %dma_wait3A_176] : memref<320000x128xf32, #tpu.memory_space<hbm>> -> memref<40x128xf32, #tpu.memory_space<hbm>>
    %dma_wait3A_178 = arith.constant 0 : i32
    %dma_wait3A_179 = arith.constant 0 : i32
    %dma_wait3A_180 = tpu.memref_slice %arg6[%dma_wait3A_170, %dma_wait3A_178, %dma_wait3A_179] : memref<6x40x128xf32, #tpu.memory_space<vmem>> -> memref<1x40x128xf32, #tpu.memory_space<vmem>>
    %dma_wait3A_181 = tpu.memref_squeeze %dma_wait3A_180 : memref<1x40x128xf32, #tpu.memory_space<vmem>> -> memref<40x128xf32, #tpu.memory_space<vmem>>
    %dma_wait3A_182 = arith.constant 0 : i32
    %dma_wait3A_183 = arith.constant 0 : i32
    %dma_wait3A_184 = tpu.memref_slice %arg4[%dma_wait3A_182, %dma_wait3A_183] : memref<320000x128xf32, #tpu.memory_space<hbm>> -> memref<40x128xf32, #tpu.memory_space<hbm>>
    tpu.wait_dma2 semaphore(%arg9 : memref<!tpu.dma_semaphore, #tpu.memory_space<semaphore_mem>>) src(%dma_wait3A_184 : memref<40x128xf32, #tpu.memory_space<hbm>>) dst(%dma_wait3A_181 : memref<40x128xf32, #tpu.memory_space<vmem>>)
    %dma_wait3A_185 = arith.constant 0 : i32
    %dma_wait3A_186 = arith.constant 0 : i32
    %dma_wait3A_187 = arith.constant 0 : i32
    %dma_wait3A_188 = tpu.memref_slice %arg6[%dma_wait3A_185, %dma_wait3A_186, %dma_wait3A_187] : memref<6x40x128xf32, #tpu.memory_space<vmem>> -> memref<1x40x128xf32, #tpu.memory_space<vmem>>
    %dma_wait3A_189 = tpu.memref_squeeze %dma_wait3A_188 : memref<1x40x128xf32, #tpu.memory_space<vmem>> -> memref<40x128xf32, #tpu.memory_space<vmem>>
    %dma_wait3A_190 = arith.constant 0 : i32
    %dma_wait3A_191 = arith.constant 0 : i32
    %dma_wait3A_192 = tpu.memref_slice %arg4[%dma_wait3A_190, %dma_wait3A_191] : memref<320000x128xf32, #tpu.memory_space<hbm>> -> memref<40x128xf32, #tpu.memory_space<hbm>>
    %dma_wait3A_193 = arith.constant 0 : i32
    %dma_wait3A_194 = arith.constant 0 : i32
    %dma_wait3A_195 = tpu.memref_slice %arg6[%dma_wait3A_185, %dma_wait3A_193, %dma_wait3A_194] : memref<6x40x128xf32, #tpu.memory_space<vmem>> -> memref<1x40x128xf32, #tpu.memory_space<vmem>>
    %dma_wait3A_196 = tpu.memref_squeeze %dma_wait3A_195 : memref<1x40x128xf32, #tpu.memory_space<vmem>> -> memref<40x128xf32, #tpu.memory_space<vmem>>
    %dma_wait3A_197 = arith.constant 0 : i32
    %dma_wait3A_198 = arith.constant 0 : i32
    %dma_wait3A_199 = tpu.memref_slice %arg4[%dma_wait3A_197, %dma_wait3A_198] : memref<320000x128xf32, #tpu.memory_space<hbm>> -> memref<40x128xf32, #tpu.memory_space<hbm>>
    tpu.wait_dma2 semaphore(%arg9 : memref<!tpu.dma_semaphore, #tpu.memory_space<semaphore_mem>>) src(%dma_wait3A_199 : memref<40x128xf32, #tpu.memory_space<hbm>>) dst(%dma_wait3A_196 : memref<40x128xf32, #tpu.memory_space<vmem>>)
    return
  }
}

#map = affine_map<(d0, d1) -> (0, 0)>
#map1 = affine_map<(d0, d1) -> (0, 0, 0, 0)>
#map2 = affine_map<(d0, d1) -> (0, 0, 0)>
module attributes {stable_mosaic.version = 14 : i64} {
  func.func @_sc_scatter(%arg0: i32, %arg1: i32, %arg2: memref<320000x128xf32, #tpu.memory_space<hbm>>, %arg3: memref<32x2x125x40xi32, #tpu.memory_space<hbm>>, %arg4: memref<10240x128xf32, #tpu.memory_space<hbm>>, %arg5: memref<2x10240x128xf32, #tpu.memory_space<hbm>>, %arg6: memref<125x40xi32, #tpu.memory_space<vmem>>, %arg7: memref<6x40x128xf32, #tpu.memory_space<vmem>>, %arg8: memref<10240x128xf32, #tpu.memory_space<vmem_shared>>, %arg9: memref<!tpu.dma_semaphore, #tpu.memory_space<semaphore_mem>>, %arg10: memref<!tpu.dma_semaphore, #tpu.memory_space<semaphore_mem>>) attributes {dimension_semantics = [#tpu.dimension_semantics<core_parallel>, #tpu.dimension_semantics<subcore_parallel>], iteration_bounds = array<i64: 2, 16>, scalar_prefetch = 0 : i64, scratch_operands = 5 : i64, tpu.core_type = #tpu.core_type<sc_vector_subcore>, window_params = [{transform_indices = #map}, {transform_indices = #map1}, {transform_indices = #map}, {transform_indices = #map2}]} {
    %mul3A = arith.constant 2 : i32
    %mul3A_0 = arith.muli %arg1, %mul3A : i32
    %add3A = arith.addi %mul3A_0, %arg0 : i32
    %mul3A_1 = arith.constant 640 : i32
    %mul3A_2 = arith.muli %arg1, %mul3A_1 : i32
    %mul3A_3 = arith.constant 640 : i32
    %mul3A_4 = arith.muli %arg1, %mul3A_3 : i32
    "tpu.region"() ({
      %run_scoped3A_210 = tpu.sem_alloc : memref<!tpu.dma_semaphore, #tpu.memory_space<semaphore_mem>>
      %dma_start3A_211 = arith.constant 0 : i32
      %dma_start3A_212 = tpu.memref_slice %arg8[%mul3A_4, %dma_start3A_211] : memref<10240x128xf32, #tpu.memory_space<vmem_shared>> -> memref<640x128xf32, #tpu.memory_space<vmem_shared>>
      %dma_start3A_213 = arith.constant 0 : i32
      %dma_start3A_214 = tpu.memref_slice %arg4[%mul3A_2, %dma_start3A_213] : memref<10240x128xf32, #tpu.memory_space<hbm>> -> memref<640x128xf32, #tpu.memory_space<hbm>>
      tpu.enqueue_dma source(%dma_start3A_214 : memref<640x128xf32, #tpu.memory_space<hbm>>) target(%dma_start3A_212 : memref<640x128xf32, #tpu.memory_space<vmem_shared>>) target_semaphore(%run_scoped3A_210 : memref<!tpu.dma_semaphore, #tpu.memory_space<semaphore_mem>>)
      %dma_wait3A_215 = arith.constant 0 : i32
      %dma_wait3A_216 = tpu.memref_slice %arg8[%mul3A_4, %dma_wait3A_215] : memref<10240x128xf32, #tpu.memory_space<vmem_shared>> -> memref<640x128xf32, #tpu.memory_space<vmem_shared>>
      %dma_wait3A_217 = arith.constant 0 : i32
      %dma_wait3A_218 = tpu.memref_slice %arg4[%mul3A_2, %dma_wait3A_217] : memref<10240x128xf32, #tpu.memory_space<hbm>> -> memref<640x128xf32, #tpu.memory_space<hbm>>
      tpu.wait_dma2 semaphore(%run_scoped3A_210 : memref<!tpu.dma_semaphore, #tpu.memory_space<semaphore_mem>>) src(%dma_wait3A_218 : memref<640x128xf32, #tpu.memory_space<hbm>>) dst(%dma_wait3A_216 : memref<640x128xf32, #tpu.memory_space<vmem_shared>>)
      tpu.yield
    }) : () -> ()
    %barrier3A = arith.constant 0 : index
    tpu.barrier barrier_id(%barrier3A)
    %run_scoped3A = arith.constant 0 : i32
    "tpu.region"() ({
      %run_scoped3A_210 = tpu.sem_alloc : memref<!tpu.dma_semaphore, #tpu.memory_space<semaphore_mem>>
      %dma_start3A_211 = arith.constant 0 : i32
      %dma_start3A_212 = arith.constant 0 : i32
      %dma_start3A_213 = tpu.memref_slice %arg3[%add3A, %run_scoped3A, %dma_start3A_211, %dma_start3A_212] : memref<32x2x125x40xi32, #tpu.memory_space<hbm>> -> memref<1x1x125x40xi32, #tpu.memory_space<hbm>>
      %dma_start3A_214 = tpu.memref_squeeze %dma_start3A_213 : memref<1x1x125x40xi32, #tpu.memory_space<hbm>> -> memref<125x40xi32, #tpu.memory_space<hbm>>
      %dma_start3A_215 = arith.constant 0 : i32
      %dma_start3A_216 = arith.constant 0 : i32
      %dma_start3A_217 = tpu.memref_slice %arg3[%add3A, %run_scoped3A, %dma_start3A_215, %dma_start3A_216] : memref<32x2x125x40xi32, #tpu.memory_space<hbm>> -> memref<1x1x125x40xi32, #tpu.memory_space<hbm>>
      %dma_start3A_218 = tpu.memref_squeeze %dma_start3A_217 : memref<1x1x125x40xi32, #tpu.memory_space<hbm>> -> memref<125x40xi32, #tpu.memory_space<hbm>>
      tpu.enqueue_dma source(%dma_start3A_218 : memref<125x40xi32, #tpu.memory_space<hbm>>) target(%arg6 : memref<125x40xi32, #tpu.memory_space<vmem>>) target_semaphore(%run_scoped3A_210 : memref<!tpu.dma_semaphore, #tpu.memory_space<semaphore_mem>>)
      %dma_wait3A_219 = arith.constant 0 : i32
      %dma_wait3A_220 = arith.constant 0 : i32
      %dma_wait3A_221 = tpu.memref_slice %arg3[%add3A, %run_scoped3A, %dma_wait3A_219, %dma_wait3A_220] : memref<32x2x125x40xi32, #tpu.memory_space<hbm>> -> memref<1x1x125x40xi32, #tpu.memory_space<hbm>>
      %dma_wait3A_222 = tpu.memref_squeeze %dma_wait3A_221 : memref<1x1x125x40xi32, #tpu.memory_space<hbm>> -> memref<125x40xi32, #tpu.memory_space<hbm>>
      %dma_wait3A_223 = arith.constant 0 : i32
      %dma_wait3A_224 = arith.constant 0 : i32
      %dma_wait3A_225 = tpu.memref_slice %arg3[%add3A, %run_scoped3A, %dma_wait3A_223, %dma_wait3A_224] : memref<32x2x125x40xi32, #tpu.memory_space<hbm>> -> memref<1x1x125x40xi32, #tpu.memory_space<hbm>>
      %dma_wait3A_226 = tpu.memref_squeeze %dma_wait3A_225 : memref<1x1x125x40xi32, #tpu.memory_space<hbm>> -> memref<125x40xi32, #tpu.memory_space<hbm>>
      tpu.wait_dma2 semaphore(%run_scoped3A_210 : memref<!tpu.dma_semaphore, #tpu.memory_space<semaphore_mem>>) src(%dma_wait3A_226 : memref<125x40xi32, #tpu.memory_space<hbm>>) dst(%arg6 : memref<125x40xi32, #tpu.memory_space<vmem>>)
      tpu.yield
    }) : () -> ()
    %mul3A_5 = arith.constant 10000 : i32
    %mul3A_6 = arith.muli %add3A, %mul3A_5 : i32
    %add3A_7 = arith.constant 0 : i32
    %add3A_8 = arith.addi %mul3A_6, %add3A_7 : i32
    %add3A_9 = arith.constant 0 : i32
    %add3A_10 = arith.addi %add3A_8, %add3A_9 : i32
    %dma_start3A = arith.constant 0 : i32
    %dma_start3A_11 = arith.constant 0 : i32
    %dma_start3A_12 = arith.constant 0 : i32
    %dma_start3A_13 = tpu.memref_slice %arg7[%dma_start3A, %dma_start3A_11, %dma_start3A_12] : memref<6x40x128xf32, #tpu.memory_space<vmem>> -> memref<1x40x128xf32, #tpu.memory_space<vmem>>
    %dma_start3A_14 = tpu.memref_squeeze %dma_start3A_13 : memref<1x40x128xf32, #tpu.memory_space<vmem>> -> memref<40x128xf32, #tpu.memory_space<vmem>>
    %dma_start3A_15 = arith.constant 0 : i32
    %dma_start3A_16 = tpu.memref_slice %arg2[%add3A_10, %dma_start3A_15] : memref<320000x128xf32, #tpu.memory_space<hbm>> -> memref<40x128xf32, #tpu.memory_space<hbm>>
    %dma_start3A_17 = arith.constant 0 : i32
    %dma_start3A_18 = arith.constant 0 : i32
    %dma_start3A_19 = tpu.memref_slice %arg7[%dma_start3A, %dma_start3A_17, %dma_start3A_18] : memref<6x40x128xf32, #tpu.memory_space<vmem>> -> memref<1x40x128xf32, #tpu.memory_space<vmem>>
    %dma_start3A_20 = tpu.memref_squeeze %dma_start3A_19 : memref<1x40x128xf32, #tpu.memory_space<vmem>> -> memref<40x128xf32, #tpu.memory_space<vmem>>
    %dma_start3A_21 = arith.constant 0 : i32
    %dma_start3A_22 = tpu.memref_slice %arg2[%add3A_10, %dma_start3A_21] : memref<320000x128xf32, #tpu.memory_space<hbm>> -> memref<40x128xf32, #tpu.memory_space<hbm>>
    tpu.enqueue_dma source(%dma_start3A_22 : memref<40x128xf32, #tpu.memory_space<hbm>>) target(%dma_start3A_20 : memref<40x128xf32, #tpu.memory_space<vmem>>) target_semaphore(%arg9 : memref<!tpu.dma_semaphore, #tpu.memory_space<semaphore_mem>>)
    %add3A_23 = arith.constant 40 : i32
    %add3A_24 = arith.addi %add3A_8, %add3A_23 : i32
    %dma_start3A_25 = arith.constant 1 : i32
    %dma_start3A_26 = arith.constant 0 : i32
    %dma_start3A_27 = arith.constant 0 : i32
    %dma_start3A_28 = tpu.memref_slice %arg7[%dma_start3A_25, %dma_start3A_26, %dma_start3A_27] : memref<6x40x128xf32, #tpu.memory_space<vmem>> -> memref<1x40x128xf32, #tpu.memory_space<vmem>>
    %dma_start3A_29 = tpu.memref_squeeze %dma_start3A_28 : memref<1x40x128xf32, #tpu.memory_space<vmem>> -> memref<40x128xf32, #tpu.memory_space<vmem>>
    %dma_start3A_30 = arith.constant 0 : i32
    %dma_start3A_31 = tpu.memref_slice %arg2[%add3A_24, %dma_start3A_30] : memref<320000x128xf32, #tpu.memory_space<hbm>> -> memref<40x128xf32, #tpu.memory_space<hbm>>
    %dma_start3A_32 = arith.constant 0 : i32
    %dma_start3A_33 = arith.constant 0 : i32
    %dma_start3A_34 = tpu.memref_slice %arg7[%dma_start3A_25, %dma_start3A_32, %dma_start3A_33] : memref<6x40x128xf32, #tpu.memory_space<vmem>> -> memref<1x40x128xf32, #tpu.memory_space<vmem>>
    %dma_start3A_35 = tpu.memref_squeeze %dma_start3A_34 : memref<1x40x128xf32, #tpu.memory_space<vmem>> -> memref<40x128xf32, #tpu.memory_space<vmem>>
    %dma_start3A_36 = arith.constant 0 : i32
    %dma_start3A_37 = tpu.memref_slice %arg2[%add3A_24, %dma_start3A_36] : memref<320000x128xf32, #tpu.memory_space<hbm>> -> memref<40x128xf32, #tpu.memory_space<hbm>>
    tpu.enqueue_dma source(%dma_start3A_37 : memref<40x128xf32, #tpu.memory_space<hbm>>) target(%dma_start3A_35 : memref<40x128xf32, #tpu.memory_space<vmem>>) target_semaphore(%arg9 : memref<!tpu.dma_semaphore, #tpu.memory_space<semaphore_mem>>)
    %scan3A = arith.constant 0 : i32
    %scan3A_38 = arith.constant 0 : i32
    %scan3A_39 = arith.constant 125 : i32
    %scan3A_40 = arith.addi %scan3A_38, %scan3A_39 : i32
    %scan3A_41 = arith.constant 1 : i32
    %scan3A_42 = scf.for %scan3A_210 = %scan3A_38 to %scan3A_40 step %scan3A_41 iter_args(%scan3A_211 = %scan3A) -> (i32)  : i32 {
      %ge3A = arith.constant 4 : i32
      %ge3A_212 = arith.cmpi sge, %scan3A_210, %ge3A : i32
      %convert_element_type3A = arith.extui %ge3A_212 : i1 to i32
      %cond3A = arith.constant 0 : i32
      %cond3A_213 = arith.cmpi ne, %convert_element_type3A, %cond3A : i32
      scf.if %cond3A_213 {
        %dma_wait3A_247 = arith.constant 0 : i32
        %dma_wait3A_248 = arith.constant 0 : i32
        %dma_wait3A_249 = arith.constant 0 : i32
        %dma_wait3A_250 = tpu.memref_slice %arg7[%dma_wait3A_247, %dma_wait3A_248, %dma_wait3A_249] : memref<6x40x128xf32, #tpu.memory_space<vmem>> -> memref<1x40x128xf32, #tpu.memory_space<vmem>>
        %dma_wait3A_251 = tpu.memref_squeeze %dma_wait3A_250 : memref<1x40x128xf32, #tpu.memory_space<vmem>> -> memref<40x128xf32, #tpu.memory_space<vmem>>
        %dma_wait3A_252 = arith.constant 0 : i32
        %dma_wait3A_253 = arith.constant 0 : i32
        %dma_wait3A_254 = tpu.memref_slice %arg2[%dma_wait3A_252, %dma_wait3A_253] : memref<320000x128xf32, #tpu.memory_space<hbm>> -> memref<40x128xf32, #tpu.memory_space<hbm>>
        %dma_wait3A_255 = arith.constant 0 : i32
        %dma_wait3A_256 = arith.constant 0 : i32
        %dma_wait3A_257 = tpu.memref_slice %arg7[%dma_wait3A_247, %dma_wait3A_255, %dma_wait3A_256] : memref<6x40x128xf32, #tpu.memory_space<vmem>> -> memref<1x40x128xf32, #tpu.memory_space<vmem>>
        %dma_wait3A_258 = tpu.memref_squeeze %dma_wait3A_257 : memref<1x40x128xf32, #tpu.memory_space<vmem>> -> memref<40x128xf32, #tpu.memory_space<vmem>>
        %dma_wait3A_259 = arith.constant 0 : i32
        %dma_wait3A_260 = arith.constant 0 : i32
        %dma_wait3A_261 = tpu.memref_slice %arg2[%dma_wait3A_259, %dma_wait3A_260] : memref<320000x128xf32, #tpu.memory_space<hbm>> -> memref<40x128xf32, #tpu.memory_space<hbm>>
        tpu.wait_dma2 semaphore(%arg10 : memref<!tpu.dma_semaphore, #tpu.memory_space<semaphore_mem>>) src(%dma_wait3A_261 : memref<40x128xf32, #tpu.memory_space<hbm>>) dst(%dma_wait3A_258 : memref<40x128xf32, #tpu.memory_space<vmem>>)
      } else {
      }
      %add3A_214 = arith.constant 2 : i32
      %add3A_215 = arith.addi %scan3A_210, %add3A_214 : i32
      %lt3A = arith.constant 125 : i32
      %lt3A_216 = arith.cmpi slt, %add3A_215, %lt3A : i32
      %convert_element_type3A_217 = arith.extui %lt3A_216 : i1 to i32
      %cond3A_218 = arith.constant 0 : i32
      %cond3A_219 = arith.cmpi ne, %convert_element_type3A_217, %cond3A_218 : i32
      scf.if %cond3A_219 {
        %add3A_247 = arith.constant 2 : i32
        %add3A_248 = arith.addi %scan3A_210, %add3A_247 : i32
        %add3A_249 = arith.constant 2 : i32
        %add3A_250 = arith.addi %scan3A_210, %add3A_249 : i32
        %rem3A_251 = arith.constant 6 : i32
        %rem3A_252 = arith.remsi %add3A_250, %rem3A_251 : i32
        %mul3A_253 = arith.constant 40 : i32
        %mul3A_254 = arith.muli %add3A_248, %mul3A_253 : i32
        %add3A_255 = arith.addi %add3A_8, %mul3A_254 : i32
        %dma_start3A_256 = arith.constant 0 : i32
        %dma_start3A_257 = arith.constant 0 : i32
        %dma_start3A_258 = tpu.memref_slice %arg7[%rem3A_252, %dma_start3A_256, %dma_start3A_257] : memref<6x40x128xf32, #tpu.memory_space<vmem>> -> memref<1x40x128xf32, #tpu.memory_space<vmem>>
        %dma_start3A_259 = tpu.memref_squeeze %dma_start3A_258 : memref<1x40x128xf32, #tpu.memory_space<vmem>> -> memref<40x128xf32, #tpu.memory_space<vmem>>
        %dma_start3A_260 = arith.constant 0 : i32
        %dma_start3A_261 = tpu.memref_slice %arg2[%add3A_255, %dma_start3A_260] : memref<320000x128xf32, #tpu.memory_space<hbm>> -> memref<40x128xf32, #tpu.memory_space<hbm>>
        %dma_start3A_262 = arith.constant 0 : i32
        %dma_start3A_263 = arith.constant 0 : i32
        %dma_start3A_264 = tpu.memref_slice %arg7[%rem3A_252, %dma_start3A_262, %dma_start3A_263] : memref<6x40x128xf32, #tpu.memory_space<vmem>> -> memref<1x40x128xf32, #tpu.memory_space<vmem>>
        %dma_start3A_265 = tpu.memref_squeeze %dma_start3A_264 : memref<1x40x128xf32, #tpu.memory_space<vmem>> -> memref<40x128xf32, #tpu.memory_space<vmem>>
        %dma_start3A_266 = arith.constant 0 : i32
        %dma_start3A_267 = tpu.memref_slice %arg2[%add3A_255, %dma_start3A_266] : memref<320000x128xf32, #tpu.memory_space<hbm>> -> memref<40x128xf32, #tpu.memory_space<hbm>>
        tpu.enqueue_dma source(%dma_start3A_267 : memref<40x128xf32, #tpu.memory_space<hbm>>) target(%dma_start3A_265 : memref<40x128xf32, #tpu.memory_space<vmem>>) target_semaphore(%arg9 : memref<!tpu.dma_semaphore, #tpu.memory_space<semaphore_mem>>)
      } else {
      }
      %dma_wait3A_220 = arith.constant 0 : i32
      %dma_wait3A_221 = arith.constant 0 : i32
      %dma_wait3A_222 = arith.constant 0 : i32
      %dma_wait3A_223 = tpu.memref_slice %arg7[%dma_wait3A_220, %dma_wait3A_221, %dma_wait3A_222] : memref<6x40x128xf32, #tpu.memory_space<vmem>> -> memref<1x40x128xf32, #tpu.memory_space<vmem>>
      %dma_wait3A_224 = tpu.memref_squeeze %dma_wait3A_223 : memref<1x40x128xf32, #tpu.memory_space<vmem>> -> memref<40x128xf32, #tpu.memory_space<vmem>>
      %dma_wait3A_225 = arith.constant 0 : i32
      %dma_wait3A_226 = arith.constant 0 : i32
      %dma_wait3A_227 = tpu.memref_slice %arg2[%dma_wait3A_225, %dma_wait3A_226] : memref<320000x128xf32, #tpu.memory_space<hbm>> -> memref<40x128xf32, #tpu.memory_space<hbm>>
      %dma_wait3A_228 = arith.constant 0 : i32
      %dma_wait3A_229 = arith.constant 0 : i32
      %dma_wait3A_230 = tpu.memref_slice %arg7[%dma_wait3A_220, %dma_wait3A_228, %dma_wait3A_229] : memref<6x40x128xf32, #tpu.memory_space<vmem>> -> memref<1x40x128xf32, #tpu.memory_space<vmem>>
      %dma_wait3A_231 = tpu.memref_squeeze %dma_wait3A_230 : memref<1x40x128xf32, #tpu.memory_space<vmem>> -> memref<40x128xf32, #tpu.memory_space<vmem>>
      %dma_wait3A_232 = arith.constant 0 : i32
      %dma_wait3A_233 = arith.constant 0 : i32
      %dma_wait3A_234 = tpu.memref_slice %arg2[%dma_wait3A_232, %dma_wait3A_233] : memref<320000x128xf32, #tpu.memory_space<hbm>> -> memref<40x128xf32, #tpu.memory_space<hbm>>
      tpu.wait_dma2 semaphore(%arg9 : memref<!tpu.dma_semaphore, #tpu.memory_space<semaphore_mem>>) src(%dma_wait3A_234 : memref<40x128xf32, #tpu.memory_space<hbm>>) dst(%dma_wait3A_231 : memref<40x128xf32, #tpu.memory_space<vmem>>)
      %rem3A = arith.constant 6 : i32
      %rem3A_235 = arith.remsi %scan3A_210, %rem3A : i32
      %dma_start3A_236 = arith.constant 0 : i32
      %dma_start3A_237 = arith.constant 0 : i32
      %dma_start3A_238 = tpu.memref_slice %arg7[%rem3A_235, %dma_start3A_236, %dma_start3A_237] : memref<6x40x128xf32, #tpu.memory_space<vmem>> -> memref<1x40x128xf32, #tpu.memory_space<vmem>>
      %dma_start3A_239 = tpu.memref_squeeze %dma_start3A_238 : memref<1x40x128xf32, #tpu.memory_space<vmem>> -> memref<40x128xf32, #tpu.memory_space<vmem>>
      %dma_start3A_240 = arith.constant 0 : i32
      %dma_start3A_241 = tpu.memref_slice %arg6[%scan3A_210, %dma_start3A_240] : memref<125x40xi32, #tpu.memory_space<vmem>> -> memref<1x40xi32, #tpu.memory_space<vmem>>
      %dma_start3A_242 = tpu.memref_squeeze %dma_start3A_241 : memref<1x40xi32, #tpu.memory_space<vmem>> -> memref<40xi32, #tpu.memory_space<vmem>>
      %dma_start3A_243 = arith.constant 0 : i32
      %dma_start3A_244 = arith.constant 0 : i32
      %dma_start3A_245 = tpu.memref_slice %arg8[%dma_start3A_243, %dma_start3A_244] : memref<10240x128xf32, #tpu.memory_space<vmem_shared>> -> memref<10240x128xf32, #tpu.memory_space<vmem_shared>>
      tpu.enqueue_indirect_dma source(%dma_start3A_239 : memref<40x128xf32, #tpu.memory_space<vmem>>) target(%dma_start3A_245 : memref<10240x128xf32, #tpu.memory_space<vmem_shared>>) offsets(%dma_start3A_242 : memref<40xi32, #tpu.memory_space<vmem>>) semaphore(%arg10 : memref<!tpu.dma_semaphore, #tpu.memory_space<semaphore_mem>>) {add = true}
      %scan3A_246 = arith.constant 0 : i32
      scf.yield %scan3A_246 : i32
    }
    %scan3A_43 = arith.constant 125 : i32
    %dma_wait3A = arith.constant 0 : i32
    %dma_wait3A_44 = arith.constant 0 : i32
    %dma_wait3A_45 = arith.constant 0 : i32
    %dma_wait3A_46 = tpu.memref_slice %arg7[%dma_wait3A, %dma_wait3A_44, %dma_wait3A_45] : memref<6x40x128xf32, #tpu.memory_space<vmem>> -> memref<1x40x128xf32, #tpu.memory_space<vmem>>
    %dma_wait3A_47 = tpu.memref_squeeze %dma_wait3A_46 : memref<1x40x128xf32, #tpu.memory_space<vmem>> -> memref<40x128xf32, #tpu.memory_space<vmem>>
    %dma_wait3A_48 = arith.constant 0 : i32
    %dma_wait3A_49 = arith.constant 0 : i32
    %dma_wait3A_50 = tpu.memref_slice %arg2[%dma_wait3A_48, %dma_wait3A_49] : memref<320000x128xf32, #tpu.memory_space<hbm>> -> memref<40x128xf32, #tpu.memory_space<hbm>>
    %dma_wait3A_51 = arith.constant 0 : i32
    %dma_wait3A_52 = arith.constant 0 : i32
    %dma_wait3A_53 = tpu.memref_slice %arg7[%dma_wait3A, %dma_wait3A_51, %dma_wait3A_52] : memref<6x40x128xf32, #tpu.memory_space<vmem>> -> memref<1x40x128xf32, #tpu.memory_space<vmem>>
    %dma_wait3A_54 = tpu.memref_squeeze %dma_wait3A_53 : memref<1x40x128xf32, #tpu.memory_space<vmem>> -> memref<40x128xf32, #tpu.memory_space<vmem>>
    %dma_wait3A_55 = arith.constant 0 : i32
    %dma_wait3A_56 = arith.constant 0 : i32
    %dma_wait3A_57 = tpu.memref_slice %arg2[%dma_wait3A_55, %dma_wait3A_56] : memref<320000x128xf32, #tpu.memory_space<hbm>> -> memref<40x128xf32, #tpu.memory_space<hbm>>
    tpu.wait_dma2 semaphore(%arg10 : memref<!tpu.dma_semaphore, #tpu.memory_space<semaphore_mem>>) src(%dma_wait3A_57 : memref<40x128xf32, #tpu.memory_space<hbm>>) dst(%dma_wait3A_54 : memref<40x128xf32, #tpu.memory_space<vmem>>)
    %dma_wait3A_58 = arith.constant 0 : i32
    %dma_wait3A_59 = arith.constant 0 : i32
    %dma_wait3A_60 = arith.constant 0 : i32
    %dma_wait3A_61 = tpu.memref_slice %arg7[%dma_wait3A_58, %dma_wait3A_59, %dma_wait3A_60] : memref<6x40x128xf32, #tpu.memory_space<vmem>> -> memref<1x40x128xf32, #tpu.memory_space<vmem>>
    %dma_wait3A_62 = tpu.memref_squeeze %dma_wait3A_61 : memref<1x40x128xf32, #tpu.memory_space<vmem>> -> memref<40x128xf32, #tpu.memory_space<vmem>>
    %dma_wait3A_63 = arith.constant 0 : i32
    %dma_wait3A_64 = arith.constant 0 : i32
    %dma_wait3A_65 = tpu.memref_slice %arg2[%dma_wait3A_63, %dma_wait3A_64] : memref<320000x128xf32, #tpu.memory_space<hbm>> -> memref<40x128xf32, #tpu.memory_space<hbm>>
    %dma_wait3A_66 = arith.constant 0 : i32
    %dma_wait3A_67 = arith.constant 0 : i32
    %dma_wait3A_68 = tpu.memref_slice %arg7[%dma_wait3A_58, %dma_wait3A_66, %dma_wait3A_67] : memref<6x40x128xf32, #tpu.memory_space<vmem>> -> memref<1x40x128xf32, #tpu.memory_space<vmem>>
    %dma_wait3A_69 = tpu.memref_squeeze %dma_wait3A_68 : memref<1x40x128xf32, #tpu.memory_space<vmem>> -> memref<40x128xf32, #tpu.memory_space<vmem>>
    %dma_wait3A_70 = arith.constant 0 : i32
    %dma_wait3A_71 = arith.constant 0 : i32
    %dma_wait3A_72 = tpu.memref_slice %arg2[%dma_wait3A_70, %dma_wait3A_71] : memref<320000x128xf32, #tpu.memory_space<hbm>> -> memref<40x128xf32, #tpu.memory_space<hbm>>
    tpu.wait_dma2 semaphore(%arg10 : memref<!tpu.dma_semaphore, #tpu.memory_space<semaphore_mem>>) src(%dma_wait3A_72 : memref<40x128xf32, #tpu.memory_space<hbm>>) dst(%dma_wait3A_69 : memref<40x128xf32, #tpu.memory_space<vmem>>)
    %dma_wait3A_73 = arith.constant 0 : i32
    %dma_wait3A_74 = arith.constant 0 : i32
    %dma_wait3A_75 = arith.constant 0 : i32
    %dma_wait3A_76 = tpu.memref_slice %arg7[%dma_wait3A_73, %dma_wait3A_74, %dma_wait3A_75] : memref<6x40x128xf32, #tpu.memory_space<vmem>> -> memref<1x40x128xf32, #tpu.memory_space<vmem>>
    %dma_wait3A_77 = tpu.memref_squeeze %dma_wait3A_76 : memref<1x40x128xf32, #tpu.memory_space<vmem>> -> memref<40x128xf32, #tpu.memory_space<vmem>>
    %dma_wait3A_78 = arith.constant 0 : i32
    %dma_wait3A_79 = arith.constant 0 : i32
    %dma_wait3A_80 = tpu.memref_slice %arg2[%dma_wait3A_78, %dma_wait3A_79] : memref<320000x128xf32, #tpu.memory_space<hbm>> -> memref<40x128xf32, #tpu.memory_space<hbm>>
    %dma_wait3A_81 = arith.constant 0 : i32
    %dma_wait3A_82 = arith.constant 0 : i32
    %dma_wait3A_83 = tpu.memref_slice %arg7[%dma_wait3A_73, %dma_wait3A_81, %dma_wait3A_82] : memref<6x40x128xf32, #tpu.memory_space<vmem>> -> memref<1x40x128xf32, #tpu.memory_space<vmem>>
    %dma_wait3A_84 = tpu.memref_squeeze %dma_wait3A_83 : memref<1x40x128xf32, #tpu.memory_space<vmem>> -> memref<40x128xf32, #tpu.memory_space<vmem>>
    %dma_wait3A_85 = arith.constant 0 : i32
    %dma_wait3A_86 = arith.constant 0 : i32
    %dma_wait3A_87 = tpu.memref_slice %arg2[%dma_wait3A_85, %dma_wait3A_86] : memref<320000x128xf32, #tpu.memory_space<hbm>> -> memref<40x128xf32, #tpu.memory_space<hbm>>
    tpu.wait_dma2 semaphore(%arg10 : memref<!tpu.dma_semaphore, #tpu.memory_space<semaphore_mem>>) src(%dma_wait3A_87 : memref<40x128xf32, #tpu.memory_space<hbm>>) dst(%dma_wait3A_84 : memref<40x128xf32, #tpu.memory_space<vmem>>)
    %dma_wait3A_88 = arith.constant 0 : i32
    %dma_wait3A_89 = arith.constant 0 : i32
    %dma_wait3A_90 = arith.constant 0 : i32
    %dma_wait3A_91 = tpu.memref_slice %arg7[%dma_wait3A_88, %dma_wait3A_89, %dma_wait3A_90] : memref<6x40x128xf32, #tpu.memory_space<vmem>> -> memref<1x40x128xf32, #tpu.memory_space<vmem>>
    %dma_wait3A_92 = tpu.memref_squeeze %dma_wait3A_91 : memref<1x40x128xf32, #tpu.memory_space<vmem>> -> memref<40x128xf32, #tpu.memory_space<vmem>>
    %dma_wait3A_93 = arith.constant 0 : i32
    %dma_wait3A_94 = arith.constant 0 : i32
    %dma_wait3A_95 = tpu.memref_slice %arg2[%dma_wait3A_93, %dma_wait3A_94] : memref<320000x128xf32, #tpu.memory_space<hbm>> -> memref<40x128xf32, #tpu.memory_space<hbm>>
    %dma_wait3A_96 = arith.constant 0 : i32
    %dma_wait3A_97 = arith.constant 0 : i32
    %dma_wait3A_98 = tpu.memref_slice %arg7[%dma_wait3A_88, %dma_wait3A_96, %dma_wait3A_97] : memref<6x40x128xf32, #tpu.memory_space<vmem>> -> memref<1x40x128xf32, #tpu.memory_space<vmem>>
    %dma_wait3A_99 = tpu.memref_squeeze %dma_wait3A_98 : memref<1x40x128xf32, #tpu.memory_space<vmem>> -> memref<40x128xf32, #tpu.memory_space<vmem>>
    %dma_wait3A_100 = arith.constant 0 : i32
    %dma_wait3A_101 = arith.constant 0 : i32
    %dma_wait3A_102 = tpu.memref_slice %arg2[%dma_wait3A_100, %dma_wait3A_101] : memref<320000x128xf32, #tpu.memory_space<hbm>> -> memref<40x128xf32, #tpu.memory_space<hbm>>
    tpu.wait_dma2 semaphore(%arg10 : memref<!tpu.dma_semaphore, #tpu.memory_space<semaphore_mem>>) src(%dma_wait3A_102 : memref<40x128xf32, #tpu.memory_space<hbm>>) dst(%dma_wait3A_99 : memref<40x128xf32, #tpu.memory_space<vmem>>)
    %run_scoped3A_103 = arith.constant 1 : i32
    "tpu.region"() ({
      %run_scoped3A_210 = tpu.sem_alloc : memref<!tpu.dma_semaphore, #tpu.memory_space<semaphore_mem>>
      %dma_start3A_211 = arith.constant 0 : i32
      %dma_start3A_212 = arith.constant 0 : i32
      %dma_start3A_213 = tpu.memref_slice %arg3[%add3A, %run_scoped3A_103, %dma_start3A_211, %dma_start3A_212] : memref<32x2x125x40xi32, #tpu.memory_space<hbm>> -> memref<1x1x125x40xi32, #tpu.memory_space<hbm>>
      %dma_start3A_214 = tpu.memref_squeeze %dma_start3A_213 : memref<1x1x125x40xi32, #tpu.memory_space<hbm>> -> memref<125x40xi32, #tpu.memory_space<hbm>>
      %dma_start3A_215 = arith.constant 0 : i32
      %dma_start3A_216 = arith.constant 0 : i32
      %dma_start3A_217 = tpu.memref_slice %arg3[%add3A, %run_scoped3A_103, %dma_start3A_215, %dma_start3A_216] : memref<32x2x125x40xi32, #tpu.memory_space<hbm>> -> memref<1x1x125x40xi32, #tpu.memory_space<hbm>>
      %dma_start3A_218 = tpu.memref_squeeze %dma_start3A_217 : memref<1x1x125x40xi32, #tpu.memory_space<hbm>> -> memref<125x40xi32, #tpu.memory_space<hbm>>
      tpu.enqueue_dma source(%dma_start3A_218 : memref<125x40xi32, #tpu.memory_space<hbm>>) target(%arg6 : memref<125x40xi32, #tpu.memory_space<vmem>>) target_semaphore(%run_scoped3A_210 : memref<!tpu.dma_semaphore, #tpu.memory_space<semaphore_mem>>)
      %dma_wait3A_219 = arith.constant 0 : i32
      %dma_wait3A_220 = arith.constant 0 : i32
      %dma_wait3A_221 = tpu.memref_slice %arg3[%add3A, %run_scoped3A_103, %dma_wait3A_219, %dma_wait3A_220] : memref<32x2x125x40xi32, #tpu.memory_space<hbm>> -> memref<1x1x125x40xi32, #tpu.memory_space<hbm>>
      %dma_wait3A_222 = tpu.memref_squeeze %dma_wait3A_221 : memref<1x1x125x40xi32, #tpu.memory_space<hbm>> -> memref<125x40xi32, #tpu.memory_space<hbm>>
      %dma_wait3A_223 = arith.constant 0 : i32
      %dma_wait3A_224 = arith.constant 0 : i32
      %dma_wait3A_225 = tpu.memref_slice %arg3[%add3A, %run_scoped3A_103, %dma_wait3A_223, %dma_wait3A_224] : memref<32x2x125x40xi32, #tpu.memory_space<hbm>> -> memref<1x1x125x40xi32, #tpu.memory_space<hbm>>
      %dma_wait3A_226 = tpu.memref_squeeze %dma_wait3A_225 : memref<1x1x125x40xi32, #tpu.memory_space<hbm>> -> memref<125x40xi32, #tpu.memory_space<hbm>>
      tpu.wait_dma2 semaphore(%run_scoped3A_210 : memref<!tpu.dma_semaphore, #tpu.memory_space<semaphore_mem>>) src(%dma_wait3A_226 : memref<125x40xi32, #tpu.memory_space<hbm>>) dst(%arg6 : memref<125x40xi32, #tpu.memory_space<vmem>>)
      tpu.yield
    }) : () -> ()
    %mul3A_104 = arith.constant 10000 : i32
    %mul3A_105 = arith.muli %add3A, %mul3A_104 : i32
    %add3A_106 = arith.constant 5000 : i32
    %add3A_107 = arith.addi %mul3A_105, %add3A_106 : i32
    %add3A_108 = arith.constant 0 : i32
    %add3A_109 = arith.addi %add3A_107, %add3A_108 : i32
    %dma_start3A_110 = arith.constant 0 : i32
    %dma_start3A_111 = arith.constant 0 : i32
    %dma_start3A_112 = arith.constant 0 : i32
    %dma_start3A_113 = tpu.memref_slice %arg7[%dma_start3A_110, %dma_start3A_111, %dma_start3A_112] : memref<6x40x128xf32, #tpu.memory_space<vmem>> -> memref<1x40x128xf32, #tpu.memory_space<vmem>>
    %dma_start3A_114 = tpu.memref_squeeze %dma_start3A_113 : memref<1x40x128xf32, #tpu.memory_space<vmem>> -> memref<40x128xf32, #tpu.memory_space<vmem>>
    %dma_start3A_115 = arith.constant 0 : i32
    %dma_start3A_116 = tpu.memref_slice %arg2[%add3A_109, %dma_start3A_115] : memref<320000x128xf32, #tpu.memory_space<hbm>> -> memref<40x128xf32, #tpu.memory_space<hbm>>
    %dma_start3A_117 = arith.constant 0 : i32
    %dma_start3A_118 = arith.constant 0 : i32
    %dma_start3A_119 = tpu.memref_slice %arg7[%dma_start3A_110, %dma_start3A_117, %dma_start3A_118] : memref<6x40x128xf32, #tpu.memory_space<vmem>> -> memref<1x40x128xf32, #tpu.memory_space<vmem>>
    %dma_start3A_120 = tpu.memref_squeeze %dma_start3A_119 : memref<1x40x128xf32, #tpu.memory_space<vmem>> -> memref<40x128xf32, #tpu.memory_space<vmem>>
    %dma_start3A_121 = arith.constant 0 : i32
    %dma_start3A_122 = tpu.memref_slice %arg2[%add3A_109, %dma_start3A_121] : memref<320000x128xf32, #tpu.memory_space<hbm>> -> memref<40x128xf32, #tpu.memory_space<hbm>>
    tpu.enqueue_dma source(%dma_start3A_122 : memref<40x128xf32, #tpu.memory_space<hbm>>) target(%dma_start3A_120 : memref<40x128xf32, #tpu.memory_space<vmem>>) target_semaphore(%arg9 : memref<!tpu.dma_semaphore, #tpu.memory_space<semaphore_mem>>)
    %add3A_123 = arith.constant 40 : i32
    %add3A_124 = arith.addi %add3A_107, %add3A_123 : i32
    %dma_start3A_125 = arith.constant 1 : i32
    %dma_start3A_126 = arith.constant 0 : i32
    %dma_start3A_127 = arith.constant 0 : i32
    %dma_start3A_128 = tpu.memref_slice %arg7[%dma_start3A_125, %dma_start3A_126, %dma_start3A_127] : memref<6x40x128xf32, #tpu.memory_space<vmem>> -> memref<1x40x128xf32, #tpu.memory_space<vmem>>
    %dma_start3A_129 = tpu.memref_squeeze %dma_start3A_128 : memref<1x40x128xf32, #tpu.memory_space<vmem>> -> memref<40x128xf32, #tpu.memory_space<vmem>>
    %dma_start3A_130 = arith.constant 0 : i32
    %dma_start3A_131 = tpu.memref_slice %arg2[%add3A_124, %dma_start3A_130] : memref<320000x128xf32, #tpu.memory_space<hbm>> -> memref<40x128xf32, #tpu.memory_space<hbm>>
    %dma_start3A_132 = arith.constant 0 : i32
    %dma_start3A_133 = arith.constant 0 : i32
    %dma_start3A_134 = tpu.memref_slice %arg7[%dma_start3A_125, %dma_start3A_132, %dma_start3A_133] : memref<6x40x128xf32, #tpu.memory_space<vmem>> -> memref<1x40x128xf32, #tpu.memory_space<vmem>>
    %dma_start3A_135 = tpu.memref_squeeze %dma_start3A_134 : memref<1x40x128xf32, #tpu.memory_space<vmem>> -> memref<40x128xf32, #tpu.memory_space<vmem>>
    %dma_start3A_136 = arith.constant 0 : i32
    %dma_start3A_137 = tpu.memref_slice %arg2[%add3A_124, %dma_start3A_136] : memref<320000x128xf32, #tpu.memory_space<hbm>> -> memref<40x128xf32, #tpu.memory_space<hbm>>
    tpu.enqueue_dma source(%dma_start3A_137 : memref<40x128xf32, #tpu.memory_space<hbm>>) target(%dma_start3A_135 : memref<40x128xf32, #tpu.memory_space<vmem>>) target_semaphore(%arg9 : memref<!tpu.dma_semaphore, #tpu.memory_space<semaphore_mem>>)
    %scan3A_138 = arith.constant 0 : i32
    %scan3A_139 = arith.constant 0 : i32
    %scan3A_140 = arith.constant 125 : i32
    %scan3A_141 = arith.addi %scan3A_139, %scan3A_140 : i32
    %scan3A_142 = arith.constant 1 : i32
    %scan3A_143 = scf.for %scan3A_210 = %scan3A_139 to %scan3A_141 step %scan3A_142 iter_args(%scan3A_211 = %scan3A_138) -> (i32)  : i32 {
      %ge3A = arith.constant 4 : i32
      %ge3A_212 = arith.cmpi sge, %scan3A_210, %ge3A : i32
      %convert_element_type3A = arith.extui %ge3A_212 : i1 to i32
      %cond3A = arith.constant 0 : i32
      %cond3A_213 = arith.cmpi ne, %convert_element_type3A, %cond3A : i32
      scf.if %cond3A_213 {
        %dma_wait3A_247 = arith.constant 0 : i32
        %dma_wait3A_248 = arith.constant 0 : i32
        %dma_wait3A_249 = arith.constant 0 : i32
        %dma_wait3A_250 = tpu.memref_slice %arg7[%dma_wait3A_247, %dma_wait3A_248, %dma_wait3A_249] : memref<6x40x128xf32, #tpu.memory_space<vmem>> -> memref<1x40x128xf32, #tpu.memory_space<vmem>>
        %dma_wait3A_251 = tpu.memref_squeeze %dma_wait3A_250 : memref<1x40x128xf32, #tpu.memory_space<vmem>> -> memref<40x128xf32, #tpu.memory_space<vmem>>
        %dma_wait3A_252 = arith.constant 0 : i32
        %dma_wait3A_253 = arith.constant 0 : i32
        %dma_wait3A_254 = tpu.memref_slice %arg2[%dma_wait3A_252, %dma_wait3A_253] : memref<320000x128xf32, #tpu.memory_space<hbm>> -> memref<40x128xf32, #tpu.memory_space<hbm>>
        %dma_wait3A_255 = arith.constant 0 : i32
        %dma_wait3A_256 = arith.constant 0 : i32
        %dma_wait3A_257 = tpu.memref_slice %arg7[%dma_wait3A_247, %dma_wait3A_255, %dma_wait3A_256] : memref<6x40x128xf32, #tpu.memory_space<vmem>> -> memref<1x40x128xf32, #tpu.memory_space<vmem>>
        %dma_wait3A_258 = tpu.memref_squeeze %dma_wait3A_257 : memref<1x40x128xf32, #tpu.memory_space<vmem>> -> memref<40x128xf32, #tpu.memory_space<vmem>>
        %dma_wait3A_259 = arith.constant 0 : i32
        %dma_wait3A_260 = arith.constant 0 : i32
        %dma_wait3A_261 = tpu.memref_slice %arg2[%dma_wait3A_259, %dma_wait3A_260] : memref<320000x128xf32, #tpu.memory_space<hbm>> -> memref<40x128xf32, #tpu.memory_space<hbm>>
        tpu.wait_dma2 semaphore(%arg10 : memref<!tpu.dma_semaphore, #tpu.memory_space<semaphore_mem>>) src(%dma_wait3A_261 : memref<40x128xf32, #tpu.memory_space<hbm>>) dst(%dma_wait3A_258 : memref<40x128xf32, #tpu.memory_space<vmem>>)
      } else {
      }
      %add3A_214 = arith.constant 2 : i32
      %add3A_215 = arith.addi %scan3A_210, %add3A_214 : i32
      %lt3A = arith.constant 125 : i32
      %lt3A_216 = arith.cmpi slt, %add3A_215, %lt3A : i32
      %convert_element_type3A_217 = arith.extui %lt3A_216 : i1 to i32
      %cond3A_218 = arith.constant 0 : i32
      %cond3A_219 = arith.cmpi ne, %convert_element_type3A_217, %cond3A_218 : i32
      scf.if %cond3A_219 {
        %add3A_247 = arith.constant 2 : i32
        %add3A_248 = arith.addi %scan3A_210, %add3A_247 : i32
        %add3A_249 = arith.constant 2 : i32
        %add3A_250 = arith.addi %scan3A_210, %add3A_249 : i32
        %rem3A_251 = arith.constant 6 : i32
        %rem3A_252 = arith.remsi %add3A_250, %rem3A_251 : i32
        %mul3A_253 = arith.constant 40 : i32
        %mul3A_254 = arith.muli %add3A_248, %mul3A_253 : i32
        %add3A_255 = arith.addi %add3A_107, %mul3A_254 : i32
        %dma_start3A_256 = arith.constant 0 : i32
        %dma_start3A_257 = arith.constant 0 : i32
        %dma_start3A_258 = tpu.memref_slice %arg7[%rem3A_252, %dma_start3A_256, %dma_start3A_257] : memref<6x40x128xf32, #tpu.memory_space<vmem>> -> memref<1x40x128xf32, #tpu.memory_space<vmem>>
        %dma_start3A_259 = tpu.memref_squeeze %dma_start3A_258 : memref<1x40x128xf32, #tpu.memory_space<vmem>> -> memref<40x128xf32, #tpu.memory_space<vmem>>
        %dma_start3A_260 = arith.constant 0 : i32
        %dma_start3A_261 = tpu.memref_slice %arg2[%add3A_255, %dma_start3A_260] : memref<320000x128xf32, #tpu.memory_space<hbm>> -> memref<40x128xf32, #tpu.memory_space<hbm>>
        %dma_start3A_262 = arith.constant 0 : i32
        %dma_start3A_263 = arith.constant 0 : i32
        %dma_start3A_264 = tpu.memref_slice %arg7[%rem3A_252, %dma_start3A_262, %dma_start3A_263] : memref<6x40x128xf32, #tpu.memory_space<vmem>> -> memref<1x40x128xf32, #tpu.memory_space<vmem>>
        %dma_start3A_265 = tpu.memref_squeeze %dma_start3A_264 : memref<1x40x128xf32, #tpu.memory_space<vmem>> -> memref<40x128xf32, #tpu.memory_space<vmem>>
        %dma_start3A_266 = arith.constant 0 : i32
        %dma_start3A_267 = tpu.memref_slice %arg2[%add3A_255, %dma_start3A_266] : memref<320000x128xf32, #tpu.memory_space<hbm>> -> memref<40x128xf32, #tpu.memory_space<hbm>>
        tpu.enqueue_dma source(%dma_start3A_267 : memref<40x128xf32, #tpu.memory_space<hbm>>) target(%dma_start3A_265 : memref<40x128xf32, #tpu.memory_space<vmem>>) target_semaphore(%arg9 : memref<!tpu.dma_semaphore, #tpu.memory_space<semaphore_mem>>)
      } else {
      }
      %dma_wait3A_220 = arith.constant 0 : i32
      %dma_wait3A_221 = arith.constant 0 : i32
      %dma_wait3A_222 = arith.constant 0 : i32
      %dma_wait3A_223 = tpu.memref_slice %arg7[%dma_wait3A_220, %dma_wait3A_221, %dma_wait3A_222] : memref<6x40x128xf32, #tpu.memory_space<vmem>> -> memref<1x40x128xf32, #tpu.memory_space<vmem>>
      %dma_wait3A_224 = tpu.memref_squeeze %dma_wait3A_223 : memref<1x40x128xf32, #tpu.memory_space<vmem>> -> memref<40x128xf32, #tpu.memory_space<vmem>>
      %dma_wait3A_225 = arith.constant 0 : i32
      %dma_wait3A_226 = arith.constant 0 : i32
      %dma_wait3A_227 = tpu.memref_slice %arg2[%dma_wait3A_225, %dma_wait3A_226] : memref<320000x128xf32, #tpu.memory_space<hbm>> -> memref<40x128xf32, #tpu.memory_space<hbm>>
      %dma_wait3A_228 = arith.constant 0 : i32
      %dma_wait3A_229 = arith.constant 0 : i32
      %dma_wait3A_230 = tpu.memref_slice %arg7[%dma_wait3A_220, %dma_wait3A_228, %dma_wait3A_229] : memref<6x40x128xf32, #tpu.memory_space<vmem>> -> memref<1x40x128xf32, #tpu.memory_space<vmem>>
      %dma_wait3A_231 = tpu.memref_squeeze %dma_wait3A_230 : memref<1x40x128xf32, #tpu.memory_space<vmem>> -> memref<40x128xf32, #tpu.memory_space<vmem>>
      %dma_wait3A_232 = arith.constant 0 : i32
      %dma_wait3A_233 = arith.constant 0 : i32
      %dma_wait3A_234 = tpu.memref_slice %arg2[%dma_wait3A_232, %dma_wait3A_233] : memref<320000x128xf32, #tpu.memory_space<hbm>> -> memref<40x128xf32, #tpu.memory_space<hbm>>
      tpu.wait_dma2 semaphore(%arg9 : memref<!tpu.dma_semaphore, #tpu.memory_space<semaphore_mem>>) src(%dma_wait3A_234 : memref<40x128xf32, #tpu.memory_space<hbm>>) dst(%dma_wait3A_231 : memref<40x128xf32, #tpu.memory_space<vmem>>)
      %rem3A = arith.constant 6 : i32
      %rem3A_235 = arith.remsi %scan3A_210, %rem3A : i32
      %dma_start3A_236 = arith.constant 0 : i32
      %dma_start3A_237 = arith.constant 0 : i32
      %dma_start3A_238 = tpu.memref_slice %arg7[%rem3A_235, %dma_start3A_236, %dma_start3A_237] : memref<6x40x128xf32, #tpu.memory_space<vmem>> -> memref<1x40x128xf32, #tpu.memory_space<vmem>>
      %dma_start3A_239 = tpu.memref_squeeze %dma_start3A_238 : memref<1x40x128xf32, #tpu.memory_space<vmem>> -> memref<40x128xf32, #tpu.memory_space<vmem>>
      %dma_start3A_240 = arith.constant 0 : i32
      %dma_start3A_241 = tpu.memref_slice %arg6[%scan3A_210, %dma_start3A_240] : memref<125x40xi32, #tpu.memory_space<vmem>> -> memref<1x40xi32, #tpu.memory_space<vmem>>
      %dma_start3A_242 = tpu.memref_squeeze %dma_start3A_241 : memref<1x40xi32, #tpu.memory_space<vmem>> -> memref<40xi32, #tpu.memory_space<vmem>>
      %dma_start3A_243 = arith.constant 0 : i32
      %dma_start3A_244 = arith.constant 0 : i32
      %dma_start3A_245 = tpu.memref_slice %arg8[%dma_start3A_243, %dma_start3A_244] : memref<10240x128xf32, #tpu.memory_space<vmem_shared>> -> memref<10240x128xf32, #tpu.memory_space<vmem_shared>>
      tpu.enqueue_indirect_dma source(%dma_start3A_239 : memref<40x128xf32, #tpu.memory_space<vmem>>) target(%dma_start3A_245 : memref<10240x128xf32, #tpu.memory_space<vmem_shared>>) offsets(%dma_start3A_242 : memref<40xi32, #tpu.memory_space<vmem>>) semaphore(%arg10 : memref<!tpu.dma_semaphore, #tpu.memory_space<semaphore_mem>>) {add = true}
      %scan3A_246 = arith.constant 0 : i32
      scf.yield %scan3A_246 : i32
    }
    %scan3A_144 = arith.constant 125 : i32
    %dma_wait3A_145 = arith.constant 0 : i32
    %dma_wait3A_146 = arith.constant 0 : i32
    %dma_wait3A_147 = arith.constant 0 : i32
    %dma_wait3A_148 = tpu.memref_slice %arg7[%dma_wait3A_145, %dma_wait3A_146, %dma_wait3A_147] : memref<6x40x128xf32, #tpu.memory_space<vmem>> -> memref<1x40x128xf32, #tpu.memory_space<vmem>>
    %dma_wait3A_149 = tpu.memref_squeeze %dma_wait3A_148 : memref<1x40x128xf32, #tpu.memory_space<vmem>> -> memref<40x128xf32, #tpu.memory_space<vmem>>
    %dma_wait3A_150 = arith.constant 0 : i32
    %dma_wait3A_151 = arith.constant 0 : i32
    %dma_wait3A_152 = tpu.memref_slice %arg2[%dma_wait3A_150, %dma_wait3A_151] : memref<320000x128xf32, #tpu.memory_space<hbm>> -> memref<40x128xf32, #tpu.memory_space<hbm>>
    %dma_wait3A_153 = arith.constant 0 : i32
    %dma_wait3A_154 = arith.constant 0 : i32
    %dma_wait3A_155 = tpu.memref_slice %arg7[%dma_wait3A_145, %dma_wait3A_153, %dma_wait3A_154] : memref<6x40x128xf32, #tpu.memory_space<vmem>> -> memref<1x40x128xf32, #tpu.memory_space<vmem>>
    %dma_wait3A_156 = tpu.memref_squeeze %dma_wait3A_155 : memref<1x40x128xf32, #tpu.memory_space<vmem>> -> memref<40x128xf32, #tpu.memory_space<vmem>>
    %dma_wait3A_157 = arith.constant 0 : i32
    %dma_wait3A_158 = arith.constant 0 : i32
    %dma_wait3A_159 = tpu.memref_slice %arg2[%dma_wait3A_157, %dma_wait3A_158] : memref<320000x128xf32, #tpu.memory_space<hbm>> -> memref<40x128xf32, #tpu.memory_space<hbm>>
    tpu.wait_dma2 semaphore(%arg10 : memref<!tpu.dma_semaphore, #tpu.memory_space<semaphore_mem>>) src(%dma_wait3A_159 : memref<40x128xf32, #tpu.memory_space<hbm>>) dst(%dma_wait3A_156 : memref<40x128xf32, #tpu.memory_space<vmem>>)
    %dma_wait3A_160 = arith.constant 0 : i32
    %dma_wait3A_161 = arith.constant 0 : i32
    %dma_wait3A_162 = arith.constant 0 : i32
    %dma_wait3A_163 = tpu.memref_slice %arg7[%dma_wait3A_160, %dma_wait3A_161, %dma_wait3A_162] : memref<6x40x128xf32, #tpu.memory_space<vmem>> -> memref<1x40x128xf32, #tpu.memory_space<vmem>>
    %dma_wait3A_164 = tpu.memref_squeeze %dma_wait3A_163 : memref<1x40x128xf32, #tpu.memory_space<vmem>> -> memref<40x128xf32, #tpu.memory_space<vmem>>
    %dma_wait3A_165 = arith.constant 0 : i32
    %dma_wait3A_166 = arith.constant 0 : i32
    %dma_wait3A_167 = tpu.memref_slice %arg2[%dma_wait3A_165, %dma_wait3A_166] : memref<320000x128xf32, #tpu.memory_space<hbm>> -> memref<40x128xf32, #tpu.memory_space<hbm>>
    %dma_wait3A_168 = arith.constant 0 : i32
    %dma_wait3A_169 = arith.constant 0 : i32
    %dma_wait3A_170 = tpu.memref_slice %arg7[%dma_wait3A_160, %dma_wait3A_168, %dma_wait3A_169] : memref<6x40x128xf32, #tpu.memory_space<vmem>> -> memref<1x40x128xf32, #tpu.memory_space<vmem>>
    %dma_wait3A_171 = tpu.memref_squeeze %dma_wait3A_170 : memref<1x40x128xf32, #tpu.memory_space<vmem>> -> memref<40x128xf32, #tpu.memory_space<vmem>>
    %dma_wait3A_172 = arith.constant 0 : i32
    %dma_wait3A_173 = arith.constant 0 : i32
    %dma_wait3A_174 = tpu.memref_slice %arg2[%dma_wait3A_172, %dma_wait3A_173] : memref<320000x128xf32, #tpu.memory_space<hbm>> -> memref<40x128xf32, #tpu.memory_space<hbm>>
    tpu.wait_dma2 semaphore(%arg10 : memref<!tpu.dma_semaphore, #tpu.memory_space<semaphore_mem>>) src(%dma_wait3A_174 : memref<40x128xf32, #tpu.memory_space<hbm>>) dst(%dma_wait3A_171 : memref<40x128xf32, #tpu.memory_space<vmem>>)
    %dma_wait3A_175 = arith.constant 0 : i32
    %dma_wait3A_176 = arith.constant 0 : i32
    %dma_wait3A_177 = arith.constant 0 : i32
    %dma_wait3A_178 = tpu.memref_slice %arg7[%dma_wait3A_175, %dma_wait3A_176, %dma_wait3A_177] : memref<6x40x128xf32, #tpu.memory_space<vmem>> -> memref<1x40x128xf32, #tpu.memory_space<vmem>>
    %dma_wait3A_179 = tpu.memref_squeeze %dma_wait3A_178 : memref<1x40x128xf32, #tpu.memory_space<vmem>> -> memref<40x128xf32, #tpu.memory_space<vmem>>
    %dma_wait3A_180 = arith.constant 0 : i32
    %dma_wait3A_181 = arith.constant 0 : i32
    %dma_wait3A_182 = tpu.memref_slice %arg2[%dma_wait3A_180, %dma_wait3A_181] : memref<320000x128xf32, #tpu.memory_space<hbm>> -> memref<40x128xf32, #tpu.memory_space<hbm>>
    %dma_wait3A_183 = arith.constant 0 : i32
    %dma_wait3A_184 = arith.constant 0 : i32
    %dma_wait3A_185 = tpu.memref_slice %arg7[%dma_wait3A_175, %dma_wait3A_183, %dma_wait3A_184] : memref<6x40x128xf32, #tpu.memory_space<vmem>> -> memref<1x40x128xf32, #tpu.memory_space<vmem>>
    %dma_wait3A_186 = tpu.memref_squeeze %dma_wait3A_185 : memref<1x40x128xf32, #tpu.memory_space<vmem>> -> memref<40x128xf32, #tpu.memory_space<vmem>>
    %dma_wait3A_187 = arith.constant 0 : i32
    %dma_wait3A_188 = arith.constant 0 : i32
    %dma_wait3A_189 = tpu.memref_slice %arg2[%dma_wait3A_187, %dma_wait3A_188] : memref<320000x128xf32, #tpu.memory_space<hbm>> -> memref<40x128xf32, #tpu.memory_space<hbm>>
    tpu.wait_dma2 semaphore(%arg10 : memref<!tpu.dma_semaphore, #tpu.memory_space<semaphore_mem>>) src(%dma_wait3A_189 : memref<40x128xf32, #tpu.memory_space<hbm>>) dst(%dma_wait3A_186 : memref<40x128xf32, #tpu.memory_space<vmem>>)
    %dma_wait3A_190 = arith.constant 0 : i32
    %dma_wait3A_191 = arith.constant 0 : i32
    %dma_wait3A_192 = arith.constant 0 : i32
    %dma_wait3A_193 = tpu.memref_slice %arg7[%dma_wait3A_190, %dma_wait3A_191, %dma_wait3A_192] : memref<6x40x128xf32, #tpu.memory_space<vmem>> -> memref<1x40x128xf32, #tpu.memory_space<vmem>>
    %dma_wait3A_194 = tpu.memref_squeeze %dma_wait3A_193 : memref<1x40x128xf32, #tpu.memory_space<vmem>> -> memref<40x128xf32, #tpu.memory_space<vmem>>
    %dma_wait3A_195 = arith.constant 0 : i32
    %dma_wait3A_196 = arith.constant 0 : i32
    %dma_wait3A_197 = tpu.memref_slice %arg2[%dma_wait3A_195, %dma_wait3A_196] : memref<320000x128xf32, #tpu.memory_space<hbm>> -> memref<40x128xf32, #tpu.memory_space<hbm>>
    %dma_wait3A_198 = arith.constant 0 : i32
    %dma_wait3A_199 = arith.constant 0 : i32
    %dma_wait3A_200 = tpu.memref_slice %arg7[%dma_wait3A_190, %dma_wait3A_198, %dma_wait3A_199] : memref<6x40x128xf32, #tpu.memory_space<vmem>> -> memref<1x40x128xf32, #tpu.memory_space<vmem>>
    %dma_wait3A_201 = tpu.memref_squeeze %dma_wait3A_200 : memref<1x40x128xf32, #tpu.memory_space<vmem>> -> memref<40x128xf32, #tpu.memory_space<vmem>>
    %dma_wait3A_202 = arith.constant 0 : i32
    %dma_wait3A_203 = arith.constant 0 : i32
    %dma_wait3A_204 = tpu.memref_slice %arg2[%dma_wait3A_202, %dma_wait3A_203] : memref<320000x128xf32, #tpu.memory_space<hbm>> -> memref<40x128xf32, #tpu.memory_space<hbm>>
    tpu.wait_dma2 semaphore(%arg10 : memref<!tpu.dma_semaphore, #tpu.memory_space<semaphore_mem>>) src(%dma_wait3A_204 : memref<40x128xf32, #tpu.memory_space<hbm>>) dst(%dma_wait3A_201 : memref<40x128xf32, #tpu.memory_space<vmem>>)
    %barrier3A_205 = arith.constant 0 : index
    tpu.barrier barrier_id(%barrier3A_205)
    %mul3A_206 = arith.constant 640 : i32
    %mul3A_207 = arith.muli %arg1, %mul3A_206 : i32
    %mul3A_208 = arith.constant 640 : i32
    %mul3A_209 = arith.muli %arg1, %mul3A_208 : i32
    "tpu.region"() ({
      %run_scoped3A_210 = tpu.sem_alloc : memref<!tpu.dma_semaphore, #tpu.memory_space<semaphore_mem>>
      %dma_start3A_211 = arith.constant 0 : i32
      %dma_start3A_212 = tpu.memref_slice %arg5[%arg0, %mul3A_209, %dma_start3A_211] : memref<2x10240x128xf32, #tpu.memory_space<hbm>> -> memref<1x640x128xf32, #tpu.memory_space<hbm>>
      %dma_start3A_213 = tpu.memref_squeeze %dma_start3A_212 : memref<1x640x128xf32, #tpu.memory_space<hbm>> -> memref<640x128xf32, #tpu.memory_space<hbm>>
      %dma_start3A_214 = arith.constant 0 : i32
      %dma_start3A_215 = tpu.memref_slice %arg8[%mul3A_207, %dma_start3A_214] : memref<10240x128xf32, #tpu.memory_space<vmem_shared>> -> memref<640x128xf32, #tpu.memory_space<vmem_shared>>
      tpu.enqueue_dma source(%dma_start3A_215 : memref<640x128xf32, #tpu.memory_space<vmem_shared>>) target(%dma_start3A_213 : memref<640x128xf32, #tpu.memory_space<hbm>>) target_semaphore(%run_scoped3A_210 : memref<!tpu.dma_semaphore, #tpu.memory_space<semaphore_mem>>)
      %dma_wait3A_216 = arith.constant 0 : i32
      %dma_wait3A_217 = tpu.memref_slice %arg5[%arg0, %mul3A_209, %dma_wait3A_216] : memref<2x10240x128xf32, #tpu.memory_space<hbm>> -> memref<1x640x128xf32, #tpu.memory_space<hbm>>
      %dma_wait3A_218 = tpu.memref_squeeze %dma_wait3A_217 : memref<1x640x128xf32, #tpu.memory_space<hbm>> -> memref<640x128xf32, #tpu.memory_space<hbm>>
      %dma_wait3A_219 = arith.constant 0 : i32
      %dma_wait3A_220 = tpu.memref_slice %arg8[%mul3A_207, %dma_wait3A_219] : memref<10240x128xf32, #tpu.memory_space<vmem_shared>> -> memref<640x128xf32, #tpu.memory_space<vmem_shared>>
      tpu.wait_dma2 semaphore(%run_scoped3A_210 : memref<!tpu.dma_semaphore, #tpu.memory_space<semaphore_mem>>) src(%dma_wait3A_220 : memref<640x128xf32, #tpu.memory_space<vmem_shared>>) dst(%dma_wait3A_218 : memref<640x128xf32, #tpu.memory_space<hbm>>)
      tpu.yield
    }) : () -> ()
    return
  }
}

#map = affine_map<(d0, d1) -> (0, 0)>
#map1 = affine_map<(d0, d1) -> (0, 0, 0, 0)>
module attributes {stable_mosaic.version = 14 : i64} {
  func.func @_sc_gather(%arg0: i32, %arg1: i32, %arg2: memref<10240x128xf32, #tpu.memory_space<hbm>>, %arg3: memref<32x2x125x40xi32, #tpu.memory_space<hbm>>, %arg4: memref<320000x128xf32, #tpu.memory_space<hbm>>, %arg5: memref<125x40xi32, #tpu.memory_space<vmem>>, %arg6: memref<6x40x128xf32, #tpu.memory_space<vmem>>, %arg7: memref<10240x128xf32, #tpu.memory_space<vmem_shared>>, %arg8: memref<!tpu.dma_semaphore, #tpu.memory_space<semaphore_mem>>, %arg9: memref<!tpu.dma_semaphore, #tpu.memory_space<semaphore_mem>>) attributes {dimension_semantics = [#tpu.dimension_semantics<core_parallel>, #tpu.dimension_semantics<subcore_parallel>], iteration_bounds = array<i64: 2, 16>, scalar_prefetch = 0 : i64, scratch_operands = 5 : i64, tpu.core_type = #tpu.core_type<sc_vector_subcore>, window_params = [{transform_indices = #map}, {transform_indices = #map1}, {transform_indices = #map}]} {
    %mul3A = arith.constant 2 : i32
    %mul3A_0 = arith.muli %arg1, %mul3A : i32
    %add3A = arith.addi %mul3A_0, %arg0 : i32
    %mul3A_1 = arith.constant 640 : i32
    %mul3A_2 = arith.muli %arg1, %mul3A_1 : i32
    %mul3A_3 = arith.constant 640 : i32
    %mul3A_4 = arith.muli %arg1, %mul3A_3 : i32
    "tpu.region"() ({
      %run_scoped3A_200 = tpu.sem_alloc : memref<!tpu.dma_semaphore, #tpu.memory_space<semaphore_mem>>
      %dma_start3A_201 = arith.constant 0 : i32
      %dma_start3A_202 = tpu.memref_slice %arg7[%mul3A_4, %dma_start3A_201] : memref<10240x128xf32, #tpu.memory_space<vmem_shared>> -> memref<640x128xf32, #tpu.memory_space<vmem_shared>>
      %dma_start3A_203 = arith.constant 0 : i32
      %dma_start3A_204 = tpu.memref_slice %arg2[%mul3A_2, %dma_start3A_203] : memref<10240x128xf32, #tpu.memory_space<hbm>> -> memref<640x128xf32, #tpu.memory_space<hbm>>
      tpu.enqueue_dma source(%dma_start3A_204 : memref<640x128xf32, #tpu.memory_space<hbm>>) target(%dma_start3A_202 : memref<640x128xf32, #tpu.memory_space<vmem_shared>>) target_semaphore(%run_scoped3A_200 : memref<!tpu.dma_semaphore, #tpu.memory_space<semaphore_mem>>)
      %dma_wait3A_205 = arith.constant 0 : i32
      %dma_wait3A_206 = tpu.memref_slice %arg7[%mul3A_4, %dma_wait3A_205] : memref<10240x128xf32, #tpu.memory_space<vmem_shared>> -> memref<640x128xf32, #tpu.memory_space<vmem_shared>>
      %dma_wait3A_207 = arith.constant 0 : i32
      %dma_wait3A_208 = tpu.memref_slice %arg2[%mul3A_2, %dma_wait3A_207] : memref<10240x128xf32, #tpu.memory_space<hbm>> -> memref<640x128xf32, #tpu.memory_space<hbm>>
      tpu.wait_dma2 semaphore(%run_scoped3A_200 : memref<!tpu.dma_semaphore, #tpu.memory_space<semaphore_mem>>) src(%dma_wait3A_208 : memref<640x128xf32, #tpu.memory_space<hbm>>) dst(%dma_wait3A_206 : memref<640x128xf32, #tpu.memory_space<vmem_shared>>)
      tpu.yield
    }) : () -> ()
    %barrier3A = arith.constant 0 : index
    tpu.barrier barrier_id(%barrier3A)
    %run_scoped3A = arith.constant 0 : i32
    "tpu.region"() ({
      %run_scoped3A_200 = tpu.sem_alloc : memref<!tpu.dma_semaphore, #tpu.memory_space<semaphore_mem>>
      %dma_start3A_201 = arith.constant 0 : i32
      %dma_start3A_202 = arith.constant 0 : i32
      %dma_start3A_203 = tpu.memref_slice %arg3[%add3A, %run_scoped3A, %dma_start3A_201, %dma_start3A_202] : memref<32x2x125x40xi32, #tpu.memory_space<hbm>> -> memref<1x1x125x40xi32, #tpu.memory_space<hbm>>
      %dma_start3A_204 = tpu.memref_squeeze %dma_start3A_203 : memref<1x1x125x40xi32, #tpu.memory_space<hbm>> -> memref<125x40xi32, #tpu.memory_space<hbm>>
      %dma_start3A_205 = arith.constant 0 : i32
      %dma_start3A_206 = arith.constant 0 : i32
      %dma_start3A_207 = tpu.memref_slice %arg3[%add3A, %run_scoped3A, %dma_start3A_205, %dma_start3A_206] : memref<32x2x125x40xi32, #tpu.memory_space<hbm>> -> memref<1x1x125x40xi32, #tpu.memory_space<hbm>>
      %dma_start3A_208 = tpu.memref_squeeze %dma_start3A_207 : memref<1x1x125x40xi32, #tpu.memory_space<hbm>> -> memref<125x40xi32, #tpu.memory_space<hbm>>
      tpu.enqueue_dma source(%dma_start3A_208 : memref<125x40xi32, #tpu.memory_space<hbm>>) target(%arg5 : memref<125x40xi32, #tpu.memory_space<vmem>>) target_semaphore(%run_scoped3A_200 : memref<!tpu.dma_semaphore, #tpu.memory_space<semaphore_mem>>)
      %dma_wait3A_209 = arith.constant 0 : i32
      %dma_wait3A_210 = arith.constant 0 : i32
      %dma_wait3A_211 = tpu.memref_slice %arg3[%add3A, %run_scoped3A, %dma_wait3A_209, %dma_wait3A_210] : memref<32x2x125x40xi32, #tpu.memory_space<hbm>> -> memref<1x1x125x40xi32, #tpu.memory_space<hbm>>
      %dma_wait3A_212 = tpu.memref_squeeze %dma_wait3A_211 : memref<1x1x125x40xi32, #tpu.memory_space<hbm>> -> memref<125x40xi32, #tpu.memory_space<hbm>>
      %dma_wait3A_213 = arith.constant 0 : i32
      %dma_wait3A_214 = arith.constant 0 : i32
      %dma_wait3A_215 = tpu.memref_slice %arg3[%add3A, %run_scoped3A, %dma_wait3A_213, %dma_wait3A_214] : memref<32x2x125x40xi32, #tpu.memory_space<hbm>> -> memref<1x1x125x40xi32, #tpu.memory_space<hbm>>
      %dma_wait3A_216 = tpu.memref_squeeze %dma_wait3A_215 : memref<1x1x125x40xi32, #tpu.memory_space<hbm>> -> memref<125x40xi32, #tpu.memory_space<hbm>>
      tpu.wait_dma2 semaphore(%run_scoped3A_200 : memref<!tpu.dma_semaphore, #tpu.memory_space<semaphore_mem>>) src(%dma_wait3A_216 : memref<125x40xi32, #tpu.memory_space<hbm>>) dst(%arg5 : memref<125x40xi32, #tpu.memory_space<vmem>>)
      tpu.yield
    }) : () -> ()
    %mul3A_5 = arith.constant 10000 : i32
    %mul3A_6 = arith.muli %add3A, %mul3A_5 : i32
    %add3A_7 = arith.constant 0 : i32
    %add3A_8 = arith.addi %mul3A_6, %add3A_7 : i32
    %rem3A = arith.constant 0 : i32
    %rem3A_9 = arith.constant 6 : i32
    %rem3A_10 = arith.remsi %rem3A, %rem3A_9 : i32
    %dma_start3A = arith.constant 0 : i32
    %dma_start3A_11 = arith.constant 0 : i32
    %dma_start3A_12 = arith.constant 0 : i32
    %dma_start3A_13 = tpu.memref_slice %arg6[%rem3A_10, %dma_start3A_11, %dma_start3A_12] : memref<6x40x128xf32, #tpu.memory_space<vmem>> -> memref<1x40x128xf32, #tpu.memory_space<vmem>>
    %dma_start3A_14 = tpu.memref_squeeze %dma_start3A_13 : memref<1x40x128xf32, #tpu.memory_space<vmem>> -> memref<40x128xf32, #tpu.memory_space<vmem>>
    %dma_start3A_15 = arith.constant 0 : i32
    %dma_start3A_16 = tpu.memref_slice %arg5[%dma_start3A, %dma_start3A_15] : memref<125x40xi32, #tpu.memory_space<vmem>> -> memref<1x40xi32, #tpu.memory_space<vmem>>
    %dma_start3A_17 = tpu.memref_squeeze %dma_start3A_16 : memref<1x40xi32, #tpu.memory_space<vmem>> -> memref<40xi32, #tpu.memory_space<vmem>>
    %dma_start3A_18 = arith.constant 0 : i32
    %dma_start3A_19 = arith.constant 0 : i32
    %dma_start3A_20 = tpu.memref_slice %arg7[%dma_start3A_18, %dma_start3A_19] : memref<10240x128xf32, #tpu.memory_space<vmem_shared>> -> memref<10240x128xf32, #tpu.memory_space<vmem_shared>>
    tpu.enqueue_indirect_dma source(%dma_start3A_20 : memref<10240x128xf32, #tpu.memory_space<vmem_shared>>) target(%dma_start3A_14 : memref<40x128xf32, #tpu.memory_space<vmem>>) offsets(%dma_start3A_17 : memref<40xi32, #tpu.memory_space<vmem>>) semaphore(%arg8 : memref<!tpu.dma_semaphore, #tpu.memory_space<semaphore_mem>>)
    %rem3A_21 = arith.constant 1 : i32
    %rem3A_22 = arith.constant 6 : i32
    %rem3A_23 = arith.remsi %rem3A_21, %rem3A_22 : i32
    %dma_start3A_24 = arith.constant 1 : i32
    %dma_start3A_25 = arith.constant 0 : i32
    %dma_start3A_26 = arith.constant 0 : i32
    %dma_start3A_27 = tpu.memref_slice %arg6[%rem3A_23, %dma_start3A_25, %dma_start3A_26] : memref<6x40x128xf32, #tpu.memory_space<vmem>> -> memref<1x40x128xf32, #tpu.memory_space<vmem>>
    %dma_start3A_28 = tpu.memref_squeeze %dma_start3A_27 : memref<1x40x128xf32, #tpu.memory_space<vmem>> -> memref<40x128xf32, #tpu.memory_space<vmem>>
    %dma_start3A_29 = arith.constant 0 : i32
    %dma_start3A_30 = tpu.memref_slice %arg5[%dma_start3A_24, %dma_start3A_29] : memref<125x40xi32, #tpu.memory_space<vmem>> -> memref<1x40xi32, #tpu.memory_space<vmem>>
    %dma_start3A_31 = tpu.memref_squeeze %dma_start3A_30 : memref<1x40xi32, #tpu.memory_space<vmem>> -> memref<40xi32, #tpu.memory_space<vmem>>
    %dma_start3A_32 = arith.constant 0 : i32
    %dma_start3A_33 = arith.constant 0 : i32
    %dma_start3A_34 = tpu.memref_slice %arg7[%dma_start3A_32, %dma_start3A_33] : memref<10240x128xf32, #tpu.memory_space<vmem_shared>> -> memref<10240x128xf32, #tpu.memory_space<vmem_shared>>
    tpu.enqueue_indirect_dma source(%dma_start3A_34 : memref<10240x128xf32, #tpu.memory_space<vmem_shared>>) target(%dma_start3A_28 : memref<40x128xf32, #tpu.memory_space<vmem>>) offsets(%dma_start3A_31 : memref<40xi32, #tpu.memory_space<vmem>>) semaphore(%arg8 : memref<!tpu.dma_semaphore, #tpu.memory_space<semaphore_mem>>)
    %scan3A = arith.constant 0 : i32
    %scan3A_35 = arith.constant 0 : i32
    %scan3A_36 = arith.constant 125 : i32
    %scan3A_37 = arith.addi %scan3A_35, %scan3A_36 : i32
    %scan3A_38 = arith.constant 1 : i32
    %scan3A_39 = scf.for %scan3A_200 = %scan3A_35 to %scan3A_37 step %scan3A_38 iter_args(%scan3A_201 = %scan3A) -> (i32)  : i32 {
      %ge3A = arith.constant 4 : i32
      %ge3A_202 = arith.cmpi sge, %scan3A_200, %ge3A : i32
      %convert_element_type3A = arith.extui %ge3A_202 : i1 to i32
      %cond3A = arith.constant 0 : i32
      %cond3A_203 = arith.cmpi ne, %convert_element_type3A, %cond3A : i32
      scf.if %cond3A_203 {
        %dma_wait3A_243 = arith.constant 0 : i32
        %dma_wait3A_244 = arith.constant 0 : i32
        %dma_wait3A_245 = arith.constant 0 : i32
        %dma_wait3A_246 = tpu.memref_slice %arg6[%dma_wait3A_243, %dma_wait3A_244, %dma_wait3A_245] : memref<6x40x128xf32, #tpu.memory_space<vmem>> -> memref<1x40x128xf32, #tpu.memory_space<vmem>>
        %dma_wait3A_247 = tpu.memref_squeeze %dma_wait3A_246 : memref<1x40x128xf32, #tpu.memory_space<vmem>> -> memref<40x128xf32, #tpu.memory_space<vmem>>
        %dma_wait3A_248 = arith.constant 0 : i32
        %dma_wait3A_249 = arith.constant 0 : i32
        %dma_wait3A_250 = tpu.memref_slice %arg4[%dma_wait3A_248, %dma_wait3A_249] : memref<320000x128xf32, #tpu.memory_space<hbm>> -> memref<40x128xf32, #tpu.memory_space<hbm>>
        %dma_wait3A_251 = arith.constant 0 : i32
        %dma_wait3A_252 = arith.constant 0 : i32
        %dma_wait3A_253 = tpu.memref_slice %arg6[%dma_wait3A_243, %dma_wait3A_251, %dma_wait3A_252] : memref<6x40x128xf32, #tpu.memory_space<vmem>> -> memref<1x40x128xf32, #tpu.memory_space<vmem>>
        %dma_wait3A_254 = tpu.memref_squeeze %dma_wait3A_253 : memref<1x40x128xf32, #tpu.memory_space<vmem>> -> memref<40x128xf32, #tpu.memory_space<vmem>>
        %dma_wait3A_255 = arith.constant 0 : i32
        %dma_wait3A_256 = arith.constant 0 : i32
        %dma_wait3A_257 = tpu.memref_slice %arg4[%dma_wait3A_255, %dma_wait3A_256] : memref<320000x128xf32, #tpu.memory_space<hbm>> -> memref<40x128xf32, #tpu.memory_space<hbm>>
        tpu.wait_dma2 semaphore(%arg9 : memref<!tpu.dma_semaphore, #tpu.memory_space<semaphore_mem>>) src(%dma_wait3A_257 : memref<40x128xf32, #tpu.memory_space<hbm>>) dst(%dma_wait3A_254 : memref<40x128xf32, #tpu.memory_space<vmem>>)
      } else {
      }
      %add3A_204 = arith.constant 2 : i32
      %add3A_205 = arith.addi %scan3A_200, %add3A_204 : i32
      %lt3A = arith.constant 125 : i32
      %lt3A_206 = arith.cmpi slt, %add3A_205, %lt3A : i32
      %convert_element_type3A_207 = arith.extui %lt3A_206 : i1 to i32
      %cond3A_208 = arith.constant 0 : i32
      %cond3A_209 = arith.cmpi ne, %convert_element_type3A_207, %cond3A_208 : i32
      scf.if %cond3A_209 {
        %add3A_243 = arith.constant 2 : i32
        %add3A_244 = arith.addi %scan3A_200, %add3A_243 : i32
        %rem3A_245 = arith.constant 6 : i32
        %rem3A_246 = arith.remsi %add3A_244, %rem3A_245 : i32
        %dma_start3A_247 = arith.constant 0 : i32
        %dma_start3A_248 = arith.constant 0 : i32
        %dma_start3A_249 = tpu.memref_slice %arg6[%rem3A_246, %dma_start3A_247, %dma_start3A_248] : memref<6x40x128xf32, #tpu.memory_space<vmem>> -> memref<1x40x128xf32, #tpu.memory_space<vmem>>
        %dma_start3A_250 = tpu.memref_squeeze %dma_start3A_249 : memref<1x40x128xf32, #tpu.memory_space<vmem>> -> memref<40x128xf32, #tpu.memory_space<vmem>>
        %dma_start3A_251 = arith.constant 0 : i32
        %dma_start3A_252 = tpu.memref_slice %arg5[%add3A_244, %dma_start3A_251] : memref<125x40xi32, #tpu.memory_space<vmem>> -> memref<1x40xi32, #tpu.memory_space<vmem>>
        %dma_start3A_253 = tpu.memref_squeeze %dma_start3A_252 : memref<1x40xi32, #tpu.memory_space<vmem>> -> memref<40xi32, #tpu.memory_space<vmem>>
        %dma_start3A_254 = arith.constant 0 : i32
        %dma_start3A_255 = arith.constant 0 : i32
        %dma_start3A_256 = tpu.memref_slice %arg7[%dma_start3A_254, %dma_start3A_255] : memref<10240x128xf32, #tpu.memory_space<vmem_shared>> -> memref<10240x128xf32, #tpu.memory_space<vmem_shared>>
        tpu.enqueue_indirect_dma source(%dma_start3A_256 : memref<10240x128xf32, #tpu.memory_space<vmem_shared>>) target(%dma_start3A_250 : memref<40x128xf32, #tpu.memory_space<vmem>>) offsets(%dma_start3A_253 : memref<40xi32, #tpu.memory_space<vmem>>) semaphore(%arg8 : memref<!tpu.dma_semaphore, #tpu.memory_space<semaphore_mem>>)
      } else {
      }
      %dma_wait3A_210 = arith.constant 0 : i32
      %dma_wait3A_211 = arith.constant 0 : i32
      %dma_wait3A_212 = arith.constant 0 : i32
      %dma_wait3A_213 = tpu.memref_slice %arg6[%dma_wait3A_210, %dma_wait3A_211, %dma_wait3A_212] : memref<6x40x128xf32, #tpu.memory_space<vmem>> -> memref<1x40x128xf32, #tpu.memory_space<vmem>>
      %dma_wait3A_214 = tpu.memref_squeeze %dma_wait3A_213 : memref<1x40x128xf32, #tpu.memory_space<vmem>> -> memref<40x128xf32, #tpu.memory_space<vmem>>
      %dma_wait3A_215 = arith.constant 0 : i32
      %dma_wait3A_216 = arith.constant 0 : i32
      %dma_wait3A_217 = tpu.memref_slice %arg4[%dma_wait3A_215, %dma_wait3A_216] : memref<320000x128xf32, #tpu.memory_space<hbm>> -> memref<40x128xf32, #tpu.memory_space<hbm>>
      %dma_wait3A_218 = arith.constant 0 : i32
      %dma_wait3A_219 = arith.constant 0 : i32
      %dma_wait3A_220 = tpu.memref_slice %arg6[%dma_wait3A_210, %dma_wait3A_218, %dma_wait3A_219] : memref<6x40x128xf32, #tpu.memory_space<vmem>> -> memref<1x40x128xf32, #tpu.memory_space<vmem>>
      %dma_wait3A_221 = tpu.memref_squeeze %dma_wait3A_220 : memref<1x40x128xf32, #tpu.memory_space<vmem>> -> memref<40x128xf32, #tpu.memory_space<vmem>>
      %dma_wait3A_222 = arith.constant 0 : i32
      %dma_wait3A_223 = arith.constant 0 : i32
      %dma_wait3A_224 = tpu.memref_slice %arg4[%dma_wait3A_222, %dma_wait3A_223] : memref<320000x128xf32, #tpu.memory_space<hbm>> -> memref<40x128xf32, #tpu.memory_space<hbm>>
      tpu.wait_dma2 semaphore(%arg8 : memref<!tpu.dma_semaphore, #tpu.memory_space<semaphore_mem>>) src(%dma_wait3A_224 : memref<40x128xf32, #tpu.memory_space<hbm>>) dst(%dma_wait3A_221 : memref<40x128xf32, #tpu.memory_space<vmem>>)
      %rem3A_225 = arith.constant 6 : i32
      %rem3A_226 = arith.remsi %scan3A_200, %rem3A_225 : i32
      %mul3A_227 = arith.constant 40 : i32
      %mul3A_228 = arith.muli %scan3A_200, %mul3A_227 : i32
      %add3A_229 = arith.addi %add3A_8, %mul3A_228 : i32
      %dma_start3A_230 = arith.constant 0 : i32
      %dma_start3A_231 = arith.constant 0 : i32
      %dma_start3A_232 = tpu.memref_slice %arg6[%rem3A_226, %dma_start3A_230, %dma_start3A_231] : memref<6x40x128xf32, #tpu.memory_space<vmem>> -> memref<1x40x128xf32, #tpu.memory_space<vmem>>
      %dma_start3A_233 = tpu.memref_squeeze %dma_start3A_232 : memref<1x40x128xf32, #tpu.memory_space<vmem>> -> memref<40x128xf32, #tpu.memory_space<vmem>>
      %dma_start3A_234 = arith.constant 0 : i32
      %dma_start3A_235 = tpu.memref_slice %arg4[%add3A_229, %dma_start3A_234] : memref<320000x128xf32, #tpu.memory_space<hbm>> -> memref<40x128xf32, #tpu.memory_space<hbm>>
      %dma_start3A_236 = arith.constant 0 : i32
      %dma_start3A_237 = tpu.memref_slice %arg4[%add3A_229, %dma_start3A_236] : memref<320000x128xf32, #tpu.memory_space<hbm>> -> memref<40x128xf32, #tpu.memory_space<hbm>>
      %dma_start3A_238 = arith.constant 0 : i32
      %dma_start3A_239 = arith.constant 0 : i32
      %dma_start3A_240 = tpu.memref_slice %arg6[%rem3A_226, %dma_start3A_238, %dma_start3A_239] : memref<6x40x128xf32, #tpu.memory_space<vmem>> -> memref<1x40x128xf32, #tpu.memory_space<vmem>>
      %dma_start3A_241 = tpu.memref_squeeze %dma_start3A_240 : memref<1x40x128xf32, #tpu.memory_space<vmem>> -> memref<40x128xf32, #tpu.memory_space<vmem>>
      tpu.enqueue_dma source(%dma_start3A_241 : memref<40x128xf32, #tpu.memory_space<vmem>>) target(%dma_start3A_237 : memref<40x128xf32, #tpu.memory_space<hbm>>) target_semaphore(%arg9 : memref<!tpu.dma_semaphore, #tpu.memory_space<semaphore_mem>>)
      %scan3A_242 = arith.constant 0 : i32
      scf.yield %scan3A_242 : i32
    }
    %scan3A_40 = arith.constant 125 : i32
    %dma_wait3A = arith.constant 0 : i32
    %dma_wait3A_41 = arith.constant 0 : i32
    %dma_wait3A_42 = arith.constant 0 : i32
    %dma_wait3A_43 = tpu.memref_slice %arg6[%dma_wait3A, %dma_wait3A_41, %dma_wait3A_42] : memref<6x40x128xf32, #tpu.memory_space<vmem>> -> memref<1x40x128xf32, #tpu.memory_space<vmem>>
    %dma_wait3A_44 = tpu.memref_squeeze %dma_wait3A_43 : memref<1x40x128xf32, #tpu.memory_space<vmem>> -> memref<40x128xf32, #tpu.memory_space<vmem>>
    %dma_wait3A_45 = arith.constant 0 : i32
    %dma_wait3A_46 = arith.constant 0 : i32
    %dma_wait3A_47 = tpu.memref_slice %arg4[%dma_wait3A_45, %dma_wait3A_46] : memref<320000x128xf32, #tpu.memory_space<hbm>> -> memref<40x128xf32, #tpu.memory_space<hbm>>
    %dma_wait3A_48 = arith.constant 0 : i32
    %dma_wait3A_49 = arith.constant 0 : i32
    %dma_wait3A_50 = tpu.memref_slice %arg6[%dma_wait3A, %dma_wait3A_48, %dma_wait3A_49] : memref<6x40x128xf32, #tpu.memory_space<vmem>> -> memref<1x40x128xf32, #tpu.memory_space<vmem>>
    %dma_wait3A_51 = tpu.memref_squeeze %dma_wait3A_50 : memref<1x40x128xf32, #tpu.memory_space<vmem>> -> memref<40x128xf32, #tpu.memory_space<vmem>>
    %dma_wait3A_52 = arith.constant 0 : i32
    %dma_wait3A_53 = arith.constant 0 : i32
    %dma_wait3A_54 = tpu.memref_slice %arg4[%dma_wait3A_52, %dma_wait3A_53] : memref<320000x128xf32, #tpu.memory_space<hbm>> -> memref<40x128xf32, #tpu.memory_space<hbm>>
    tpu.wait_dma2 semaphore(%arg9 : memref<!tpu.dma_semaphore, #tpu.memory_space<semaphore_mem>>) src(%dma_wait3A_54 : memref<40x128xf32, #tpu.memory_space<hbm>>) dst(%dma_wait3A_51 : memref<40x128xf32, #tpu.memory_space<vmem>>)
    %dma_wait3A_55 = arith.constant 0 : i32
    %dma_wait3A_56 = arith.constant 0 : i32
    %dma_wait3A_57 = arith.constant 0 : i32
    %dma_wait3A_58 = tpu.memref_slice %arg6[%dma_wait3A_55, %dma_wait3A_56, %dma_wait3A_57] : memref<6x40x128xf32, #tpu.memory_space<vmem>> -> memref<1x40x128xf32, #tpu.memory_space<vmem>>
    %dma_wait3A_59 = tpu.memref_squeeze %dma_wait3A_58 : memref<1x40x128xf32, #tpu.memory_space<vmem>> -> memref<40x128xf32, #tpu.memory_space<vmem>>
    %dma_wait3A_60 = arith.constant 0 : i32
    %dma_wait3A_61 = arith.constant 0 : i32
    %dma_wait3A_62 = tpu.memref_slice %arg4[%dma_wait3A_60, %dma_wait3A_61] : memref<320000x128xf32, #tpu.memory_space<hbm>> -> memref<40x128xf32, #tpu.memory_space<hbm>>
    %dma_wait3A_63 = arith.constant 0 : i32
    %dma_wait3A_64 = arith.constant 0 : i32
    %dma_wait3A_65 = tpu.memref_slice %arg6[%dma_wait3A_55, %dma_wait3A_63, %dma_wait3A_64] : memref<6x40x128xf32, #tpu.memory_space<vmem>> -> memref<1x40x128xf32, #tpu.memory_space<vmem>>
    %dma_wait3A_66 = tpu.memref_squeeze %dma_wait3A_65 : memref<1x40x128xf32, #tpu.memory_space<vmem>> -> memref<40x128xf32, #tpu.memory_space<vmem>>
    %dma_wait3A_67 = arith.constant 0 : i32
    %dma_wait3A_68 = arith.constant 0 : i32
    %dma_wait3A_69 = tpu.memref_slice %arg4[%dma_wait3A_67, %dma_wait3A_68] : memref<320000x128xf32, #tpu.memory_space<hbm>> -> memref<40x128xf32, #tpu.memory_space<hbm>>
    tpu.wait_dma2 semaphore(%arg9 : memref<!tpu.dma_semaphore, #tpu.memory_space<semaphore_mem>>) src(%dma_wait3A_69 : memref<40x128xf32, #tpu.memory_space<hbm>>) dst(%dma_wait3A_66 : memref<40x128xf32, #tpu.memory_space<vmem>>)
    %dma_wait3A_70 = arith.constant 0 : i32
    %dma_wait3A_71 = arith.constant 0 : i32
    %dma_wait3A_72 = arith.constant 0 : i32
    %dma_wait3A_73 = tpu.memref_slice %arg6[%dma_wait3A_70, %dma_wait3A_71, %dma_wait3A_72] : memref<6x40x128xf32, #tpu.memory_space<vmem>> -> memref<1x40x128xf32, #tpu.memory_space<vmem>>
    %dma_wait3A_74 = tpu.memref_squeeze %dma_wait3A_73 : memref<1x40x128xf32, #tpu.memory_space<vmem>> -> memref<40x128xf32, #tpu.memory_space<vmem>>
    %dma_wait3A_75 = arith.constant 0 : i32
    %dma_wait3A_76 = arith.constant 0 : i32
    %dma_wait3A_77 = tpu.memref_slice %arg4[%dma_wait3A_75, %dma_wait3A_76] : memref<320000x128xf32, #tpu.memory_space<hbm>> -> memref<40x128xf32, #tpu.memory_space<hbm>>
    %dma_wait3A_78 = arith.constant 0 : i32
    %dma_wait3A_79 = arith.constant 0 : i32
    %dma_wait3A_80 = tpu.memref_slice %arg6[%dma_wait3A_70, %dma_wait3A_78, %dma_wait3A_79] : memref<6x40x128xf32, #tpu.memory_space<vmem>> -> memref<1x40x128xf32, #tpu.memory_space<vmem>>
    %dma_wait3A_81 = tpu.memref_squeeze %dma_wait3A_80 : memref<1x40x128xf32, #tpu.memory_space<vmem>> -> memref<40x128xf32, #tpu.memory_space<vmem>>
    %dma_wait3A_82 = arith.constant 0 : i32
    %dma_wait3A_83 = arith.constant 0 : i32
    %dma_wait3A_84 = tpu.memref_slice %arg4[%dma_wait3A_82, %dma_wait3A_83] : memref<320000x128xf32, #tpu.memory_space<hbm>> -> memref<40x128xf32, #tpu.memory_space<hbm>>
    tpu.wait_dma2 semaphore(%arg9 : memref<!tpu.dma_semaphore, #tpu.memory_space<semaphore_mem>>) src(%dma_wait3A_84 : memref<40x128xf32, #tpu.memory_space<hbm>>) dst(%dma_wait3A_81 : memref<40x128xf32, #tpu.memory_space<vmem>>)
    %dma_wait3A_85 = arith.constant 0 : i32
    %dma_wait3A_86 = arith.constant 0 : i32
    %dma_wait3A_87 = arith.constant 0 : i32
    %dma_wait3A_88 = tpu.memref_slice %arg6[%dma_wait3A_85, %dma_wait3A_86, %dma_wait3A_87] : memref<6x40x128xf32, #tpu.memory_space<vmem>> -> memref<1x40x128xf32, #tpu.memory_space<vmem>>
    %dma_wait3A_89 = tpu.memref_squeeze %dma_wait3A_88 : memref<1x40x128xf32, #tpu.memory_space<vmem>> -> memref<40x128xf32, #tpu.memory_space<vmem>>
    %dma_wait3A_90 = arith.constant 0 : i32
    %dma_wait3A_91 = arith.constant 0 : i32
    %dma_wait3A_92 = tpu.memref_slice %arg4[%dma_wait3A_90, %dma_wait3A_91] : memref<320000x128xf32, #tpu.memory_space<hbm>> -> memref<40x128xf32, #tpu.memory_space<hbm>>
    %dma_wait3A_93 = arith.constant 0 : i32
    %dma_wait3A_94 = arith.constant 0 : i32
    %dma_wait3A_95 = tpu.memref_slice %arg6[%dma_wait3A_85, %dma_wait3A_93, %dma_wait3A_94] : memref<6x40x128xf32, #tpu.memory_space<vmem>> -> memref<1x40x128xf32, #tpu.memory_space<vmem>>
    %dma_wait3A_96 = tpu.memref_squeeze %dma_wait3A_95 : memref<1x40x128xf32, #tpu.memory_space<vmem>> -> memref<40x128xf32, #tpu.memory_space<vmem>>
    %dma_wait3A_97 = arith.constant 0 : i32
    %dma_wait3A_98 = arith.constant 0 : i32
    %dma_wait3A_99 = tpu.memref_slice %arg4[%dma_wait3A_97, %dma_wait3A_98] : memref<320000x128xf32, #tpu.memory_space<hbm>> -> memref<40x128xf32, #tpu.memory_space<hbm>>
    tpu.wait_dma2 semaphore(%arg9 : memref<!tpu.dma_semaphore, #tpu.memory_space<semaphore_mem>>) src(%dma_wait3A_99 : memref<40x128xf32, #tpu.memory_space<hbm>>) dst(%dma_wait3A_96 : memref<40x128xf32, #tpu.memory_space<vmem>>)
    %run_scoped3A_100 = arith.constant 1 : i32
    "tpu.region"() ({
      %run_scoped3A_200 = tpu.sem_alloc : memref<!tpu.dma_semaphore, #tpu.memory_space<semaphore_mem>>
      %dma_start3A_201 = arith.constant 0 : i32
      %dma_start3A_202 = arith.constant 0 : i32
      %dma_start3A_203 = tpu.memref_slice %arg3[%add3A, %run_scoped3A_100, %dma_start3A_201, %dma_start3A_202] : memref<32x2x125x40xi32, #tpu.memory_space<hbm>> -> memref<1x1x125x40xi32, #tpu.memory_space<hbm>>
      %dma_start3A_204 = tpu.memref_squeeze %dma_start3A_203 : memref<1x1x125x40xi32, #tpu.memory_space<hbm>> -> memref<125x40xi32, #tpu.memory_space<hbm>>
      %dma_start3A_205 = arith.constant 0 : i32
      %dma_start3A_206 = arith.constant 0 : i32
      %dma_start3A_207 = tpu.memref_slice %arg3[%add3A, %run_scoped3A_100, %dma_start3A_205, %dma_start3A_206] : memref<32x2x125x40xi32, #tpu.memory_space<hbm>> -> memref<1x1x125x40xi32, #tpu.memory_space<hbm>>
      %dma_start3A_208 = tpu.memref_squeeze %dma_start3A_207 : memref<1x1x125x40xi32, #tpu.memory_space<hbm>> -> memref<125x40xi32, #tpu.memory_space<hbm>>
      tpu.enqueue_dma source(%dma_start3A_208 : memref<125x40xi32, #tpu.memory_space<hbm>>) target(%arg5 : memref<125x40xi32, #tpu.memory_space<vmem>>) target_semaphore(%run_scoped3A_200 : memref<!tpu.dma_semaphore, #tpu.memory_space<semaphore_mem>>)
      %dma_wait3A_209 = arith.constant 0 : i32
      %dma_wait3A_210 = arith.constant 0 : i32
      %dma_wait3A_211 = tpu.memref_slice %arg3[%add3A, %run_scoped3A_100, %dma_wait3A_209, %dma_wait3A_210] : memref<32x2x125x40xi32, #tpu.memory_space<hbm>> -> memref<1x1x125x40xi32, #tpu.memory_space<hbm>>
      %dma_wait3A_212 = tpu.memref_squeeze %dma_wait3A_211 : memref<1x1x125x40xi32, #tpu.memory_space<hbm>> -> memref<125x40xi32, #tpu.memory_space<hbm>>
      %dma_wait3A_213 = arith.constant 0 : i32
      %dma_wait3A_214 = arith.constant 0 : i32
      %dma_wait3A_215 = tpu.memref_slice %arg3[%add3A, %run_scoped3A_100, %dma_wait3A_213, %dma_wait3A_214] : memref<32x2x125x40xi32, #tpu.memory_space<hbm>> -> memref<1x1x125x40xi32, #tpu.memory_space<hbm>>
      %dma_wait3A_216 = tpu.memref_squeeze %dma_wait3A_215 : memref<1x1x125x40xi32, #tpu.memory_space<hbm>> -> memref<125x40xi32, #tpu.memory_space<hbm>>
      tpu.wait_dma2 semaphore(%run_scoped3A_200 : memref<!tpu.dma_semaphore, #tpu.memory_space<semaphore_mem>>) src(%dma_wait3A_216 : memref<125x40xi32, #tpu.memory_space<hbm>>) dst(%arg5 : memref<125x40xi32, #tpu.memory_space<vmem>>)
      tpu.yield
    }) : () -> ()
    %mul3A_101 = arith.constant 10000 : i32
    %mul3A_102 = arith.muli %add3A, %mul3A_101 : i32
    %add3A_103 = arith.constant 5000 : i32
    %add3A_104 = arith.addi %mul3A_102, %add3A_103 : i32
    %rem3A_105 = arith.constant 0 : i32
    %rem3A_106 = arith.constant 6 : i32
    %rem3A_107 = arith.remsi %rem3A_105, %rem3A_106 : i32
    %dma_start3A_108 = arith.constant 0 : i32
    %dma_start3A_109 = arith.constant 0 : i32
    %dma_start3A_110 = arith.constant 0 : i32
    %dma_start3A_111 = tpu.memref_slice %arg6[%rem3A_107, %dma_start3A_109, %dma_start3A_110] : memref<6x40x128xf32, #tpu.memory_space<vmem>> -> memref<1x40x128xf32, #tpu.memory_space<vmem>>
    %dma_start3A_112 = tpu.memref_squeeze %dma_start3A_111 : memref<1x40x128xf32, #tpu.memory_space<vmem>> -> memref<40x128xf32, #tpu.memory_space<vmem>>
    %dma_start3A_113 = arith.constant 0 : i32
    %dma_start3A_114 = tpu.memref_slice %arg5[%dma_start3A_108, %dma_start3A_113] : memref<125x40xi32, #tpu.memory_space<vmem>> -> memref<1x40xi32, #tpu.memory_space<vmem>>
    %dma_start3A_115 = tpu.memref_squeeze %dma_start3A_114 : memref<1x40xi32, #tpu.memory_space<vmem>> -> memref<40xi32, #tpu.memory_space<vmem>>
    %dma_start3A_116 = arith.constant 0 : i32
    %dma_start3A_117 = arith.constant 0 : i32
    %dma_start3A_118 = tpu.memref_slice %arg7[%dma_start3A_116, %dma_start3A_117] : memref<10240x128xf32, #tpu.memory_space<vmem_shared>> -> memref<10240x128xf32, #tpu.memory_space<vmem_shared>>
    tpu.enqueue_indirect_dma source(%dma_start3A_118 : memref<10240x128xf32, #tpu.memory_space<vmem_shared>>) target(%dma_start3A_112 : memref<40x128xf32, #tpu.memory_space<vmem>>) offsets(%dma_start3A_115 : memref<40xi32, #tpu.memory_space<vmem>>) semaphore(%arg8 : memref<!tpu.dma_semaphore, #tpu.memory_space<semaphore_mem>>)
    %rem3A_119 = arith.constant 1 : i32
    %rem3A_120 = arith.constant 6 : i32
    %rem3A_121 = arith.remsi %rem3A_119, %rem3A_120 : i32
    %dma_start3A_122 = arith.constant 1 : i32
    %dma_start3A_123 = arith.constant 0 : i32
    %dma_start3A_124 = arith.constant 0 : i32
    %dma_start3A_125 = tpu.memref_slice %arg6[%rem3A_121, %dma_start3A_123, %dma_start3A_124] : memref<6x40x128xf32, #tpu.memory_space<vmem>> -> memref<1x40x128xf32, #tpu.memory_space<vmem>>
    %dma_start3A_126 = tpu.memref_squeeze %dma_start3A_125 : memref<1x40x128xf32, #tpu.memory_space<vmem>> -> memref<40x128xf32, #tpu.memory_space<vmem>>
    %dma_start3A_127 = arith.constant 0 : i32
    %dma_start3A_128 = tpu.memref_slice %arg5[%dma_start3A_122, %dma_start3A_127] : memref<125x40xi32, #tpu.memory_space<vmem>> -> memref<1x40xi32, #tpu.memory_space<vmem>>
    %dma_start3A_129 = tpu.memref_squeeze %dma_start3A_128 : memref<1x40xi32, #tpu.memory_space<vmem>> -> memref<40xi32, #tpu.memory_space<vmem>>
    %dma_start3A_130 = arith.constant 0 : i32
    %dma_start3A_131 = arith.constant 0 : i32
    %dma_start3A_132 = tpu.memref_slice %arg7[%dma_start3A_130, %dma_start3A_131] : memref<10240x128xf32, #tpu.memory_space<vmem_shared>> -> memref<10240x128xf32, #tpu.memory_space<vmem_shared>>
    tpu.enqueue_indirect_dma source(%dma_start3A_132 : memref<10240x128xf32, #tpu.memory_space<vmem_shared>>) target(%dma_start3A_126 : memref<40x128xf32, #tpu.memory_space<vmem>>) offsets(%dma_start3A_129 : memref<40xi32, #tpu.memory_space<vmem>>) semaphore(%arg8 : memref<!tpu.dma_semaphore, #tpu.memory_space<semaphore_mem>>)
    %scan3A_133 = arith.constant 0 : i32
    %scan3A_134 = arith.constant 0 : i32
    %scan3A_135 = arith.constant 125 : i32
    %scan3A_136 = arith.addi %scan3A_134, %scan3A_135 : i32
    %scan3A_137 = arith.constant 1 : i32
    %scan3A_138 = scf.for %scan3A_200 = %scan3A_134 to %scan3A_136 step %scan3A_137 iter_args(%scan3A_201 = %scan3A_133) -> (i32)  : i32 {
      %ge3A = arith.constant 4 : i32
      %ge3A_202 = arith.cmpi sge, %scan3A_200, %ge3A : i32
      %convert_element_type3A = arith.extui %ge3A_202 : i1 to i32
      %cond3A = arith.constant 0 : i32
      %cond3A_203 = arith.cmpi ne, %convert_element_type3A, %cond3A : i32
      scf.if %cond3A_203 {
        %dma_wait3A_243 = arith.constant 0 : i32
        %dma_wait3A_244 = arith.constant 0 : i32
        %dma_wait3A_245 = arith.constant 0 : i32
        %dma_wait3A_246 = tpu.memref_slice %arg6[%dma_wait3A_243, %dma_wait3A_244, %dma_wait3A_245] : memref<6x40x128xf32, #tpu.memory_space<vmem>> -> memref<1x40x128xf32, #tpu.memory_space<vmem>>
        %dma_wait3A_247 = tpu.memref_squeeze %dma_wait3A_246 : memref<1x40x128xf32, #tpu.memory_space<vmem>> -> memref<40x128xf32, #tpu.memory_space<vmem>>
        %dma_wait3A_248 = arith.constant 0 : i32
        %dma_wait3A_249 = arith.constant 0 : i32
        %dma_wait3A_250 = tpu.memref_slice %arg4[%dma_wait3A_248, %dma_wait3A_249] : memref<320000x128xf32, #tpu.memory_space<hbm>> -> memref<40x128xf32, #tpu.memory_space<hbm>>
        %dma_wait3A_251 = arith.constant 0 : i32
        %dma_wait3A_252 = arith.constant 0 : i32
        %dma_wait3A_253 = tpu.memref_slice %arg6[%dma_wait3A_243, %dma_wait3A_251, %dma_wait3A_252] : memref<6x40x128xf32, #tpu.memory_space<vmem>> -> memref<1x40x128xf32, #tpu.memory_space<vmem>>
        %dma_wait3A_254 = tpu.memref_squeeze %dma_wait3A_253 : memref<1x40x128xf32, #tpu.memory_space<vmem>> -> memref<40x128xf32, #tpu.memory_space<vmem>>
        %dma_wait3A_255 = arith.constant 0 : i32
        %dma_wait3A_256 = arith.constant 0 : i32
        %dma_wait3A_257 = tpu.memref_slice %arg4[%dma_wait3A_255, %dma_wait3A_256] : memref<320000x128xf32, #tpu.memory_space<hbm>> -> memref<40x128xf32, #tpu.memory_space<hbm>>
        tpu.wait_dma2 semaphore(%arg9 : memref<!tpu.dma_semaphore, #tpu.memory_space<semaphore_mem>>) src(%dma_wait3A_257 : memref<40x128xf32, #tpu.memory_space<hbm>>) dst(%dma_wait3A_254 : memref<40x128xf32, #tpu.memory_space<vmem>>)
      } else {
      }
      %add3A_204 = arith.constant 2 : i32
      %add3A_205 = arith.addi %scan3A_200, %add3A_204 : i32
      %lt3A = arith.constant 125 : i32
      %lt3A_206 = arith.cmpi slt, %add3A_205, %lt3A : i32
      %convert_element_type3A_207 = arith.extui %lt3A_206 : i1 to i32
      %cond3A_208 = arith.constant 0 : i32
      %cond3A_209 = arith.cmpi ne, %convert_element_type3A_207, %cond3A_208 : i32
      scf.if %cond3A_209 {
        %add3A_243 = arith.constant 2 : i32
        %add3A_244 = arith.addi %scan3A_200, %add3A_243 : i32
        %rem3A_245 = arith.constant 6 : i32
        %rem3A_246 = arith.remsi %add3A_244, %rem3A_245 : i32
        %dma_start3A_247 = arith.constant 0 : i32
        %dma_start3A_248 = arith.constant 0 : i32
        %dma_start3A_249 = tpu.memref_slice %arg6[%rem3A_246, %dma_start3A_247, %dma_start3A_248] : memref<6x40x128xf32, #tpu.memory_space<vmem>> -> memref<1x40x128xf32, #tpu.memory_space<vmem>>
        %dma_start3A_250 = tpu.memref_squeeze %dma_start3A_249 : memref<1x40x128xf32, #tpu.memory_space<vmem>> -> memref<40x128xf32, #tpu.memory_space<vmem>>
        %dma_start3A_251 = arith.constant 0 : i32
        %dma_start3A_252 = tpu.memref_slice %arg5[%add3A_244, %dma_start3A_251] : memref<125x40xi32, #tpu.memory_space<vmem>> -> memref<1x40xi32, #tpu.memory_space<vmem>>
        %dma_start3A_253 = tpu.memref_squeeze %dma_start3A_252 : memref<1x40xi32, #tpu.memory_space<vmem>> -> memref<40xi32, #tpu.memory_space<vmem>>
        %dma_start3A_254 = arith.constant 0 : i32
        %dma_start3A_255 = arith.constant 0 : i32
        %dma_start3A_256 = tpu.memref_slice %arg7[%dma_start3A_254, %dma_start3A_255] : memref<10240x128xf32, #tpu.memory_space<vmem_shared>> -> memref<10240x128xf32, #tpu.memory_space<vmem_shared>>
        tpu.enqueue_indirect_dma source(%dma_start3A_256 : memref<10240x128xf32, #tpu.memory_space<vmem_shared>>) target(%dma_start3A_250 : memref<40x128xf32, #tpu.memory_space<vmem>>) offsets(%dma_start3A_253 : memref<40xi32, #tpu.memory_space<vmem>>) semaphore(%arg8 : memref<!tpu.dma_semaphore, #tpu.memory_space<semaphore_mem>>)
      } else {
      }
      %dma_wait3A_210 = arith.constant 0 : i32
      %dma_wait3A_211 = arith.constant 0 : i32
      %dma_wait3A_212 = arith.constant 0 : i32
      %dma_wait3A_213 = tpu.memref_slice %arg6[%dma_wait3A_210, %dma_wait3A_211, %dma_wait3A_212] : memref<6x40x128xf32, #tpu.memory_space<vmem>> -> memref<1x40x128xf32, #tpu.memory_space<vmem>>
      %dma_wait3A_214 = tpu.memref_squeeze %dma_wait3A_213 : memref<1x40x128xf32, #tpu.memory_space<vmem>> -> memref<40x128xf32, #tpu.memory_space<vmem>>
      %dma_wait3A_215 = arith.constant 0 : i32
      %dma_wait3A_216 = arith.constant 0 : i32
      %dma_wait3A_217 = tpu.memref_slice %arg4[%dma_wait3A_215, %dma_wait3A_216] : memref<320000x128xf32, #tpu.memory_space<hbm>> -> memref<40x128xf32, #tpu.memory_space<hbm>>
      %dma_wait3A_218 = arith.constant 0 : i32
      %dma_wait3A_219 = arith.constant 0 : i32
      %dma_wait3A_220 = tpu.memref_slice %arg6[%dma_wait3A_210, %dma_wait3A_218, %dma_wait3A_219] : memref<6x40x128xf32, #tpu.memory_space<vmem>> -> memref<1x40x128xf32, #tpu.memory_space<vmem>>
      %dma_wait3A_221 = tpu.memref_squeeze %dma_wait3A_220 : memref<1x40x128xf32, #tpu.memory_space<vmem>> -> memref<40x128xf32, #tpu.memory_space<vmem>>
      %dma_wait3A_222 = arith.constant 0 : i32
      %dma_wait3A_223 = arith.constant 0 : i32
      %dma_wait3A_224 = tpu.memref_slice %arg4[%dma_wait3A_222, %dma_wait3A_223] : memref<320000x128xf32, #tpu.memory_space<hbm>> -> memref<40x128xf32, #tpu.memory_space<hbm>>
      tpu.wait_dma2 semaphore(%arg8 : memref<!tpu.dma_semaphore, #tpu.memory_space<semaphore_mem>>) src(%dma_wait3A_224 : memref<40x128xf32, #tpu.memory_space<hbm>>) dst(%dma_wait3A_221 : memref<40x128xf32, #tpu.memory_space<vmem>>)
      %rem3A_225 = arith.constant 6 : i32
      %rem3A_226 = arith.remsi %scan3A_200, %rem3A_225 : i32
      %mul3A_227 = arith.constant 40 : i32
      %mul3A_228 = arith.muli %scan3A_200, %mul3A_227 : i32
      %add3A_229 = arith.addi %add3A_104, %mul3A_228 : i32
      %dma_start3A_230 = arith.constant 0 : i32
      %dma_start3A_231 = arith.constant 0 : i32
      %dma_start3A_232 = tpu.memref_slice %arg6[%rem3A_226, %dma_start3A_230, %dma_start3A_231] : memref<6x40x128xf32, #tpu.memory_space<vmem>> -> memref<1x40x128xf32, #tpu.memory_space<vmem>>
      %dma_start3A_233 = tpu.memref_squeeze %dma_start3A_232 : memref<1x40x128xf32, #tpu.memory_space<vmem>> -> memref<40x128xf32, #tpu.memory_space<vmem>>
      %dma_start3A_234 = arith.constant 0 : i32
      %dma_start3A_235 = tpu.memref_slice %arg4[%add3A_229, %dma_start3A_234] : memref<320000x128xf32, #tpu.memory_space<hbm>> -> memref<40x128xf32, #tpu.memory_space<hbm>>
      %dma_start3A_236 = arith.constant 0 : i32
      %dma_start3A_237 = tpu.memref_slice %arg4[%add3A_229, %dma_start3A_236] : memref<320000x128xf32, #tpu.memory_space<hbm>> -> memref<40x128xf32, #tpu.memory_space<hbm>>
      %dma_start3A_238 = arith.constant 0 : i32
      %dma_start3A_239 = arith.constant 0 : i32
      %dma_start3A_240 = tpu.memref_slice %arg6[%rem3A_226, %dma_start3A_238, %dma_start3A_239] : memref<6x40x128xf32, #tpu.memory_space<vmem>> -> memref<1x40x128xf32, #tpu.memory_space<vmem>>
      %dma_start3A_241 = tpu.memref_squeeze %dma_start3A_240 : memref<1x40x128xf32, #tpu.memory_space<vmem>> -> memref<40x128xf32, #tpu.memory_space<vmem>>
      tpu.enqueue_dma source(%dma_start3A_241 : memref<40x128xf32, #tpu.memory_space<vmem>>) target(%dma_start3A_237 : memref<40x128xf32, #tpu.memory_space<hbm>>) target_semaphore(%arg9 : memref<!tpu.dma_semaphore, #tpu.memory_space<semaphore_mem>>)
      %scan3A_242 = arith.constant 0 : i32
      scf.yield %scan3A_242 : i32
    }
    %scan3A_139 = arith.constant 125 : i32
    %dma_wait3A_140 = arith.constant 0 : i32
    %dma_wait3A_141 = arith.constant 0 : i32
    %dma_wait3A_142 = arith.constant 0 : i32
    %dma_wait3A_143 = tpu.memref_slice %arg6[%dma_wait3A_140, %dma_wait3A_141, %dma_wait3A_142] : memref<6x40x128xf32, #tpu.memory_space<vmem>> -> memref<1x40x128xf32, #tpu.memory_space<vmem>>
    %dma_wait3A_144 = tpu.memref_squeeze %dma_wait3A_143 : memref<1x40x128xf32, #tpu.memory_space<vmem>> -> memref<40x128xf32, #tpu.memory_space<vmem>>
    %dma_wait3A_145 = arith.constant 0 : i32
    %dma_wait3A_146 = arith.constant 0 : i32
    %dma_wait3A_147 = tpu.memref_slice %arg4[%dma_wait3A_145, %dma_wait3A_146] : memref<320000x128xf32, #tpu.memory_space<hbm>> -> memref<40x128xf32, #tpu.memory_space<hbm>>
    %dma_wait3A_148 = arith.constant 0 : i32
    %dma_wait3A_149 = arith.constant 0 : i32
    %dma_wait3A_150 = tpu.memref_slice %arg6[%dma_wait3A_140, %dma_wait3A_148, %dma_wait3A_149] : memref<6x40x128xf32, #tpu.memory_space<vmem>> -> memref<1x40x128xf32, #tpu.memory_space<vmem>>
    %dma_wait3A_151 = tpu.memref_squeeze %dma_wait3A_150 : memref<1x40x128xf32, #tpu.memory_space<vmem>> -> memref<40x128xf32, #tpu.memory_space<vmem>>
    %dma_wait3A_152 = arith.constant 0 : i32
    %dma_wait3A_153 = arith.constant 0 : i32
    %dma_wait3A_154 = tpu.memref_slice %arg4[%dma_wait3A_152, %dma_wait3A_153] : memref<320000x128xf32, #tpu.memory_space<hbm>> -> memref<40x128xf32, #tpu.memory_space<hbm>>
    tpu.wait_dma2 semaphore(%arg9 : memref<!tpu.dma_semaphore, #tpu.memory_space<semaphore_mem>>) src(%dma_wait3A_154 : memref<40x128xf32, #tpu.memory_space<hbm>>) dst(%dma_wait3A_151 : memref<40x128xf32, #tpu.memory_space<vmem>>)
    %dma_wait3A_155 = arith.constant 0 : i32
    %dma_wait3A_156 = arith.constant 0 : i32
    %dma_wait3A_157 = arith.constant 0 : i32
    %dma_wait3A_158 = tpu.memref_slice %arg6[%dma_wait3A_155, %dma_wait3A_156, %dma_wait3A_157] : memref<6x40x128xf32, #tpu.memory_space<vmem>> -> memref<1x40x128xf32, #tpu.memory_space<vmem>>
    %dma_wait3A_159 = tpu.memref_squeeze %dma_wait3A_158 : memref<1x40x128xf32, #tpu.memory_space<vmem>> -> memref<40x128xf32, #tpu.memory_space<vmem>>
    %dma_wait3A_160 = arith.constant 0 : i32
    %dma_wait3A_161 = arith.constant 0 : i32
    %dma_wait3A_162 = tpu.memref_slice %arg4[%dma_wait3A_160, %dma_wait3A_161] : memref<320000x128xf32, #tpu.memory_space<hbm>> -> memref<40x128xf32, #tpu.memory_space<hbm>>
    %dma_wait3A_163 = arith.constant 0 : i32
    %dma_wait3A_164 = arith.constant 0 : i32
    %dma_wait3A_165 = tpu.memref_slice %arg6[%dma_wait3A_155, %dma_wait3A_163, %dma_wait3A_164] : memref<6x40x128xf32, #tpu.memory_space<vmem>> -> memref<1x40x128xf32, #tpu.memory_space<vmem>>
    %dma_wait3A_166 = tpu.memref_squeeze %dma_wait3A_165 : memref<1x40x128xf32, #tpu.memory_space<vmem>> -> memref<40x128xf32, #tpu.memory_space<vmem>>
    %dma_wait3A_167 = arith.constant 0 : i32
    %dma_wait3A_168 = arith.constant 0 : i32
    %dma_wait3A_169 = tpu.memref_slice %arg4[%dma_wait3A_167, %dma_wait3A_168] : memref<320000x128xf32, #tpu.memory_space<hbm>> -> memref<40x128xf32, #tpu.memory_space<hbm>>
    tpu.wait_dma2 semaphore(%arg9 : memref<!tpu.dma_semaphore, #tpu.memory_space<semaphore_mem>>) src(%dma_wait3A_169 : memref<40x128xf32, #tpu.memory_space<hbm>>) dst(%dma_wait3A_166 : memref<40x128xf32, #tpu.memory_space<vmem>>)
    %dma_wait3A_170 = arith.constant 0 : i32
    %dma_wait3A_171 = arith.constant 0 : i32
    %dma_wait3A_172 = arith.constant 0 : i32
    %dma_wait3A_173 = tpu.memref_slice %arg6[%dma_wait3A_170, %dma_wait3A_171, %dma_wait3A_172] : memref<6x40x128xf32, #tpu.memory_space<vmem>> -> memref<1x40x128xf32, #tpu.memory_space<vmem>>
    %dma_wait3A_174 = tpu.memref_squeeze %dma_wait3A_173 : memref<1x40x128xf32, #tpu.memory_space<vmem>> -> memref<40x128xf32, #tpu.memory_space<vmem>>
    %dma_wait3A_175 = arith.constant 0 : i32
    %dma_wait3A_176 = arith.constant 0 : i32
    %dma_wait3A_177 = tpu.memref_slice %arg4[%dma_wait3A_175, %dma_wait3A_176] : memref<320000x128xf32, #tpu.memory_space<hbm>> -> memref<40x128xf32, #tpu.memory_space<hbm>>
    %dma_wait3A_178 = arith.constant 0 : i32
    %dma_wait3A_179 = arith.constant 0 : i32
    %dma_wait3A_180 = tpu.memref_slice %arg6[%dma_wait3A_170, %dma_wait3A_178, %dma_wait3A_179] : memref<6x40x128xf32, #tpu.memory_space<vmem>> -> memref<1x40x128xf32, #tpu.memory_space<vmem>>
    %dma_wait3A_181 = tpu.memref_squeeze %dma_wait3A_180 : memref<1x40x128xf32, #tpu.memory_space<vmem>> -> memref<40x128xf32, #tpu.memory_space<vmem>>
    %dma_wait3A_182 = arith.constant 0 : i32
    %dma_wait3A_183 = arith.constant 0 : i32
    %dma_wait3A_184 = tpu.memref_slice %arg4[%dma_wait3A_182, %dma_wait3A_183] : memref<320000x128xf32, #tpu.memory_space<hbm>> -> memref<40x128xf32, #tpu.memory_space<hbm>>
    tpu.wait_dma2 semaphore(%arg9 : memref<!tpu.dma_semaphore, #tpu.memory_space<semaphore_mem>>) src(%dma_wait3A_184 : memref<40x128xf32, #tpu.memory_space<hbm>>) dst(%dma_wait3A_181 : memref<40x128xf32, #tpu.memory_space<vmem>>)
    %dma_wait3A_185 = arith.constant 0 : i32
    %dma_wait3A_186 = arith.constant 0 : i32
    %dma_wait3A_187 = arith.constant 0 : i32
    %dma_wait3A_188 = tpu.memref_slice %arg6[%dma_wait3A_185, %dma_wait3A_186, %dma_wait3A_187] : memref<6x40x128xf32, #tpu.memory_space<vmem>> -> memref<1x40x128xf32, #tpu.memory_space<vmem>>
    %dma_wait3A_189 = tpu.memref_squeeze %dma_wait3A_188 : memref<1x40x128xf32, #tpu.memory_space<vmem>> -> memref<40x128xf32, #tpu.memory_space<vmem>>
    %dma_wait3A_190 = arith.constant 0 : i32
    %dma_wait3A_191 = arith.constant 0 : i32
    %dma_wait3A_192 = tpu.memref_slice %arg4[%dma_wait3A_190, %dma_wait3A_191] : memref<320000x128xf32, #tpu.memory_space<hbm>> -> memref<40x128xf32, #tpu.memory_space<hbm>>
    %dma_wait3A_193 = arith.constant 0 : i32
    %dma_wait3A_194 = arith.constant 0 : i32
    %dma_wait3A_195 = tpu.memref_slice %arg6[%dma_wait3A_185, %dma_wait3A_193, %dma_wait3A_194] : memref<6x40x128xf32, #tpu.memory_space<vmem>> -> memref<1x40x128xf32, #tpu.memory_space<vmem>>
    %dma_wait3A_196 = tpu.memref_squeeze %dma_wait3A_195 : memref<1x40x128xf32, #tpu.memory_space<vmem>> -> memref<40x128xf32, #tpu.memory_space<vmem>>
    %dma_wait3A_197 = arith.constant 0 : i32
    %dma_wait3A_198 = arith.constant 0 : i32
    %dma_wait3A_199 = tpu.memref_slice %arg4[%dma_wait3A_197, %dma_wait3A_198] : memref<320000x128xf32, #tpu.memory_space<hbm>> -> memref<40x128xf32, #tpu.memory_space<hbm>>
    tpu.wait_dma2 semaphore(%arg9 : memref<!tpu.dma_semaphore, #tpu.memory_space<semaphore_mem>>) src(%dma_wait3A_199 : memref<40x128xf32, #tpu.memory_space<hbm>>) dst(%dma_wait3A_196 : memref<40x128xf32, #tpu.memory_space<vmem>>)
    return
  }
}

#map = affine_map<(d0, d1) -> (0, 0)>
#map1 = affine_map<(d0, d1) -> (0, 0, 0, 0)>
#map2 = affine_map<(d0, d1) -> (0, 0, 0)>
module attributes {stable_mosaic.version = 14 : i64} {
  func.func @_sc_scatter(%arg0: i32, %arg1: i32, %arg2: memref<320000x128xf32, #tpu.memory_space<hbm>>, %arg3: memref<32x2x125x40xi32, #tpu.memory_space<hbm>>, %arg4: memref<10240x128xf32, #tpu.memory_space<hbm>>, %arg5: memref<2x10240x128xf32, #tpu.memory_space<hbm>>, %arg6: memref<125x40xi32, #tpu.memory_space<vmem>>, %arg7: memref<6x40x128xf32, #tpu.memory_space<vmem>>, %arg8: memref<10240x128xf32, #tpu.memory_space<vmem_shared>>, %arg9: memref<!tpu.dma_semaphore, #tpu.memory_space<semaphore_mem>>, %arg10: memref<!tpu.dma_semaphore, #tpu.memory_space<semaphore_mem>>) attributes {dimension_semantics = [#tpu.dimension_semantics<core_parallel>, #tpu.dimension_semantics<subcore_parallel>], iteration_bounds = array<i64: 2, 16>, scalar_prefetch = 0 : i64, scratch_operands = 5 : i64, tpu.core_type = #tpu.core_type<sc_vector_subcore>, window_params = [{transform_indices = #map}, {transform_indices = #map1}, {transform_indices = #map}, {transform_indices = #map2}]} {
    %mul3A = arith.constant 2 : i32
    %mul3A_0 = arith.muli %arg1, %mul3A : i32
    %add3A = arith.addi %mul3A_0, %arg0 : i32
    %mul3A_1 = arith.constant 640 : i32
    %mul3A_2 = arith.muli %arg1, %mul3A_1 : i32
    %mul3A_3 = arith.constant 640 : i32
    %mul3A_4 = arith.muli %arg1, %mul3A_3 : i32
    "tpu.region"() ({
      %run_scoped3A_210 = tpu.sem_alloc : memref<!tpu.dma_semaphore, #tpu.memory_space<semaphore_mem>>
      %dma_start3A_211 = arith.constant 0 : i32
      %dma_start3A_212 = tpu.memref_slice %arg8[%mul3A_4, %dma_start3A_211] : memref<10240x128xf32, #tpu.memory_space<vmem_shared>> -> memref<640x128xf32, #tpu.memory_space<vmem_shared>>
      %dma_start3A_213 = arith.constant 0 : i32
      %dma_start3A_214 = tpu.memref_slice %arg4[%mul3A_2, %dma_start3A_213] : memref<10240x128xf32, #tpu.memory_space<hbm>> -> memref<640x128xf32, #tpu.memory_space<hbm>>
      tpu.enqueue_dma source(%dma_start3A_214 : memref<640x128xf32, #tpu.memory_space<hbm>>) target(%dma_start3A_212 : memref<640x128xf32, #tpu.memory_space<vmem_shared>>) target_semaphore(%run_scoped3A_210 : memref<!tpu.dma_semaphore, #tpu.memory_space<semaphore_mem>>)
      %dma_wait3A_215 = arith.constant 0 : i32
      %dma_wait3A_216 = tpu.memref_slice %arg8[%mul3A_4, %dma_wait3A_215] : memref<10240x128xf32, #tpu.memory_space<vmem_shared>> -> memref<640x128xf32, #tpu.memory_space<vmem_shared>>
      %dma_wait3A_217 = arith.constant 0 : i32
      %dma_wait3A_218 = tpu.memref_slice %arg4[%mul3A_2, %dma_wait3A_217] : memref<10240x128xf32, #tpu.memory_space<hbm>> -> memref<640x128xf32, #tpu.memory_space<hbm>>
      tpu.wait_dma2 semaphore(%run_scoped3A_210 : memref<!tpu.dma_semaphore, #tpu.memory_space<semaphore_mem>>) src(%dma_wait3A_218 : memref<640x128xf32, #tpu.memory_space<hbm>>) dst(%dma_wait3A_216 : memref<640x128xf32, #tpu.memory_space<vmem_shared>>)
      tpu.yield
    }) : () -> ()
    %barrier3A = arith.constant 0 : index
    tpu.barrier barrier_id(%barrier3A)
    %run_scoped3A = arith.constant 0 : i32
    "tpu.region"() ({
      %run_scoped3A_210 = tpu.sem_alloc : memref<!tpu.dma_semaphore, #tpu.memory_space<semaphore_mem>>
      %dma_start3A_211 = arith.constant 0 : i32
      %dma_start3A_212 = arith.constant 0 : i32
      %dma_start3A_213 = tpu.memref_slice %arg3[%add3A, %run_scoped3A, %dma_start3A_211, %dma_start3A_212] : memref<32x2x125x40xi32, #tpu.memory_space<hbm>> -> memref<1x1x125x40xi32, #tpu.memory_space<hbm>>
      %dma_start3A_214 = tpu.memref_squeeze %dma_start3A_213 : memref<1x1x125x40xi32, #tpu.memory_space<hbm>> -> memref<125x40xi32, #tpu.memory_space<hbm>>
      %dma_start3A_215 = arith.constant 0 : i32
      %dma_start3A_216 = arith.constant 0 : i32
      %dma_start3A_217 = tpu.memref_slice %arg3[%add3A, %run_scoped3A, %dma_start3A_215, %dma_start3A_216] : memref<32x2x125x40xi32, #tpu.memory_space<hbm>> -> memref<1x1x125x40xi32, #tpu.memory_space<hbm>>
      %dma_start3A_218 = tpu.memref_squeeze %dma_start3A_217 : memref<1x1x125x40xi32, #tpu.memory_space<hbm>> -> memref<125x40xi32, #tpu.memory_space<hbm>>
      tpu.enqueue_dma source(%dma_start3A_218 : memref<125x40xi32, #tpu.memory_space<hbm>>) target(%arg6 : memref<125x40xi32, #tpu.memory_space<vmem>>) target_semaphore(%run_scoped3A_210 : memref<!tpu.dma_semaphore, #tpu.memory_space<semaphore_mem>>)
      %dma_wait3A_219 = arith.constant 0 : i32
      %dma_wait3A_220 = arith.constant 0 : i32
      %dma_wait3A_221 = tpu.memref_slice %arg3[%add3A, %run_scoped3A, %dma_wait3A_219, %dma_wait3A_220] : memref<32x2x125x40xi32, #tpu.memory_space<hbm>> -> memref<1x1x125x40xi32, #tpu.memory_space<hbm>>
      %dma_wait3A_222 = tpu.memref_squeeze %dma_wait3A_221 : memref<1x1x125x40xi32, #tpu.memory_space<hbm>> -> memref<125x40xi32, #tpu.memory_space<hbm>>
      %dma_wait3A_223 = arith.constant 0 : i32
      %dma_wait3A_224 = arith.constant 0 : i32
      %dma_wait3A_225 = tpu.memref_slice %arg3[%add3A, %run_scoped3A, %dma_wait3A_223, %dma_wait3A_224] : memref<32x2x125x40xi32, #tpu.memory_space<hbm>> -> memref<1x1x125x40xi32, #tpu.memory_space<hbm>>
      %dma_wait3A_226 = tpu.memref_squeeze %dma_wait3A_225 : memref<1x1x125x40xi32, #tpu.memory_space<hbm>> -> memref<125x40xi32, #tpu.memory_space<hbm>>
      tpu.wait_dma2 semaphore(%run_scoped3A_210 : memref<!tpu.dma_semaphore, #tpu.memory_space<semaphore_mem>>) src(%dma_wait3A_226 : memref<125x40xi32, #tpu.memory_space<hbm>>) dst(%arg6 : memref<125x40xi32, #tpu.memory_space<vmem>>)
      tpu.yield
    }) : () -> ()
    %mul3A_5 = arith.constant 10000 : i32
    %mul3A_6 = arith.muli %add3A, %mul3A_5 : i32
    %add3A_7 = arith.constant 0 : i32
    %add3A_8 = arith.addi %mul3A_6, %add3A_7 : i32
    %add3A_9 = arith.constant 0 : i32
    %add3A_10 = arith.addi %add3A_8, %add3A_9 : i32
    %dma_start3A = arith.constant 0 : i32
    %dma_start3A_11 = arith.constant 0 : i32
    %dma_start3A_12 = arith.constant 0 : i32
    %dma_start3A_13 = tpu.memref_slice %arg7[%dma_start3A, %dma_start3A_11, %dma_start3A_12] : memref<6x40x128xf32, #tpu.memory_space<vmem>> -> memref<1x40x128xf32, #tpu.memory_space<vmem>>
    %dma_start3A_14 = tpu.memref_squeeze %dma_start3A_13 : memref<1x40x128xf32, #tpu.memory_space<vmem>> -> memref<40x128xf32, #tpu.memory_space<vmem>>
    %dma_start3A_15 = arith.constant 0 : i32
    %dma_start3A_16 = tpu.memref_slice %arg2[%add3A_10, %dma_start3A_15] : memref<320000x128xf32, #tpu.memory_space<hbm>> -> memref<40x128xf32, #tpu.memory_space<hbm>>
    %dma_start3A_17 = arith.constant 0 : i32
    %dma_start3A_18 = arith.constant 0 : i32
    %dma_start3A_19 = tpu.memref_slice %arg7[%dma_start3A, %dma_start3A_17, %dma_start3A_18] : memref<6x40x128xf32, #tpu.memory_space<vmem>> -> memref<1x40x128xf32, #tpu.memory_space<vmem>>
    %dma_start3A_20 = tpu.memref_squeeze %dma_start3A_19 : memref<1x40x128xf32, #tpu.memory_space<vmem>> -> memref<40x128xf32, #tpu.memory_space<vmem>>
    %dma_start3A_21 = arith.constant 0 : i32
    %dma_start3A_22 = tpu.memref_slice %arg2[%add3A_10, %dma_start3A_21] : memref<320000x128xf32, #tpu.memory_space<hbm>> -> memref<40x128xf32, #tpu.memory_space<hbm>>
    tpu.enqueue_dma source(%dma_start3A_22 : memref<40x128xf32, #tpu.memory_space<hbm>>) target(%dma_start3A_20 : memref<40x128xf32, #tpu.memory_space<vmem>>) target_semaphore(%arg9 : memref<!tpu.dma_semaphore, #tpu.memory_space<semaphore_mem>>)
    %add3A_23 = arith.constant 40 : i32
    %add3A_24 = arith.addi %add3A_8, %add3A_23 : i32
    %dma_start3A_25 = arith.constant 1 : i32
    %dma_start3A_26 = arith.constant 0 : i32
    %dma_start3A_27 = arith.constant 0 : i32
    %dma_start3A_28 = tpu.memref_slice %arg7[%dma_start3A_25, %dma_start3A_26, %dma_start3A_27] : memref<6x40x128xf32, #tpu.memory_space<vmem>> -> memref<1x40x128xf32, #tpu.memory_space<vmem>>
    %dma_start3A_29 = tpu.memref_squeeze %dma_start3A_28 : memref<1x40x128xf32, #tpu.memory_space<vmem>> -> memref<40x128xf32, #tpu.memory_space<vmem>>
    %dma_start3A_30 = arith.constant 0 : i32
    %dma_start3A_31 = tpu.memref_slice %arg2[%add3A_24, %dma_start3A_30] : memref<320000x128xf32, #tpu.memory_space<hbm>> -> memref<40x128xf32, #tpu.memory_space<hbm>>
    %dma_start3A_32 = arith.constant 0 : i32
    %dma_start3A_33 = arith.constant 0 : i32
    %dma_start3A_34 = tpu.memref_slice %arg7[%dma_start3A_25, %dma_start3A_32, %dma_start3A_33] : memref<6x40x128xf32, #tpu.memory_space<vmem>> -> memref<1x40x128xf32, #tpu.memory_space<vmem>>
    %dma_start3A_35 = tpu.memref_squeeze %dma_start3A_34 : memref<1x40x128xf32, #tpu.memory_space<vmem>> -> memref<40x128xf32, #tpu.memory_space<vmem>>
    %dma_start3A_36 = arith.constant 0 : i32
    %dma_start3A_37 = tpu.memref_slice %arg2[%add3A_24, %dma_start3A_36] : memref<320000x128xf32, #tpu.memory_space<hbm>> -> memref<40x128xf32, #tpu.memory_space<hbm>>
    tpu.enqueue_dma source(%dma_start3A_37 : memref<40x128xf32, #tpu.memory_space<hbm>>) target(%dma_start3A_35 : memref<40x128xf32, #tpu.memory_space<vmem>>) target_semaphore(%arg9 : memref<!tpu.dma_semaphore, #tpu.memory_space<semaphore_mem>>)
    %scan3A = arith.constant 0 : i32
    %scan3A_38 = arith.constant 0 : i32
    %scan3A_39 = arith.constant 125 : i32
    %scan3A_40 = arith.addi %scan3A_38, %scan3A_39 : i32
    %scan3A_41 = arith.constant 1 : i32
    %scan3A_42 = scf.for %scan3A_210 = %scan3A_38 to %scan3A_40 step %scan3A_41 iter_args(%scan3A_211 = %scan3A) -> (i32)  : i32 {
      %ge3A = arith.constant 4 : i32
      %ge3A_212 = arith.cmpi sge, %scan3A_210, %ge3A : i32
      %convert_element_type3A = arith.extui %ge3A_212 : i1 to i32
      %cond3A = arith.constant 0 : i32
      %cond3A_213 = arith.cmpi ne, %convert_element_type3A, %cond3A : i32
      scf.if %cond3A_213 {
        %dma_wait3A_247 = arith.constant 0 : i32
        %dma_wait3A_248 = arith.constant 0 : i32
        %dma_wait3A_249 = arith.constant 0 : i32
        %dma_wait3A_250 = tpu.memref_slice %arg7[%dma_wait3A_247, %dma_wait3A_248, %dma_wait3A_249] : memref<6x40x128xf32, #tpu.memory_space<vmem>> -> memref<1x40x128xf32, #tpu.memory_space<vmem>>
        %dma_wait3A_251 = tpu.memref_squeeze %dma_wait3A_250 : memref<1x40x128xf32, #tpu.memory_space<vmem>> -> memref<40x128xf32, #tpu.memory_space<vmem>>
        %dma_wait3A_252 = arith.constant 0 : i32
        %dma_wait3A_253 = arith.constant 0 : i32
        %dma_wait3A_254 = tpu.memref_slice %arg2[%dma_wait3A_252, %dma_wait3A_253] : memref<320000x128xf32, #tpu.memory_space<hbm>> -> memref<40x128xf32, #tpu.memory_space<hbm>>
        %dma_wait3A_255 = arith.constant 0 : i32
        %dma_wait3A_256 = arith.constant 0 : i32
        %dma_wait3A_257 = tpu.memref_slice %arg7[%dma_wait3A_247, %dma_wait3A_255, %dma_wait3A_256] : memref<6x40x128xf32, #tpu.memory_space<vmem>> -> memref<1x40x128xf32, #tpu.memory_space<vmem>>
        %dma_wait3A_258 = tpu.memref_squeeze %dma_wait3A_257 : memref<1x40x128xf32, #tpu.memory_space<vmem>> -> memref<40x128xf32, #tpu.memory_space<vmem>>
        %dma_wait3A_259 = arith.constant 0 : i32
        %dma_wait3A_260 = arith.constant 0 : i32
        %dma_wait3A_261 = tpu.memref_slice %arg2[%dma_wait3A_259, %dma_wait3A_260] : memref<320000x128xf32, #tpu.memory_space<hbm>> -> memref<40x128xf32, #tpu.memory_space<hbm>>
        tpu.wait_dma2 semaphore(%arg10 : memref<!tpu.dma_semaphore, #tpu.memory_space<semaphore_mem>>) src(%dma_wait3A_261 : memref<40x128xf32, #tpu.memory_space<hbm>>) dst(%dma_wait3A_258 : memref<40x128xf32, #tpu.memory_space<vmem>>)
      } else {
      }
      %add3A_214 = arith.constant 2 : i32
      %add3A_215 = arith.addi %scan3A_210, %add3A_214 : i32
      %lt3A = arith.constant 125 : i32
      %lt3A_216 = arith.cmpi slt, %add3A_215, %lt3A : i32
      %convert_element_type3A_217 = arith.extui %lt3A_216 : i1 to i32
      %cond3A_218 = arith.constant 0 : i32
      %cond3A_219 = arith.cmpi ne, %convert_element_type3A_217, %cond3A_218 : i32
      scf.if %cond3A_219 {
        %add3A_247 = arith.constant 2 : i32
        %add3A_248 = arith.addi %scan3A_210, %add3A_247 : i32
        %add3A_249 = arith.constant 2 : i32
        %add3A_250 = arith.addi %scan3A_210, %add3A_249 : i32
        %rem3A_251 = arith.constant 6 : i32
        %rem3A_252 = arith.remsi %add3A_250, %rem3A_251 : i32
        %mul3A_253 = arith.constant 40 : i32
        %mul3A_254 = arith.muli %add3A_248, %mul3A_253 : i32
        %add3A_255 = arith.addi %add3A_8, %mul3A_254 : i32
        %dma_start3A_256 = arith.constant 0 : i32
        %dma_start3A_257 = arith.constant 0 : i32
        %dma_start3A_258 = tpu.memref_slice %arg7[%rem3A_252, %dma_start3A_256, %dma_start3A_257] : memref<6x40x128xf32, #tpu.memory_space<vmem>> -> memref<1x40x128xf32, #tpu.memory_space<vmem>>
        %dma_start3A_259 = tpu.memref_squeeze %dma_start3A_258 : memref<1x40x128xf32, #tpu.memory_space<vmem>> -> memref<40x128xf32, #tpu.memory_space<vmem>>
        %dma_start3A_260 = arith.constant 0 : i32
        %dma_start3A_261 = tpu.memref_slice %arg2[%add3A_255, %dma_start3A_260] : memref<320000x128xf32, #tpu.memory_space<hbm>> -> memref<40x128xf32, #tpu.memory_space<hbm>>
        %dma_start3A_262 = arith.constant 0 : i32
        %dma_start3A_263 = arith.constant 0 : i32
        %dma_start3A_264 = tpu.memref_slice %arg7[%rem3A_252, %dma_start3A_262, %dma_start3A_263] : memref<6x40x128xf32, #tpu.memory_space<vmem>> -> memref<1x40x128xf32, #tpu.memory_space<vmem>>
        %dma_start3A_265 = tpu.memref_squeeze %dma_start3A_264 : memref<1x40x128xf32, #tpu.memory_space<vmem>> -> memref<40x128xf32, #tpu.memory_space<vmem>>
        %dma_start3A_266 = arith.constant 0 : i32
        %dma_start3A_267 = tpu.memref_slice %arg2[%add3A_255, %dma_start3A_266] : memref<320000x128xf32, #tpu.memory_space<hbm>> -> memref<40x128xf32, #tpu.memory_space<hbm>>
        tpu.enqueue_dma source(%dma_start3A_267 : memref<40x128xf32, #tpu.memory_space<hbm>>) target(%dma_start3A_265 : memref<40x128xf32, #tpu.memory_space<vmem>>) target_semaphore(%arg9 : memref<!tpu.dma_semaphore, #tpu.memory_space<semaphore_mem>>)
      } else {
      }
      %dma_wait3A_220 = arith.constant 0 : i32
      %dma_wait3A_221 = arith.constant 0 : i32
      %dma_wait3A_222 = arith.constant 0 : i32
      %dma_wait3A_223 = tpu.memref_slice %arg7[%dma_wait3A_220, %dma_wait3A_221, %dma_wait3A_222] : memref<6x40x128xf32, #tpu.memory_space<vmem>> -> memref<1x40x128xf32, #tpu.memory_space<vmem>>
      %dma_wait3A_224 = tpu.memref_squeeze %dma_wait3A_223 : memref<1x40x128xf32, #tpu.memory_space<vmem>> -> memref<40x128xf32, #tpu.memory_space<vmem>>
      %dma_wait3A_225 = arith.constant 0 : i32
      %dma_wait3A_226 = arith.constant 0 : i32
      %dma_wait3A_227 = tpu.memref_slice %arg2[%dma_wait3A_225, %dma_wait3A_226] : memref<320000x128xf32, #tpu.memory_space<hbm>> -> memref<40x128xf32, #tpu.memory_space<hbm>>
      %dma_wait3A_228 = arith.constant 0 : i32
      %dma_wait3A_229 = arith.constant 0 : i32
      %dma_wait3A_230 = tpu.memref_slice %arg7[%dma_wait3A_220, %dma_wait3A_228, %dma_wait3A_229] : memref<6x40x128xf32, #tpu.memory_space<vmem>> -> memref<1x40x128xf32, #tpu.memory_space<vmem>>
      %dma_wait3A_231 = tpu.memref_squeeze %dma_wait3A_230 : memref<1x40x128xf32, #tpu.memory_space<vmem>> -> memref<40x128xf32, #tpu.memory_space<vmem>>
      %dma_wait3A_232 = arith.constant 0 : i32
      %dma_wait3A_233 = arith.constant 0 : i32
      %dma_wait3A_234 = tpu.memref_slice %arg2[%dma_wait3A_232, %dma_wait3A_233] : memref<320000x128xf32, #tpu.memory_space<hbm>> -> memref<40x128xf32, #tpu.memory_space<hbm>>
      tpu.wait_dma2 semaphore(%arg9 : memref<!tpu.dma_semaphore, #tpu.memory_space<semaphore_mem>>) src(%dma_wait3A_234 : memref<40x128xf32, #tpu.memory_space<hbm>>) dst(%dma_wait3A_231 : memref<40x128xf32, #tpu.memory_space<vmem>>)
      %rem3A = arith.constant 6 : i32
      %rem3A_235 = arith.remsi %scan3A_210, %rem3A : i32
      %dma_start3A_236 = arith.constant 0 : i32
      %dma_start3A_237 = arith.constant 0 : i32
      %dma_start3A_238 = tpu.memref_slice %arg7[%rem3A_235, %dma_start3A_236, %dma_start3A_237] : memref<6x40x128xf32, #tpu.memory_space<vmem>> -> memref<1x40x128xf32, #tpu.memory_space<vmem>>
      %dma_start3A_239 = tpu.memref_squeeze %dma_start3A_238 : memref<1x40x128xf32, #tpu.memory_space<vmem>> -> memref<40x128xf32, #tpu.memory_space<vmem>>
      %dma_start3A_240 = arith.constant 0 : i32
      %dma_start3A_241 = tpu.memref_slice %arg6[%scan3A_210, %dma_start3A_240] : memref<125x40xi32, #tpu.memory_space<vmem>> -> memref<1x40xi32, #tpu.memory_space<vmem>>
      %dma_start3A_242 = tpu.memref_squeeze %dma_start3A_241 : memref<1x40xi32, #tpu.memory_space<vmem>> -> memref<40xi32, #tpu.memory_space<vmem>>
      %dma_start3A_243 = arith.constant 0 : i32
      %dma_start3A_244 = arith.constant 0 : i32
      %dma_start3A_245 = tpu.memref_slice %arg8[%dma_start3A_243, %dma_start3A_244] : memref<10240x128xf32, #tpu.memory_space<vmem_shared>> -> memref<10240x128xf32, #tpu.memory_space<vmem_shared>>
      tpu.enqueue_indirect_dma source(%dma_start3A_239 : memref<40x128xf32, #tpu.memory_space<vmem>>) target(%dma_start3A_245 : memref<10240x128xf32, #tpu.memory_space<vmem_shared>>) offsets(%dma_start3A_242 : memref<40xi32, #tpu.memory_space<vmem>>) semaphore(%arg10 : memref<!tpu.dma_semaphore, #tpu.memory_space<semaphore_mem>>) {add = true}
      %scan3A_246 = arith.constant 0 : i32
      scf.yield %scan3A_246 : i32
    }
    %scan3A_43 = arith.constant 125 : i32
    %dma_wait3A = arith.constant 0 : i32
    %dma_wait3A_44 = arith.constant 0 : i32
    %dma_wait3A_45 = arith.constant 0 : i32
    %dma_wait3A_46 = tpu.memref_slice %arg7[%dma_wait3A, %dma_wait3A_44, %dma_wait3A_45] : memref<6x40x128xf32, #tpu.memory_space<vmem>> -> memref<1x40x128xf32, #tpu.memory_space<vmem>>
    %dma_wait3A_47 = tpu.memref_squeeze %dma_wait3A_46 : memref<1x40x128xf32, #tpu.memory_space<vmem>> -> memref<40x128xf32, #tpu.memory_space<vmem>>
    %dma_wait3A_48 = arith.constant 0 : i32
    %dma_wait3A_49 = arith.constant 0 : i32
    %dma_wait3A_50 = tpu.memref_slice %arg2[%dma_wait3A_48, %dma_wait3A_49] : memref<320000x128xf32, #tpu.memory_space<hbm>> -> memref<40x128xf32, #tpu.memory_space<hbm>>
    %dma_wait3A_51 = arith.constant 0 : i32
    %dma_wait3A_52 = arith.constant 0 : i32
    %dma_wait3A_53 = tpu.memref_slice %arg7[%dma_wait3A, %dma_wait3A_51, %dma_wait3A_52] : memref<6x40x128xf32, #tpu.memory_space<vmem>> -> memref<1x40x128xf32, #tpu.memory_space<vmem>>
    %dma_wait3A_54 = tpu.memref_squeeze %dma_wait3A_53 : memref<1x40x128xf32, #tpu.memory_space<vmem>> -> memref<40x128xf32, #tpu.memory_space<vmem>>
    %dma_wait3A_55 = arith.constant 0 : i32
    %dma_wait3A_56 = arith.constant 0 : i32
    %dma_wait3A_57 = tpu.memref_slice %arg2[%dma_wait3A_55, %dma_wait3A_56] : memref<320000x128xf32, #tpu.memory_space<hbm>> -> memref<40x128xf32, #tpu.memory_space<hbm>>
    tpu.wait_dma2 semaphore(%arg10 : memref<!tpu.dma_semaphore, #tpu.memory_space<semaphore_mem>>) src(%dma_wait3A_57 : memref<40x128xf32, #tpu.memory_space<hbm>>) dst(%dma_wait3A_54 : memref<40x128xf32, #tpu.memory_space<vmem>>)
    %dma_wait3A_58 = arith.constant 0 : i32
    %dma_wait3A_59 = arith.constant 0 : i32
    %dma_wait3A_60 = arith.constant 0 : i32
    %dma_wait3A_61 = tpu.memref_slice %arg7[%dma_wait3A_58, %dma_wait3A_59, %dma_wait3A_60] : memref<6x40x128xf32, #tpu.memory_space<vmem>> -> memref<1x40x128xf32, #tpu.memory_space<vmem>>
    %dma_wait3A_62 = tpu.memref_squeeze %dma_wait3A_61 : memref<1x40x128xf32, #tpu.memory_space<vmem>> -> memref<40x128xf32, #tpu.memory_space<vmem>>
    %dma_wait3A_63 = arith.constant 0 : i32
    %dma_wait3A_64 = arith.constant 0 : i32
    %dma_wait3A_65 = tpu.memref_slice %arg2[%dma_wait3A_63, %dma_wait3A_64] : memref<320000x128xf32, #tpu.memory_space<hbm>> -> memref<40x128xf32, #tpu.memory_space<hbm>>
    %dma_wait3A_66 = arith.constant 0 : i32
    %dma_wait3A_67 = arith.constant 0 : i32
    %dma_wait3A_68 = tpu.memref_slice %arg7[%dma_wait3A_58, %dma_wait3A_66, %dma_wait3A_67] : memref<6x40x128xf32, #tpu.memory_space<vmem>> -> memref<1x40x128xf32, #tpu.memory_space<vmem>>
    %dma_wait3A_69 = tpu.memref_squeeze %dma_wait3A_68 : memref<1x40x128xf32, #tpu.memory_space<vmem>> -> memref<40x128xf32, #tpu.memory_space<vmem>>
    %dma_wait3A_70 = arith.constant 0 : i32
    %dma_wait3A_71 = arith.constant 0 : i32
    %dma_wait3A_72 = tpu.memref_slice %arg2[%dma_wait3A_70, %dma_wait3A_71] : memref<320000x128xf32, #tpu.memory_space<hbm>> -> memref<40x128xf32, #tpu.memory_space<hbm>>
    tpu.wait_dma2 semaphore(%arg10 : memref<!tpu.dma_semaphore, #tpu.memory_space<semaphore_mem>>) src(%dma_wait3A_72 : memref<40x128xf32, #tpu.memory_space<hbm>>) dst(%dma_wait3A_69 : memref<40x128xf32, #tpu.memory_space<vmem>>)
    %dma_wait3A_73 = arith.constant 0 : i32
    %dma_wait3A_74 = arith.constant 0 : i32
    %dma_wait3A_75 = arith.constant 0 : i32
    %dma_wait3A_76 = tpu.memref_slice %arg7[%dma_wait3A_73, %dma_wait3A_74, %dma_wait3A_75] : memref<6x40x128xf32, #tpu.memory_space<vmem>> -> memref<1x40x128xf32, #tpu.memory_space<vmem>>
    %dma_wait3A_77 = tpu.memref_squeeze %dma_wait3A_76 : memref<1x40x128xf32, #tpu.memory_space<vmem>> -> memref<40x128xf32, #tpu.memory_space<vmem>>
    %dma_wait3A_78 = arith.constant 0 : i32
    %dma_wait3A_79 = arith.constant 0 : i32
    %dma_wait3A_80 = tpu.memref_slice %arg2[%dma_wait3A_78, %dma_wait3A_79] : memref<320000x128xf32, #tpu.memory_space<hbm>> -> memref<40x128xf32, #tpu.memory_space<hbm>>
    %dma_wait3A_81 = arith.constant 0 : i32
    %dma_wait3A_82 = arith.constant 0 : i32
    %dma_wait3A_83 = tpu.memref_slice %arg7[%dma_wait3A_73, %dma_wait3A_81, %dma_wait3A_82] : memref<6x40x128xf32, #tpu.memory_space<vmem>> -> memref<1x40x128xf32, #tpu.memory_space<vmem>>
    %dma_wait3A_84 = tpu.memref_squeeze %dma_wait3A_83 : memref<1x40x128xf32, #tpu.memory_space<vmem>> -> memref<40x128xf32, #tpu.memory_space<vmem>>
    %dma_wait3A_85 = arith.constant 0 : i32
    %dma_wait3A_86 = arith.constant 0 : i32
    %dma_wait3A_87 = tpu.memref_slice %arg2[%dma_wait3A_85, %dma_wait3A_86] : memref<320000x128xf32, #tpu.memory_space<hbm>> -> memref<40x128xf32, #tpu.memory_space<hbm>>
    tpu.wait_dma2 semaphore(%arg10 : memref<!tpu.dma_semaphore, #tpu.memory_space<semaphore_mem>>) src(%dma_wait3A_87 : memref<40x128xf32, #tpu.memory_space<hbm>>) dst(%dma_wait3A_84 : memref<40x128xf32, #tpu.memory_space<vmem>>)
    %dma_wait3A_88 = arith.constant 0 : i32
    %dma_wait3A_89 = arith.constant 0 : i32
    %dma_wait3A_90 = arith.constant 0 : i32
    %dma_wait3A_91 = tpu.memref_slice %arg7[%dma_wait3A_88, %dma_wait3A_89, %dma_wait3A_90] : memref<6x40x128xf32, #tpu.memory_space<vmem>> -> memref<1x40x128xf32, #tpu.memory_space<vmem>>
    %dma_wait3A_92 = tpu.memref_squeeze %dma_wait3A_91 : memref<1x40x128xf32, #tpu.memory_space<vmem>> -> memref<40x128xf32, #tpu.memory_space<vmem>>
    %dma_wait3A_93 = arith.constant 0 : i32
    %dma_wait3A_94 = arith.constant 0 : i32
    %dma_wait3A_95 = tpu.memref_slice %arg2[%dma_wait3A_93, %dma_wait3A_94] : memref<320000x128xf32, #tpu.memory_space<hbm>> -> memref<40x128xf32, #tpu.memory_space<hbm>>
    %dma_wait3A_96 = arith.constant 0 : i32
    %dma_wait3A_97 = arith.constant 0 : i32
    %dma_wait3A_98 = tpu.memref_slice %arg7[%dma_wait3A_88, %dma_wait3A_96, %dma_wait3A_97] : memref<6x40x128xf32, #tpu.memory_space<vmem>> -> memref<1x40x128xf32, #tpu.memory_space<vmem>>
    %dma_wait3A_99 = tpu.memref_squeeze %dma_wait3A_98 : memref<1x40x128xf32, #tpu.memory_space<vmem>> -> memref<40x128xf32, #tpu.memory_space<vmem>>
    %dma_wait3A_100 = arith.constant 0 : i32
    %dma_wait3A_101 = arith.constant 0 : i32
    %dma_wait3A_102 = tpu.memref_slice %arg2[%dma_wait3A_100, %dma_wait3A_101] : memref<320000x128xf32, #tpu.memory_space<hbm>> -> memref<40x128xf32, #tpu.memory_space<hbm>>
    tpu.wait_dma2 semaphore(%arg10 : memref<!tpu.dma_semaphore, #tpu.memory_space<semaphore_mem>>) src(%dma_wait3A_102 : memref<40x128xf32, #tpu.memory_space<hbm>>) dst(%dma_wait3A_99 : memref<40x128xf32, #tpu.memory_space<vmem>>)
    %run_scoped3A_103 = arith.constant 1 : i32
    "tpu.region"() ({
      %run_scoped3A_210 = tpu.sem_alloc : memref<!tpu.dma_semaphore, #tpu.memory_space<semaphore_mem>>
      %dma_start3A_211 = arith.constant 0 : i32
      %dma_start3A_212 = arith.constant 0 : i32
      %dma_start3A_213 = tpu.memref_slice %arg3[%add3A, %run_scoped3A_103, %dma_start3A_211, %dma_start3A_212] : memref<32x2x125x40xi32, #tpu.memory_space<hbm>> -> memref<1x1x125x40xi32, #tpu.memory_space<hbm>>
      %dma_start3A_214 = tpu.memref_squeeze %dma_start3A_213 : memref<1x1x125x40xi32, #tpu.memory_space<hbm>> -> memref<125x40xi32, #tpu.memory_space<hbm>>
      %dma_start3A_215 = arith.constant 0 : i32
      %dma_start3A_216 = arith.constant 0 : i32
      %dma_start3A_217 = tpu.memref_slice %arg3[%add3A, %run_scoped3A_103, %dma_start3A_215, %dma_start3A_216] : memref<32x2x125x40xi32, #tpu.memory_space<hbm>> -> memref<1x1x125x40xi32, #tpu.memory_space<hbm>>
      %dma_start3A_218 = tpu.memref_squeeze %dma_start3A_217 : memref<1x1x125x40xi32, #tpu.memory_space<hbm>> -> memref<125x40xi32, #tpu.memory_space<hbm>>
      tpu.enqueue_dma source(%dma_start3A_218 : memref<125x40xi32, #tpu.memory_space<hbm>>) target(%arg6 : memref<125x40xi32, #tpu.memory_space<vmem>>) target_semaphore(%run_scoped3A_210 : memref<!tpu.dma_semaphore, #tpu.memory_space<semaphore_mem>>)
      %dma_wait3A_219 = arith.constant 0 : i32
      %dma_wait3A_220 = arith.constant 0 : i32
      %dma_wait3A_221 = tpu.memref_slice %arg3[%add3A, %run_scoped3A_103, %dma_wait3A_219, %dma_wait3A_220] : memref<32x2x125x40xi32, #tpu.memory_space<hbm>> -> memref<1x1x125x40xi32, #tpu.memory_space<hbm>>
      %dma_wait3A_222 = tpu.memref_squeeze %dma_wait3A_221 : memref<1x1x125x40xi32, #tpu.memory_space<hbm>> -> memref<125x40xi32, #tpu.memory_space<hbm>>
      %dma_wait3A_223 = arith.constant 0 : i32
      %dma_wait3A_224 = arith.constant 0 : i32
      %dma_wait3A_225 = tpu.memref_slice %arg3[%add3A, %run_scoped3A_103, %dma_wait3A_223, %dma_wait3A_224] : memref<32x2x125x40xi32, #tpu.memory_space<hbm>> -> memref<1x1x125x40xi32, #tpu.memory_space<hbm>>
      %dma_wait3A_226 = tpu.memref_squeeze %dma_wait3A_225 : memref<1x1x125x40xi32, #tpu.memory_space<hbm>> -> memref<125x40xi32, #tpu.memory_space<hbm>>
      tpu.wait_dma2 semaphore(%run_scoped3A_210 : memref<!tpu.dma_semaphore, #tpu.memory_space<semaphore_mem>>) src(%dma_wait3A_226 : memref<125x40xi32, #tpu.memory_space<hbm>>) dst(%arg6 : memref<125x40xi32, #tpu.memory_space<vmem>>)
      tpu.yield
    }) : () -> ()
    %mul3A_104 = arith.constant 10000 : i32
    %mul3A_105 = arith.muli %add3A, %mul3A_104 : i32
    %add3A_106 = arith.constant 5000 : i32
    %add3A_107 = arith.addi %mul3A_105, %add3A_106 : i32
    %add3A_108 = arith.constant 0 : i32
    %add3A_109 = arith.addi %add3A_107, %add3A_108 : i32
    %dma_start3A_110 = arith.constant 0 : i32
    %dma_start3A_111 = arith.constant 0 : i32
    %dma_start3A_112 = arith.constant 0 : i32
    %dma_start3A_113 = tpu.memref_slice %arg7[%dma_start3A_110, %dma_start3A_111, %dma_start3A_112] : memref<6x40x128xf32, #tpu.memory_space<vmem>> -> memref<1x40x128xf32, #tpu.memory_space<vmem>>
    %dma_start3A_114 = tpu.memref_squeeze %dma_start3A_113 : memref<1x40x128xf32, #tpu.memory_space<vmem>> -> memref<40x128xf32, #tpu.memory_space<vmem>>
    %dma_start3A_115 = arith.constant 0 : i32
    %dma_start3A_116 = tpu.memref_slice %arg2[%add3A_109, %dma_start3A_115] : memref<320000x128xf32, #tpu.memory_space<hbm>> -> memref<40x128xf32, #tpu.memory_space<hbm>>
    %dma_start3A_117 = arith.constant 0 : i32
    %dma_start3A_118 = arith.constant 0 : i32
    %dma_start3A_119 = tpu.memref_slice %arg7[%dma_start3A_110, %dma_start3A_117, %dma_start3A_118] : memref<6x40x128xf32, #tpu.memory_space<vmem>> -> memref<1x40x128xf32, #tpu.memory_space<vmem>>
    %dma_start3A_120 = tpu.memref_squeeze %dma_start3A_119 : memref<1x40x128xf32, #tpu.memory_space<vmem>> -> memref<40x128xf32, #tpu.memory_space<vmem>>
    %dma_start3A_121 = arith.constant 0 : i32
    %dma_start3A_122 = tpu.memref_slice %arg2[%add3A_109, %dma_start3A_121] : memref<320000x128xf32, #tpu.memory_space<hbm>> -> memref<40x128xf32, #tpu.memory_space<hbm>>
    tpu.enqueue_dma source(%dma_start3A_122 : memref<40x128xf32, #tpu.memory_space<hbm>>) target(%dma_start3A_120 : memref<40x128xf32, #tpu.memory_space<vmem>>) target_semaphore(%arg9 : memref<!tpu.dma_semaphore, #tpu.memory_space<semaphore_mem>>)
    %add3A_123 = arith.constant 40 : i32
    %add3A_124 = arith.addi %add3A_107, %add3A_123 : i32
    %dma_start3A_125 = arith.constant 1 : i32
    %dma_start3A_126 = arith.constant 0 : i32
    %dma_start3A_127 = arith.constant 0 : i32
    %dma_start3A_128 = tpu.memref_slice %arg7[%dma_start3A_125, %dma_start3A_126, %dma_start3A_127] : memref<6x40x128xf32, #tpu.memory_space<vmem>> -> memref<1x40x128xf32, #tpu.memory_space<vmem>>
    %dma_start3A_129 = tpu.memref_squeeze %dma_start3A_128 : memref<1x40x128xf32, #tpu.memory_space<vmem>> -> memref<40x128xf32, #tpu.memory_space<vmem>>
    %dma_start3A_130 = arith.constant 0 : i32
    %dma_start3A_131 = tpu.memref_slice %arg2[%add3A_124, %dma_start3A_130] : memref<320000x128xf32, #tpu.memory_space<hbm>> -> memref<40x128xf32, #tpu.memory_space<hbm>>
    %dma_start3A_132 = arith.constant 0 : i32
    %dma_start3A_133 = arith.constant 0 : i32
    %dma_start3A_134 = tpu.memref_slice %arg7[%dma_start3A_125, %dma_start3A_132, %dma_start3A_133] : memref<6x40x128xf32, #tpu.memory_space<vmem>> -> memref<1x40x128xf32, #tpu.memory_space<vmem>>
    %dma_start3A_135 = tpu.memref_squeeze %dma_start3A_134 : memref<1x40x128xf32, #tpu.memory_space<vmem>> -> memref<40x128xf32, #tpu.memory_space<vmem>>
    %dma_start3A_136 = arith.constant 0 : i32
    %dma_start3A_137 = tpu.memref_slice %arg2[%add3A_124, %dma_start3A_136] : memref<320000x128xf32, #tpu.memory_space<hbm>> -> memref<40x128xf32, #tpu.memory_space<hbm>>
    tpu.enqueue_dma source(%dma_start3A_137 : memref<40x128xf32, #tpu.memory_space<hbm>>) target(%dma_start3A_135 : memref<40x128xf32, #tpu.memory_space<vmem>>) target_semaphore(%arg9 : memref<!tpu.dma_semaphore, #tpu.memory_space<semaphore_mem>>)
    %scan3A_138 = arith.constant 0 : i32
    %scan3A_139 = arith.constant 0 : i32
    %scan3A_140 = arith.constant 125 : i32
    %scan3A_141 = arith.addi %scan3A_139, %scan3A_140 : i32
    %scan3A_142 = arith.constant 1 : i32
    %scan3A_143 = scf.for %scan3A_210 = %scan3A_139 to %scan3A_141 step %scan3A_142 iter_args(%scan3A_211 = %scan3A_138) -> (i32)  : i32 {
      %ge3A = arith.constant 4 : i32
      %ge3A_212 = arith.cmpi sge, %scan3A_210, %ge3A : i32
      %convert_element_type3A = arith.extui %ge3A_212 : i1 to i32
      %cond3A = arith.constant 0 : i32
      %cond3A_213 = arith.cmpi ne, %convert_element_type3A, %cond3A : i32
      scf.if %cond3A_213 {
        %dma_wait3A_247 = arith.constant 0 : i32
        %dma_wait3A_248 = arith.constant 0 : i32
        %dma_wait3A_249 = arith.constant 0 : i32
        %dma_wait3A_250 = tpu.memref_slice %arg7[%dma_wait3A_247, %dma_wait3A_248, %dma_wait3A_249] : memref<6x40x128xf32, #tpu.memory_space<vmem>> -> memref<1x40x128xf32, #tpu.memory_space<vmem>>
        %dma_wait3A_251 = tpu.memref_squeeze %dma_wait3A_250 : memref<1x40x128xf32, #tpu.memory_space<vmem>> -> memref<40x128xf32, #tpu.memory_space<vmem>>
        %dma_wait3A_252 = arith.constant 0 : i32
        %dma_wait3A_253 = arith.constant 0 : i32
        %dma_wait3A_254 = tpu.memref_slice %arg2[%dma_wait3A_252, %dma_wait3A_253] : memref<320000x128xf32, #tpu.memory_space<hbm>> -> memref<40x128xf32, #tpu.memory_space<hbm>>
        %dma_wait3A_255 = arith.constant 0 : i32
        %dma_wait3A_256 = arith.constant 0 : i32
        %dma_wait3A_257 = tpu.memref_slice %arg7[%dma_wait3A_247, %dma_wait3A_255, %dma_wait3A_256] : memref<6x40x128xf32, #tpu.memory_space<vmem>> -> memref<1x40x128xf32, #tpu.memory_space<vmem>>
        %dma_wait3A_258 = tpu.memref_squeeze %dma_wait3A_257 : memref<1x40x128xf32, #tpu.memory_space<vmem>> -> memref<40x128xf32, #tpu.memory_space<vmem>>
        %dma_wait3A_259 = arith.constant 0 : i32
        %dma_wait3A_260 = arith.constant 0 : i32
        %dma_wait3A_261 = tpu.memref_slice %arg2[%dma_wait3A_259, %dma_wait3A_260] : memref<320000x128xf32, #tpu.memory_space<hbm>> -> memref<40x128xf32, #tpu.memory_space<hbm>>
        tpu.wait_dma2 semaphore(%arg10 : memref<!tpu.dma_semaphore, #tpu.memory_space<semaphore_mem>>) src(%dma_wait3A_261 : memref<40x128xf32, #tpu.memory_space<hbm>>) dst(%dma_wait3A_258 : memref<40x128xf32, #tpu.memory_space<vmem>>)
      } else {
      }
      %add3A_214 = arith.constant 2 : i32
      %add3A_215 = arith.addi %scan3A_210, %add3A_214 : i32
      %lt3A = arith.constant 125 : i32
      %lt3A_216 = arith.cmpi slt, %add3A_215, %lt3A : i32
      %convert_element_type3A_217 = arith.extui %lt3A_216 : i1 to i32
      %cond3A_218 = arith.constant 0 : i32
      %cond3A_219 = arith.cmpi ne, %convert_element_type3A_217, %cond3A_218 : i32
      scf.if %cond3A_219 {
        %add3A_247 = arith.constant 2 : i32
        %add3A_248 = arith.addi %scan3A_210, %add3A_247 : i32
        %add3A_249 = arith.constant 2 : i32
        %add3A_250 = arith.addi %scan3A_210, %add3A_249 : i32
        %rem3A_251 = arith.constant 6 : i32
        %rem3A_252 = arith.remsi %add3A_250, %rem3A_251 : i32
        %mul3A_253 = arith.constant 40 : i32
        %mul3A_254 = arith.muli %add3A_248, %mul3A_253 : i32
        %add3A_255 = arith.addi %add3A_107, %mul3A_254 : i32
        %dma_start3A_256 = arith.constant 0 : i32
        %dma_start3A_257 = arith.constant 0 : i32
        %dma_start3A_258 = tpu.memref_slice %arg7[%rem3A_252, %dma_start3A_256, %dma_start3A_257] : memref<6x40x128xf32, #tpu.memory_space<vmem>> -> memref<1x40x128xf32, #tpu.memory_space<vmem>>
        %dma_start3A_259 = tpu.memref_squeeze %dma_start3A_258 : memref<1x40x128xf32, #tpu.memory_space<vmem>> -> memref<40x128xf32, #tpu.memory_space<vmem>>
        %dma_start3A_260 = arith.constant 0 : i32
        %dma_start3A_261 = tpu.memref_slice %arg2[%add3A_255, %dma_start3A_260] : memref<320000x128xf32, #tpu.memory_space<hbm>> -> memref<40x128xf32, #tpu.memory_space<hbm>>
        %dma_start3A_262 = arith.constant 0 : i32
        %dma_start3A_263 = arith.constant 0 : i32
        %dma_start3A_264 = tpu.memref_slice %arg7[%rem3A_252, %dma_start3A_262, %dma_start3A_263] : memref<6x40x128xf32, #tpu.memory_space<vmem>> -> memref<1x40x128xf32, #tpu.memory_space<vmem>>
        %dma_start3A_265 = tpu.memref_squeeze %dma_start3A_264 : memref<1x40x128xf32, #tpu.memory_space<vmem>> -> memref<40x128xf32, #tpu.memory_space<vmem>>
        %dma_start3A_266 = arith.constant 0 : i32
        %dma_start3A_267 = tpu.memref_slice %arg2[%add3A_255, %dma_start3A_266] : memref<320000x128xf32, #tpu.memory_space<hbm>> -> memref<40x128xf32, #tpu.memory_space<hbm>>
        tpu.enqueue_dma source(%dma_start3A_267 : memref<40x128xf32, #tpu.memory_space<hbm>>) target(%dma_start3A_265 : memref<40x128xf32, #tpu.memory_space<vmem>>) target_semaphore(%arg9 : memref<!tpu.dma_semaphore, #tpu.memory_space<semaphore_mem>>)
      } else {
      }
      %dma_wait3A_220 = arith.constant 0 : i32
      %dma_wait3A_221 = arith.constant 0 : i32
      %dma_wait3A_222 = arith.constant 0 : i32
      %dma_wait3A_223 = tpu.memref_slice %arg7[%dma_wait3A_220, %dma_wait3A_221, %dma_wait3A_222] : memref<6x40x128xf32, #tpu.memory_space<vmem>> -> memref<1x40x128xf32, #tpu.memory_space<vmem>>
      %dma_wait3A_224 = tpu.memref_squeeze %dma_wait3A_223 : memref<1x40x128xf32, #tpu.memory_space<vmem>> -> memref<40x128xf32, #tpu.memory_space<vmem>>
      %dma_wait3A_225 = arith.constant 0 : i32
      %dma_wait3A_226 = arith.constant 0 : i32
      %dma_wait3A_227 = tpu.memref_slice %arg2[%dma_wait3A_225, %dma_wait3A_226] : memref<320000x128xf32, #tpu.memory_space<hbm>> -> memref<40x128xf32, #tpu.memory_space<hbm>>
      %dma_wait3A_228 = arith.constant 0 : i32
      %dma_wait3A_229 = arith.constant 0 : i32
      %dma_wait3A_230 = tpu.memref_slice %arg7[%dma_wait3A_220, %dma_wait3A_228, %dma_wait3A_229] : memref<6x40x128xf32, #tpu.memory_space<vmem>> -> memref<1x40x128xf32, #tpu.memory_space<vmem>>
      %dma_wait3A_231 = tpu.memref_squeeze %dma_wait3A_230 : memref<1x40x128xf32, #tpu.memory_space<vmem>> -> memref<40x128xf32, #tpu.memory_space<vmem>>
      %dma_wait3A_232 = arith.constant 0 : i32
      %dma_wait3A_233 = arith.constant 0 : i32
      %dma_wait3A_234 = tpu.memref_slice %arg2[%dma_wait3A_232, %dma_wait3A_233] : memref<320000x128xf32, #tpu.memory_space<hbm>> -> memref<40x128xf32, #tpu.memory_space<hbm>>
      tpu.wait_dma2 semaphore(%arg9 : memref<!tpu.dma_semaphore, #tpu.memory_space<semaphore_mem>>) src(%dma_wait3A_234 : memref<40x128xf32, #tpu.memory_space<hbm>>) dst(%dma_wait3A_231 : memref<40x128xf32, #tpu.memory_space<vmem>>)
      %rem3A = arith.constant 6 : i32
      %rem3A_235 = arith.remsi %scan3A_210, %rem3A : i32
      %dma_start3A_236 = arith.constant 0 : i32
      %dma_start3A_237 = arith.constant 0 : i32
      %dma_start3A_238 = tpu.memref_slice %arg7[%rem3A_235, %dma_start3A_236, %dma_start3A_237] : memref<6x40x128xf32, #tpu.memory_space<vmem>> -> memref<1x40x128xf32, #tpu.memory_space<vmem>>
      %dma_start3A_239 = tpu.memref_squeeze %dma_start3A_238 : memref<1x40x128xf32, #tpu.memory_space<vmem>> -> memref<40x128xf32, #tpu.memory_space<vmem>>
      %dma_start3A_240 = arith.constant 0 : i32
      %dma_start3A_241 = tpu.memref_slice %arg6[%scan3A_210, %dma_start3A_240] : memref<125x40xi32, #tpu.memory_space<vmem>> -> memref<1x40xi32, #tpu.memory_space<vmem>>
      %dma_start3A_242 = tpu.memref_squeeze %dma_start3A_241 : memref<1x40xi32, #tpu.memory_space<vmem>> -> memref<40xi32, #tpu.memory_space<vmem>>
      %dma_start3A_243 = arith.constant 0 : i32
      %dma_start3A_244 = arith.constant 0 : i32
      %dma_start3A_245 = tpu.memref_slice %arg8[%dma_start3A_243, %dma_start3A_244] : memref<10240x128xf32, #tpu.memory_space<vmem_shared>> -> memref<10240x128xf32, #tpu.memory_space<vmem_shared>>
      tpu.enqueue_indirect_dma source(%dma_start3A_239 : memref<40x128xf32, #tpu.memory_space<vmem>>) target(%dma_start3A_245 : memref<10240x128xf32, #tpu.memory_space<vmem_shared>>) offsets(%dma_start3A_242 : memref<40xi32, #tpu.memory_space<vmem>>) semaphore(%arg10 : memref<!tpu.dma_semaphore, #tpu.memory_space<semaphore_mem>>) {add = true}
      %scan3A_246 = arith.constant 0 : i32
      scf.yield %scan3A_246 : i32
    }
    %scan3A_144 = arith.constant 125 : i32
    %dma_wait3A_145 = arith.constant 0 : i32
    %dma_wait3A_146 = arith.constant 0 : i32
    %dma_wait3A_147 = arith.constant 0 : i32
    %dma_wait3A_148 = tpu.memref_slice %arg7[%dma_wait3A_145, %dma_wait3A_146, %dma_wait3A_147] : memref<6x40x128xf32, #tpu.memory_space<vmem>> -> memref<1x40x128xf32, #tpu.memory_space<vmem>>
    %dma_wait3A_149 = tpu.memref_squeeze %dma_wait3A_148 : memref<1x40x128xf32, #tpu.memory_space<vmem>> -> memref<40x128xf32, #tpu.memory_space<vmem>>
    %dma_wait3A_150 = arith.constant 0 : i32
    %dma_wait3A_151 = arith.constant 0 : i32
    %dma_wait3A_152 = tpu.memref_slice %arg2[%dma_wait3A_150, %dma_wait3A_151] : memref<320000x128xf32, #tpu.memory_space<hbm>> -> memref<40x128xf32, #tpu.memory_space<hbm>>
    %dma_wait3A_153 = arith.constant 0 : i32
    %dma_wait3A_154 = arith.constant 0 : i32
    %dma_wait3A_155 = tpu.memref_slice %arg7[%dma_wait3A_145, %dma_wait3A_153, %dma_wait3A_154] : memref<6x40x128xf32, #tpu.memory_space<vmem>> -> memref<1x40x128xf32, #tpu.memory_space<vmem>>
    %dma_wait3A_156 = tpu.memref_squeeze %dma_wait3A_155 : memref<1x40x128xf32, #tpu.memory_space<vmem>> -> memref<40x128xf32, #tpu.memory_space<vmem>>
    %dma_wait3A_157 = arith.constant 0 : i32
    %dma_wait3A_158 = arith.constant 0 : i32
    %dma_wait3A_159 = tpu.memref_slice %arg2[%dma_wait3A_157, %dma_wait3A_158] : memref<320000x128xf32, #tpu.memory_space<hbm>> -> memref<40x128xf32, #tpu.memory_space<hbm>>
    tpu.wait_dma2 semaphore(%arg10 : memref<!tpu.dma_semaphore, #tpu.memory_space<semaphore_mem>>) src(%dma_wait3A_159 : memref<40x128xf32, #tpu.memory_space<hbm>>) dst(%dma_wait3A_156 : memref<40x128xf32, #tpu.memory_space<vmem>>)
    %dma_wait3A_160 = arith.constant 0 : i32
    %dma_wait3A_161 = arith.constant 0 : i32
    %dma_wait3A_162 = arith.constant 0 : i32
    %dma_wait3A_163 = tpu.memref_slice %arg7[%dma_wait3A_160, %dma_wait3A_161, %dma_wait3A_162] : memref<6x40x128xf32, #tpu.memory_space<vmem>> -> memref<1x40x128xf32, #tpu.memory_space<vmem>>
    %dma_wait3A_164 = tpu.memref_squeeze %dma_wait3A_163 : memref<1x40x128xf32, #tpu.memory_space<vmem>> -> memref<40x128xf32, #tpu.memory_space<vmem>>
    %dma_wait3A_165 = arith.constant 0 : i32
    %dma_wait3A_166 = arith.constant 0 : i32
    %dma_wait3A_167 = tpu.memref_slice %arg2[%dma_wait3A_165, %dma_wait3A_166] : memref<320000x128xf32, #tpu.memory_space<hbm>> -> memref<40x128xf32, #tpu.memory_space<hbm>>
    %dma_wait3A_168 = arith.constant 0 : i32
    %dma_wait3A_169 = arith.constant 0 : i32
    %dma_wait3A_170 = tpu.memref_slice %arg7[%dma_wait3A_160, %dma_wait3A_168, %dma_wait3A_169] : memref<6x40x128xf32, #tpu.memory_space<vmem>> -> memref<1x40x128xf32, #tpu.memory_space<vmem>>
    %dma_wait3A_171 = tpu.memref_squeeze %dma_wait3A_170 : memref<1x40x128xf32, #tpu.memory_space<vmem>> -> memref<40x128xf32, #tpu.memory_space<vmem>>
    %dma_wait3A_172 = arith.constant 0 : i32
    %dma_wait3A_173 = arith.constant 0 : i32
    %dma_wait3A_174 = tpu.memref_slice %arg2[%dma_wait3A_172, %dma_wait3A_173] : memref<320000x128xf32, #tpu.memory_space<hbm>> -> memref<40x128xf32, #tpu.memory_space<hbm>>
    tpu.wait_dma2 semaphore(%arg10 : memref<!tpu.dma_semaphore, #tpu.memory_space<semaphore_mem>>) src(%dma_wait3A_174 : memref<40x128xf32, #tpu.memory_space<hbm>>) dst(%dma_wait3A_171 : memref<40x128xf32, #tpu.memory_space<vmem>>)
    %dma_wait3A_175 = arith.constant 0 : i32
    %dma_wait3A_176 = arith.constant 0 : i32
    %dma_wait3A_177 = arith.constant 0 : i32
    %dma_wait3A_178 = tpu.memref_slice %arg7[%dma_wait3A_175, %dma_wait3A_176, %dma_wait3A_177] : memref<6x40x128xf32, #tpu.memory_space<vmem>> -> memref<1x40x128xf32, #tpu.memory_space<vmem>>
    %dma_wait3A_179 = tpu.memref_squeeze %dma_wait3A_178 : memref<1x40x128xf32, #tpu.memory_space<vmem>> -> memref<40x128xf32, #tpu.memory_space<vmem>>
    %dma_wait3A_180 = arith.constant 0 : i32
    %dma_wait3A_181 = arith.constant 0 : i32
    %dma_wait3A_182 = tpu.memref_slice %arg2[%dma_wait3A_180, %dma_wait3A_181] : memref<320000x128xf32, #tpu.memory_space<hbm>> -> memref<40x128xf32, #tpu.memory_space<hbm>>
    %dma_wait3A_183 = arith.constant 0 : i32
    %dma_wait3A_184 = arith.constant 0 : i32
    %dma_wait3A_185 = tpu.memref_slice %arg7[%dma_wait3A_175, %dma_wait3A_183, %dma_wait3A_184] : memref<6x40x128xf32, #tpu.memory_space<vmem>> -> memref<1x40x128xf32, #tpu.memory_space<vmem>>
    %dma_wait3A_186 = tpu.memref_squeeze %dma_wait3A_185 : memref<1x40x128xf32, #tpu.memory_space<vmem>> -> memref<40x128xf32, #tpu.memory_space<vmem>>
    %dma_wait3A_187 = arith.constant 0 : i32
    %dma_wait3A_188 = arith.constant 0 : i32
    %dma_wait3A_189 = tpu.memref_slice %arg2[%dma_wait3A_187, %dma_wait3A_188] : memref<320000x128xf32, #tpu.memory_space<hbm>> -> memref<40x128xf32, #tpu.memory_space<hbm>>
    tpu.wait_dma2 semaphore(%arg10 : memref<!tpu.dma_semaphore, #tpu.memory_space<semaphore_mem>>) src(%dma_wait3A_189 : memref<40x128xf32, #tpu.memory_space<hbm>>) dst(%dma_wait3A_186 : memref<40x128xf32, #tpu.memory_space<vmem>>)
    %dma_wait3A_190 = arith.constant 0 : i32
    %dma_wait3A_191 = arith.constant 0 : i32
    %dma_wait3A_192 = arith.constant 0 : i32
    %dma_wait3A_193 = tpu.memref_slice %arg7[%dma_wait3A_190, %dma_wait3A_191, %dma_wait3A_192] : memref<6x40x128xf32, #tpu.memory_space<vmem>> -> memref<1x40x128xf32, #tpu.memory_space<vmem>>
    %dma_wait3A_194 = tpu.memref_squeeze %dma_wait3A_193 : memref<1x40x128xf32, #tpu.memory_space<vmem>> -> memref<40x128xf32, #tpu.memory_space<vmem>>
    %dma_wait3A_195 = arith.constant 0 : i32
    %dma_wait3A_196 = arith.constant 0 : i32
    %dma_wait3A_197 = tpu.memref_slice %arg2[%dma_wait3A_195, %dma_wait3A_196] : memref<320000x128xf32, #tpu.memory_space<hbm>> -> memref<40x128xf32, #tpu.memory_space<hbm>>
    %dma_wait3A_198 = arith.constant 0 : i32
    %dma_wait3A_199 = arith.constant 0 : i32
    %dma_wait3A_200 = tpu.memref_slice %arg7[%dma_wait3A_190, %dma_wait3A_198, %dma_wait3A_199] : memref<6x40x128xf32, #tpu.memory_space<vmem>> -> memref<1x40x128xf32, #tpu.memory_space<vmem>>
    %dma_wait3A_201 = tpu.memref_squeeze %dma_wait3A_200 : memref<1x40x128xf32, #tpu.memory_space<vmem>> -> memref<40x128xf32, #tpu.memory_space<vmem>>
    %dma_wait3A_202 = arith.constant 0 : i32
    %dma_wait3A_203 = arith.constant 0 : i32
    %dma_wait3A_204 = tpu.memref_slice %arg2[%dma_wait3A_202, %dma_wait3A_203] : memref<320000x128xf32, #tpu.memory_space<hbm>> -> memref<40x128xf32, #tpu.memory_space<hbm>>
    tpu.wait_dma2 semaphore(%arg10 : memref<!tpu.dma_semaphore, #tpu.memory_space<semaphore_mem>>) src(%dma_wait3A_204 : memref<40x128xf32, #tpu.memory_space<hbm>>) dst(%dma_wait3A_201 : memref<40x128xf32, #tpu.memory_space<vmem>>)
    %barrier3A_205 = arith.constant 0 : index
    tpu.barrier barrier_id(%barrier3A_205)
    %mul3A_206 = arith.constant 640 : i32
    %mul3A_207 = arith.muli %arg1, %mul3A_206 : i32
    %mul3A_208 = arith.constant 640 : i32
    %mul3A_209 = arith.muli %arg1, %mul3A_208 : i32
    "tpu.region"() ({
      %run_scoped3A_210 = tpu.sem_alloc : memref<!tpu.dma_semaphore, #tpu.memory_space<semaphore_mem>>
      %dma_start3A_211 = arith.constant 0 : i32
      %dma_start3A_212 = tpu.memref_slice %arg5[%arg0, %mul3A_209, %dma_start3A_211] : memref<2x10240x128xf32, #tpu.memory_space<hbm>> -> memref<1x640x128xf32, #tpu.memory_space<hbm>>
      %dma_start3A_213 = tpu.memref_squeeze %dma_start3A_212 : memref<1x640x128xf32, #tpu.memory_space<hbm>> -> memref<640x128xf32, #tpu.memory_space<hbm>>
      %dma_start3A_214 = arith.constant 0 : i32
      %dma_start3A_215 = tpu.memref_slice %arg8[%mul3A_207, %dma_start3A_214] : memref<10240x128xf32, #tpu.memory_space<vmem_shared>> -> memref<640x128xf32, #tpu.memory_space<vmem_shared>>
      tpu.enqueue_dma source(%dma_start3A_215 : memref<640x128xf32, #tpu.memory_space<vmem_shared>>) target(%dma_start3A_213 : memref<640x128xf32, #tpu.memory_space<hbm>>) target_semaphore(%run_scoped3A_210 : memref<!tpu.dma_semaphore, #tpu.memory_space<semaphore_mem>>)
      %dma_wait3A_216 = arith.constant 0 : i32
      %dma_wait3A_217 = tpu.memref_slice %arg5[%arg0, %mul3A_209, %dma_wait3A_216] : memref<2x10240x128xf32, #tpu.memory_space<hbm>> -> memref<1x640x128xf32, #tpu.memory_space<hbm>>
      %dma_wait3A_218 = tpu.memref_squeeze %dma_wait3A_217 : memref<1x640x128xf32, #tpu.memory_space<hbm>> -> memref<640x128xf32, #tpu.memory_space<hbm>>
      %dma_wait3A_219 = arith.constant 0 : i32
      %dma_wait3A_220 = tpu.memref_slice %arg8[%mul3A_207, %dma_wait3A_219] : memref<10240x128xf32, #tpu.memory_space<vmem_shared>> -> memref<640x128xf32, #tpu.memory_space<vmem_shared>>
      tpu.wait_dma2 semaphore(%run_scoped3A_210 : memref<!tpu.dma_semaphore, #tpu.memory_space<semaphore_mem>>) src(%dma_wait3A_220 : memref<640x128xf32, #tpu.memory_space<vmem_shared>>) dst(%dma_wait3A_218 : memref<640x128xf32, #tpu.memory_space<hbm>>)
      tpu.yield
    }) : () -> ()
    return
  }
}

module attributes {stable_mosaic.version = 14 : i64} {
  func.func @_tc_in_body(%arg0: memref<10000x128xf32, #tpu.memory_space<vmem>>, %arg1: memref<128x64xf32, #tpu.memory_space<vmem>>, %arg2: memref<1x64xf32, #tpu.memory_space<vmem>>, %arg3: memref<64x64xf32, #tpu.memory_space<vmem>>, %arg4: memref<1x64xf32, #tpu.memory_space<vmem>>, %arg5: memref<64x128xf32, #tpu.memory_space<vmem>>, %arg6: memref<10000x64xf32, #tpu.memory_space<vmem>>, %arg7: memref<10000x128xf32, #tpu.memory_space<vmem>>) attributes {dimension_semantics = [], scalar_prefetch = 0 : i64, scratch_operands = 0 : i64, tpu.core_type = #tpu.core_type<tc>} {
    %get3A = arith.constant 0 : index
    %get3A_0 = arith.constant 0 : index
    %get3A_1 = vector.load %arg0[%get3A, %get3A_0] : memref<10000x128xf32, #tpu.memory_space<vmem>>, vector<10000x128xf32>
    %get3A_2 = arith.constant 0 : index
    %get3A_3 = arith.constant 0 : index
    %get3A_4 = vector.load %arg1[%get3A_2, %get3A_3] : memref<128x64xf32, #tpu.memory_space<vmem>>, vector<128x64xf32>
    %dot_general3A = arith.constant dense<0.000000e+00> : vector<10000x64xf32>
    %dot_general3A_5 = tpu.matmul %get3A_1, %get3A_4, %dot_general3A {dimension_numbers = #tpu.dot_dimension_numbers<[1], [0], [0], [1], [0, 0, 1, 1], [], []>, transpose_lhs_hint = false} : vector<10000x128xf32>, vector<128x64xf32>, vector<10000x64xf32> -> vector<10000x64xf32>
    %get3A_6 = arith.constant 0 : index
    %get3A_7 = arith.constant 0 : index
    %get3A_8 = vector.load %arg2[%get3A_6, %get3A_7] : memref<1x64xf32, #tpu.memory_space<vmem>>, vector<1x64xf32>
    %add3A = vector.broadcast %get3A_8 : vector<1x64xf32> to vector<10000x64xf32>
    %add3A_9 = arith.addf %dot_general3A_5, %add3A : vector<10000x64xf32>
    %max3A = arith.constant 0.000000e+00 : f32
    %max3A_10 = vector.broadcast %max3A : f32 to vector<10000x64xf32>
    %max3A_11 = arith.maximumf %add3A_9, %max3A_10 : vector<10000x64xf32>
    %get3A_12 = arith.constant 0 : index
    %get3A_13 = arith.constant 0 : index
    %get3A_14 = vector.load %arg3[%get3A_12, %get3A_13] : memref<64x64xf32, #tpu.memory_space<vmem>>, vector<64x64xf32>
    %dot_general3A_15 = arith.constant dense<0.000000e+00> : vector<10000x64xf32>
    %dot_general3A_16 = tpu.matmul %max3A_11, %get3A_14, %dot_general3A_15 {dimension_numbers = #tpu.dot_dimension_numbers<[1], [0], [0], [1], [0, 0, 1, 1], [], []>, transpose_lhs_hint = false} : vector<10000x64xf32>, vector<64x64xf32>, vector<10000x64xf32> -> vector<10000x64xf32>
    %get3A_17 = arith.constant 0 : index
    %get3A_18 = arith.constant 0 : index
    %get3A_19 = vector.load %arg4[%get3A_17, %get3A_18] : memref<1x64xf32, #tpu.memory_space<vmem>>, vector<1x64xf32>
    %add3A_20 = vector.broadcast %get3A_19 : vector<1x64xf32> to vector<10000x64xf32>
    %add3A_21 = arith.addf %dot_general3A_16, %add3A_20 : vector<10000x64xf32>
    %max3A_22 = arith.constant 0.000000e+00 : f32
    %max3A_23 = vector.broadcast %max3A_22 : f32 to vector<10000x64xf32>
    %max3A_24 = arith.maximumf %add3A_21, %max3A_23 : vector<10000x64xf32>
    %swap3A = arith.constant 0 : index
    %swap3A_25 = arith.constant 0 : index
    %swap3A_26 = vector.load %arg6[%swap3A, %swap3A_25] : memref<10000x64xf32, #tpu.memory_space<vmem>>, vector<10000x64xf32>
    tpu.vector_store %arg6[%swap3A, %swap3A_25], %max3A_24 {strides = array<i32>} : memref<10000x64xf32, #tpu.memory_space<vmem>>, vector<10000x64xf32>,
    %get3A_27 = arith.constant 0 : index
    %get3A_28 = arith.constant 0 : index
    %get3A_29 = vector.load %arg5[%get3A_27, %get3A_28] : memref<64x128xf32, #tpu.memory_space<vmem>>, vector<64x128xf32>
    %dot_general3A_30 = arith.constant dense<0.000000e+00> : vector<10000x128xf32>
    %dot_general3A_31 = tpu.matmul %max3A_24, %get3A_29, %dot_general3A_30 {dimension_numbers = #tpu.dot_dimension_numbers<[1], [0], [0], [1], [0, 0, 1, 1], [], []>, transpose_lhs_hint = false} : vector<10000x64xf32>, vector<64x128xf32>, vector<10000x128xf32> -> vector<10000x128xf32>
    %swap3A_32 = arith.constant 0 : index
    %swap3A_33 = arith.constant 0 : index
    %swap3A_34 = vector.load %arg7[%swap3A_32, %swap3A_33] : memref<10000x128xf32, #tpu.memory_space<vmem>>, vector<10000x128xf32>
    tpu.vector_store %arg7[%swap3A_32, %swap3A_33], %dot_general3A_31 {strides = array<i32>} : memref<10000x128xf32, #tpu.memory_space<vmem>>, vector<10000x128xf32>,
    return
  }
}

module attributes {stable_mosaic.version = 14 : i64} {
  func.func @_tc_edge_body(%arg0: i32, %arg1: memref<8000x128xf32, #tpu.memory_space<vmem>>, %arg2: memref<8000x16xf32, #tpu.memory_space<vmem>>, %arg3: memref<16x64xf32, #tpu.memory_space<vmem>>, %arg4: memref<1x64xf32, #tpu.memory_space<vmem>>, %arg5: memref<64x128xf32, #tpu.memory_space<vmem>>, %arg6: memref<1x128xf32, #tpu.memory_space<vmem>>, %arg7: memref<8000x128xf32, #tpu.memory_space<vmem>>) attributes {dimension_semantics = [#tpu.dimension_semantics<arbitrary>], iteration_bounds = array<i64: 40>, scalar_prefetch = 0 : i64, scratch_operands = 0 : i64, tpu.core_type = #tpu.core_type<tc>, window_params = [{transform_indices = @transform_0, window_bounds = array<i64: 8000, 128>}, {transform_indices = @transform_1, window_bounds = array<i64: 8000, 16>}, {pipeline_mode = #tpu.pipeline_mode<synchronous>, transform_indices = @transform_2, window_bounds = array<i64: 16, 64>}, {pipeline_mode = #tpu.pipeline_mode<synchronous>, transform_indices = @transform_3, window_bounds = array<i64: 1, 64>}, {pipeline_mode = #tpu.pipeline_mode<synchronous>, transform_indices = @transform_4, window_bounds = array<i64: 64, 128>}, {pipeline_mode = #tpu.pipeline_mode<synchronous>, transform_indices = @transform_5, window_bounds = array<i64: 1, 128>}, {transform_indices = @transform_6, window_bounds = array<i64: 8000, 128>}]} {
    %get3A = arith.constant 0 : index
    %get3A_0 = arith.constant 0 : index
    %get3A_1 = vector.load %arg1[%get3A, %get3A_0] : memref<8000x128xf32, #tpu.memory_space<vmem>>, vector<8000x128xf32>
    %slice3A = vector.extract_strided_slice %get3A_1 {offsets = [0, 0], sizes = [8000, 64], strides = [1, 1]} : vector<8000x128xf32> to vector<8000x64xf32>
    %get3A_2 = arith.constant 0 : index
    %get3A_3 = arith.constant 0 : index
    %get3A_4 = vector.load %arg2[%get3A_2, %get3A_3] : memref<8000x16xf32, #tpu.memory_space<vmem>>, vector<8000x16xf32>
    %get3A_5 = arith.constant 0 : index
    %get3A_6 = arith.constant 0 : index
    %get3A_7 = vector.load %arg3[%get3A_5, %get3A_6] : memref<16x64xf32, #tpu.memory_space<vmem>>, vector<16x64xf32>
    %dot_general3A = arith.constant dense<0.000000e+00> : vector<8000x64xf32>
    %dot_general3A_8 = tpu.matmul %get3A_4, %get3A_7, %dot_general3A {dimension_numbers = #tpu.dot_dimension_numbers<[1], [0], [0], [1], [0, 0, 1, 1], [], []>, transpose_lhs_hint = false} : vector<8000x16xf32>, vector<16x64xf32>, vector<8000x64xf32> -> vector<8000x64xf32>
    %add3A = arith.addf %slice3A, %dot_general3A_8 : vector<8000x64xf32>
    %get3A_9 = arith.constant 0 : index
    %get3A_10 = arith.constant 0 : index
    %get3A_11 = vector.load %arg4[%get3A_9, %get3A_10] : memref<1x64xf32, #tpu.memory_space<vmem>>, vector<1x64xf32>
    %add3A_12 = vector.broadcast %get3A_11 : vector<1x64xf32> to vector<8000x64xf32>
    %add3A_13 = arith.addf %add3A, %add3A_12 : vector<8000x64xf32>
    %max3A = arith.constant 0.000000e+00 : f32
    %max3A_14 = vector.broadcast %max3A : f32 to vector<8000x64xf32>
    %max3A_15 = arith.maximumf %add3A_13, %max3A_14 : vector<8000x64xf32>
    %get3A_16 = arith.constant 0 : index
    %get3A_17 = arith.constant 0 : index
    %get3A_18 = vector.load %arg5[%get3A_16, %get3A_17] : memref<64x128xf32, #tpu.memory_space<vmem>>, vector<64x128xf32>
    %dot_general3A_19 = arith.constant dense<0.000000e+00> : vector<8000x128xf32>
    %dot_general3A_20 = tpu.matmul %max3A_15, %get3A_18, %dot_general3A_19 {dimension_numbers = #tpu.dot_dimension_numbers<[1], [0], [0], [1], [0, 0, 1, 1], [], []>, transpose_lhs_hint = false} : vector<8000x64xf32>, vector<64x128xf32>, vector<8000x128xf32> -> vector<8000x128xf32>
    %get3A_21 = arith.constant 0 : index
    %get3A_22 = arith.constant 0 : index
    %get3A_23 = vector.load %arg6[%get3A_21, %get3A_22] : memref<1x128xf32, #tpu.memory_space<vmem>>, vector<1x128xf32>
    %add3A_24 = vector.broadcast %get3A_23 : vector<1x128xf32> to vector<8000x128xf32>
    %add3A_25 = arith.addf %dot_general3A_20, %add3A_24 : vector<8000x128xf32>
    %max3A_26 = arith.constant 0.000000e+00 : f32
    %max3A_27 = vector.broadcast %max3A_26 : f32 to vector<8000x128xf32>
    %max3A_28 = arith.maximumf %add3A_25, %max3A_27 : vector<8000x128xf32>
    %swap3A = arith.constant 0 : index
    %swap3A_29 = arith.constant 0 : index
    %swap3A_30 = vector.load %arg7[%swap3A, %swap3A_29] : memref<8000x128xf32, #tpu.memory_space<vmem>>, vector<8000x128xf32>
    tpu.vector_store %arg7[%swap3A, %swap3A_29], %max3A_28 {strides = array<i32>} : memref<8000x128xf32, #tpu.memory_space<vmem>>, vector<8000x128xf32>,
    return
  }
  func.func @transform_0(%arg0: i32) -> (i32, i32) {
    %c0_i32 = arith.constant 0 : i32
    %c0_i32_0 = arith.constant 0 : i32
    return %arg0, %c0_i32 : i32, i32
  }
  func.func @transform_1(%arg0: i32) -> (i32, i32) {
    %c0_i32 = arith.constant 0 : i32
    %c0_i32_0 = arith.constant 0 : i32
    return %arg0, %c0_i32 : i32, i32
  }
  func.func @transform_2(%arg0: i32) -> (i32, i32) {
    %c0_i32 = arith.constant 0 : i32
    %c0_i32_0 = arith.constant 0 : i32
    %c0_i32_1 = arith.constant 0 : i32
    return %c0_i32, %c0_i32_0 : i32, i32
  }
  func.func @transform_3(%arg0: i32) -> (i32, i32) {
    %c0_i32 = arith.constant 0 : i32
    %c0_i32_0 = arith.constant 0 : i32
    %c0_i32_1 = arith.constant 0 : i32
    return %c0_i32, %c0_i32_0 : i32, i32
  }
  func.func @transform_4(%arg0: i32) -> (i32, i32) {
    %c0_i32 = arith.constant 0 : i32
    %c0_i32_0 = arith.constant 0 : i32
    %c0_i32_1 = arith.constant 0 : i32
    return %c0_i32, %c0_i32_0 : i32, i32
  }
  func.func @transform_5(%arg0: i32) -> (i32, i32) {
    %c0_i32 = arith.constant 0 : i32
    %c0_i32_0 = arith.constant 0 : i32
    %c0_i32_1 = arith.constant 0 : i32
    return %c0_i32, %c0_i32_0 : i32, i32
  }
  func.func @transform_6(%arg0: i32) -> (i32, i32) {
    %c0_i32 = arith.constant 0 : i32
    %c0_i32_0 = arith.constant 0 : i32
    return %arg0, %c0_i32 : i32, i32
  }
}

module attributes {stable_mosaic.version = 14 : i64} {
  func.func @_tc_node_mid_body(%arg0: memref<10000x64xf32, #tpu.memory_space<vmem>>, %arg1: memref<2x10240x128xf32, #tpu.memory_space<vmem>>, %arg2: memref<64x64xf32, #tpu.memory_space<vmem>>, %arg3: memref<64x64xf32, #tpu.memory_space<vmem>>, %arg4: memref<1x64xf32, #tpu.memory_space<vmem>>, %arg5: memref<64x64xf32, #tpu.memory_space<vmem>>, %arg6: memref<1x64xf32, #tpu.memory_space<vmem>>, %arg7: memref<1x64xf32, #tpu.memory_space<vmem>>, %arg8: memref<1x64xf32, #tpu.memory_space<vmem>>, %arg9: memref<64x128xf32, #tpu.memory_space<vmem>>, %arg10: memref<10000x64xf32, #tpu.memory_space<vmem>>, %arg11: memref<10240x128xf32, #tpu.memory_space<vmem>>) attributes {dimension_semantics = [], scalar_prefetch = 0 : i64, scratch_operands = 0 : i64, tpu.core_type = #tpu.core_type<tc>} {
    %get3A = arith.constant 0 : index
    %get3A_0 = arith.constant 0 : index
    %get3A_1 = vector.load %arg0[%get3A, %get3A_0] : memref<10000x64xf32, #tpu.memory_space<vmem>>, vector<10000x64xf32>
    %get3A_2 = arith.constant 0 : index
    %get3A_3 = arith.constant 0 : index
    %get3A_4 = arith.constant 0 : index
    %get3A_5 = vector.load %arg1[%get3A_2, %get3A_3, %get3A_4] : memref<2x10240x128xf32, #tpu.memory_space<vmem>>, vector<2x10240x128xf32>
    %slice3A = vector.extract_strided_slice %get3A_5 {offsets = [0, 0, 0], sizes = [1, 10000, 128], strides = [1, 1, 1]} : vector<2x10240x128xf32> to vector<1x10000x128xf32>
    %squeeze3A = vector.shape_cast %slice3A : vector<1x10000x128xf32> to vector<10000x128xf32>
    %slice3A_6 = vector.extract_strided_slice %get3A_5 {offsets = [1, 0, 0], sizes = [1, 10000, 128], strides = [1, 1, 1]} : vector<2x10240x128xf32> to vector<1x10000x128xf32>
    %squeeze3A_7 = vector.shape_cast %slice3A_6 : vector<1x10000x128xf32> to vector<10000x128xf32>
    %add3A = arith.addf %squeeze3A, %squeeze3A_7 : vector<10000x128xf32>
    %slice3A_8 = vector.extract_strided_slice %add3A {offsets = [0, 64], sizes = [10000, 1], strides = [1, 1]} : vector<10000x128xf32> to vector<10000x1xf32>
    %max3A = arith.constant 1.000000e+00 : f32
    %max3A_9 = vector.broadcast %max3A : f32 to vector<10000x1xf32>
    %max3A_10 = arith.maximumf %slice3A_8, %max3A_9 : vector<10000x1xf32>
    %slice3A_11 = vector.extract_strided_slice %add3A {offsets = [0, 0], sizes = [10000, 64], strides = [1, 1]} : vector<10000x128xf32> to vector<10000x64xf32>
    %div3A = vector.broadcast %max3A_10 : vector<10000x1xf32> to vector<10000x64xf32>
    %div3A_12 = arith.divf %slice3A_11, %div3A : vector<10000x64xf32>
    %get3A_13 = arith.constant 0 : index
    %get3A_14 = arith.constant 0 : index
    %get3A_15 = vector.load %arg2[%get3A_13, %get3A_14] : memref<64x64xf32, #tpu.memory_space<vmem>>, vector<64x64xf32>
    %dot_general3A = arith.constant dense<0.000000e+00> : vector<10000x64xf32>
    %dot_general3A_16 = tpu.matmul %get3A_1, %get3A_15, %dot_general3A {dimension_numbers = #tpu.dot_dimension_numbers<[1], [0], [0], [1], [0, 0, 1, 1], [], []>, transpose_lhs_hint = false} : vector<10000x64xf32>, vector<64x64xf32>, vector<10000x64xf32> -> vector<10000x64xf32>
    %get3A_17 = arith.constant 0 : index
    %get3A_18 = arith.constant 0 : index
    %get3A_19 = vector.load %arg3[%get3A_17, %get3A_18] : memref<64x64xf32, #tpu.memory_space<vmem>>, vector<64x64xf32>
    %dot_general3A_20 = arith.constant dense<0.000000e+00> : vector<10000x64xf32>
    %dot_general3A_21 = tpu.matmul %div3A_12, %get3A_19, %dot_general3A_20 {dimension_numbers = #tpu.dot_dimension_numbers<[1], [0], [0], [1], [0, 0, 1, 1], [], []>, transpose_lhs_hint = false} : vector<10000x64xf32>, vector<64x64xf32>, vector<10000x64xf32> -> vector<10000x64xf32>
    %add3A_22 = arith.addf %dot_general3A_16, %dot_general3A_21 : vector<10000x64xf32>
    %get3A_23 = arith.constant 0 : index
    %get3A_24 = arith.constant 0 : index
    %get3A_25 = vector.load %arg4[%get3A_23, %get3A_24] : memref<1x64xf32, #tpu.memory_space<vmem>>, vector<1x64xf32>
    %add3A_26 = vector.broadcast %get3A_25 : vector<1x64xf32> to vector<10000x64xf32>
    %add3A_27 = arith.addf %add3A_22, %add3A_26 : vector<10000x64xf32>
    %max3A_28 = arith.constant 0.000000e+00 : f32
    %max3A_29 = vector.broadcast %max3A_28 : f32 to vector<10000x64xf32>
    %max3A_30 = arith.maximumf %add3A_27, %max3A_29 : vector<10000x64xf32>
    %get3A_31 = arith.constant 0 : index
    %get3A_32 = arith.constant 0 : index
    %get3A_33 = vector.load %arg5[%get3A_31, %get3A_32] : memref<64x64xf32, #tpu.memory_space<vmem>>, vector<64x64xf32>
    %dot_general3A_34 = arith.constant dense<0.000000e+00> : vector<10000x64xf32>
    %dot_general3A_35 = tpu.matmul %max3A_30, %get3A_33, %dot_general3A_34 {dimension_numbers = #tpu.dot_dimension_numbers<[1], [0], [0], [1], [0, 0, 1, 1], [], []>, transpose_lhs_hint = false} : vector<10000x64xf32>, vector<64x64xf32>, vector<10000x64xf32> -> vector<10000x64xf32>
    %get3A_36 = arith.constant 0 : index
    %get3A_37 = arith.constant 0 : index
    %get3A_38 = vector.load %arg6[%get3A_36, %get3A_37] : memref<1x64xf32, #tpu.memory_space<vmem>>, vector<1x64xf32>
    %add3A_39 = vector.broadcast %get3A_38 : vector<1x64xf32> to vector<10000x64xf32>
    %add3A_40 = arith.addf %dot_general3A_35, %add3A_39 : vector<10000x64xf32>
    %logistic3A = arith.negf %add3A_40 : vector<10000x64xf32>
    %logistic3A_41 = math.exp %logistic3A : vector<10000x64xf32>
    %logistic3A_42 = arith.constant 1.000000e+00 : f32
    %logistic3A_43 = vector.broadcast %logistic3A_42 : f32 to vector<10000x64xf32>
    %logistic3A_44 = arith.addf %logistic3A_43, %logistic3A_41 : vector<10000x64xf32>
    %logistic3A_45 = arith.divf %logistic3A_43, %logistic3A_44 : vector<10000x64xf32>
    %add3A_46 = arith.addf %get3A_1, %logistic3A_45 : vector<10000x64xf32>
    %reduce_sum3A = arith.constant dense<0.000000e+00> : vector<64xf32>
    %reduce_sum3A_47 = vector.multi_reduction <add>, %add3A_46, %reduce_sum3A [0] : vector<10000x64xf32> to vector<64xf32>
    %broadcast_in_dim3A = vector.shape_cast %reduce_sum3A_47 : vector<64xf32> to vector<1x64xf32>
    %div3A_48 = arith.constant 1.000000e+04 : f32
    %div3A_49 = vector.broadcast %div3A_48 : f32 to vector<1x64xf32>
    %div3A_50 = arith.divf %broadcast_in_dim3A, %div3A_49 : vector<1x64xf32>
    %sub3A = vector.broadcast %div3A_50 : vector<1x64xf32> to vector<10000x64xf32>
    %sub3A_51 = arith.subf %add3A_46, %sub3A : vector<10000x64xf32>
    %integer_pow3A = arith.mulf %sub3A_51, %sub3A_51 : vector<10000x64xf32>
    %reduce_sum3A_52 = arith.constant dense<0.000000e+00> : vector<64xf32>
    %reduce_sum3A_53 = vector.multi_reduction <add>, %integer_pow3A, %reduce_sum3A_52 [0] : vector<10000x64xf32> to vector<64xf32>
    %broadcast_in_dim3A_54 = vector.shape_cast %reduce_sum3A_53 : vector<64xf32> to vector<1x64xf32>
    %div3A_55 = arith.constant 1.000000e+04 : f32
    %div3A_56 = vector.broadcast %div3A_55 : f32 to vector<1x64xf32>
    %div3A_57 = arith.divf %broadcast_in_dim3A_54, %div3A_56 : vector<1x64xf32>
    %sub3A_58 = vector.broadcast %div3A_50 : vector<1x64xf32> to vector<10000x64xf32>
    %sub3A_59 = arith.subf %add3A_46, %sub3A_58 : vector<10000x64xf32>
    %add3A_60 = arith.constant 9.99999974E-6 : f32
    %add3A_61 = vector.broadcast %add3A_60 : f32 to vector<1x64xf32>
    %add3A_62 = arith.addf %div3A_57, %add3A_61 : vector<1x64xf32>
    %sqrt3A = math.sqrt %add3A_62 : vector<1x64xf32>
    %div3A_63 = vector.broadcast %sqrt3A : vector<1x64xf32> to vector<10000x64xf32>
    %div3A_64 = arith.divf %sub3A_59, %div3A_63 : vector<10000x64xf32>
    %get3A_65 = arith.constant 0 : index
    %get3A_66 = arith.constant 0 : index
    %get3A_67 = vector.load %arg7[%get3A_65, %get3A_66] : memref<1x64xf32, #tpu.memory_space<vmem>>, vector<1x64xf32>
    %mul3A = vector.broadcast %get3A_67 : vector<1x64xf32> to vector<10000x64xf32>
    %mul3A_68 = arith.mulf %div3A_64, %mul3A : vector<10000x64xf32>
    %get3A_69 = arith.constant 0 : index
    %get3A_70 = arith.constant 0 : index
    %get3A_71 = vector.load %arg8[%get3A_69, %get3A_70] : memref<1x64xf32, #tpu.memory_space<vmem>>, vector<1x64xf32>
    %add3A_72 = vector.broadcast %get3A_71 : vector<1x64xf32> to vector<10000x64xf32>
    %add3A_73 = arith.addf %mul3A_68, %add3A_72 : vector<10000x64xf32>
    %swap3A = arith.constant 0 : index
    %swap3A_74 = arith.constant 0 : index
    %swap3A_75 = vector.load %arg10[%swap3A, %swap3A_74] : memref<10000x64xf32, #tpu.memory_space<vmem>>, vector<10000x64xf32>
    tpu.vector_store %arg10[%swap3A, %swap3A_74], %add3A_73 {strides = array<i32>} : memref<10000x64xf32, #tpu.memory_space<vmem>>, vector<10000x64xf32>,
    %get3A_76 = arith.constant 0 : index
    %get3A_77 = arith.constant 0 : index
    %get3A_78 = vector.load %arg9[%get3A_76, %get3A_77] : memref<64x128xf32, #tpu.memory_space<vmem>>, vector<64x128xf32>
    %dot_general3A_79 = arith.constant dense<0.000000e+00> : vector<10000x128xf32>
    %dot_general3A_80 = tpu.matmul %add3A_73, %get3A_78, %dot_general3A_79 {dimension_numbers = #tpu.dot_dimension_numbers<[1], [0], [0], [1], [0, 0, 1, 1], [], []>, transpose_lhs_hint = false} : vector<10000x64xf32>, vector<64x128xf32>, vector<10000x128xf32> -> vector<10000x128xf32>
    %swap3A_81 = arith.constant 0 : index
    %swap3A_82 = arith.constant 0 : index
    %swap3A_83 = vector.load %arg11[%swap3A_81, %swap3A_82] : memref<10240x128xf32, #tpu.memory_space<vmem>>, vector<10000x128xf32>
    tpu.vector_store %arg11[%swap3A_81, %swap3A_82], %dot_general3A_80 {strides = array<i32>} : memref<10240x128xf32, #tpu.memory_space<vmem>>, vector<10000x128xf32>,
    return
  }
}

module attributes {stable_mosaic.version = 14 : i64} {
  func.func @_tc_node_last_body(%arg0: memref<10000x64xf32, #tpu.memory_space<vmem>>, %arg1: memref<2x10240x128xf32, #tpu.memory_space<vmem>>, %arg2: memref<64x64xf32, #tpu.memory_space<vmem>>, %arg3: memref<64x64xf32, #tpu.memory_space<vmem>>, %arg4: memref<1x64xf32, #tpu.memory_space<vmem>>, %arg5: memref<64x64xf32, #tpu.memory_space<vmem>>, %arg6: memref<1x64xf32, #tpu.memory_space<vmem>>, %arg7: memref<1x64xf32, #tpu.memory_space<vmem>>, %arg8: memref<1x64xf32, #tpu.memory_space<vmem>>, %arg9: memref<64x64xf32, #tpu.memory_space<vmem>>, %arg10: memref<1x64xf32, #tpu.memory_space<vmem>>, %arg11: memref<64x1xf32, #tpu.memory_space<vmem>>, %arg12: memref<1x1xf32, #tpu.memory_space<vmem>>, %arg13: memref<10000x1xf32, #tpu.memory_space<vmem>>) attributes {dimension_semantics = [], scalar_prefetch = 0 : i64, scratch_operands = 0 : i64, tpu.core_type = #tpu.core_type<tc>} {
    %get3A = arith.constant 0 : index
    %get3A_0 = arith.constant 0 : index
    %get3A_1 = vector.load %arg0[%get3A, %get3A_0] : memref<10000x64xf32, #tpu.memory_space<vmem>>, vector<10000x64xf32>
    %get3A_2 = arith.constant 0 : index
    %get3A_3 = arith.constant 0 : index
    %get3A_4 = arith.constant 0 : index
    %get3A_5 = vector.load %arg1[%get3A_2, %get3A_3, %get3A_4] : memref<2x10240x128xf32, #tpu.memory_space<vmem>>, vector<2x10240x128xf32>
    %slice3A = vector.extract_strided_slice %get3A_5 {offsets = [0, 0, 0], sizes = [1, 10000, 128], strides = [1, 1, 1]} : vector<2x10240x128xf32> to vector<1x10000x128xf32>
    %squeeze3A = vector.shape_cast %slice3A : vector<1x10000x128xf32> to vector<10000x128xf32>
    %slice3A_6 = vector.extract_strided_slice %get3A_5 {offsets = [1, 0, 0], sizes = [1, 10000, 128], strides = [1, 1, 1]} : vector<2x10240x128xf32> to vector<1x10000x128xf32>
    %squeeze3A_7 = vector.shape_cast %slice3A_6 : vector<1x10000x128xf32> to vector<10000x128xf32>
    %add3A = arith.addf %squeeze3A, %squeeze3A_7 : vector<10000x128xf32>
    %slice3A_8 = vector.extract_strided_slice %add3A {offsets = [0, 64], sizes = [10000, 1], strides = [1, 1]} : vector<10000x128xf32> to vector<10000x1xf32>
    %max3A = arith.constant 1.000000e+00 : f32
    %max3A_9 = vector.broadcast %max3A : f32 to vector<10000x1xf32>
    %max3A_10 = arith.maximumf %slice3A_8, %max3A_9 : vector<10000x1xf32>
    %slice3A_11 = vector.extract_strided_slice %add3A {offsets = [0, 0], sizes = [10000, 64], strides = [1, 1]} : vector<10000x128xf32> to vector<10000x64xf32>
    %div3A = vector.broadcast %max3A_10 : vector<10000x1xf32> to vector<10000x64xf32>
    %div3A_12 = arith.divf %slice3A_11, %div3A : vector<10000x64xf32>
    %get3A_13 = arith.constant 0 : index
    %get3A_14 = arith.constant 0 : index
    %get3A_15 = vector.load %arg2[%get3A_13, %get3A_14] : memref<64x64xf32, #tpu.memory_space<vmem>>, vector<64x64xf32>
    %dot_general3A = arith.constant dense<0.000000e+00> : vector<10000x64xf32>
    %dot_general3A_16 = tpu.matmul %get3A_1, %get3A_15, %dot_general3A {dimension_numbers = #tpu.dot_dimension_numbers<[1], [0], [0], [1], [0, 0, 1, 1], [], []>, transpose_lhs_hint = false} : vector<10000x64xf32>, vector<64x64xf32>, vector<10000x64xf32> -> vector<10000x64xf32>
    %get3A_17 = arith.constant 0 : index
    %get3A_18 = arith.constant 0 : index
    %get3A_19 = vector.load %arg3[%get3A_17, %get3A_18] : memref<64x64xf32, #tpu.memory_space<vmem>>, vector<64x64xf32>
    %dot_general3A_20 = arith.constant dense<0.000000e+00> : vector<10000x64xf32>
    %dot_general3A_21 = tpu.matmul %div3A_12, %get3A_19, %dot_general3A_20 {dimension_numbers = #tpu.dot_dimension_numbers<[1], [0], [0], [1], [0, 0, 1, 1], [], []>, transpose_lhs_hint = false} : vector<10000x64xf32>, vector<64x64xf32>, vector<10000x64xf32> -> vector<10000x64xf32>
    %add3A_22 = arith.addf %dot_general3A_16, %dot_general3A_21 : vector<10000x64xf32>
    %get3A_23 = arith.constant 0 : index
    %get3A_24 = arith.constant 0 : index
    %get3A_25 = vector.load %arg4[%get3A_23, %get3A_24] : memref<1x64xf32, #tpu.memory_space<vmem>>, vector<1x64xf32>
    %add3A_26 = vector.broadcast %get3A_25 : vector<1x64xf32> to vector<10000x64xf32>
    %add3A_27 = arith.addf %add3A_22, %add3A_26 : vector<10000x64xf32>
    %max3A_28 = arith.constant 0.000000e+00 : f32
    %max3A_29 = vector.broadcast %max3A_28 : f32 to vector<10000x64xf32>
    %max3A_30 = arith.maximumf %add3A_27, %max3A_29 : vector<10000x64xf32>
    %get3A_31 = arith.constant 0 : index
    %get3A_32 = arith.constant 0 : index
    %get3A_33 = vector.load %arg5[%get3A_31, %get3A_32] : memref<64x64xf32, #tpu.memory_space<vmem>>, vector<64x64xf32>
    %dot_general3A_34 = arith.constant dense<0.000000e+00> : vector<10000x64xf32>
    %dot_general3A_35 = tpu.matmul %max3A_30, %get3A_33, %dot_general3A_34 {dimension_numbers = #tpu.dot_dimension_numbers<[1], [0], [0], [1], [0, 0, 1, 1], [], []>, transpose_lhs_hint = false} : vector<10000x64xf32>, vector<64x64xf32>, vector<10000x64xf32> -> vector<10000x64xf32>
    %get3A_36 = arith.constant 0 : index
    %get3A_37 = arith.constant 0 : index
    %get3A_38 = vector.load %arg6[%get3A_36, %get3A_37] : memref<1x64xf32, #tpu.memory_space<vmem>>, vector<1x64xf32>
    %add3A_39 = vector.broadcast %get3A_38 : vector<1x64xf32> to vector<10000x64xf32>
    %add3A_40 = arith.addf %dot_general3A_35, %add3A_39 : vector<10000x64xf32>
    %logistic3A = arith.negf %add3A_40 : vector<10000x64xf32>
    %logistic3A_41 = math.exp %logistic3A : vector<10000x64xf32>
    %logistic3A_42 = arith.constant 1.000000e+00 : f32
    %logistic3A_43 = vector.broadcast %logistic3A_42 : f32 to vector<10000x64xf32>
    %logistic3A_44 = arith.addf %logistic3A_43, %logistic3A_41 : vector<10000x64xf32>
    %logistic3A_45 = arith.divf %logistic3A_43, %logistic3A_44 : vector<10000x64xf32>
    %add3A_46 = arith.addf %get3A_1, %logistic3A_45 : vector<10000x64xf32>
    %reduce_sum3A = arith.constant dense<0.000000e+00> : vector<64xf32>
    %reduce_sum3A_47 = vector.multi_reduction <add>, %add3A_46, %reduce_sum3A [0] : vector<10000x64xf32> to vector<64xf32>
    %broadcast_in_dim3A = vector.shape_cast %reduce_sum3A_47 : vector<64xf32> to vector<1x64xf32>
    %div3A_48 = arith.constant 1.000000e+04 : f32
    %div3A_49 = vector.broadcast %div3A_48 : f32 to vector<1x64xf32>
    %div3A_50 = arith.divf %broadcast_in_dim3A, %div3A_49 : vector<1x64xf32>
    %sub3A = vector.broadcast %div3A_50 : vector<1x64xf32> to vector<10000x64xf32>
    %sub3A_51 = arith.subf %add3A_46, %sub3A : vector<10000x64xf32>
    %integer_pow3A = arith.mulf %sub3A_51, %sub3A_51 : vector<10000x64xf32>
    %reduce_sum3A_52 = arith.constant dense<0.000000e+00> : vector<64xf32>
    %reduce_sum3A_53 = vector.multi_reduction <add>, %integer_pow3A, %reduce_sum3A_52 [0] : vector<10000x64xf32> to vector<64xf32>
    %broadcast_in_dim3A_54 = vector.shape_cast %reduce_sum3A_53 : vector<64xf32> to vector<1x64xf32>
    %div3A_55 = arith.constant 1.000000e+04 : f32
    %div3A_56 = vector.broadcast %div3A_55 : f32 to vector<1x64xf32>
    %div3A_57 = arith.divf %broadcast_in_dim3A_54, %div3A_56 : vector<1x64xf32>
    %sub3A_58 = vector.broadcast %div3A_50 : vector<1x64xf32> to vector<10000x64xf32>
    %sub3A_59 = arith.subf %add3A_46, %sub3A_58 : vector<10000x64xf32>
    %add3A_60 = arith.constant 9.99999974E-6 : f32
    %add3A_61 = vector.broadcast %add3A_60 : f32 to vector<1x64xf32>
    %add3A_62 = arith.addf %div3A_57, %add3A_61 : vector<1x64xf32>
    %sqrt3A = math.sqrt %add3A_62 : vector<1x64xf32>
    %div3A_63 = vector.broadcast %sqrt3A : vector<1x64xf32> to vector<10000x64xf32>
    %div3A_64 = arith.divf %sub3A_59, %div3A_63 : vector<10000x64xf32>
    %get3A_65 = arith.constant 0 : index
    %get3A_66 = arith.constant 0 : index
    %get3A_67 = vector.load %arg7[%get3A_65, %get3A_66] : memref<1x64xf32, #tpu.memory_space<vmem>>, vector<1x64xf32>
    %mul3A = vector.broadcast %get3A_67 : vector<1x64xf32> to vector<10000x64xf32>
    %mul3A_68 = arith.mulf %div3A_64, %mul3A : vector<10000x64xf32>
    %get3A_69 = arith.constant 0 : index
    %get3A_70 = arith.constant 0 : index
    %get3A_71 = vector.load %arg8[%get3A_69, %get3A_70] : memref<1x64xf32, #tpu.memory_space<vmem>>, vector<1x64xf32>
    %add3A_72 = vector.broadcast %get3A_71 : vector<1x64xf32> to vector<10000x64xf32>
    %add3A_73 = arith.addf %mul3A_68, %add3A_72 : vector<10000x64xf32>
    %get3A_74 = arith.constant 0 : index
    %get3A_75 = arith.constant 0 : index
    %get3A_76 = vector.load %arg9[%get3A_74, %get3A_75] : memref<64x64xf32, #tpu.memory_space<vmem>>, vector<64x64xf32>
    %dot_general3A_77 = arith.constant dense<0.000000e+00> : vector<10000x64xf32>
    %dot_general3A_78 = tpu.matmul %add3A_73, %get3A_76, %dot_general3A_77 {dimension_numbers = #tpu.dot_dimension_numbers<[1], [0], [0], [1], [0, 0, 1, 1], [], []>, transpose_lhs_hint = false} : vector<10000x64xf32>, vector<64x64xf32>, vector<10000x64xf32> -> vector<10000x64xf32>
    %get3A_79 = arith.constant 0 : index
    %get3A_80 = arith.constant 0 : index
    %get3A_81 = vector.load %arg10[%get3A_79, %get3A_80] : memref<1x64xf32, #tpu.memory_space<vmem>>, vector<1x64xf32>
    %add3A_82 = vector.broadcast %get3A_81 : vector<1x64xf32> to vector<10000x64xf32>
    %add3A_83 = arith.addf %dot_general3A_78, %add3A_82 : vector<10000x64xf32>
    %max3A_84 = arith.constant 0.000000e+00 : f32
    %max3A_85 = vector.broadcast %max3A_84 : f32 to vector<10000x64xf32>
    %max3A_86 = arith.maximumf %add3A_83, %max3A_85 : vector<10000x64xf32>
    %get3A_87 = arith.constant 0 : index
    %get3A_88 = arith.constant 0 : index
    %get3A_89 = vector.load %arg11[%get3A_87, %get3A_88] : memref<64x1xf32, #tpu.memory_space<vmem>>, vector<64x1xf32>
    %dot_general3A_90 = arith.constant dense<0.000000e+00> : vector<10000x1xf32>
    %dot_general3A_91 = tpu.matmul %max3A_86, %get3A_89, %dot_general3A_90 {dimension_numbers = #tpu.dot_dimension_numbers<[1], [0], [0], [1], [0, 0, 1, 1], [], []>, transpose_lhs_hint = false} : vector<10000x64xf32>, vector<64x1xf32>, vector<10000x1xf32> -> vector<10000x1xf32>
    %get3A_92 = arith.constant 0 : index
    %get3A_93 = arith.constant 0 : index
    %get3A_94 = vector.load %arg12[%get3A_92, %get3A_93] : memref<1x1xf32, #tpu.memory_space<vmem>>, vector<1x1xf32>
    %add3A_95 = vector.broadcast %get3A_94 : vector<1x1xf32> to vector<10000x1xf32>
    %add3A_96 = arith.addf %dot_general3A_91, %add3A_95 : vector<10000x1xf32>
    %logistic3A_97 = arith.negf %add3A_96 : vector<10000x1xf32>
    %logistic3A_98 = math.exp %logistic3A_97 : vector<10000x1xf32>
    %logistic3A_99 = arith.constant 1.000000e+00 : f32
    %logistic3A_100 = vector.broadcast %logistic3A_99 : f32 to vector<10000x1xf32>
    %logistic3A_101 = arith.addf %logistic3A_100, %logistic3A_98 : vector<10000x1xf32>
    %logistic3A_102 = arith.divf %logistic3A_100, %logistic3A_101 : vector<10000x1xf32>
    %swap3A = arith.constant 0 : index
    %swap3A_103 = arith.constant 0 : index
    %swap3A_104 = vector.load %arg13[%swap3A, %swap3A_103] : memref<10000x1xf32, #tpu.memory_space<vmem>>, vector<10000x1xf32>
    tpu.vector_store %arg13[%swap3A, %swap3A_103], %logistic3A_102 {strides = array<i32>} : memref<10000x1xf32, #tpu.memory_space<vmem>>, vector<10000x1xf32>,
    return
  }
}

</mosaic_0001>

<sc_bundles>
// kernel: kernel.15.cloned.1.call-start
scs
__scs_entry_jumppad:
0x0: {  	(pc) =	sbr.rel $0x88, $3  }
0x1: {  	(tag) =	ssettag $0x0;
	lr =	simm.s32 $0x1  }
0x2: {  	[smem:$0x3F78] =	sst lr;
	_ =	strace $0xD0000000  }
0x3: {  	_ = 	snop  }
0x4: {  	_ = 	snop  }
0x5: {  	_ = 	snop  }
0x6: {  	_ = 	snop  }
0x7: {  	_ = 	snop  }
__scs_overlays_trampoline_lowered:
0x8: {  	[smem:$0x3F87] =	sst s0  }
0x9: {  	[smem:$0x3F88] =	sst s1  }
0xa: {  	[smem:$0x3F89] =	sst s2  }
0xb: {  	[smem:$0x3F8A] =	sst s3  }
0xc: {  	[smem:$0x3F8B] =	sst s4  }
0xd: {  	[smem:$0x3F8C] =	sst s5  }
0xe: {  	[smem:$0x3F8D] =	sst s6  }
0xf: {  	[smem:$0x3F8E] =	sst s7  }
0x10: {  	[smem:$0x3F8F] =	sst s8  }
0x11: {  	[smem:$0x3F90] =	sst s9;
	s0 =	simm.s32 @!p0 $0x0  }
0x12: {  	s1 =	sld [smem:$0x3F76];
	s0 =	simm.s32 @p0 $0x1  }
0x13: {  	[smem:$0x3F91] =	sst s0;
	s0 =	simm.s32 @!p1 $0x0  }
0x14: {  	s2 =	sld [smem:$0x3F75];
	s0 =	simm.s32 @p1 $0x1  }
0x15: {  	[smem:$0x3F92] =	sst s0;
	s0 =	simm.s32 @!p2 $0x0  }
0x16: {  	s3 =	sld [smem:$0x3FDB];
	s0 =	simm.s32 @p2 $0x1  }
0x17: {  	s4 =	simm.s32 $0x1BF5;
	[smem:$0x3F94] =	sst s0  }
0x18: {  	s0 =	sld [smem:$0x3F77];
	_ =	swait.ge [sflag:s4], $0x0  }
0x19: {  	s7 =	sld [smem:$0x3F78]  }
0x1a: {  	s8 =	sadd.s32 $0xFFFFE003, lr  }
0x1b: {  	s9 =	sadd.s32 $0xFFFFFEF7, lr;
	s5 =	simm.s32 $0xFFFFFFFF;
	p2 =	slt.u32 s8, $0xFFFFF086  }
0x1c: {  	p1 =	slt.u32 s9, $0xF7A;
	s5 =	simm.s32 @!p2 $0x0  }
0x1d: {  	s5 =	simm.s32 @p1 $0x1;
	p0 =	seq.s32 s7, s2  }
0x1e: {  	s7 =	smul.u32 @!p0 $0xF7A, s2;
	p2 =	seq.s32 @!p0 s5, $0x0  }
0x1f: {  	s9 =	smul.u32 $0xF7A, s1;
	s8 =	simm.s32 @!p0 $0x1BF5;
	p2 =	por !p2, p0  }
0x20: {  	[sflag:s8] =	ssyncset.s32 @!p0 $0xFFFFF086;
	s6 =	sadd.s32 @!p0 s3, s7;
	s7 =	simm.s32 @!p0 $0x108  }
0x21: {  	s3 =	sadd.s32 s3, s9;
	s6 =	sadd.s32 @!p0 $0x88, s6;
	s7 =	simm.s32 @p2 $0x1082  }
0x22: {  	[simem:s7], [sflag:s8] =	dma.local @!p0 [hbm:s6], $0xF7A  }
0x23: {  	s9 =	sor.u32 $0xD0000000, s2;
	s6 =	simm.s32 $0x108;
	_ =	swait.ge @!p0 [sflag:s8], $0x0  }
0x24: {  	s3 =	sadd.s32 $0x88, s3;
	s6 =	simm.s32 @!p1 $0x1082;
	[sflag:s4] =	ssyncset.s32 $0xFFFFF086  }
0x25: {  	[simem:s6], [sflag:s4] =	dma.local [hbm:s3], $0xF7A  }
0x26: {  	[smem:$0x3F78] =	sst s1;
	(tag) =	ssettag s2;
	_ =	strace s9  }
0x27: {  	s1 =	sld [smem:$0x3F88]  }
0x28: {  	s2 =	sld [smem:$0x3F89]  }
0x29: {  	s4 =	sld [smem:$0x3F8B]  }
0x2a: {  	p0 =	seq.s32 s5, $0x0;
	s5 =	sld [smem:$0x3F8C]  }
0x2b: {  	s6 =	sld [smem:$0x3F8D]  }
0x2c: {  	s7 =	sld [smem:$0x3F8E]  }
0x2d: {  	s3 =	simm.s32 $0x108;
	s8 =	sld [smem:$0x3F8F]  }
0x2e: {  	s3 =	simm.s32 @!p0 $0x1082;
	s9 =	sld [smem:$0x3F90]  }
0x2f: {  	lr =	sadd.s32 s0, s3;
	s0 =	sld [smem:$0x3F87]  }
0x30: {  	s3 =	sld [smem:$0x3F8A]  }
0x31: {  	[smem:$0x3F93] =	sst s10  }
0x32: {  	s10 =	sld [smem:$0x3F91];
	_ =	sdelay $0x3  }
0x33: {  	p0 =	seq.s32 s10, $0x1;
	s10 =	sld [smem:$0x3F93];
	_ =	sdelay $0x3  }
0x34: {  	[smem:$0x3F93] =	sst s10  }
0x35: {  	s10 =	sld [smem:$0x3F92];
	_ =	sdelay $0x3  }
0x36: {  	p1 =	seq.s32 s10, $0x1;
	s10 =	sld [smem:$0x3F93];
	_ =	sdelay $0x3  }
0x37: {  	[smem:$0x3F93] =	sst s10  }
0x38: {  	s10 =	sld [smem:$0x3F94]  }
0x39: {  	_ = 	snop;
	(pc) =	sbr.ind lr, $3  }
0x3a: {  	_ = 	snop  }
0x3b: {  	_ = 	snop  }
0x3c: {  	p2 =	seq.s32 s10, $0x1;
	s10 =	sld [smem:$0x3F93]  }
0x3d: {  	_ =	shalt  }
0x3e: {  	_ =	shalt  }
0x3f: {  	_ =	shalt  }
0x40: {  	_ =	shalt  }
0x41: {  	_ =	shalt  }
0x42: {  	_ =	shalt  }
0x43: {  	_ =	shalt  }
0x44: {  	_ =	shalt  }
0x45: {  	_ =	shalt  }
0x46: {  	_ =	shalt  }
0x47: {  	_ =	shalt  }
0x48: {  	_ =	shalt  }
0x49: {  	_ =	shalt  }
0x4a: {  	_ =	shalt  }
0x4b: {  	_ =	shalt  }
0x4c: {  	_ =	shalt  }
0x4d: {  	_ =	shalt  }
0x4e: {  	_ =	shalt  }
0x4f: {  	_ =	shalt  }
0x50: {  	_ =	shalt  }
0x51: {  	_ =	shalt  }
0x52: {  	_ =	shalt  }
0x53: {  	_ =	shalt  }
0x54: {  	_ =	shalt  }
0x55: {  	_ =	shalt  }
0x56: {  	_ =	shalt  }
0x57: {  	_ =	shalt  }
0x58: {  	_ =	shalt  }
0x59: {  	_ =	shalt  }
0x5a: {  	_ =	shalt  }
0x5b: {  	_ =	shalt  }
0x5c: {  	_ =	shalt  }
0x5d: {  	_ =	shalt  }
0x5e: {  	_ =	shalt  }
0x5f: {  	_ =	shalt  }
0x60: {  	_ =	shalt  }
0x61: {  	_ =	shalt  }
0x62: {  	_ =	shalt  }
0x63: {  	_ =	shalt  }
0x64: {  	_ =	shalt  }
0x65: {  	_ =	shalt  }
0x66: {  	_ =	shalt  }
0x67: {  	_ =	shalt  }
0x68: {  	_ =	shalt  }
0x69: {  	_ =	shalt  }
0x6a: {  	_ =	shalt  }
0x6b: {  	_ =	shalt  }
0x6c: {  	_ =	shalt  }
0x6d: {  	_ =	shalt  }
0x6e: {  	_ =	shalt  }
0x6f: {  	_ =	shalt  }
0x70: {  	_ =	shalt  }
0x71: {  	_ =	shalt  }
0x72: {  	_ =	shalt  }
0x73: {  	_ =	shalt  }
0x74: {  	_ =	shalt  }
0x75: {  	_ =	shalt  }
0x76: {  	_ =	shalt  }
0x77: {  	_ =	shalt  }
0x78: {  	_ =	shalt  }
0x79: {  	_ =	shalt  }
0x7a: {  	_ =	shalt  }
0x7b: {  	_ =	shalt  }
0x7c: {  	_ =	shalt  }
0x7d: {  	_ =	shalt  }
0x7e: {  	_ =	shalt  }
0x7f: {  	_ =	shalt  }
0x80: {  	_ =	shalt  }
0x81: {  	_ =	shalt  }
0x82: {  	_ =	shalt  }
0x83: {  	_ =	shalt  }
0x84: {  	_ =	shalt  }
0x85: {  	_ =	shalt  }
0x86: {  	_ =	shalt  }
0x87: {  	_ =	shalt  }
.Lfunc_end0:
.L_simem_size_0:
called_computation_lowered:
.L_overlay_start_0:
0x88: {  	s2 =	sld [smem:$0x3FD9]  }
0x89: {  	s3 =	sld [smem:$0x3FFE];
	_ =	sdelay $0x1  }
0x8a: {  	s1 =	srdreg.scid  }
0x8b: {  	s0 =	sand.u32 $0x1, s1  }
0x8c: {  	s16 =	sshll.u32 s0, $0xA;
	s2 =	sadd.s32 s3, s2  }
0x8d: {  	s2 =	sadd.s32 s2, s16  }
0x8e: {  	[smem:$0x3F9F] =	sst s2  }
0x8f: {  	_ = 	snop  }
0x90: {  	(tm) =	ssettm $0x1  }
0x91: {  	s17 =	sld [smem:$0x3FFB];
	_ =	sdelay $0x3  }
0x92: {  	_ =	strace s17  }
0x93: {  	s2 =	sld [smem:$0x3FFC];
	_ =	sdelay $0x3  }
0x94: {  	_ =	strace s2  }
0x95: {  	s2 =	sld [smem:$0x3FFD];
	_ =	sdelay $0x3  }
0x96: {  	_ =	strace s2  }
0x97: {  	_ =	strace $0x8FFFFFFF  }
0x98: {  	s18 =	sld [smem:$0x3FDB];
	_ =	sdelay $0x1  }
0x99: {  	s19 =	simm.s32 $_scs_section_size  }
0x9a: {  	s4 =	simm.s32 $_size__tile_overlayer_lowered;
	s5 =	simm.s32 $_tile_overlayer_lowered  }
0x9b: {  	s22 =	simm.s32 $0x1BFF;
	s21 =	sshll.u32 s5, $0x1;
	s2 =	sadd.s32 s19, s18  }
0x9c: {  	s6 =	simm.s32 $0x0;
	s20 =	sshll.u32 s4, $0x1;
	s4 =	sadd.s32 s21, s2  }
0x9d: {  	[timem:s6], [sflag:s22] =	dma.local [hbm:s4], s20  }
0x9e: {  	_ =	swait.ge [sflag:s22], s20  }
0x9f: {  	s3 =	ssub.s32 $0x0, s20;
	[sflag:s22] =	ssyncset.done $0x0  }
0xa0: {  	[sflag:s22] =	ssyncadd.s32 s3;
	_ =	sdelay $0x1  }
0xa1: {  	s23 =	simm.s32 $0x1B8B  }
0xa2: {  	_ =	swait.ge [sflag:s23], $0x1  }
0xa3: {  	[sflag:s23] =	ssyncset.done $0x0  }
0xa4: {  	s25 =	simm.s32 $0x1B8E;
	s24 =	sld [smem:$0x3FFE];
	[sflag:s23] =	ssyncadd.s32 $0xFFFFFFFF  }
0xa5: {  	s26 =	simm.s32 $execute0_lowered;
	[smem:$0x3FD2] =	sst s25  }
0xa6: {  	s4 =	sshll.u32 s26, $0x1;
	_ =	strace $0x80000046;
	[dreg:$0x1] =	wrdreg $0xFFFFFFFF  }
0xa7: {  	s28 =	simm.s32 $_size_execute0_lowered;
	s2 =	sadd.s32 s2, s4;
	[dreg:$0x0] =	wrdreg $0x0  }
0xa8: {  	s4 =	sshll.u32 s28, $0x1;
	[dreg:$0x2] =	wrdreg s2  }
0xa9: {  	[dreg:$0x3] =	wrdreg s4  }
0xaa: {  	[dreg:$0x4] =	wrdreg $0xC0  }
0xab: {  	_ =	task [dreg:s6], $0x5FFFF  }
0xac: {  	[dreg:$0x1] =	wrdreg $0xFFFFFFFF  }
0xad: {  	[dreg:$0x0] =	wrdreg $0x60  }
0xae: {  	[dreg:$0x2] =	wrdreg s24  }
0xaf: {  	[dreg:$0x3] =	wrdreg $0xB8000  }
0xb0: {  	[dreg:$0x4] =	wrdreg $0x9  }
0xb1: {  	_ =	task.clear_ibuf [dreg:s6], $0x5FFFF;
	_ =	strace $0x90000046  }
0xb2: {  	s29 =	simm.s32 $0x9;
	_ =	strace $0x80000048  }
0xb3: {  	_ =	swait.ge [sflag:s29], $0x1  }
0xb4: {  	[sflag:s29] =	ssyncadd.s32 $0xFFFFFFFF  }
0xb5: {  	_ =	strace $0x90000048  }
0xb6: {  	_ =	sfence  }
0xb7: {  	s30 =	sld [smem:$0x0];
	_ =	sdelay $0x2  }
0xb8: {  	s31 =	sshll.u32 s1, $0xD;
	s1 =	sshrl.u32 s1, $0x2  }
0xb9: {  	s3 =	sand.u32 $0x4000, s31;
	s1 =	sadd.s32 s1, s30  }
0xba: {  	s0 =	sor.u32 s3, s0;
	s1 =	sshll.u32 s1, $0x11  }
0xbb: {  	s0 =	sor.u32 s1, s0  }
0xbc: {  	s0 =	sadd.s32 $0x8F2B, s0  }
0xbd: {  	[sflag:s0] =	ssyncadd.remote.s32 $0x1  }
0xbe: {  	_ =	sfence.sel $0xFFFF  }
0xbf: {  	[dreg:$0x0] =	wrdreg $0xFFFFFFFF;
	(pc) =	sbr.abs _section_cstart, $3  }
0xc0: {  	[dreg:$0x1] =	wrdreg $0xFFFFFFFF  }
0xc1: {  	_ =	task.clear_ibuf [dreg:s6], $0x2FFFF;
	_ =	strace $0x9FFFFFFF  }
0xc2: {  	(tm) =	ssettm $0x7FFFFFFF  }
0xc3: {  	_ =	shalt  }
tec
execute0_lowered:
.L_overlay_start_1:
0x0: {  	(tag) =	ssettag $0x1  }
0x1: {  	s4 =	rddreg [dreg:$0x0]  }
0x2: {  	s2 =	rddreg [dreg:$0x1]  }
0x3: {  	s0 =	rddreg [dreg:$0x2]  }
0x4: {  	s3 =	simm.s32 $0x0;
	s1 =	stileid.u32;
	s6 =	srdreg.scid  }
0x5: {  	s13 =	simm.s32 $0x28;
	s14 =	simm.s32 $0x4000;
	s15 =	simm.s32 $0x80  }
0x6: {  	s16 =	simm.s32 $0x5400;
	s17 =	simm.s32 $0x1;
	s18 =	simm.s32 $0x2  }
0x7: {  	s19 =	simm.s32 $0x0;
	[smem:$0x7FF] =	sst s3;
	s5 =	smul.u32 $0x2800, s1  }
0x8: {  	s6 =	sand.u32 $0x1, s6;
	s7 =	sshll.u32 s1, $0xD;
	s9 =	smul.u32 $0x4E200, s1  }
0x9: {  	s11 =	smul.u32 $0x50000, s1;
	s29 =	sshll.u32 s1, $0x6;
	_ =	strace $0x80000047  }
0xa: {  	s8 =	sshll.u32 s6, $0xC;
	s10 =	ssub.s32 $0x2, s6;
	s30 =	smul.u32 $0x27100, s6  }
0xb: {  	s5 =	sadd.s32 s5, s4;
	s7 =	sor.u32 s8, s7;
	s26 =	sshrl.u32 s10, $0x1  }
0xc: {  	s9 =	sadd.s32 s9, s4;
	s28 =	sshrl.u32 s11, $0x2;
	s7 =	sadd.s32 s7, s4  }
0xd: {  	s8 =	ssub.s32 s10, s26;
	s12 =	sadd.s32 s28, s2;
	s4 =	sadd.s32 $0x31C00, s5  }
0xe: {  	s5 =	sor.u32 $0x1C03, s29;
	s31 =	sadd.s32 s30, s9;
	s6 =	sadd.s32 $0x11C00, s7  }
0xf: {  	s7 =	sadd.s32 $0x12400, s7;
	s8 =	smax.u32 s8, $0x1;
	s9 =	sadd.s32 $0x80000, s31  }
0x10: {  	s10 =	sadd.s32 $0x93880, s31;
	s11 =	sshrl.u32 s12, $0x3;
	s12 =	simm.s32 $0x3  }
.LBB2_1:
0x11: {  	[spmem:s11], [sflag:s5] =	dma.local [hbm:s4], $0x2800  }
0x12: {  	_ =	swait.ge [sflag:s12], $0x2800  }
0x13: {  	[sflag:s12] =	ssyncset.done $0x0  }
0x14: {  	[sflag:s12] =	ssyncadd.s32 $0xFFFFD800  }
0x15: {  	[bflag:$0x0] =	sbarrier.arrive $0xFFFF  }
0x16: {  	[tilespmem:s3], [sflag:$0x3] =	stream.linear.gather [hbm4b:s6+s3], $0x3E80, $0x38;
	[tilespmem:$0x1F800] =	vst v63  }
0x17: {  	_ =	swait.ge [sflag:s12], $0x3E80  }
0x18: {  	[sflag:s12] =	ssyncset.done $0x0  }
0x19: {  	[sflag:s12] =	ssyncadd.s32 $0xFFFFC180  }
0x1a: {  	[tilespmem:s14], [sflag:$0x1] =	stream.indirect.gather [spmem:s2], $0x80, s3, s13, $0xb8;
	[tilespmem:$0x1F800] =	vst v63  }
0x1b: {  	s20 =	simm.s32 $0x100;
	s21 =	smov.u32 s9;
	s22 =	simm.s32 $0x0  }
0x1c: {  	[tilespmem:s16], [sflag:$0x1] =	stream.indirect.gather [spmem:s2], $0x80, s15, s13, $0xb8;
	[tilespmem:$0x1F800] =	vst v63  }
.LBB2_2:
0x1d: {  	p0 =	slt.u32 s22, $0x4  }
0x1e: {  	s23 =	simm.s32 @!p0 $0x2  }
0x1f: {  	p1 =	sgt.u32 @!p0 s22, $0x7A;
	_ =	swait.ge @!p0 [sflag:s23], $0x1400  }
0x20: {  	p1 =	por p0, !p1;
	[sflag:s23] =	ssyncset.done @!p0 $0x0  }
0x21: {  	[sflag:s23] =	ssyncadd.s32 @!p0 $0xFFFFEC00;
	s23 =	sadd.s32 @p1 $0x2, s22  }
0x22: {  	s24 =	smul.u32 @p1 $0xAB, s23;
	_ =	sdelay $0x1  }
0x23: {  	s24 =	sshrl.u32 @p1 s24, $0xA  }
0x24: {  	s24 =	sand.u32 @p1 $0x3F, s24  }
0x25: {  	s24 =	smul.u32 @p1 $0x6, s24;
	_ =	sdelay $0x1  }
0x26: {  	s23 =	ssub.s32 @p1 s23, s24  }
0x27: {  	s23 =	sand.u32 @p1 $0xFF, s23  }
0x28: {  	s23 =	smul.u32 @p1 $0x5000, s23;
	_ =	sdelay $0x1  }
0x29: {  	s23 =	sshrl.u32 @p1 s23, $0x2  }
0x2a: {  	s31 =	smul.u32 $0xAB, s22;
	s23 =	sadd.s32 @p1 $0x4000, s23  }
0x2b: {  	[tilespmem:s23], [sflag:$0x1] =	stream.indirect.gather @p1 [spmem:s2], $0x80, s20, s13, $0xb8;
	[tilespmem:$0x1F800] =	vst v63  }
0x2c: {  	s23 =	sshrl.u32 s31, $0xA  }
0x2d: {  	s23 =	sand.u32 $0x3F, s23  }
0x2e: {  	s23 =	smul.u32 $0x6, s23;
	_ =	sdelay $0x1  }
0x2f: {  	s23 =	ssub.s32 s22, s23  }
0x30: {  	s22 =	sadd.s32 $0x1, s22;
	s23 =	sand.u32 $0xFF, s23  }
0x31: {  	p0 =	sne.s32 s22, $0x7D;
	s23 =	smul.u32 $0x5000, s23  }
.Ltmp0:
0x32: {  	_ =	swait.ge [sflag:s17], $0x1400;
	(pc) =	sbr.rel @p0 .LBB2_2-.Ltmp0, $4  }
0x33: {  	[sflag:s17] =	ssyncset.done $0x0;
	s23 =	sshrl.u32 s23, $0x2  }
0x34: {  	[sflag:s17] =	ssyncadd.s32 $0xFFFFEC00;
	s23 =	sadd.s32 $0x4000, s23  }
0x35: {  	[hbm4b:s21+s3] =	stream.linear.scatter [tilespmem:s23], [sflag:$0x2], $0x1400, $0x38;
	[tilespmem:$0x1F800] =	vst v63  }
0x36: {  	s20 =	sadd.s32 $0x80, s20;
	s21 =	sadd.s32 $0x280, s21  }
0x37: {  	_ =	swait.ge [sflag:s18], $0x1400  }
0x38: {  	[sflag:s18] =	ssyncset.done $0x0  }
0x39: {  	[sflag:s18] =	ssyncadd.s32 $0xFFFFEC00  }
0x3a: {  	_ =	swait.ge [sflag:s18], $0x1400  }
0x3b: {  	[sflag:s18] =	ssyncset.done $0x0  }
0x3c: {  	[sflag:s18] =	ssyncadd.s32 $0xFFFFEC00  }
0x3d: {  	_ =	swait.ge [sflag:s18], $0x1400  }
0x3e: {  	[sflag:s18] =	ssyncset.done $0x0  }
0x3f: {  	[sflag:s18] =	ssyncadd.s32 $0xFFFFEC00  }
0x40: {  	_ =	swait.ge [sflag:s18], $0x1400  }
0x41: {  	[sflag:s18] =	ssyncset.done $0x0  }
0x42: {  	s20 =	simm.s32 $0x0;
	[sflag:s18] =	ssyncadd.s32 $0xFFFFEC00  }
0x43: {  	[tilespmem:s20], [sflag:$0x3] =	stream.linear.gather [hbm4b:s7+s20], $0x3E80, $0x38;
	[tilespmem:$0x1F800] =	vst v63  }
0x44: {  	_ =	swait.ge [sflag:s12], $0x3E80  }
0x45: {  	[sflag:s12] =	ssyncset.done $0x0  }
0x46: {  	[sflag:s12] =	ssyncadd.s32 $0xFFFFC180  }
0x47: {  	[tilespmem:s14], [sflag:$0x1] =	stream.indirect.gather [spmem:s2], $0x80, s20, s13, $0xb8;
	[tilespmem:$0x1F800] =	vst v63  }
0x48: {  	s21 =	simm.s32 $0x100;
	s22 =	smov.u32 s10  }
0x49: {  	[tilespmem:s16], [sflag:$0x1] =	stream.indirect.gather [spmem:s2], $0x80, s15, s13, $0xb8;
	[tilespmem:$0x1F800] =	vst v63  }
.LBB2_4:
0x4a: {  	p0 =	slt.u32 s20, $0x4  }
0x4b: {  	s23 =	simm.s32 @!p0 $0x2  }
0x4c: {  	p1 =	sgt.u32 @!p0 s20, $0x7A;
	_ =	swait.ge @!p0 [sflag:s23], $0x1400  }
0x4d: {  	p1 =	por p0, !p1;
	[sflag:s23] =	ssyncset.done @!p0 $0x0  }
0x4e: {  	[sflag:s23] =	ssyncadd.s32 @!p0 $0xFFFFEC00;
	s23 =	sadd.s32 @p1 $0x2, s20  }
0x4f: {  	s24 =	smul.u32 @p1 $0xAB, s23;
	_ =	sdelay $0x1  }
0x50: {  	s24 =	sshrl.u32 @p1 s24, $0xA  }
0x51: {  	s24 =	sand.u32 @p1 $0x3F, s24  }
0x52: {  	s24 =	smul.u32 @p1 $0x6, s24;
	_ =	sdelay $0x1  }
0x53: {  	s23 =	ssub.s32 @p1 s23, s24  }
0x54: {  	s23 =	sand.u32 @p1 $0xFF, s23  }
0x55: {  	s23 =	smul.u32 @p1 $0x5000, s23;
	_ =	sdelay $0x1  }
0x56: {  	s23 =	sshrl.u32 @p1 s23, $0x2  }
0x57: {  	s31 =	smul.u32 $0xAB, s20;
	s23 =	sadd.s32 @p1 $0x4000, s23  }
0x58: {  	[tilespmem:s23], [sflag:$0x1] =	stream.indirect.gather @p1 [spmem:s2], $0x80, s21, s13, $0xb8;
	[tilespmem:$0x1F800] =	vst v63  }
0x59: {  	s23 =	sshrl.u32 s31, $0xA  }
0x5a: {  	s23 =	sand.u32 $0x3F, s23  }
0x5b: {  	s23 =	smul.u32 $0x6, s23;
	_ =	sdelay $0x1  }
0x5c: {  	s23 =	ssub.s32 s20, s23  }
0x5d: {  	s20 =	sadd.s32 $0x1, s20;
	s23 =	sand.u32 $0xFF, s23  }
0x5e: {  	p0 =	sne.s32 s20, $0x7D;
	s23 =	smul.u32 $0x5000, s23  }
.Ltmp1:
0x5f: {  	_ =	swait.ge [sflag:s17], $0x1400;
	(pc) =	sbr.rel @p0 .LBB2_4-.Ltmp1, $4  }
0x60: {  	[sflag:s17] =	ssyncset.done $0x0;
	s23 =	sshrl.u32 s23, $0x2  }
0x61: {  	[sflag:s17] =	ssyncadd.s32 $0xFFFFEC00;
	s23 =	sadd.s32 $0x4000, s23  }
0x62: {  	[hbm4b:s22+s3] =	stream.linear.scatter [tilespmem:s23], [sflag:$0x2], $0x1400, $0x38;
	[tilespmem:$0x1F800] =	vst v63  }
0x63: {  	s21 =	sadd.s32 $0x80, s21;
	s22 =	sadd.s32 $0x280, s22  }
0x64: {  	_ =	swait.ge [sflag:s18], $0x1400  }
0x65: {  	[sflag:s18] =	ssyncset.done $0x0  }
0x66: {  	[sflag:s18] =	ssyncadd.s32 $0xFFFFEC00  }
0x67: {  	_ =	swait.ge [sflag:s18], $0x1400  }
0x68: {  	[sflag:s18] =	ssyncset.done $0x0  }
0x69: {  	s19 =	sadd.s32 $0x1, s19;
	[sflag:s18] =	ssyncadd.s32 $0xFFFFEC00  }
0x6a: {  	p0 =	sne.s32 s19, s8;
	_ =	swait.ge [sflag:s18], $0x1400  }
.Ltmp2:
0x6b: {  	[sflag:s18] =	ssyncset.done $0x0;
	(pc) =	sbr.rel @p0 .LBB2_1-.Ltmp2, $4  }
0x6c: {  	[sflag:s18] =	ssyncadd.s32 $0xFFFFEC00  }
0x6d: {  	_ =	swait.ge [sflag:s18], $0x1400  }
0x6e: {  	[sflag:s18] =	ssyncset.done $0x0  }
0x6f: {  	[sflag:s18] =	ssyncadd.s32 $0xFFFFEC00  }
0x70: {  	_ =	sfence.sel $0x180000  }
0x71: {  	[bflag:$0x0] =	sbarrier.arrive $0xFFFF  }
0x72: {  	p0 =	sne.s32 s1, $0x0;
	_ =	strace $0x90000047  }
0x73: {  	s0 =	sadd.s32 @!p0 $0x100000, s0;
	[bflag:$0x2] =	sbarrier.arrive $0xFFFF  }
0x74: {  	[sflag:s0] =	ssyncadd.tile.s32 @!p0 $0x1;
	_ =	shalt  }
.Lfunc_end2:
_tile_overlayer_lowered:
.L_overlay_start_2:
0x75: {  	(tag) =	ssettag $0x2  }
0x76: {  	s0 =	rddreg [dreg:$0x0];
	s2 =	stileid.u32  }
0x77: {  	s1 =	rddreg [dreg:$0x1];
	p0 =	sne.s32 s2, $0x0  }
0x78: {  	s3 =	rddreg [dreg:$0x2];
	[bflag:$0x3] =	sbarrier.arrive $0xFFFF;
	s2 =	simm.s32 @!p0 $0x1C03  }
0x79: {  	[timem:s3], [sflag:s2] =	dma.local @!p0 [hbm:s0], s1  }
0x7a: {  	s0 =	simm.s32 @!p0 $0x3  }
0x7b: {  	_ =	swait.ge @!p0 [sflag:s0], s1  }
0x7c: {  	s1 =	ssub.s32 @!p0 $0x0, s1;
	[sflag:s0] =	ssyncset.done @!p0 $0x0  }
0x7d: {  	[sflag:s0] =	ssyncadd.s32 @!p0 s1  }
0x7e: {  	[bflag:$0x3] =	sbarrier.arrive $0xFFFF  }
0x7f: {  	_ =	shalt  }

// kernel: kernel.18.cloned.1.call-start
scs
__scs_entry_jumppad:
0x0: {  	(pc) =	sbr.rel $0x88, $3  }
0x1: {  	(tag) =	ssettag $0x0;
	lr =	simm.s32 $0x1  }
0x2: {  	[smem:$0x3F78] =	sst lr;
	_ =	strace $0xD0000000  }
0x3: {  	_ = 	snop  }
0x4: {  	_ = 	snop  }
0x5: {  	_ = 	snop  }
0x6: {  	_ = 	snop  }
0x7: {  	_ = 	snop  }
__scs_overlays_trampoline_lowered:
0x8: {  	[smem:$0x3F87] =	sst s0  }
0x9: {  	[smem:$0x3F88] =	sst s1  }
0xa: {  	[smem:$0x3F89] =	sst s2  }
0xb: {  	[smem:$0x3F8A] =	sst s3  }
0xc: {  	[smem:$0x3F8B] =	sst s4  }
0xd: {  	[smem:$0x3F8C] =	sst s5  }
0xe: {  	[smem:$0x3F8D] =	sst s6  }
0xf: {  	[smem:$0x3F8E] =	sst s7  }
0x10: {  	[smem:$0x3F8F] =	sst s8  }
0x11: {  	[smem:$0x3F90] =	sst s9;
	s0 =	simm.s32 @!p0 $0x0  }
0x12: {  	s1 =	sld [smem:$0x3F76];
	s0 =	simm.s32 @p0 $0x1  }
0x13: {  	[smem:$0x3F91] =	sst s0;
	s0 =	simm.s32 @!p1 $0x0  }
0x14: {  	s2 =	sld [smem:$0x3F75];
	s0 =	simm.s32 @p1 $0x1  }
0x15: {  	[smem:$0x3F92] =	sst s0;
	s0 =	simm.s32 @!p2 $0x0  }
0x16: {  	s3 =	sld [smem:$0x3FDB];
	s0 =	simm.s32 @p2 $0x1  }
0x17: {  	s4 =	simm.s32 $0x1BF5;
	[smem:$0x3F94] =	sst s0  }
0x18: {  	s0 =	sld [smem:$0x3F77];
	_ =	swait.ge [sflag:s4], $0x0  }
0x19: {  	s7 =	sld [smem:$0x3F78]  }
0x1a: {  	s8 =	sadd.s32 $0xFFFFE003, lr  }
0x1b: {  	s9 =	sadd.s32 $0xFFFFFEF7, lr;
	s5 =	simm.s32 $0xFFFFFFFF;
	p2 =	slt.u32 s8, $0xFFFFF086  }
0x1c: {  	p1 =	slt.u32 s9, $0xF7A;
	s5 =	simm.s32 @!p2 $0x0  }
0x1d: {  	s5 =	simm.s32 @p1 $0x1;
	p0 =	seq.s32 s7, s2  }
0x1e: {  	s7 =	smul.u32 @!p0 $0xF7A, s2;
	p2 =	seq.s32 @!p0 s5, $0x0  }
0x1f: {  	s9 =	smul.u32 $0xF7A, s1;
	s8 =	simm.s32 @!p0 $0x1BF5;
	p2 =	por !p2, p0  }
0x20: {  	[sflag:s8] =	ssyncset.s32 @!p0 $0xFFFFF086;
	s6 =	sadd.s32 @!p0 s3, s7;
	s7 =	simm.s32 @!p0 $0x108  }
0x21: {  	s3 =	sadd.s32 s3, s9;
	s6 =	sadd.s32 @!p0 $0x88, s6;
	s7 =	simm.s32 @p2 $0x1082  }
0x22: {  	[simem:s7], [sflag:s8] =	dma.local @!p0 [hbm:s6], $0xF7A  }
0x23: {  	s9 =	sor.u32 $0xD0000000, s2;
	s6 =	simm.s32 $0x108;
	_ =	swait.ge @!p0 [sflag:s8], $0x0  }
0x24: {  	s3 =	sadd.s32 $0x88, s3;
	s6 =	simm.s32 @!p1 $0x1082;
	[sflag:s4] =	ssyncset.s32 $0xFFFFF086  }
0x25: {  	[simem:s6], [sflag:s4] =	dma.local [hbm:s3], $0xF7A  }
0x26: {  	[smem:$0x3F78] =	sst s1;
	(tag) =	ssettag s2;
	_ =	strace s9  }
0x27: {  	s1 =	sld [smem:$0x3F88]  }
0x28: {  	s2 =	sld [smem:$0x3F89]  }
0x29: {  	s4 =	sld [smem:$0x3F8B]  }
0x2a: {  	p0 =	seq.s32 s5, $0x0;
	s5 =	sld [smem:$0x3F8C]  }
0x2b: {  	s6 =	sld [smem:$0x3F8D]  }
0x2c: {  	s7 =	sld [smem:$0x3F8E]  }
0x2d: {  	s3 =	simm.s32 $0x108;
	s8 =	sld [smem:$0x3F8F]  }
0x2e: {  	s3 =	simm.s32 @!p0 $0x1082;
	s9 =	sld [smem:$0x3F90]  }
0x2f: {  	lr =	sadd.s32 s0, s3;
	s0 =	sld [smem:$0x3F87]  }
0x30: {  	s3 =	sld [smem:$0x3F8A]  }
0x31: {  	[smem:$0x3F93] =	sst s10  }
0x32: {  	s10 =	sld [smem:$0x3F91];
	_ =	sdelay $0x3  }
0x33: {  	p0 =	seq.s32 s10, $0x1;
	s10 =	sld [smem:$0x3F93];
	_ =	sdelay $0x3  }
0x34: {  	[smem:$0x3F93] =	sst s10  }
0x35: {  	s10 =	sld [smem:$0x3F92];
	_ =	sdelay $0x3  }
0x36: {  	p1 =	seq.s32 s10, $0x1;
	s10 =	sld [smem:$0x3F93];
	_ =	sdelay $0x3  }
0x37: {  	[smem:$0x3F93] =	sst s10  }
0x38: {  	s10 =	sld [smem:$0x3F94]  }
0x39: {  	_ = 	snop;
	(pc) =	sbr.ind lr, $3  }
0x3a: {  	_ = 	snop  }
0x3b: {  	_ = 	snop  }
0x3c: {  	p2 =	seq.s32 s10, $0x1;
	s10 =	sld [smem:$0x3F93]  }
0x3d: {  	_ =	shalt  }
0x3e: {  	_ =	shalt  }
0x3f: {  	_ =	shalt  }
0x40: {  	_ =	shalt  }
0x41: {  	_ =	shalt  }
0x42: {  	_ =	shalt  }
0x43: {  	_ =	shalt  }
0x44: {  	_ =	shalt  }
0x45: {  	_ =	shalt  }
0x46: {  	_ =	shalt  }
0x47: {  	_ =	shalt  }
0x48: {  	_ =	shalt  }
0x49: {  	_ =	shalt  }
0x4a: {  	_ =	shalt  }
0x4b: {  	_ =	shalt  }
0x4c: {  	_ =	shalt  }
0x4d: {  	_ =	shalt  }
0x4e: {  	_ =	shalt  }
0x4f: {  	_ =	shalt  }
0x50: {  	_ =	shalt  }
0x51: {  	_ =	shalt  }
0x52: {  	_ =	shalt  }
0x53: {  	_ =	shalt  }
0x54: {  	_ =	shalt  }
0x55: {  	_ =	shalt  }
0x56: {  	_ =	shalt  }
0x57: {  	_ =	shalt  }
0x58: {  	_ =	shalt  }
0x59: {  	_ =	shalt  }
0x5a: {  	_ =	shalt  }
0x5b: {  	_ =	shalt  }
0x5c: {  	_ =	shalt  }
0x5d: {  	_ =	shalt  }
0x5e: {  	_ =	shalt  }
0x5f: {  	_ =	shalt  }
0x60: {  	_ =	shalt  }
0x61: {  	_ =	shalt  }
0x62: {  	_ =	shalt  }
0x63: {  	_ =	shalt  }
0x64: {  	_ =	shalt  }
0x65: {  	_ =	shalt  }
0x66: {  	_ =	shalt  }
0x67: {  	_ =	shalt  }
0x68: {  	_ =	shalt  }
0x69: {  	_ =	shalt  }
0x6a: {  	_ =	shalt  }
0x6b: {  	_ =	shalt  }
0x6c: {  	_ =	shalt  }
0x6d: {  	_ =	shalt  }
0x6e: {  	_ =	shalt  }
0x6f: {  	_ =	shalt  }
0x70: {  	_ =	shalt  }
0x71: {  	_ =	shalt  }
0x72: {  	_ =	shalt  }
0x73: {  	_ =	shalt  }
0x74: {  	_ =	shalt  }
0x75: {  	_ =	shalt  }
0x76: {  	_ =	shalt  }
0x77: {  	_ =	shalt  }
0x78: {  	_ =	shalt  }
0x79: {  	_ =	shalt  }
0x7a: {  	_ =	shalt  }
0x7b: {  	_ =	shalt  }
0x7c: {  	_ =	shalt  }
0x7d: {  	_ =	shalt  }
0x7e: {  	_ =	shalt  }
0x7f: {  	_ =	shalt  }
0x80: {  	_ =	shalt  }
0x81: {  	_ =	shalt  }
0x82: {  	_ =	shalt  }
0x83: {  	_ =	shalt  }
0x84: {  	_ =	shalt  }
0x85: {  	_ =	shalt  }
0x86: {  	_ =	shalt  }
0x87: {  	_ =	shalt  }
.Lfunc_end0:
.L_simem_size_0:
called_computation.1_lowered:
.L_overlay_start_0:
0x88: {  	s2 =	sld [smem:$0x3FD9]  }
0x89: {  	s3 =	sld [smem:$0x3FFE];
	_ =	sdelay $0x1  }
0x8a: {  	s1 =	srdreg.scid  }
0x8b: {  	s0 =	sand.u32 $0x1, s1  }
0x8c: {  	s16 =	sshll.u32 s0, $0xA;
	s2 =	sadd.s32 s3, s2  }
0x8d: {  	s2 =	sadd.s32 s2, s16  }
0x8e: {  	[smem:$0x3F9F] =	sst s2  }
0x8f: {  	_ = 	snop  }
0x90: {  	(tm) =	ssettm $0x1  }
0x91: {  	s17 =	sld [smem:$0x3FFB];
	_ =	sdelay $0x3  }
0x92: {  	_ =	strace s17  }
0x93: {  	s2 =	sld [smem:$0x3FFC];
	_ =	sdelay $0x3  }
0x94: {  	_ =	strace s2  }
0x95: {  	s2 =	sld [smem:$0x3FFD];
	_ =	sdelay $0x3  }
0x96: {  	_ =	strace s2  }
0x97: {  	_ =	strace $0x8FFFFFFF  }
0x98: {  	s18 =	sld [smem:$0x3FDB];
	_ =	sdelay $0x1  }
0x99: {  	s19 =	simm.s32 $_scs_section_size  }
0x9a: {  	s4 =	simm.s32 $_size__tile_overlayer_lowered;
	s5 =	simm.s32 $_tile_overlayer_lowered  }
0x9b: {  	s22 =	simm.s32 $0x1BFF;
	s21 =	sshll.u32 s5, $0x1;
	s2 =	sadd.s32 s19, s18  }
0x9c: {  	s6 =	simm.s32 $0x0;
	s20 =	sshll.u32 s4, $0x1;
	s4 =	sadd.s32 s21, s2  }
0x9d: {  	[timem:s6], [sflag:s22] =	dma.local [hbm:s4], s20  }
0x9e: {  	_ =	swait.ge [sflag:s22], s20  }
0x9f: {  	s3 =	ssub.s32 $0x0, s20;
	[sflag:s22] =	ssyncset.done $0x0  }
0xa0: {  	[sflag:s22] =	ssyncadd.s32 s3;
	_ =	sdelay $0x1  }
0xa1: {  	s23 =	simm.s32 $0x1B8B  }
0xa2: {  	_ =	swait.ge [sflag:s23], $0x1  }
0xa3: {  	[sflag:s23] =	ssyncset.done $0x0  }
0xa4: {  	s25 =	simm.s32 $0x1B8E;
	s24 =	sld [smem:$0x3FFE];
	[sflag:s23] =	ssyncadd.s32 $0xFFFFFFFF  }
0xa5: {  	s26 =	simm.s32 $execute0_lowered;
	[smem:$0x3FD2] =	sst s25  }
0xa6: {  	s4 =	sshll.u32 s26, $0x1;
	_ =	strace $0x80000049;
	[dreg:$0x1] =	wrdreg $0xFFFFFFFF  }
0xa7: {  	s28 =	simm.s32 $_size_execute0_lowered;
	s2 =	sadd.s32 s2, s4;
	[dreg:$0x0] =	wrdreg $0x0  }
0xa8: {  	s4 =	sshll.u32 s28, $0x1;
	[dreg:$0x2] =	wrdreg s2  }
0xa9: {  	[dreg:$0x3] =	wrdreg s4  }
0xaa: {  	[dreg:$0x4] =	wrdreg $0xC0  }
0xab: {  	_ =	task [dreg:s6], $0x5FFFF  }
0xac: {  	[dreg:$0x1] =	wrdreg $0xFFFFFFFF  }
0xad: {  	[dreg:$0x0] =	wrdreg $0x60  }
0xae: {  	[dreg:$0x2] =	wrdreg s24  }
0xaf: {  	[dreg:$0x3] =	wrdreg $0xB8000  }
0xb0: {  	[dreg:$0x4] =	wrdreg $0x9  }
0xb1: {  	_ =	task.clear_ibuf [dreg:s6], $0x5FFFF;
	_ =	strace $0x90000049  }
0xb2: {  	s29 =	simm.s32 $0x9;
	_ =	strace $0x8000004B  }
0xb3: {  	_ =	swait.ge [sflag:s29], $0x1  }
0xb4: {  	[sflag:s29] =	ssyncadd.s32 $0xFFFFFFFF  }
0xb5: {  	_ =	strace $0x9000004B  }
0xb6: {  	_ =	sfence  }
0xb7: {  	s30 =	sld [smem:$0x0];
	_ =	sdelay $0x2  }
0xb8: {  	s31 =	sshll.u32 s1, $0xD;
	s1 =	sshrl.u32 s1, $0x2  }
0xb9: {  	s3 =	sand.u32 $0x4000, s31;
	s1 =	sadd.s32 s1, s30  }
0xba: {  	s0 =	sor.u32 s3, s0;
	s1 =	sshll.u32 s1, $0x11  }
0xbb: {  	s0 =	sor.u32 s1, s0  }
0xbc: {  	s0 =	sadd.s32 $0x8F2B, s0  }
0xbd: {  	[sflag:s0] =	ssyncadd.remote.s32 $0x1  }
0xbe: {  	_ =	sfence.sel $0xFFFF  }
0xbf: {  	[dreg:$0x0] =	wrdreg $0xFFFFFFFF;
	(pc) =	sbr.abs _section_cstart, $3  }
0xc0: {  	[dreg:$0x1] =	wrdreg $0xFFFFFFFF  }
0xc1: {  	_ =	task.clear_ibuf [dreg:s6], $0x2FFFF;
	_ =	strace $0x9FFFFFFF  }
0xc2: {  	(tm) =	ssettm $0x7FFFFFFF  }
0xc3: {  	_ =	shalt  }
tec
execute0_lowered:
.L_overlay_start_1:
0x0: {  	(tag) =	ssettag $0x1  }
0x1: {  	s4 =	rddreg [dreg:$0x0]  }
0x2: {  	s2 =	rddreg [dreg:$0x1]  }
0x3: {  	s0 =	rddreg [dreg:$0x2]  }
0x4: {  	s5 =	srdreg.scid;
	s1 =	stileid.u32  }
0x5: {  	s3 =	simm.s32 $0x0;
	s18 =	simm.s32 $0x4000;
	s19 =	simm.s32 $0x5400  }
0x6: {  	s20 =	simm.s32 $0x1;
	s8 =	sand.u32 $0x1, s5;
	s22 =	smul.u32 $0x14000, s1  }
0x7: {  	s21 =	sshll.u32 s1, $0x1;
	[smem:$0x7FF] =	sst s3;
	s12 =	smul.u32 $0x50000, s1  }
0x8: {  	s10 =	sadd.s32 $0xA64000, s4;
	s26 =	sshll.u32 s1, $0x6;
	s30 =	smul.u32 $0x4E200, s1  }
0x9: {  	s6 =	sor.u32 s8, s21;
	_ =	strace $0x8000004A;
	s9 =	smul.u32 $0x140000, s8  }
0xa: {  	s24 =	ssub.s32 $0x2, s8;
	s17 =	smul.u32 $0x27100, s8;
	s21 =	simm.s32 $0x28  }
0xb: {  	s7 =	sshll.u32 s6, $0xC;
	s23 =	sshrl.u32 s22, $0x3;
	s28 =	smul.u32 $0x138800, s6  }
0xc: {  	s13 =	sshrl.u32 s24, $0x1;
	s25 =	sshrl.u32 s12, $0x2;
	s29 =	smul.u32 $0x27100, s6  }
0xd: {  	s12 =	sadd.s32 s30, s10;
	s11 =	sadd.s32 s7, s4;
	s5 =	sadd.s32 s22, s9  }
0xe: {  	s7 =	sadd.s32 s23, s4;
	s13 =	ssub.s32 s24, s13;
	s16 =	sadd.s32 s25, s2  }
0xf: {  	s31 =	sadd.s32 s17, s12;
	s17 =	simm.s32 $0x3;
	s22 =	simm.s32 $0x2  }
0x10: {  	s23 =	simm.s32 $0x0;
	s5 =	sshrl.u32 s5, $0x3;
	s6 =	sadd.s32 $0xA44000, s11  }
0x11: {  	s9 =	sshrl.u32 s28, $0x3;
	s13 =	smax.u32 s13, $0x1;
	s16 =	sshrl.u32 s16, $0x3  }
0x12: {  	s14 =	sadd.s32 s5, s4;
	s4 =	sadd.s32 $0x80000, s7;
	s5 =	sor.u32 $0x1C03, s26  }
0x13: {  	s7 =	sadd.s32 s10, s29;
	s15 =	sadd.s32 s10, s9;
	s9 =	sadd.s32 $0xA44800, s11  }
0x14: {  	s8 =	sadd.s32 $0x280, s15;
	s10 =	sadd.s32 $0x13880, s7;
	s11 =	sadd.s32 $0x13B00, s15  }
0x15: {  	s12 =	sadd.s32 $0xA8000, s14;
	s14 =	sadd.s32 $0x500, s31;
	s15 =	sadd.s32 $0x13D80, s31  }
.LBB2_1:
0x16: {  	[spmem:s16], [sflag:s5] =	dma.local [hbm:s4], $0x2800  }
0x17: {  	_ =	swait.ge [sflag:s17], $0x2800  }
0x18: {  	[sflag:s17] =	ssyncset.done $0x0  }
0x19: {  	[sflag:s17] =	ssyncadd.s32 $0xFFFFD800  }
0x1a: {  	[bflag:$0x0] =	sbarrier.arrive $0xFFFF  }
0x1b: {  	[tilespmem:s3], [sflag:$0x3] =	stream.linear.gather [hbm4b:s6+s3], $0x3E80, $0x38;
	[tilespmem:$0x1F800] =	vst v63  }
0x1c: {  	_ =	swait.ge [sflag:s17], $0x3E80  }
0x1d: {  	[sflag:s17] =	ssyncset.done $0x0  }
0x1e: {  	[sflag:s17] =	ssyncadd.s32 $0xFFFFC180  }
0x1f: {  	[tilespmem:s18], [sflag:$0x1] =	stream.linear.gather [hbm4b:s7+s3], $0x1400, $0x38;
	[tilespmem:$0x1F800] =	vst v63  }
0x20: {  	s24 =	smov.u32 s14;
	s25 =	simm.s32 $0x0;
	s26 =	simm.s32 $0x0  }
0x21: {  	[tilespmem:s19], [sflag:$0x1] =	stream.linear.gather [hbm4b:s8+s3], $0x1400, $0x38;
	[tilespmem:$0x1F800] =	vst v63  }
.LBB2_2:
0x22: {  	p0 =	slt.u32 s26, $0x4  }
0x23: {  	s28 =	simm.s32 @!p0 $0x2  }
0x24: {  	p1 =	sgt.u32 @!p0 s26, $0x7A;
	_ =	swait.ge @!p0 [sflag:s28], $0x1400  }
0x25: {  	p1 =	por p0, !p1;
	[sflag:s28] =	ssyncset.done @!p0 $0x0  }
0x26: {  	[sflag:s28] =	ssyncadd.s32 @!p0 $0xFFFFEC00;
	s28 =	sadd.s32 @p1 $0x2, s26  }
0x27: {  	s29 =	smul.u32 @p1 $0xAB, s28;
	_ =	sdelay $0x1  }
0x28: {  	s29 =	sshrl.u32 @p1 s29, $0xA  }
0x29: {  	s29 =	sand.u32 @p1 $0x3F, s29  }
0x2a: {  	s29 =	smul.u32 @p1 $0x6, s29;
	_ =	sdelay $0x1  }
0x2b: {  	s28 =	ssub.s32 @p1 s28, s29  }
0x2c: {  	s28 =	sand.u32 @p1 $0xFF, s28  }
0x2d: {  	s28 =	smul.u32 @p1 $0x5000, s28;
	_ =	sdelay $0x1  }
0x2e: {  	s28 =	sshrl.u32 @p1 s28, $0x2  }
0x2f: {  	s31 =	smul.u32 $0xAB, s26;
	s28 =	sadd.s32 @p1 $0x4000, s28  }
0x30: {  	[tilespmem:s28], [sflag:$0x1] =	stream.linear.gather @p1 [hbm4b:s24+s3], $0x1400, $0x38;
	[tilespmem:$0x1F800] =	vst v63  }
0x31: {  	s28 =	sshrl.u32 s31, $0xA  }
0x32: {  	s28 =	sand.u32 $0x3F, s28  }
0x33: {  	s28 =	smul.u32 $0x6, s28;
	_ =	sdelay $0x1  }
0x34: {  	s28 =	ssub.s32 s26, s28  }
0x35: {  	s26 =	sadd.s32 $0x1, s26;
	s28 =	sand.u32 $0xFF, s28  }
0x36: {  	p0 =	sne.s32 s26, $0x7D;
	s28 =	smul.u32 $0x5000, s28  }
.Ltmp0:
0x37: {  	_ =	swait.ge [sflag:s20], $0x1400;
	(pc) =	sbr.rel @p0 .LBB2_2-.Ltmp0, $4  }
0x38: {  	[sflag:s20] =	ssyncset.done $0x0;
	s28 =	sshrl.u32 s28, $0x2  }
0x39: {  	[sflag:s20] =	ssyncadd.s32 $0xFFFFEC00;
	s28 =	sadd.s32 $0x4000, s28  }
0x3a: {  	[spmem:s2] =	stream.indirect.scatter.add.f32 [tilespmem:s28], [sflag:$0x2], $0x80, s25, s21, $0xb8;
	[tilespmem:$0x1F800] =	vst v63  }
0x3b: {  	s24 =	sadd.s32 $0x280, s24;
	s25 =	sadd.s32 $0x80, s25  }
0x3c: {  	_ =	swait.ge [sflag:s22], $0x1400  }
0x3d: {  	[sflag:s22] =	ssyncset.done $0x0  }
0x3e: {  	[sflag:s22] =	ssyncadd.s32 $0xFFFFEC00  }
0x3f: {  	_ =	swait.ge [sflag:s22], $0x1400  }
0x40: {  	[sflag:s22] =	ssyncset.done $0x0  }
0x41: {  	[sflag:s22] =	ssyncadd.s32 $0xFFFFEC00  }
0x42: {  	_ =	swait.ge [sflag:s22], $0x1400  }
0x43: {  	[sflag:s22] =	ssyncset.done $0x0  }
0x44: {  	[sflag:s22] =	ssyncadd.s32 $0xFFFFEC00  }
0x45: {  	_ =	swait.ge [sflag:s22], $0x1400  }
0x46: {  	[sflag:s22] =	ssyncset.done $0x0  }
0x47: {  	s24 =	simm.s32 $0x0;
	[sflag:s22] =	ssyncadd.s32 $0xFFFFEC00  }
0x48: {  	[tilespmem:s24], [sflag:$0x3] =	stream.linear.gather [hbm4b:s9+s24], $0x3E80, $0x38;
	[tilespmem:$0x1F800] =	vst v63  }
0x49: {  	_ =	swait.ge [sflag:s17], $0x3E80  }
0x4a: {  	[sflag:s17] =	ssyncset.done $0x0  }
0x4b: {  	[sflag:s17] =	ssyncadd.s32 $0xFFFFC180  }
0x4c: {  	[tilespmem:s18], [sflag:$0x1] =	stream.linear.gather [hbm4b:s10+s24], $0x1400, $0x38;
	[tilespmem:$0x1F800] =	vst v63  }
0x4d: {  	s25 =	smov.u32 s15;
	s26 =	simm.s32 $0x0  }
0x4e: {  	[tilespmem:s19], [sflag:$0x1] =	stream.linear.gather [hbm4b:s11+s24], $0x1400, $0x38;
	[tilespmem:$0x1F800] =	vst v63  }
.LBB2_4:
0x4f: {  	p0 =	slt.u32 s26, $0x4  }
0x50: {  	s28 =	simm.s32 @!p0 $0x2  }
0x51: {  	p1 =	sgt.u32 @!p0 s26, $0x7A;
	_ =	swait.ge @!p0 [sflag:s28], $0x1400  }
0x52: {  	p1 =	por p0, !p1;
	[sflag:s28] =	ssyncset.done @!p0 $0x0  }
0x53: {  	[sflag:s28] =	ssyncadd.s32 @!p0 $0xFFFFEC00;
	s28 =	sadd.s32 @p1 $0x2, s26  }
0x54: {  	s29 =	smul.u32 @p1 $0xAB, s28;
	_ =	sdelay $0x1  }
0x55: {  	s29 =	sshrl.u32 @p1 s29, $0xA  }
0x56: {  	s29 =	sand.u32 @p1 $0x3F, s29  }
0x57: {  	s29 =	smul.u32 @p1 $0x6, s29;
	_ =	sdelay $0x1  }
0x58: {  	s28 =	ssub.s32 @p1 s28, s29  }
0x59: {  	s28 =	sand.u32 @p1 $0xFF, s28  }
0x5a: {  	s28 =	smul.u32 @p1 $0x5000, s28;
	_ =	sdelay $0x1  }
0x5b: {  	s28 =	sshrl.u32 @p1 s28, $0x2  }
0x5c: {  	s31 =	smul.u32 $0xAB, s26;
	s28 =	sadd.s32 @p1 $0x4000, s28  }
0x5d: {  	[tilespmem:s28], [sflag:$0x1] =	stream.linear.gather @p1 [hbm4b:s25+s3], $0x1400, $0x38;
	[tilespmem:$0x1F800] =	vst v63  }
0x5e: {  	s28 =	sshrl.u32 s31, $0xA  }
0x5f: {  	s28 =	sand.u32 $0x3F, s28  }
0x60: {  	s28 =	smul.u32 $0x6, s28;
	_ =	sdelay $0x1  }
0x61: {  	s28 =	ssub.s32 s26, s28  }
0x62: {  	s26 =	sadd.s32 $0x1, s26;
	s28 =	sand.u32 $0xFF, s28  }
0x63: {  	p0 =	sne.s32 s26, $0x7D;
	s28 =	smul.u32 $0x5000, s28  }
.Ltmp1:
0x64: {  	_ =	swait.ge [sflag:s20], $0x1400;
	(pc) =	sbr.rel @p0 .LBB2_4-.Ltmp1, $4  }
0x65: {  	[sflag:s20] =	ssyncset.done $0x0;
	s28 =	sshrl.u32 s28, $0x2  }
0x66: {  	[sflag:s20] =	ssyncadd.s32 $0xFFFFEC00;
	s28 =	sadd.s32 $0x4000, s28  }
0x67: {  	[spmem:s2] =	stream.indirect.scatter.add.f32 [tilespmem:s28], [sflag:$0x2], $0x80, s24, s21, $0xb8;
	[tilespmem:$0x1F800] =	vst v63  }
0x68: {  	s25 =	sadd.s32 $0x280, s25;
	s24 =	sadd.s32 $0x80, s24  }
0x69: {  	_ =	swait.ge [sflag:s22], $0x1400  }
0x6a: {  	[sflag:s22] =	ssyncset.done $0x0  }
0x6b: {  	[sflag:s22] =	ssyncadd.s32 $0xFFFFEC00  }
0x6c: {  	_ =	swait.ge [sflag:s22], $0x1400  }
0x6d: {  	[sflag:s22] =	ssyncset.done $0x0  }
0x6e: {  	[sflag:s22] =	ssyncadd.s32 $0xFFFFEC00  }
0x6f: {  	_ =	swait.ge [sflag:s22], $0x1400  }
0x70: {  	[sflag:s22] =	ssyncset.done $0x0  }
0x71: {  	[sflag:s22] =	ssyncadd.s32 $0xFFFFEC00  }
0x72: {  	_ =	swait.ge [sflag:s22], $0x1400  }
0x73: {  	s23 =	sadd.s32 $0x1, s23;
	[sflag:s22] =	ssyncset.done $0x0  }
0x74: {  	p0 =	sne.s32 s23, s13;
	[sflag:s22] =	ssyncadd.s32 $0xFFFFEC00  }
.Ltmp2:
0x75: {  	[bflag:$0x0] =	sbarrier.arrive $0xFFFF;
	(pc) =	sbr.rel @p0 .LBB2_1-.Ltmp2, $4  }
0x76: {  	[hbm:s12], [sflag:s5] =	dma.local [spmem:s16], $0x2800  }
0x77: {  	_ =	swait.ge [sflag:s17], $0x2800  }
0x78: {  	[sflag:s17] =	ssyncset.done $0x0  }
0x79: {  	[sflag:s17] =	ssyncadd.s32 $0xFFFFD800  }
0x7a: {  	_ =	sfence.sel $0x180000  }
0x7b: {  	[bflag:$0x0] =	sbarrier.arrive $0xFFFF  }
0x7c: {  	p0 =	sne.s32 s1, $0x0;
	_ =	strace $0x9000004A  }
0x7d: {  	s0 =	sadd.s32 @!p0 $0x100000, s0;
	[bflag:$0x2] =	sbarrier.arrive $0xFFFF  }
0x7e: {  	[sflag:s0] =	ssyncadd.tile.s32 @!p0 $0x1;
	_ =	shalt  }
.Lfunc_end2:
_tile_overlayer_lowered:
.L_overlay_start_2:
0x7f: {  	(tag) =	ssettag $0x2  }
0x80: {  	s0 =	rddreg [dreg:$0x0];
	s2 =	stileid.u32  }
0x81: {  	s1 =	rddreg [dreg:$0x1];
	p0 =	sne.s32 s2, $0x0  }
0x82: {  	s3 =	rddreg [dreg:$0x2];
	[bflag:$0x3] =	sbarrier.arrive $0xFFFF;
	s2 =	simm.s32 @!p0 $0x1C03  }
0x83: {  	[timem:s3], [sflag:s2] =	dma.local @!p0 [hbm:s0], s1  }
0x84: {  	s0 =	simm.s32 @!p0 $0x3  }
0x85: {  	_ =	swait.ge @!p0 [sflag:s0], s1  }
0x86: {  	s1 =	ssub.s32 @!p0 $0x0, s1;
	[sflag:s0] =	ssyncset.done @!p0 $0x0  }
0x87: {  	[sflag:s0] =	ssyncadd.s32 @!p0 s1  }
0x88: {  	[bflag:$0x3] =	sbarrier.arrive $0xFFFF  }
0x89: {  	_ =	shalt  }

// kernel: kernel.21.cloned.1.call-start
scs
__scs_entry_jumppad:
0x0: {  	(pc) =	sbr.rel $0x88, $3  }
0x1: {  	(tag) =	ssettag $0x0;
	lr =	simm.s32 $0x1  }
0x2: {  	[smem:$0x3F78] =	sst lr;
	_ =	strace $0xD0000000  }
0x3: {  	_ = 	snop  }
0x4: {  	_ = 	snop  }
0x5: {  	_ = 	snop  }
0x6: {  	_ = 	snop  }
0x7: {  	_ = 	snop  }
__scs_overlays_trampoline_lowered:
0x8: {  	[smem:$0x3F87] =	sst s0  }
0x9: {  	[smem:$0x3F88] =	sst s1  }
0xa: {  	[smem:$0x3F89] =	sst s2  }
0xb: {  	[smem:$0x3F8A] =	sst s3  }
0xc: {  	[smem:$0x3F8B] =	sst s4  }
0xd: {  	[smem:$0x3F8C] =	sst s5  }
0xe: {  	[smem:$0x3F8D] =	sst s6  }
0xf: {  	[smem:$0x3F8E] =	sst s7  }
0x10: {  	[smem:$0x3F8F] =	sst s8  }
0x11: {  	[smem:$0x3F90] =	sst s9;
	s0 =	simm.s32 @!p0 $0x0  }
0x12: {  	s1 =	sld [smem:$0x3F76];
	s0 =	simm.s32 @p0 $0x1  }
0x13: {  	[smem:$0x3F91] =	sst s0;
	s0 =	simm.s32 @!p1 $0x0  }
0x14: {  	s2 =	sld [smem:$0x3F75];
	s0 =	simm.s32 @p1 $0x1  }
0x15: {  	[smem:$0x3F92] =	sst s0;
	s0 =	simm.s32 @!p2 $0x0  }
0x16: {  	s3 =	sld [smem:$0x3FDB];
	s0 =	simm.s32 @p2 $0x1  }
0x17: {  	s4 =	simm.s32 $0x1BF5;
	[smem:$0x3F94] =	sst s0  }
0x18: {  	s0 =	sld [smem:$0x3F77];
	_ =	swait.ge [sflag:s4], $0x0  }
0x19: {  	s7 =	sld [smem:$0x3F78]  }
0x1a: {  	s8 =	sadd.s32 $0xFFFFE003, lr  }
0x1b: {  	s9 =	sadd.s32 $0xFFFFFEF7, lr;
	s5 =	simm.s32 $0xFFFFFFFF;
	p2 =	slt.u32 s8, $0xFFFFF086  }
0x1c: {  	p1 =	slt.u32 s9, $0xF7A;
	s5 =	simm.s32 @!p2 $0x0  }
0x1d: {  	s5 =	simm.s32 @p1 $0x1;
	p0 =	seq.s32 s7, s2  }
0x1e: {  	s7 =	smul.u32 @!p0 $0xF7A, s2;
	p2 =	seq.s32 @!p0 s5, $0x0  }
0x1f: {  	s9 =	smul.u32 $0xF7A, s1;
	s8 =	simm.s32 @!p0 $0x1BF5;
	p2 =	por !p2, p0  }
0x20: {  	[sflag:s8] =	ssyncset.s32 @!p0 $0xFFFFF086;
	s6 =	sadd.s32 @!p0 s3, s7;
	s7 =	simm.s32 @!p0 $0x108  }
0x21: {  	s3 =	sadd.s32 s3, s9;
	s6 =	sadd.s32 @!p0 $0x88, s6;
	s7 =	simm.s32 @p2 $0x1082  }
0x22: {  	[simem:s7], [sflag:s8] =	dma.local @!p0 [hbm:s6], $0xF7A  }
0x23: {  	s9 =	sor.u32 $0xD0000000, s2;
	s6 =	simm.s32 $0x108;
	_ =	swait.ge @!p0 [sflag:s8], $0x0  }
0x24: {  	s3 =	sadd.s32 $0x88, s3;
	s6 =	simm.s32 @!p1 $0x1082;
	[sflag:s4] =	ssyncset.s32 $0xFFFFF086  }
0x25: {  	[simem:s6], [sflag:s4] =	dma.local [hbm:s3], $0xF7A  }
0x26: {  	[smem:$0x3F78] =	sst s1;
	(tag) =	ssettag s2;
	_ =	strace s9  }
0x27: {  	s1 =	sld [smem:$0x3F88]  }
0x28: {  	s2 =	sld [smem:$0x3F89]  }
0x29: {  	s4 =	sld [smem:$0x3F8B]  }
0x2a: {  	p0 =	seq.s32 s5, $0x0;
	s5 =	sld [smem:$0x3F8C]  }
0x2b: {  	s6 =	sld [smem:$0x3F8D]  }
0x2c: {  	s7 =	sld [smem:$0x3F8E]  }
0x2d: {  	s3 =	simm.s32 $0x108;
	s8 =	sld [smem:$0x3F8F]  }
0x2e: {  	s3 =	simm.s32 @!p0 $0x1082;
	s9 =	sld [smem:$0x3F90]  }
0x2f: {  	lr =	sadd.s32 s0, s3;
	s0 =	sld [smem:$0x3F87]  }
0x30: {  	s3 =	sld [smem:$0x3F8A]  }
0x31: {  	[smem:$0x3F93] =	sst s10  }
0x32: {  	s10 =	sld [smem:$0x3F91];
	_ =	sdelay $0x3  }
0x33: {  	p0 =	seq.s32 s10, $0x1;
	s10 =	sld [smem:$0x3F93];
	_ =	sdelay $0x3  }
0x34: {  	[smem:$0x3F93] =	sst s10  }
0x35: {  	s10 =	sld [smem:$0x3F92];
	_ =	sdelay $0x3  }
0x36: {  	p1 =	seq.s32 s10, $0x1;
	s10 =	sld [smem:$0x3F93];
	_ =	sdelay $0x3  }
0x37: {  	[smem:$0x3F93] =	sst s10  }
0x38: {  	s10 =	sld [smem:$0x3F94]  }
0x39: {  	_ = 	snop;
	(pc) =	sbr.ind lr, $3  }
0x3a: {  	_ = 	snop  }
0x3b: {  	_ = 	snop  }
0x3c: {  	p2 =	seq.s32 s10, $0x1;
	s10 =	sld [smem:$0x3F93]  }
0x3d: {  	_ =	shalt  }
0x3e: {  	_ =	shalt  }
0x3f: {  	_ =	shalt  }
0x40: {  	_ =	shalt  }
0x41: {  	_ =	shalt  }
0x42: {  	_ =	shalt  }
0x43: {  	_ =	shalt  }
0x44: {  	_ =	shalt  }
0x45: {  	_ =	shalt  }
0x46: {  	_ =	shalt  }
0x47: {  	_ =	shalt  }
0x48: {  	_ =	shalt  }
0x49: {  	_ =	shalt  }
0x4a: {  	_ =	shalt  }
0x4b: {  	_ =	shalt  }
0x4c: {  	_ =	shalt  }
0x4d: {  	_ =	shalt  }
0x4e: {  	_ =	shalt  }
0x4f: {  	_ =	shalt  }
0x50: {  	_ =	shalt  }
0x51: {  	_ =	shalt  }
0x52: {  	_ =	shalt  }
0x53: {  	_ =	shalt  }
0x54: {  	_ =	shalt  }
0x55: {  	_ =	shalt  }
0x56: {  	_ =	shalt  }
0x57: {  	_ =	shalt  }
0x58: {  	_ =	shalt  }
0x59: {  	_ =	shalt  }
0x5a: {  	_ =	shalt  }
0x5b: {  	_ =	shalt  }
0x5c: {  	_ =	shalt  }
0x5d: {  	_ =	shalt  }
0x5e: {  	_ =	shalt  }
0x5f: {  	_ =	shalt  }
0x60: {  	_ =	shalt  }
0x61: {  	_ =	shalt  }
0x62: {  	_ =	shalt  }
0x63: {  	_ =	shalt  }
0x64: {  	_ =	shalt  }
0x65: {  	_ =	shalt  }
0x66: {  	_ =	shalt  }
0x67: {  	_ =	shalt  }
0x68: {  	_ =	shalt  }
0x69: {  	_ =	shalt  }
0x6a: {  	_ =	shalt  }
0x6b: {  	_ =	shalt  }
0x6c: {  	_ =	shalt  }
0x6d: {  	_ =	shalt  }
0x6e: {  	_ =	shalt  }
0x6f: {  	_ =	shalt  }
0x70: {  	_ =	shalt  }
0x71: {  	_ =	shalt  }
0x72: {  	_ =	shalt  }
0x73: {  	_ =	shalt  }
0x74: {  	_ =	shalt  }
0x75: {  	_ =	shalt  }
0x76: {  	_ =	shalt  }
0x77: {  	_ =	shalt  }
0x78: {  	_ =	shalt  }
0x79: {  	_ =	shalt  }
0x7a: {  	_ =	shalt  }
0x7b: {  	_ =	shalt  }
0x7c: {  	_ =	shalt  }
0x7d: {  	_ =	shalt  }
0x7e: {  	_ =	shalt  }
0x7f: {  	_ =	shalt  }
0x80: {  	_ =	shalt  }
0x81: {  	_ =	shalt  }
0x82: {  	_ =	shalt  }
0x83: {  	_ =	shalt  }
0x84: {  	_ =	shalt  }
0x85: {  	_ =	shalt  }
0x86: {  	_ =	shalt  }
0x87: {  	_ =	shalt  }
.Lfunc_end0:
.L_simem_size_0:
called_computation.2_lowered:
.L_overlay_start_0:
0x88: {  	s2 =	sld [smem:$0x3FD9]  }
0x89: {  	s3 =	sld [smem:$0x3FFE];
	_ =	sdelay $0x1  }
0x8a: {  	s1 =	srdreg.scid  }
0x8b: {  	s0 =	sand.u32 $0x1, s1  }
0x8c: {  	s16 =	sshll.u32 s0, $0xA;
	s2 =	sadd.s32 s3, s2  }
0x8d: {  	s2 =	sadd.s32 s2, s16  }
0x8e: {  	[smem:$0x3F9F] =	sst s2  }
0x8f: {  	_ = 	snop  }
0x90: {  	(tm) =	ssettm $0x1  }
0x91: {  	s17 =	sld [smem:$0x3FFB];
	_ =	sdelay $0x3  }
0x92: {  	_ =	strace s17  }
0x93: {  	s2 =	sld [smem:$0x3FFC];
	_ =	sdelay $0x3  }
0x94: {  	_ =	strace s2  }
0x95: {  	s2 =	sld [smem:$0x3FFD];
	_ =	sdelay $0x3  }
0x96: {  	_ =	strace s2  }
0x97: {  	_ =	strace $0x8FFFFFFF  }
0x98: {  	s18 =	sld [smem:$0x3FDB];
	_ =	sdelay $0x1  }
0x99: {  	s19 =	simm.s32 $_scs_section_size  }
0x9a: {  	s4 =	simm.s32 $_size__tile_overlayer_lowered;
	s5 =	simm.s32 $_tile_overlayer_lowered  }
0x9b: {  	s22 =	simm.s32 $0x1BFF;
	s21 =	sshll.u32 s5, $0x1;
	s2 =	sadd.s32 s19, s18  }
0x9c: {  	s6 =	simm.s32 $0x0;
	s20 =	sshll.u32 s4, $0x1;
	s4 =	sadd.s32 s21, s2  }
0x9d: {  	[timem:s6], [sflag:s22] =	dma.local [hbm:s4], s20  }
0x9e: {  	_ =	swait.ge [sflag:s22], s20  }
0x9f: {  	s3 =	ssub.s32 $0x0, s20;
	[sflag:s22] =	ssyncset.done $0x0  }
0xa0: {  	[sflag:s22] =	ssyncadd.s32 s3;
	_ =	sdelay $0x1  }
0xa1: {  	s23 =	simm.s32 $0x1B8B  }
0xa2: {  	_ =	swait.ge [sflag:s23], $0x1  }
0xa3: {  	[sflag:s23] =	ssyncset.done $0x0  }
0xa4: {  	s25 =	simm.s32 $0x1B8E;
	s24 =	sld [smem:$0x3FFE];
	[sflag:s23] =	ssyncadd.s32 $0xFFFFFFFF  }
0xa5: {  	s26 =	simm.s32 $execute0_lowered;
	[smem:$0x3FD2] =	sst s25  }
0xa6: {  	s4 =	sshll.u32 s26, $0x1;
	_ =	strace $0x8000004C;
	[dreg:$0x1] =	wrdreg $0xFFFFFFFF  }
0xa7: {  	s28 =	simm.s32 $_size_execute0_lowered;
	s2 =	sadd.s32 s2, s4;
	[dreg:$0x0] =	wrdreg $0x0  }
0xa8: {  	s4 =	sshll.u32 s28, $0x1;
	[dreg:$0x2] =	wrdreg s2  }
0xa9: {  	[dreg:$0x3] =	wrdreg s4  }
0xaa: {  	[dreg:$0x4] =	wrdreg $0xC0  }
0xab: {  	_ =	task [dreg:s6], $0x5FFFF  }
0xac: {  	[dreg:$0x1] =	wrdreg $0xFFFFFFFF  }
0xad: {  	[dreg:$0x0] =	wrdreg $0x60  }
0xae: {  	[dreg:$0x2] =	wrdreg s24  }
0xaf: {  	[dreg:$0x3] =	wrdreg $0xB8000  }
0xb0: {  	[dreg:$0x4] =	wrdreg $0x9  }
0xb1: {  	_ =	task.clear_ibuf [dreg:s6], $0x5FFFF;
	_ =	strace $0x9000004C  }
0xb2: {  	s29 =	simm.s32 $0x9;
	_ =	strace $0x8000004E  }
0xb3: {  	_ =	swait.ge [sflag:s29], $0x1  }
0xb4: {  	[sflag:s29] =	ssyncadd.s32 $0xFFFFFFFF  }
0xb5: {  	_ =	strace $0x9000004E  }
0xb6: {  	_ =	sfence  }
0xb7: {  	s30 =	sld [smem:$0x0];
	_ =	sdelay $0x2  }
0xb8: {  	s31 =	sshll.u32 s1, $0xD;
	s1 =	sshrl.u32 s1, $0x2  }
0xb9: {  	s3 =	sand.u32 $0x4000, s31;
	s1 =	sadd.s32 s1, s30  }
0xba: {  	s0 =	sor.u32 s3, s0;
	s1 =	sshll.u32 s1, $0x11  }
0xbb: {  	s0 =	sor.u32 s1, s0  }
0xbc: {  	s0 =	sadd.s32 $0x8F2B, s0  }
0xbd: {  	[sflag:s0] =	ssyncadd.remote.s32 $0x1  }
0xbe: {  	_ =	sfence.sel $0xFFFF  }
0xbf: {  	[dreg:$0x0] =	wrdreg $0xFFFFFFFF;
	(pc) =	sbr.abs _section_cstart, $3  }
0xc0: {  	[dreg:$0x1] =	wrdreg $0xFFFFFFFF  }
0xc1: {  	_ =	task.clear_ibuf [dreg:s6], $0x2FFFF;
	_ =	strace $0x9FFFFFFF  }
0xc2: {  	(tm) =	ssettm $0x7FFFFFFF  }
0xc3: {  	_ =	shalt  }
tec
execute0_lowered:
.L_overlay_start_1:
0x0: {  	(tag) =	ssettag $0x1  }
0x1: {  	s4 =	rddreg [dreg:$0x0]  }
0x2: {  	s2 =	rddreg [dreg:$0x1]  }
0x3: {  	s0 =	rddreg [dreg:$0x2]  }
0x4: {  	s3 =	simm.s32 $0x0;
	s1 =	stileid.u32;
	s6 =	srdreg.scid  }
0x5: {  	s13 =	simm.s32 $0x28;
	s14 =	simm.s32 $0x4000;
	s15 =	simm.s32 $0x80  }
0x6: {  	s16 =	simm.s32 $0x5400;
	s17 =	simm.s32 $0x1;
	s18 =	simm.s32 $0x2  }
0x7: {  	s19 =	simm.s32 $0x0;
	[smem:$0x7FF] =	sst s3;
	s5 =	smul.u32 $0x2800, s1  }
0x8: {  	s6 =	sand.u32 $0x1, s6;
	s7 =	sshll.u32 s1, $0xD;
	s9 =	smul.u32 $0x4E200, s1  }
0x9: {  	s11 =	smul.u32 $0x50000, s1;
	s29 =	sshll.u32 s1, $0x6;
	_ =	strace $0x8000004D  }
0xa: {  	s8 =	sshll.u32 s6, $0xC;
	s10 =	ssub.s32 $0x2, s6;
	s30 =	smul.u32 $0x27100, s6  }
0xb: {  	s5 =	sadd.s32 s5, s4;
	s7 =	sor.u32 s8, s7;
	s26 =	sshrl.u32 s10, $0x1  }
0xc: {  	s9 =	sadd.s32 s9, s4;
	s28 =	sshrl.u32 s11, $0x2;
	s7 =	sadd.s32 s7, s4  }
0xd: {  	s8 =	ssub.s32 s10, s26;
	s12 =	sadd.s32 s28, s2;
	s4 =	sadd.s32 $0x31C00, s5  }
0xe: {  	s5 =	sor.u32 $0x1C03, s29;
	s31 =	sadd.s32 s30, s9;
	s6 =	sadd.s32 $0x11C00, s7  }
0xf: {  	s7 =	sadd.s32 $0x12400, s7;
	s8 =	smax.u32 s8, $0x1;
	s9 =	sadd.s32 $0xA64000, s31  }
0x10: {  	s10 =	sadd.s32 $0xA77880, s31;
	s11 =	sshrl.u32 s12, $0x3;
	s12 =	simm.s32 $0x3  }
.LBB2_1:
0x11: {  	[spmem:s11], [sflag:s5] =	dma.local [hbm:s4], $0x2800  }
0x12: {  	_ =	swait.ge [sflag:s12], $0x2800  }
0x13: {  	[sflag:s12] =	ssyncset.done $0x0  }
0x14: {  	[sflag:s12] =	ssyncadd.s32 $0xFFFFD800  }
0x15: {  	[bflag:$0x0] =	sbarrier.arrive $0xFFFF  }
0x16: {  	[tilespmem:s3], [sflag:$0x3] =	stream.linear.gather [hbm4b:s6+s3], $0x3E80, $0x38;
	[tilespmem:$0x1F800] =	vst v63  }
0x17: {  	_ =	swait.ge [sflag:s12], $0x3E80  }
0x18: {  	[sflag:s12] =	ssyncset.done $0x0  }
0x19: {  	[sflag:s12] =	ssyncadd.s32 $0xFFFFC180  }
0x1a: {  	[tilespmem:s14], [sflag:$0x1] =	stream.indirect.gather [spmem:s2], $0x80, s3, s13, $0xb8;
	[tilespmem:$0x1F800] =	vst v63  }
0x1b: {  	s20 =	simm.s32 $0x100;
	s21 =	smov.u32 s9;
	s22 =	simm.s32 $0x0  }
0x1c: {  	[tilespmem:s16], [sflag:$0x1] =	stream.indirect.gather [spmem:s2], $0x80, s15, s13, $0xb8;
	[tilespmem:$0x1F800] =	vst v63  }
.LBB2_2:
0x1d: {  	p0 =	slt.u32 s22, $0x4  }
0x1e: {  	s23 =	simm.s32 @!p0 $0x2  }
0x1f: {  	p1 =	sgt.u32 @!p0 s22, $0x7A;
	_ =	swait.ge @!p0 [sflag:s23], $0x1400  }
0x20: {  	p1 =	por p0, !p1;
	[sflag:s23] =	ssyncset.done @!p0 $0x0  }
0x21: {  	[sflag:s23] =	ssyncadd.s32 @!p0 $0xFFFFEC00;
	s23 =	sadd.s32 @p1 $0x2, s22  }
0x22: {  	s24 =	smul.u32 @p1 $0xAB, s23;
	_ =	sdelay $0x1  }
0x23: {  	s24 =	sshrl.u32 @p1 s24, $0xA  }
0x24: {  	s24 =	sand.u32 @p1 $0x3F, s24  }
0x25: {  	s24 =	smul.u32 @p1 $0x6, s24;
	_ =	sdelay $0x1  }
0x26: {  	s23 =	ssub.s32 @p1 s23, s24  }
0x27: {  	s23 =	sand.u32 @p1 $0xFF, s23  }
0x28: {  	s23 =	smul.u32 @p1 $0x5000, s23;
	_ =	sdelay $0x1  }
0x29: {  	s23 =	sshrl.u32 @p1 s23, $0x2  }
0x2a: {  	s31 =	smul.u32 $0xAB, s22;
	s23 =	sadd.s32 @p1 $0x4000, s23  }
0x2b: {  	[tilespmem:s23], [sflag:$0x1] =	stream.indirect.gather @p1 [spmem:s2], $0x80, s20, s13, $0xb8;
	[tilespmem:$0x1F800] =	vst v63  }
0x2c: {  	s23 =	sshrl.u32 s31, $0xA  }
0x2d: {  	s23 =	sand.u32 $0x3F, s23  }
0x2e: {  	s23 =	smul.u32 $0x6, s23;
	_ =	sdelay $0x1  }
0x2f: {  	s23 =	ssub.s32 s22, s23  }
0x30: {  	s22 =	sadd.s32 $0x1, s22;
	s23 =	sand.u32 $0xFF, s23  }
0x31: {  	p0 =	sne.s32 s22, $0x7D;
	s23 =	smul.u32 $0x5000, s23  }
.Ltmp0:
0x32: {  	_ =	swait.ge [sflag:s17], $0x1400;
	(pc) =	sbr.rel @p0 .LBB2_2-.Ltmp0, $4  }
0x33: {  	[sflag:s17] =	ssyncset.done $0x0;
	s23 =	sshrl.u32 s23, $0x2  }
0x34: {  	[sflag:s17] =	ssyncadd.s32 $0xFFFFEC00;
	s23 =	sadd.s32 $0x4000, s23  }
0x35: {  	[hbm4b:s21+s3] =	stream.linear.scatter [tilespmem:s23], [sflag:$0x2], $0x1400, $0x38;
	[tilespmem:$0x1F800] =	vst v63  }
0x36: {  	s20 =	sadd.s32 $0x80, s20;
	s21 =	sadd.s32 $0x280, s21  }
0x37: {  	_ =	swait.ge [sflag:s18], $0x1400  }
0x38: {  	[sflag:s18] =	ssyncset.done $0x0  }
0x39: {  	[sflag:s18] =	ssyncadd.s32 $0xFFFFEC00  }
0x3a: {  	_ =	swait.ge [sflag:s18], $0x1400  }
0x3b: {  	[sflag:s18] =	ssyncset.done $0x0  }
0x3c: {  	[sflag:s18] =	ssyncadd.s32 $0xFFFFEC00  }
0x3d: {  	_ =	swait.ge [sflag:s18], $0x1400  }
0x3e: {  	[sflag:s18] =	ssyncset.done $0x0  }
0x3f: {  	[sflag:s18] =	ssyncadd.s32 $0xFFFFEC00  }
0x40: {  	_ =	swait.ge [sflag:s18], $0x1400  }
0x41: {  	[sflag:s18] =	ssyncset.done $0x0  }
0x42: {  	s20 =	simm.s32 $0x0;
	[sflag:s18] =	ssyncadd.s32 $0xFFFFEC00  }
0x43: {  	[tilespmem:s20], [sflag:$0x3] =	stream.linear.gather [hbm4b:s7+s20], $0x3E80, $0x38;
	[tilespmem:$0x1F800] =	vst v63  }
0x44: {  	_ =	swait.ge [sflag:s12], $0x3E80  }
0x45: {  	[sflag:s12] =	ssyncset.done $0x0  }
0x46: {  	[sflag:s12] =	ssyncadd.s32 $0xFFFFC180  }
0x47: {  	[tilespmem:s14], [sflag:$0x1] =	stream.indirect.gather [spmem:s2], $0x80, s20, s13, $0xb8;
	[tilespmem:$0x1F800] =	vst v63  }
0x48: {  	s21 =	simm.s32 $0x100;
	s22 =	smov.u32 s10  }
0x49: {  	[tilespmem:s16], [sflag:$0x1] =	stream.indirect.gather [spmem:s2], $0x80, s15, s13, $0xb8;
	[tilespmem:$0x1F800] =	vst v63  }
.LBB2_4:
0x4a: {  	p0 =	slt.u32 s20, $0x4  }
0x4b: {  	s23 =	simm.s32 @!p0 $0x2  }
0x4c: {  	p1 =	sgt.u32 @!p0 s20, $0x7A;
	_ =	swait.ge @!p0 [sflag:s23], $0x1400  }
0x4d: {  	p1 =	por p0, !p1;
	[sflag:s23] =	ssyncset.done @!p0 $0x0  }
0x4e: {  	[sflag:s23] =	ssyncadd.s32 @!p0 $0xFFFFEC00;
	s23 =	sadd.s32 @p1 $0x2, s20  }
0x4f: {  	s24 =	smul.u32 @p1 $0xAB, s23;
	_ =	sdelay $0x1  }
0x50: {  	s24 =	sshrl.u32 @p1 s24, $0xA  }
0x51: {  	s24 =	sand.u32 @p1 $0x3F, s24  }
0x52: {  	s24 =	smul.u32 @p1 $0x6, s24;
	_ =	sdelay $0x1  }
0x53: {  	s23 =	ssub.s32 @p1 s23, s24  }
0x54: {  	s23 =	sand.u32 @p1 $0xFF, s23  }
0x55: {  	s23 =	smul.u32 @p1 $0x5000, s23;
	_ =	sdelay $0x1  }
0x56: {  	s23 =	sshrl.u32 @p1 s23, $0x2  }
0x57: {  	s31 =	smul.u32 $0xAB, s20;
	s23 =	sadd.s32 @p1 $0x4000, s23  }
0x58: {  	[tilespmem:s23], [sflag:$0x1] =	stream.indirect.gather @p1 [spmem:s2], $0x80, s21, s13, $0xb8;
	[tilespmem:$0x1F800] =	vst v63  }
0x59: {  	s23 =	sshrl.u32 s31, $0xA  }
0x5a: {  	s23 =	sand.u32 $0x3F, s23  }
0x5b: {  	s23 =	smul.u32 $0x6, s23;
	_ =	sdelay $0x1  }
0x5c: {  	s23 =	ssub.s32 s20, s23  }
0x5d: {  	s20 =	sadd.s32 $0x1, s20;
	s23 =	sand.u32 $0xFF, s23  }
0x5e: {  	p0 =	sne.s32 s20, $0x7D;
	s23 =	smul.u32 $0x5000, s23  }
.Ltmp1:
0x5f: {  	_ =	swait.ge [sflag:s17], $0x1400;
	(pc) =	sbr.rel @p0 .LBB2_4-.Ltmp1, $4  }
0x60: {  	[sflag:s17] =	ssyncset.done $0x0;
	s23 =	sshrl.u32 s23, $0x2  }
0x61: {  	[sflag:s17] =	ssyncadd.s32 $0xFFFFEC00;
	s23 =	sadd.s32 $0x4000, s23  }
0x62: {  	[hbm4b:s22+s3] =	stream.linear.scatter [tilespmem:s23], [sflag:$0x2], $0x1400, $0x38;
	[tilespmem:$0x1F800] =	vst v63  }
0x63: {  	s21 =	sadd.s32 $0x80, s21;
	s22 =	sadd.s32 $0x280, s22  }
0x64: {  	_ =	swait.ge [sflag:s18], $0x1400  }
0x65: {  	[sflag:s18] =	ssyncset.done $0x0  }
0x66: {  	[sflag:s18] =	ssyncadd.s32 $0xFFFFEC00  }
0x67: {  	_ =	swait.ge [sflag:s18], $0x1400  }
0x68: {  	[sflag:s18] =	ssyncset.done $0x0  }
0x69: {  	s19 =	sadd.s32 $0x1, s19;
	[sflag:s18] =	ssyncadd.s32 $0xFFFFEC00  }
0x6a: {  	p0 =	sne.s32 s19, s8;
	_ =	swait.ge [sflag:s18], $0x1400  }
.Ltmp2:
0x6b: {  	[sflag:s18] =	ssyncset.done $0x0;
	(pc) =	sbr.rel @p0 .LBB2_1-.Ltmp2, $4  }
0x6c: {  	[sflag:s18] =	ssyncadd.s32 $0xFFFFEC00  }
0x6d: {  	_ =	swait.ge [sflag:s18], $0x1400  }
0x6e: {  	[sflag:s18] =	ssyncset.done $0x0  }
0x6f: {  	[sflag:s18] =	ssyncadd.s32 $0xFFFFEC00  }
0x70: {  	_ =	sfence.sel $0x180000  }
0x71: {  	[bflag:$0x0] =	sbarrier.arrive $0xFFFF  }
0x72: {  	p0 =	sne.s32 s1, $0x0;
	_ =	strace $0x9000004D  }
0x73: {  	s0 =	sadd.s32 @!p0 $0x100000, s0;
	[bflag:$0x2] =	sbarrier.arrive $0xFFFF  }
0x74: {  	[sflag:s0] =	ssyncadd.tile.s32 @!p0 $0x1;
	_ =	shalt  }
.Lfunc_end2:
_tile_overlayer_lowered:
.L_overlay_start_2:
0x75: {  	(tag) =	ssettag $0x2  }
0x76: {  	s0 =	rddreg [dreg:$0x0];
	s2 =	stileid.u32  }
0x77: {  	s1 =	rddreg [dreg:$0x1];
	p0 =	sne.s32 s2, $0x0  }
0x78: {  	s3 =	rddreg [dreg:$0x2];
	[bflag:$0x3] =	sbarrier.arrive $0xFFFF;
	s2 =	simm.s32 @!p0 $0x1C03  }
0x79: {  	[timem:s3], [sflag:s2] =	dma.local @!p0 [hbm:s0], s1  }
0x7a: {  	s0 =	simm.s32 @!p0 $0x3  }
0x7b: {  	_ =	swait.ge @!p0 [sflag:s0], s1  }
0x7c: {  	s1 =	ssub.s32 @!p0 $0x0, s1;
	[sflag:s0] =	ssyncset.done @!p0 $0x0  }
0x7d: {  	[sflag:s0] =	ssyncadd.s32 @!p0 s1  }
0x7e: {  	[bflag:$0x3] =	sbarrier.arrive $0xFFFF  }
0x7f: {  	_ =	shalt  }

// kernel: kernel.24.cloned.1.call-start
scs
__scs_entry_jumppad:
0x0: {  	(pc) =	sbr.rel $0x88, $3  }
0x1: {  	(tag) =	ssettag $0x0;
	lr =	simm.s32 $0x1  }
0x2: {  	[smem:$0x3F78] =	sst lr;
	_ =	strace $0xD0000000  }
0x3: {  	_ = 	snop  }
0x4: {  	_ = 	snop  }
0x5: {  	_ = 	snop  }
0x6: {  	_ = 	snop  }
0x7: {  	_ = 	snop  }
__scs_overlays_trampoline_lowered:
0x8: {  	[smem:$0x3F87] =	sst s0  }
0x9: {  	[smem:$0x3F88] =	sst s1  }
0xa: {  	[smem:$0x3F89] =	sst s2  }
0xb: {  	[smem:$0x3F8A] =	sst s3  }
0xc: {  	[smem:$0x3F8B] =	sst s4  }
0xd: {  	[smem:$0x3F8C] =	sst s5  }
0xe: {  	[smem:$0x3F8D] =	sst s6  }
0xf: {  	[smem:$0x3F8E] =	sst s7  }
0x10: {  	[smem:$0x3F8F] =	sst s8  }
0x11: {  	[smem:$0x3F90] =	sst s9;
	s0 =	simm.s32 @!p0 $0x0  }
0x12: {  	s1 =	sld [smem:$0x3F76];
	s0 =	simm.s32 @p0 $0x1  }
0x13: {  	[smem:$0x3F91] =	sst s0;
	s0 =	simm.s32 @!p1 $0x0  }
0x14: {  	s2 =	sld [smem:$0x3F75];
	s0 =	simm.s32 @p1 $0x1  }
0x15: {  	[smem:$0x3F92] =	sst s0;
	s0 =	simm.s32 @!p2 $0x0  }
0x16: {  	s3 =	sld [smem:$0x3FDB];
	s0 =	simm.s32 @p2 $0x1  }
0x17: {  	s4 =	simm.s32 $0x1BF5;
	[smem:$0x3F94] =	sst s0  }
0x18: {  	s0 =	sld [smem:$0x3F77];
	_ =	swait.ge [sflag:s4], $0x0  }
0x19: {  	s7 =	sld [smem:$0x3F78]  }
0x1a: {  	s8 =	sadd.s32 $0xFFFFE003, lr  }
0x1b: {  	s9 =	sadd.s32 $0xFFFFFEF7, lr;
	s5 =	simm.s32 $0xFFFFFFFF;
	p2 =	slt.u32 s8, $0xFFFFF086  }
0x1c: {  	p1 =	slt.u32 s9, $0xF7A;
	s5 =	simm.s32 @!p2 $0x0  }
0x1d: {  	s5 =	simm.s32 @p1 $0x1;
	p0 =	seq.s32 s7, s2  }
0x1e: {  	s7 =	smul.u32 @!p0 $0xF7A, s2;
	p2 =	seq.s32 @!p0 s5, $0x0  }
0x1f: {  	s9 =	smul.u32 $0xF7A, s1;
	s8 =	simm.s32 @!p0 $0x1BF5;
	p2 =	por !p2, p0  }
0x20: {  	[sflag:s8] =	ssyncset.s32 @!p0 $0xFFFFF086;
	s6 =	sadd.s32 @!p0 s3, s7;
	s7 =	simm.s32 @!p0 $0x108  }
0x21: {  	s3 =	sadd.s32 s3, s9;
	s6 =	sadd.s32 @!p0 $0x88, s6;
	s7 =	simm.s32 @p2 $0x1082  }
0x22: {  	[simem:s7], [sflag:s8] =	dma.local @!p0 [hbm:s6], $0xF7A  }
0x23: {  	s9 =	sor.u32 $0xD0000000, s2;
	s6 =	simm.s32 $0x108;
	_ =	swait.ge @!p0 [sflag:s8], $0x0  }
0x24: {  	s3 =	sadd.s32 $0x88, s3;
	s6 =	simm.s32 @!p1 $0x1082;
	[sflag:s4] =	ssyncset.s32 $0xFFFFF086  }
0x25: {  	[simem:s6], [sflag:s4] =	dma.local [hbm:s3], $0xF7A  }
0x26: {  	[smem:$0x3F78] =	sst s1;
	(tag) =	ssettag s2;
	_ =	strace s9  }
0x27: {  	s1 =	sld [smem:$0x3F88]  }
0x28: {  	s2 =	sld [smem:$0x3F89]  }
0x29: {  	s4 =	sld [smem:$0x3F8B]  }
0x2a: {  	p0 =	seq.s32 s5, $0x0;
	s5 =	sld [smem:$0x3F8C]  }
0x2b: {  	s6 =	sld [smem:$0x3F8D]  }
0x2c: {  	s7 =	sld [smem:$0x3F8E]  }
0x2d: {  	s3 =	simm.s32 $0x108;
	s8 =	sld [smem:$0x3F8F]  }
0x2e: {  	s3 =	simm.s32 @!p0 $0x1082;
	s9 =	sld [smem:$0x3F90]  }
0x2f: {  	lr =	sadd.s32 s0, s3;
	s0 =	sld [smem:$0x3F87]  }
0x30: {  	s3 =	sld [smem:$0x3F8A]  }
0x31: {  	[smem:$0x3F93] =	sst s10  }
0x32: {  	s10 =	sld [smem:$0x3F91];
	_ =	sdelay $0x3  }
0x33: {  	p0 =	seq.s32 s10, $0x1;
	s10 =	sld [smem:$0x3F93];
	_ =	sdelay $0x3  }
0x34: {  	[smem:$0x3F93] =	sst s10  }
0x35: {  	s10 =	sld [smem:$0x3F92];
	_ =	sdelay $0x3  }
0x36: {  	p1 =	seq.s32 s10, $0x1;
	s10 =	sld [smem:$0x3F93];
	_ =	sdelay $0x3  }
0x37: {  	[smem:$0x3F93] =	sst s10  }
0x38: {  	s10 =	sld [smem:$0x3F94]  }
0x39: {  	_ = 	snop;
	(pc) =	sbr.ind lr, $3  }
0x3a: {  	_ = 	snop  }
0x3b: {  	_ = 	snop  }
0x3c: {  	p2 =	seq.s32 s10, $0x1;
	s10 =	sld [smem:$0x3F93]  }
0x3d: {  	_ =	shalt  }
0x3e: {  	_ =	shalt  }
0x3f: {  	_ =	shalt  }
0x40: {  	_ =	shalt  }
0x41: {  	_ =	shalt  }
0x42: {  	_ =	shalt  }
0x43: {  	_ =	shalt  }
0x44: {  	_ =	shalt  }
0x45: {  	_ =	shalt  }
0x46: {  	_ =	shalt  }
0x47: {  	_ =	shalt  }
0x48: {  	_ =	shalt  }
0x49: {  	_ =	shalt  }
0x4a: {  	_ =	shalt  }
0x4b: {  	_ =	shalt  }
0x4c: {  	_ =	shalt  }
0x4d: {  	_ =	shalt  }
0x4e: {  	_ =	shalt  }
0x4f: {  	_ =	shalt  }
0x50: {  	_ =	shalt  }
0x51: {  	_ =	shalt  }
0x52: {  	_ =	shalt  }
0x53: {  	_ =	shalt  }
0x54: {  	_ =	shalt  }
0x55: {  	_ =	shalt  }
0x56: {  	_ =	shalt  }
0x57: {  	_ =	shalt  }
0x58: {  	_ =	shalt  }
0x59: {  	_ =	shalt  }
0x5a: {  	_ =	shalt  }
0x5b: {  	_ =	shalt  }
0x5c: {  	_ =	shalt  }
0x5d: {  	_ =	shalt  }
0x5e: {  	_ =	shalt  }
0x5f: {  	_ =	shalt  }
0x60: {  	_ =	shalt  }
0x61: {  	_ =	shalt  }
0x62: {  	_ =	shalt  }
0x63: {  	_ =	shalt  }
0x64: {  	_ =	shalt  }
0x65: {  	_ =	shalt  }
0x66: {  	_ =	shalt  }
0x67: {  	_ =	shalt  }
0x68: {  	_ =	shalt  }
0x69: {  	_ =	shalt  }
0x6a: {  	_ =	shalt  }
0x6b: {  	_ =	shalt  }
0x6c: {  	_ =	shalt  }
0x6d: {  	_ =	shalt  }
0x6e: {  	_ =	shalt  }
0x6f: {  	_ =	shalt  }
0x70: {  	_ =	shalt  }
0x71: {  	_ =	shalt  }
0x72: {  	_ =	shalt  }
0x73: {  	_ =	shalt  }
0x74: {  	_ =	shalt  }
0x75: {  	_ =	shalt  }
0x76: {  	_ =	shalt  }
0x77: {  	_ =	shalt  }
0x78: {  	_ =	shalt  }
0x79: {  	_ =	shalt  }
0x7a: {  	_ =	shalt  }
0x7b: {  	_ =	shalt  }
0x7c: {  	_ =	shalt  }
0x7d: {  	_ =	shalt  }
0x7e: {  	_ =	shalt  }
0x7f: {  	_ =	shalt  }
0x80: {  	_ =	shalt  }
0x81: {  	_ =	shalt  }
0x82: {  	_ =	shalt  }
0x83: {  	_ =	shalt  }
0x84: {  	_ =	shalt  }
0x85: {  	_ =	shalt  }
0x86: {  	_ =	shalt  }
0x87: {  	_ =	shalt  }
.Lfunc_end0:
.L_simem_size_0:
called_computation.3_lowered:
.L_overlay_start_0:
0x88: {  	s2 =	sld [smem:$0x3FD9]  }
0x89: {  	s3 =	sld [smem:$0x3FFE];
	_ =	sdelay $0x1  }
0x8a: {  	s1 =	srdreg.scid  }
0x8b: {  	s0 =	sand.u32 $0x1, s1  }
0x8c: {  	s16 =	sshll.u32 s0, $0xA;
	s2 =	sadd.s32 s3, s2  }
0x8d: {  	s2 =	sadd.s32 s2, s16  }
0x8e: {  	[smem:$0x3F9F] =	sst s2  }
0x8f: {  	_ = 	snop  }
0x90: {  	(tm) =	ssettm $0x1  }
0x91: {  	s17 =	sld [smem:$0x3FFB];
	_ =	sdelay $0x3  }
0x92: {  	_ =	strace s17  }
0x93: {  	s2 =	sld [smem:$0x3FFC];
	_ =	sdelay $0x3  }
0x94: {  	_ =	strace s2  }
0x95: {  	s2 =	sld [smem:$0x3FFD];
	_ =	sdelay $0x3  }
0x96: {  	_ =	strace s2  }
0x97: {  	_ =	strace $0x8FFFFFFF  }
0x98: {  	s18 =	sld [smem:$0x3FDB];
	_ =	sdelay $0x1  }
0x99: {  	s19 =	simm.s32 $_scs_section_size  }
0x9a: {  	s4 =	simm.s32 $_size__tile_overlayer_lowered;
	s5 =	simm.s32 $_tile_overlayer_lowered  }
0x9b: {  	s22 =	simm.s32 $0x1BFF;
	s21 =	sshll.u32 s5, $0x1;
	s2 =	sadd.s32 s19, s18  }
0x9c: {  	s6 =	simm.s32 $0x0;
	s20 =	sshll.u32 s4, $0x1;
	s4 =	sadd.s32 s21, s2  }
0x9d: {  	[timem:s6], [sflag:s22] =	dma.local [hbm:s4], s20  }
0x9e: {  	_ =	swait.ge [sflag:s22], s20  }
0x9f: {  	s3 =	ssub.s32 $0x0, s20;
	[sflag:s22] =	ssyncset.done $0x0  }
0xa0: {  	[sflag:s22] =	ssyncadd.s32 s3;
	_ =	sdelay $0x1  }
0xa1: {  	s23 =	simm.s32 $0x1B8B  }
0xa2: {  	_ =	swait.ge [sflag:s23], $0x1  }
0xa3: {  	[sflag:s23] =	ssyncset.done $0x0  }
0xa4: {  	s25 =	simm.s32 $0x1B8E;
	s24 =	sld [smem:$0x3FFE];
	[sflag:s23] =	ssyncadd.s32 $0xFFFFFFFF  }
0xa5: {  	s26 =	simm.s32 $execute0_lowered;
	[smem:$0x3FD2] =	sst s25  }
0xa6: {  	s4 =	sshll.u32 s26, $0x1;
	_ =	strace $0x8000004F;
	[dreg:$0x1] =	wrdreg $0xFFFFFFFF  }
0xa7: {  	s28 =	simm.s32 $_size_execute0_lowered;
	s2 =	sadd.s32 s2, s4;
	[dreg:$0x0] =	wrdreg $0x0  }
0xa8: {  	s4 =	sshll.u32 s28, $0x1;
	[dreg:$0x2] =	wrdreg s2  }
0xa9: {  	[dreg:$0x3] =	wrdreg s4  }
0xaa: {  	[dreg:$0x4] =	wrdreg $0xC0  }
0xab: {  	_ =	task [dreg:s6], $0x5FFFF  }
0xac: {  	[dreg:$0x1] =	wrdreg $0xFFFFFFFF  }
0xad: {  	[dreg:$0x0] =	wrdreg $0x60  }
0xae: {  	[dreg:$0x2] =	wrdreg s24  }
0xaf: {  	[dreg:$0x3] =	wrdreg $0xB8000  }
0xb0: {  	[dreg:$0x4] =	wrdreg $0x9  }
0xb1: {  	_ =	task.clear_ibuf [dreg:s6], $0x5FFFF;
	_ =	strace $0x9000004F  }
0xb2: {  	s29 =	simm.s32 $0x9;
	_ =	strace $0x80000051  }
0xb3: {  	_ =	swait.ge [sflag:s29], $0x1  }
0xb4: {  	[sflag:s29] =	ssyncadd.s32 $0xFFFFFFFF  }
0xb5: {  	_ =	strace $0x90000051  }
0xb6: {  	_ =	sfence  }
0xb7: {  	s30 =	sld [smem:$0x0];
	_ =	sdelay $0x2  }
0xb8: {  	s31 =	sshll.u32 s1, $0xD;
	s1 =	sshrl.u32 s1, $0x2  }
0xb9: {  	s3 =	sand.u32 $0x4000, s31;
	s1 =	sadd.s32 s1, s30  }
0xba: {  	s0 =	sor.u32 s3, s0;
	s1 =	sshll.u32 s1, $0x11  }
0xbb: {  	s0 =	sor.u32 s1, s0  }
0xbc: {  	s0 =	sadd.s32 $0x8F2B, s0  }
0xbd: {  	[sflag:s0] =	ssyncadd.remote.s32 $0x1  }
0xbe: {  	_ =	sfence.sel $0xFFFF  }
0xbf: {  	[dreg:$0x0] =	wrdreg $0xFFFFFFFF;
	(pc) =	sbr.abs _section_cstart, $3  }
0xc0: {  	[dreg:$0x1] =	wrdreg $0xFFFFFFFF  }
0xc1: {  	_ =	task.clear_ibuf [dreg:s6], $0x2FFFF;
	_ =	strace $0x9FFFFFFF  }
0xc2: {  	(tm) =	ssettm $0x7FFFFFFF  }
0xc3: {  	_ =	shalt  }
tec
execute0_lowered:
.L_overlay_start_1:
0x0: {  	(tag) =	ssettag $0x1  }
0x1: {  	s4 =	rddreg [dreg:$0x0]  }
0x2: {  	s2 =	rddreg [dreg:$0x1]  }
0x3: {  	s0 =	rddreg [dreg:$0x2]  }
0x4: {  	s5 =	srdreg.scid;
	s1 =	stileid.u32  }
0x5: {  	s3 =	simm.s32 $0x0;
	s18 =	simm.s32 $0x4000;
	s19 =	simm.s32 $0x5400  }
0x6: {  	s20 =	simm.s32 $0x1;
	s8 =	sand.u32 $0x1, s5;
	s22 =	smul.u32 $0x14000, s1  }
0x7: {  	s21 =	sshll.u32 s1, $0x1;
	[smem:$0x7FF] =	sst s3;
	s12 =	smul.u32 $0x50000, s1  }
0x8: {  	s10 =	sadd.s32 $0xF46000, s4;
	s26 =	sshll.u32 s1, $0x6;
	s30 =	smul.u32 $0x4E200, s1  }
0x9: {  	s6 =	sor.u32 s8, s21;
	_ =	strace $0x80000050;
	s9 =	smul.u32 $0x140000, s8  }
0xa: {  	s24 =	ssub.s32 $0x2, s8;
	s17 =	smul.u32 $0x27100, s8;
	s21 =	simm.s32 $0x28  }
0xb: {  	s7 =	sshll.u32 s6, $0xC;
	s23 =	sshrl.u32 s22, $0x3;
	s28 =	smul.u32 $0x138800, s6  }
0xc: {  	s13 =	sshrl.u32 s24, $0x1;
	s25 =	sshrl.u32 s12, $0x2;
	s29 =	smul.u32 $0x27100, s6  }
0xd: {  	s12 =	sadd.s32 s30, s10;
	s11 =	sadd.s32 s7, s4;
	s5 =	sadd.s32 s22, s9  }
0xe: {  	s7 =	sadd.s32 s23, s4;
	s13 =	ssub.s32 s24, s13;
	s16 =	sadd.s32 s25, s2  }
0xf: {  	s31 =	sadd.s32 s17, s12;
	s17 =	simm.s32 $0x3;
	s22 =	simm.s32 $0x2  }
0x10: {  	s23 =	simm.s32 $0x0;
	s5 =	sshrl.u32 s5, $0x3;
	s6 =	sadd.s32 $0xA44000, s11  }
0x11: {  	s9 =	sshrl.u32 s28, $0x3;
	s13 =	smax.u32 s13, $0x1;
	s16 =	sshrl.u32 s16, $0x3  }
0x12: {  	s14 =	sadd.s32 s5, s4;
	s4 =	sadd.s32 $0x80000, s7;
	s5 =	sor.u32 $0x1C03, s26  }
0x13: {  	s7 =	sadd.s32 s10, s29;
	s15 =	sadd.s32 s10, s9;
	s9 =	sadd.s32 $0xA44800, s11  }
0x14: {  	s8 =	sadd.s32 $0x280, s15;
	s10 =	sadd.s32 $0x13880, s7;
	s11 =	sadd.s32 $0x13B00, s15  }
0x15: {  	s12 =	sadd.s32 $0xCF200, s14;
	s14 =	sadd.s32 $0x500, s31;
	s15 =	sadd.s32 $0x13D80, s31  }
.LBB2_1:
0x16: {  	[spmem:s16], [sflag:s5] =	dma.local [hbm:s4], $0x2800  }
0x17: {  	_ =	swait.ge [sflag:s17], $0x2800  }
0x18: {  	[sflag:s17] =	ssyncset.done $0x0  }
0x19: {  	[sflag:s17] =	ssyncadd.s32 $0xFFFFD800  }
0x1a: {  	[bflag:$0x0] =	sbarrier.arrive $0xFFFF  }
0x1b: {  	[tilespmem:s3], [sflag:$0x3] =	stream.linear.gather [hbm4b:s6+s3], $0x3E80, $0x38;
	[tilespmem:$0x1F800] =	vst v63  }
0x1c: {  	_ =	swait.ge [sflag:s17], $0x3E80  }
0x1d: {  	[sflag:s17] =	ssyncset.done $0x0  }
0x1e: {  	[sflag:s17] =	ssyncadd.s32 $0xFFFFC180  }
0x1f: {  	[tilespmem:s18], [sflag:$0x1] =	stream.linear.gather [hbm4b:s7+s3], $0x1400, $0x38;
	[tilespmem:$0x1F800] =	vst v63  }
0x20: {  	s24 =	smov.u32 s14;
	s25 =	simm.s32 $0x0;
	s26 =	simm.s32 $0x0  }
0x21: {  	[tilespmem:s19], [sflag:$0x1] =	stream.linear.gather [hbm4b:s8+s3], $0x1400, $0x38;
	[tilespmem:$0x1F800] =	vst v63  }
.LBB2_2:
0x22: {  	p0 =	slt.u32 s26, $0x4  }
0x23: {  	s28 =	simm.s32 @!p0 $0x2  }
0x24: {  	p1 =	sgt.u32 @!p0 s26, $0x7A;
	_ =	swait.ge @!p0 [sflag:s28], $0x1400  }
0x25: {  	p1 =	por p0, !p1;
	[sflag:s28] =	ssyncset.done @!p0 $0x0  }
0x26: {  	[sflag:s28] =	ssyncadd.s32 @!p0 $0xFFFFEC00;
	s28 =	sadd.s32 @p1 $0x2, s26  }
0x27: {  	s29 =	smul.u32 @p1 $0xAB, s28;
	_ =	sdelay $0x1  }
0x28: {  	s29 =	sshrl.u32 @p1 s29, $0xA  }
0x29: {  	s29 =	sand.u32 @p1 $0x3F, s29  }
0x2a: {  	s29 =	smul.u32 @p1 $0x6, s29;
	_ =	sdelay $0x1  }
0x2b: {  	s28 =	ssub.s32 @p1 s28, s29  }
0x2c: {  	s28 =	sand.u32 @p1 $0xFF, s28  }
0x2d: {  	s28 =	smul.u32 @p1 $0x5000, s28;
	_ =	sdelay $0x1  }
0x2e: {  	s28 =	sshrl.u32 @p1 s28, $0x2  }
0x2f: {  	s31 =	smul.u32 $0xAB, s26;
	s28 =	sadd.s32 @p1 $0x4000, s28  }
0x30: {  	[tilespmem:s28], [sflag:$0x1] =	stream.linear.gather @p1 [hbm4b:s24+s3], $0x1400, $0x38;
	[tilespmem:$0x1F800] =	vst v63  }
0x31: {  	s28 =	sshrl.u32 s31, $0xA  }
0x32: {  	s28 =	sand.u32 $0x3F, s28  }
0x33: {  	s28 =	smul.u32 $0x6, s28;
	_ =	sdelay $0x1  }
0x34: {  	s28 =	ssub.s32 s26, s28  }
0x35: {  	s26 =	sadd.s32 $0x1, s26;
	s28 =	sand.u32 $0xFF, s28  }
0x36: {  	p0 =	sne.s32 s26, $0x7D;
	s28 =	smul.u32 $0x5000, s28  }
.Ltmp0:
0x37: {  	_ =	swait.ge [sflag:s20], $0x1400;
	(pc) =	sbr.rel @p0 .LBB2_2-.Ltmp0, $4  }
0x38: {  	[sflag:s20] =	ssyncset.done $0x0;
	s28 =	sshrl.u32 s28, $0x2  }
0x39: {  	[sflag:s20] =	ssyncadd.s32 $0xFFFFEC00;
	s28 =	sadd.s32 $0x4000, s28  }
0x3a: {  	[spmem:s2] =	stream.indirect.scatter.add.f32 [tilespmem:s28], [sflag:$0x2], $0x80, s25, s21, $0xb8;
	[tilespmem:$0x1F800] =	vst v63  }
0x3b: {  	s24 =	sadd.s32 $0x280, s24;
	s25 =	sadd.s32 $0x80, s25  }
0x3c: {  	_ =	swait.ge [sflag:s22], $0x1400  }
0x3d: {  	[sflag:s22] =	ssyncset.done $0x0  }
0x3e: {  	[sflag:s22] =	ssyncadd.s32 $0xFFFFEC00  }
0x3f: {  	_ =	swait.ge [sflag:s22], $0x1400  }
0x40: {  	[sflag:s22] =	ssyncset.done $0x0  }
0x41: {  	[sflag:s22] =	ssyncadd.s32 $0xFFFFEC00  }
0x42: {  	_ =	swait.ge [sflag:s22], $0x1400  }
0x43: {  	[sflag:s22] =	ssyncset.done $0x0  }
0x44: {  	[sflag:s22] =	ssyncadd.s32 $0xFFFFEC00  }
0x45: {  	_ =	swait.ge [sflag:s22], $0x1400  }
0x46: {  	[sflag:s22] =	ssyncset.done $0x0  }
0x47: {  	s24 =	simm.s32 $0x0;
	[sflag:s22] =	ssyncadd.s32 $0xFFFFEC00  }
0x48: {  	[tilespmem:s24], [sflag:$0x3] =	stream.linear.gather [hbm4b:s9+s24], $0x3E80, $0x38;
	[tilespmem:$0x1F800] =	vst v63  }
0x49: {  	_ =	swait.ge [sflag:s17], $0x3E80  }
0x4a: {  	[sflag:s17] =	ssyncset.done $0x0  }
0x4b: {  	[sflag:s17] =	ssyncadd.s32 $0xFFFFC180  }
0x4c: {  	[tilespmem:s18], [sflag:$0x1] =	stream.linear.gather [hbm4b:s10+s24], $0x1400, $0x38;
	[tilespmem:$0x1F800] =	vst v63  }
0x4d: {  	s25 =	smov.u32 s15;
	s26 =	simm.s32 $0x0  }
0x4e: {  	[tilespmem:s19], [sflag:$0x1] =	stream.linear.gather [hbm4b:s11+s24], $0x1400, $0x38;
	[tilespmem:$0x1F800] =	vst v63  }
.LBB2_4:
0x4f: {  	p0 =	slt.u32 s26, $0x4  }
0x50: {  	s28 =	simm.s32 @!p0 $0x2  }
0x51: {  	p1 =	sgt.u32 @!p0 s26, $0x7A;
	_ =	swait.ge @!p0 [sflag:s28], $0x1400  }
0x52: {  	p1 =	por p0, !p1;
	[sflag:s28] =	ssyncset.done @!p0 $0x0  }
0x53: {  	[sflag:s28] =	ssyncadd.s32 @!p0 $0xFFFFEC00;
	s28 =	sadd.s32 @p1 $0x2, s26  }
0x54: {  	s29 =	smul.u32 @p1 $0xAB, s28;
	_ =	sdelay $0x1  }
0x55: {  	s29 =	sshrl.u32 @p1 s29, $0xA  }
0x56: {  	s29 =	sand.u32 @p1 $0x3F, s29  }
0x57: {  	s29 =	smul.u32 @p1 $0x6, s29;
	_ =	sdelay $0x1  }
0x58: {  	s28 =	ssub.s32 @p1 s28, s29  }
0x59: {  	s28 =	sand.u32 @p1 $0xFF, s28  }
0x5a: {  	s28 =	smul.u32 @p1 $0x5000, s28;
	_ =	sdelay $0x1  }
0x5b: {  	s28 =	sshrl.u32 @p1 s28, $0x2  }
0x5c: {  	s31 =	smul.u32 $0xAB, s26;
	s28 =	sadd.s32 @p1 $0x4000, s28  }
0x5d: {  	[tilespmem:s28], [sflag:$0x1] =	stream.linear.gather @p1 [hbm4b:s25+s3], $0x1400, $0x38;
	[tilespmem:$0x1F800] =	vst v63  }
0x5e: {  	s28 =	sshrl.u32 s31, $0xA  }
0x5f: {  	s28 =	sand.u32 $0x3F, s28  }
0x60: {  	s28 =	smul.u32 $0x6, s28;
	_ =	sdelay $0x1  }
0x61: {  	s28 =	ssub.s32 s26, s28  }
0x62: {  	s26 =	sadd.s32 $0x1, s26;
	s28 =	sand.u32 $0xFF, s28  }
0x63: {  	p0 =	sne.s32 s26, $0x7D;
	s28 =	smul.u32 $0x5000, s28  }
.Ltmp1:
0x64: {  	_ =	swait.ge [sflag:s20], $0x1400;
	(pc) =	sbr.rel @p0 .LBB2_4-.Ltmp1, $4  }
0x65: {  	[sflag:s20] =	ssyncset.done $0x0;
	s28 =	sshrl.u32 s28, $0x2  }
0x66: {  	[sflag:s20] =	ssyncadd.s32 $0xFFFFEC00;
	s28 =	sadd.s32 $0x4000, s28  }
0x67: {  	[spmem:s2] =	stream.indirect.scatter.add.f32 [tilespmem:s28], [sflag:$0x2], $0x80, s24, s21, $0xb8;
	[tilespmem:$0x1F800] =	vst v63  }
0x68: {  	s25 =	sadd.s32 $0x280, s25;
	s24 =	sadd.s32 $0x80, s24  }
0x69: {  	_ =	swait.ge [sflag:s22], $0x1400  }
0x6a: {  	[sflag:s22] =	ssyncset.done $0x0  }
0x6b: {  	[sflag:s22] =	ssyncadd.s32 $0xFFFFEC00  }
0x6c: {  	_ =	swait.ge [sflag:s22], $0x1400  }
0x6d: {  	[sflag:s22] =	ssyncset.done $0x0  }
0x6e: {  	[sflag:s22] =	ssyncadd.s32 $0xFFFFEC00  }
0x6f: {  	_ =	swait.ge [sflag:s22], $0x1400  }
0x70: {  	[sflag:s22] =	ssyncset.done $0x0  }
0x71: {  	[sflag:s22] =	ssyncadd.s32 $0xFFFFEC00  }
0x72: {  	_ =	swait.ge [sflag:s22], $0x1400  }
0x73: {  	s23 =	sadd.s32 $0x1, s23;
	[sflag:s22] =	ssyncset.done $0x0  }
0x74: {  	p0 =	sne.s32 s23, s13;
	[sflag:s22] =	ssyncadd.s32 $0xFFFFEC00  }
.Ltmp2:
0x75: {  	[bflag:$0x0] =	sbarrier.arrive $0xFFFF;
	(pc) =	sbr.rel @p0 .LBB2_1-.Ltmp2, $4  }
0x76: {  	[hbm:s12], [sflag:s5] =	dma.local [spmem:s16], $0x2800  }
0x77: {  	_ =	swait.ge [sflag:s17], $0x2800  }
0x78: {  	[sflag:s17] =	ssyncset.done $0x0  }
0x79: {  	[sflag:s17] =	ssyncadd.s32 $0xFFFFD800  }
0x7a: {  	_ =	sfence.sel $0x180000  }
0x7b: {  	[bflag:$0x0] =	sbarrier.arrive $0xFFFF  }
0x7c: {  	p0 =	sne.s32 s1, $0x0;
	_ =	strace $0x90000050  }
0x7d: {  	s0 =	sadd.s32 @!p0 $0x100000, s0;
	[bflag:$0x2] =	sbarrier.arrive $0xFFFF  }
0x7e: {  	[sflag:s0] =	ssyncadd.tile.s32 @!p0 $0x1;
	_ =	shalt  }
.Lfunc_end2:
_tile_overlayer_lowered:
.L_overlay_start_2:
0x7f: {  	(tag) =	ssettag $0x2  }
0x80: {  	s0 =	rddreg [dreg:$0x0];
	s2 =	stileid.u32  }
0x81: {  	s1 =	rddreg [dreg:$0x1];
	p0 =	sne.s32 s2, $0x0  }
0x82: {  	s3 =	rddreg [dreg:$0x2];
	[bflag:$0x3] =	sbarrier.arrive $0xFFFF;
	s2 =	simm.s32 @!p0 $0x1C03  }
0x83: {  	[timem:s3], [sflag:s2] =	dma.local @!p0 [hbm:s0], s1  }
0x84: {  	s0 =	simm.s32 @!p0 $0x3  }
0x85: {  	_ =	swait.ge @!p0 [sflag:s0], s1  }
0x86: {  	s1 =	ssub.s32 @!p0 $0x0, s1;
	[sflag:s0] =	ssyncset.done @!p0 $0x0  }
0x87: {  	[sflag:s0] =	ssyncadd.s32 @!p0 s1  }
0x88: {  	[bflag:$0x3] =	sbarrier.arrive $0xFFFF  }
0x89: {  	_ =	shalt  }

// kernel: kernel.27.cloned.1.call-start
scs
__scs_entry_jumppad:
0x0: {  	(pc) =	sbr.rel $0x88, $3  }
0x1: {  	(tag) =	ssettag $0x0;
	lr =	simm.s32 $0x1  }
0x2: {  	[smem:$0x3F78] =	sst lr;
	_ =	strace $0xD0000000  }
0x3: {  	_ = 	snop  }
0x4: {  	_ = 	snop  }
0x5: {  	_ = 	snop  }
0x6: {  	_ = 	snop  }
0x7: {  	_ = 	snop  }
__scs_overlays_trampoline_lowered:
0x8: {  	[smem:$0x3F87] =	sst s0  }
0x9: {  	[smem:$0x3F88] =	sst s1  }
0xa: {  	[smem:$0x3F89] =	sst s2  }
0xb: {  	[smem:$0x3F8A] =	sst s3  }
0xc: {  	[smem:$0x3F8B] =	sst s4  }
0xd: {  	[smem:$0x3F8C] =	sst s5  }
0xe: {  	[smem:$0x3F8D] =	sst s6  }
0xf: {  	[smem:$0x3F8E] =	sst s7  }
0x10: {  	[smem:$0x3F8F] =	sst s8  }
0x11: {  	[smem:$0x3F90] =	sst s9;
	s0 =	simm.s32 @!p0 $0x0  }
0x12: {  	s1 =	sld [smem:$0x3F76];
	s0 =	simm.s32 @p0 $0x1  }
0x13: {  	[smem:$0x3F91] =	sst s0;
	s0 =	simm.s32 @!p1 $0x0  }
0x14: {  	s2 =	sld [smem:$0x3F75];
	s0 =	simm.s32 @p1 $0x1  }
0x15: {  	[smem:$0x3F92] =	sst s0;
	s0 =	simm.s32 @!p2 $0x0  }
0x16: {  	s3 =	sld [smem:$0x3FDB];
	s0 =	simm.s32 @p2 $0x1  }
0x17: {  	s4 =	simm.s32 $0x1BF5;
	[smem:$0x3F94] =	sst s0  }
0x18: {  	s0 =	sld [smem:$0x3F77];
	_ =	swait.ge [sflag:s4], $0x0  }
0x19: {  	s7 =	sld [smem:$0x3F78]  }
0x1a: {  	s8 =	sadd.s32 $0xFFFFE003, lr  }
0x1b: {  	s9 =	sadd.s32 $0xFFFFFEF7, lr;
	s5 =	simm.s32 $0xFFFFFFFF;
	p2 =	slt.u32 s8, $0xFFFFF086  }
0x1c: {  	p1 =	slt.u32 s9, $0xF7A;
	s5 =	simm.s32 @!p2 $0x0  }
0x1d: {  	s5 =	simm.s32 @p1 $0x1;
	p0 =	seq.s32 s7, s2  }
0x1e: {  	s7 =	smul.u32 @!p0 $0xF7A, s2;
	p2 =	seq.s32 @!p0 s5, $0x0  }
0x1f: {  	s9 =	smul.u32 $0xF7A, s1;
	s8 =	simm.s32 @!p0 $0x1BF5;
	p2 =	por !p2, p0  }
0x20: {  	[sflag:s8] =	ssyncset.s32 @!p0 $0xFFFFF086;
	s6 =	sadd.s32 @!p0 s3, s7;
	s7 =	simm.s32 @!p0 $0x108  }
0x21: {  	s3 =	sadd.s32 s3, s9;
	s6 =	sadd.s32 @!p0 $0x88, s6;
	s7 =	simm.s32 @p2 $0x1082  }
0x22: {  	[simem:s7], [sflag:s8] =	dma.local @!p0 [hbm:s6], $0xF7A  }
0x23: {  	s9 =	sor.u32 $0xD0000000, s2;
	s6 =	simm.s32 $0x108;
	_ =	swait.ge @!p0 [sflag:s8], $0x0  }
0x24: {  	s3 =	sadd.s32 $0x88, s3;
	s6 =	simm.s32 @!p1 $0x1082;
	[sflag:s4] =	ssyncset.s32 $0xFFFFF086  }
0x25: {  	[simem:s6], [sflag:s4] =	dma.local [hbm:s3], $0xF7A  }
0x26: {  	[smem:$0x3F78] =	sst s1;
	(tag) =	ssettag s2;
	_ =	strace s9  }
0x27: {  	s1 =	sld [smem:$0x3F88]  }
0x28: {  	s2 =	sld [smem:$0x3F89]  }
0x29: {  	s4 =	sld [smem:$0x3F8B]  }
0x2a: {  	p0 =	seq.s32 s5, $0x0;
	s5 =	sld [smem:$0x3F8C]  }
0x2b: {  	s6 =	sld [smem:$0x3F8D]  }
0x2c: {  	s7 =	sld [smem:$0x3F8E]  }
0x2d: {  	s3 =	simm.s32 $0x108;
	s8 =	sld [smem:$0x3F8F]  }
0x2e: {  	s3 =	simm.s32 @!p0 $0x1082;
	s9 =	sld [smem:$0x3F90]  }
0x2f: {  	lr =	sadd.s32 s0, s3;
	s0 =	sld [smem:$0x3F87]  }
0x30: {  	s3 =	sld [smem:$0x3F8A]  }
0x31: {  	[smem:$0x3F93] =	sst s10  }
0x32: {  	s10 =	sld [smem:$0x3F91];
	_ =	sdelay $0x3  }
0x33: {  	p0 =	seq.s32 s10, $0x1;
	s10 =	sld [smem:$0x3F93];
	_ =	sdelay $0x3  }
0x34: {  	[smem:$0x3F93] =	sst s10  }
0x35: {  	s10 =	sld [smem:$0x3F92];
	_ =	sdelay $0x3  }
0x36: {  	p1 =	seq.s32 s10, $0x1;
	s10 =	sld [smem:$0x3F93];
	_ =	sdelay $0x3  }
0x37: {  	[smem:$0x3F93] =	sst s10  }
0x38: {  	s10 =	sld [smem:$0x3F94]  }
0x39: {  	_ = 	snop;
	(pc) =	sbr.ind lr, $3  }
0x3a: {  	_ = 	snop  }
0x3b: {  	_ = 	snop  }
0x3c: {  	p2 =	seq.s32 s10, $0x1;
	s10 =	sld [smem:$0x3F93]  }
0x3d: {  	_ =	shalt  }
0x3e: {  	_ =	shalt  }
0x3f: {  	_ =	shalt  }
0x40: {  	_ =	shalt  }
0x41: {  	_ =	shalt  }
0x42: {  	_ =	shalt  }
0x43: {  	_ =	shalt  }
0x44: {  	_ =	shalt  }
0x45: {  	_ =	shalt  }
0x46: {  	_ =	shalt  }
0x47: {  	_ =	shalt  }
0x48: {  	_ =	shalt  }
0x49: {  	_ =	shalt  }
0x4a: {  	_ =	shalt  }
0x4b: {  	_ =	shalt  }
0x4c: {  	_ =	shalt  }
0x4d: {  	_ =	shalt  }
0x4e: {  	_ =	shalt  }
0x4f: {  	_ =	shalt  }
0x50: {  	_ =	shalt  }
0x51: {  	_ =	shalt  }
0x52: {  	_ =	shalt  }
0x53: {  	_ =	shalt  }
0x54: {  	_ =	shalt  }
0x55: {  	_ =	shalt  }
0x56: {  	_ =	shalt  }
0x57: {  	_ =	shalt  }
0x58: {  	_ =	shalt  }
0x59: {  	_ =	shalt  }
0x5a: {  	_ =	shalt  }
0x5b: {  	_ =	shalt  }
0x5c: {  	_ =	shalt  }
0x5d: {  	_ =	shalt  }
0x5e: {  	_ =	shalt  }
0x5f: {  	_ =	shalt  }
0x60: {  	_ =	shalt  }
0x61: {  	_ =	shalt  }
0x62: {  	_ =	shalt  }
0x63: {  	_ =	shalt  }
0x64: {  	_ =	shalt  }
0x65: {  	_ =	shalt  }
0x66: {  	_ =	shalt  }
0x67: {  	_ =	shalt  }
0x68: {  	_ =	shalt  }
0x69: {  	_ =	shalt  }
0x6a: {  	_ =	shalt  }
0x6b: {  	_ =	shalt  }
0x6c: {  	_ =	shalt  }
0x6d: {  	_ =	shalt  }
0x6e: {  	_ =	shalt  }
0x6f: {  	_ =	shalt  }
0x70: {  	_ =	shalt  }
0x71: {  	_ =	shalt  }
0x72: {  	_ =	shalt  }
0x73: {  	_ =	shalt  }
0x74: {  	_ =	shalt  }
0x75: {  	_ =	shalt  }
0x76: {  	_ =	shalt  }
0x77: {  	_ =	shalt  }
0x78: {  	_ =	shalt  }
0x79: {  	_ =	shalt  }
0x7a: {  	_ =	shalt  }
0x7b: {  	_ =	shalt  }
0x7c: {  	_ =	shalt  }
0x7d: {  	_ =	shalt  }
0x7e: {  	_ =	shalt  }
0x7f: {  	_ =	shalt  }
0x80: {  	_ =	shalt  }
0x81: {  	_ =	shalt  }
0x82: {  	_ =	shalt  }
0x83: {  	_ =	shalt  }
0x84: {  	_ =	shalt  }
0x85: {  	_ =	shalt  }
0x86: {  	_ =	shalt  }
0x87: {  	_ =	shalt  }
.Lfunc_end0:
.L_simem_size_0:
called_computation.4_lowered:
.L_overlay_start_0:
0x88: {  	s2 =	sld [smem:$0x3FD9]  }
0x89: {  	s3 =	sld [smem:$0x3FFE];
	_ =	sdelay $0x1  }
0x8a: {  	s1 =	srdreg.scid  }
0x8b: {  	s0 =	sand.u32 $0x1, s1  }
0x8c: {  	s16 =	sshll.u32 s0, $0xA;
	s2 =	sadd.s32 s3, s2  }
0x8d: {  	s2 =	sadd.s32 s2, s16  }
0x8e: {  	[smem:$0x3F9F] =	sst s2  }
0x8f: {  	_ = 	snop  }
0x90: {  	(tm) =	ssettm $0x1  }
0x91: {  	s17 =	sld [smem:$0x3FFB];
	_ =	sdelay $0x3  }
0x92: {  	_ =	strace s17  }
0x93: {  	s2 =	sld [smem:$0x3FFC];
	_ =	sdelay $0x3  }
0x94: {  	_ =	strace s2  }
0x95: {  	s2 =	sld [smem:$0x3FFD];
	_ =	sdelay $0x3  }
0x96: {  	_ =	strace s2  }
0x97: {  	_ =	strace $0x8FFFFFFF  }
0x98: {  	s18 =	sld [smem:$0x3FDB];
	_ =	sdelay $0x1  }
0x99: {  	s19 =	simm.s32 $_scs_section_size  }
0x9a: {  	s4 =	simm.s32 $_size__tile_overlayer_lowered;
	s5 =	simm.s32 $_tile_overlayer_lowered  }
0x9b: {  	s22 =	simm.s32 $0x1BFF;
	s21 =	sshll.u32 s5, $0x1;
	s2 =	sadd.s32 s19, s18  }
0x9c: {  	s6 =	simm.s32 $0x0;
	s20 =	sshll.u32 s4, $0x1;
	s4 =	sadd.s32 s21, s2  }
0x9d: {  	[timem:s6], [sflag:s22] =	dma.local [hbm:s4], s20  }
0x9e: {  	_ =	swait.ge [sflag:s22], s20  }
0x9f: {  	s3 =	ssub.s32 $0x0, s20;
	[sflag:s22] =	ssyncset.done $0x0  }
0xa0: {  	[sflag:s22] =	ssyncadd.s32 s3;
	_ =	sdelay $0x1  }
0xa1: {  	s23 =	simm.s32 $0x1B8B  }
0xa2: {  	_ =	swait.ge [sflag:s23], $0x1  }
0xa3: {  	[sflag:s23] =	ssyncset.done $0x0  }
0xa4: {  	s25 =	simm.s32 $0x1B8E;
	s24 =	sld [smem:$0x3FFE];
	[sflag:s23] =	ssyncadd.s32 $0xFFFFFFFF  }
0xa5: {  	s26 =	simm.s32 $execute0_lowered;
	[smem:$0x3FD2] =	sst s25  }
0xa6: {  	s4 =	sshll.u32 s26, $0x1;
	_ =	strace $0x80000052;
	[dreg:$0x1] =	wrdreg $0xFFFFFFFF  }
0xa7: {  	s28 =	simm.s32 $_size_execute0_lowered;
	s2 =	sadd.s32 s2, s4;
	[dreg:$0x0] =	wrdreg $0x0  }
0xa8: {  	s4 =	sshll.u32 s28, $0x1;
	[dreg:$0x2] =	wrdreg s2  }
0xa9: {  	[dreg:$0x3] =	wrdreg s4  }
0xaa: {  	[dreg:$0x4] =	wrdreg $0xC0  }
0xab: {  	_ =	task [dreg:s6], $0x5FFFF  }
0xac: {  	[dreg:$0x1] =	wrdreg $0xFFFFFFFF  }
0xad: {  	[dreg:$0x0] =	wrdreg $0x60  }
0xae: {  	[dreg:$0x2] =	wrdreg s24  }
0xaf: {  	[dreg:$0x3] =	wrdreg $0xB8000  }
0xb0: {  	[dreg:$0x4] =	wrdreg $0x9  }
0xb1: {  	_ =	task.clear_ibuf [dreg:s6], $0x5FFFF;
	_ =	strace $0x90000052  }
0xb2: {  	s29 =	simm.s32 $0x9;
	_ =	strace $0x80000054  }
0xb3: {  	_ =	swait.ge [sflag:s29], $0x1  }
0xb4: {  	[sflag:s29] =	ssyncadd.s32 $0xFFFFFFFF  }
0xb5: {  	_ =	strace $0x90000054  }
0xb6: {  	_ =	sfence  }
0xb7: {  	s30 =	sld [smem:$0x0];
	_ =	sdelay $0x2  }
0xb8: {  	s31 =	sshll.u32 s1, $0xD;
	s1 =	sshrl.u32 s1, $0x2  }
0xb9: {  	s3 =	sand.u32 $0x4000, s31;
	s1 =	sadd.s32 s1, s30  }
0xba: {  	s0 =	sor.u32 s3, s0;
	s1 =	sshll.u32 s1, $0x11  }
0xbb: {  	s0 =	sor.u32 s1, s0  }
0xbc: {  	s0 =	sadd.s32 $0x8F2B, s0  }
0xbd: {  	[sflag:s0] =	ssyncadd.remote.s32 $0x1  }
0xbe: {  	_ =	sfence.sel $0xFFFF  }
0xbf: {  	[dreg:$0x0] =	wrdreg $0xFFFFFFFF;
	(pc) =	sbr.abs _section_cstart, $3  }
0xc0: {  	[dreg:$0x1] =	wrdreg $0xFFFFFFFF  }
0xc1: {  	_ =	task.clear_ibuf [dreg:s6], $0x2FFFF;
	_ =	strace $0x9FFFFFFF  }
0xc2: {  	(tm) =	ssettm $0x7FFFFFFF  }
0xc3: {  	_ =	shalt  }
tec
execute0_lowered:
.L_overlay_start_1:
0x0: {  	(tag) =	ssettag $0x1  }
0x1: {  	s4 =	rddreg [dreg:$0x0]  }
0x2: {  	s2 =	rddreg [dreg:$0x1]  }
0x3: {  	s0 =	rddreg [dreg:$0x2]  }
0x4: {  	s3 =	simm.s32 $0x0;
	s1 =	stileid.u32;
	s6 =	srdreg.scid  }
0x5: {  	s13 =	simm.s32 $0x28;
	s14 =	simm.s32 $0x4000;
	s15 =	simm.s32 $0x80  }
0x6: {  	s16 =	simm.s32 $0x5400;
	s17 =	simm.s32 $0x1;
	s18 =	simm.s32 $0x2  }
0x7: {  	s19 =	simm.s32 $0x0;
	[smem:$0x7FF] =	sst s3;
	s5 =	smul.u32 $0x2800, s1  }
0x8: {  	s6 =	sand.u32 $0x1, s6;
	s7 =	sshll.u32 s1, $0xD;
	s9 =	smul.u32 $0x4E200, s1  }
0x9: {  	s11 =	smul.u32 $0x50000, s1;
	s29 =	sshll.u32 s1, $0x6;
	_ =	strace $0x80000053  }
0xa: {  	s8 =	sshll.u32 s6, $0xC;
	s10 =	ssub.s32 $0x2, s6;
	s30 =	smul.u32 $0x27100, s6  }
0xb: {  	s5 =	sadd.s32 s5, s4;
	s7 =	sor.u32 s8, s7;
	s26 =	sshrl.u32 s10, $0x1  }
0xc: {  	s9 =	sadd.s32 s9, s4;
	s28 =	sshrl.u32 s11, $0x2;
	s7 =	sadd.s32 s7, s4  }
0xd: {  	s8 =	ssub.s32 s10, s26;
	s12 =	sadd.s32 s28, s2;
	s4 =	sadd.s32 $0x31C00, s5  }
0xe: {  	s5 =	sor.u32 $0x1C03, s29;
	s31 =	sadd.s32 s30, s9;
	s6 =	sadd.s32 $0x11C00, s7  }
0xf: {  	s7 =	sadd.s32 $0x12400, s7;
	s8 =	smax.u32 s8, $0x1;
	s9 =	sadd.s32 $0xA64000, s31  }
0x10: {  	s10 =	sadd.s32 $0xA77880, s31;
	s11 =	sshrl.u32 s12, $0x3;
	s12 =	simm.s32 $0x3  }
.LBB2_1:
0x11: {  	[spmem:s11], [sflag:s5] =	dma.local [hbm:s4], $0x2800  }
0x12: {  	_ =	swait.ge [sflag:s12], $0x2800  }
0x13: {  	[sflag:s12] =	ssyncset.done $0x0  }
0x14: {  	[sflag:s12] =	ssyncadd.s32 $0xFFFFD800  }
0x15: {  	[bflag:$0x0] =	sbarrier.arrive $0xFFFF  }
0x16: {  	[tilespmem:s3], [sflag:$0x3] =	stream.linear.gather [hbm4b:s6+s3], $0x3E80, $0x38;
	[tilespmem:$0x1F800] =	vst v63  }
0x17: {  	_ =	swait.ge [sflag:s12], $0x3E80  }
0x18: {  	[sflag:s12] =	ssyncset.done $0x0  }
0x19: {  	[sflag:s12] =	ssyncadd.s32 $0xFFFFC180  }
0x1a: {  	[tilespmem:s14], [sflag:$0x1] =	stream.indirect.gather [spmem:s2], $0x80, s3, s13, $0xb8;
	[tilespmem:$0x1F800] =	vst v63  }
0x1b: {  	s20 =	simm.s32 $0x100;
	s21 =	smov.u32 s9;
	s22 =	simm.s32 $0x0  }
0x1c: {  	[tilespmem:s16], [sflag:$0x1] =	stream.indirect.gather [spmem:s2], $0x80, s15, s13, $0xb8;
	[tilespmem:$0x1F800] =	vst v63  }
.LBB2_2:
0x1d: {  	p0 =	slt.u32 s22, $0x4  }
0x1e: {  	s23 =	simm.s32 @!p0 $0x2  }
0x1f: {  	p1 =	sgt.u32 @!p0 s22, $0x7A;
	_ =	swait.ge @!p0 [sflag:s23], $0x1400  }
0x20: {  	p1 =	por p0, !p1;
	[sflag:s23] =	ssyncset.done @!p0 $0x0  }
0x21: {  	[sflag:s23] =	ssyncadd.s32 @!p0 $0xFFFFEC00;
	s23 =	sadd.s32 @p1 $0x2, s22  }
0x22: {  	s24 =	smul.u32 @p1 $0xAB, s23;
	_ =	sdelay $0x1  }
0x23: {  	s24 =	sshrl.u32 @p1 s24, $0xA  }
0x24: {  	s24 =	sand.u32 @p1 $0x3F, s24  }
0x25: {  	s24 =	smul.u32 @p1 $0x6, s24;
	_ =	sdelay $0x1  }
0x26: {  	s23 =	ssub.s32 @p1 s23, s24  }
0x27: {  	s23 =	sand.u32 @p1 $0xFF, s23  }
0x28: {  	s23 =	smul.u32 @p1 $0x5000, s23;
	_ =	sdelay $0x1  }
0x29: {  	s23 =	sshrl.u32 @p1 s23, $0x2  }
0x2a: {  	s31 =	smul.u32 $0xAB, s22;
	s23 =	sadd.s32 @p1 $0x4000, s23  }
0x2b: {  	[tilespmem:s23], [sflag:$0x1] =	stream.indirect.gather @p1 [spmem:s2], $0x80, s20, s13, $0xb8;
	[tilespmem:$0x1F800] =	vst v63  }
0x2c: {  	s23 =	sshrl.u32 s31, $0xA  }
0x2d: {  	s23 =	sand.u32 $0x3F, s23  }
0x2e: {  	s23 =	smul.u32 $0x6, s23;
	_ =	sdelay $0x1  }
0x2f: {  	s23 =	ssub.s32 s22, s23  }
0x30: {  	s22 =	sadd.s32 $0x1, s22;
	s23 =	sand.u32 $0xFF, s23  }
0x31: {  	p0 =	sne.s32 s22, $0x7D;
	s23 =	smul.u32 $0x5000, s23  }
.Ltmp0:
0x32: {  	_ =	swait.ge [sflag:s17], $0x1400;
	(pc) =	sbr.rel @p0 .LBB2_2-.Ltmp0, $4  }
0x33: {  	[sflag:s17] =	ssyncset.done $0x0;
	s23 =	sshrl.u32 s23, $0x2  }
0x34: {  	[sflag:s17] =	ssyncadd.s32 $0xFFFFEC00;
	s23 =	sadd.s32 $0x4000, s23  }
0x35: {  	[hbm4b:s21+s3] =	stream.linear.scatter [tilespmem:s23], [sflag:$0x2], $0x1400, $0x38;
	[tilespmem:$0x1F800] =	vst v63  }
0x36: {  	s20 =	sadd.s32 $0x80, s20;
	s21 =	sadd.s32 $0x280, s21  }
0x37: {  	_ =	swait.ge [sflag:s18], $0x1400  }
0x38: {  	[sflag:s18] =	ssyncset.done $0x0  }
0x39: {  	[sflag:s18] =	ssyncadd.s32 $0xFFFFEC00  }
0x3a: {  	_ =	swait.ge [sflag:s18], $0x1400  }
0x3b: {  	[sflag:s18] =	ssyncset.done $0x0  }
0x3c: {  	[sflag:s18] =	ssyncadd.s32 $0xFFFFEC00  }
0x3d: {  	_ =	swait.ge [sflag:s18], $0x1400  }
0x3e: {  	[sflag:s18] =	ssyncset.done $0x0  }
0x3f: {  	[sflag:s18] =	ssyncadd.s32 $0xFFFFEC00  }
0x40: {  	_ =	swait.ge [sflag:s18], $0x1400  }
0x41: {  	[sflag:s18] =	ssyncset.done $0x0  }
0x42: {  	s20 =	simm.s32 $0x0;
	[sflag:s18] =	ssyncadd.s32 $0xFFFFEC00  }
0x43: {  	[tilespmem:s20], [sflag:$0x3] =	stream.linear.gather [hbm4b:s7+s20], $0x3E80, $0x38;
	[tilespmem:$0x1F800] =	vst v63  }
0x44: {  	_ =	swait.ge [sflag:s12], $0x3E80  }
0x45: {  	[sflag:s12] =	ssyncset.done $0x0  }
0x46: {  	[sflag:s12] =	ssyncadd.s32 $0xFFFFC180  }
0x47: {  	[tilespmem:s14], [sflag:$0x1] =	stream.indirect.gather [spmem:s2], $0x80, s20, s13, $0xb8;
	[tilespmem:$0x1F800] =	vst v63  }
0x48: {  	s21 =	simm.s32 $0x100;
	s22 =	smov.u32 s10  }
0x49: {  	[tilespmem:s16], [sflag:$0x1] =	stream.indirect.gather [spmem:s2], $0x80, s15, s13, $0xb8;
	[tilespmem:$0x1F800] =	vst v63  }
.LBB2_4:
0x4a: {  	p0 =	slt.u32 s20, $0x4  }
0x4b: {  	s23 =	simm.s32 @!p0 $0x2  }
0x4c: {  	p1 =	sgt.u32 @!p0 s20, $0x7A;
	_ =	swait.ge @!p0 [sflag:s23], $0x1400  }
0x4d: {  	p1 =	por p0, !p1;
	[sflag:s23] =	ssyncset.done @!p0 $0x0  }
0x4e: {  	[sflag:s23] =	ssyncadd.s32 @!p0 $0xFFFFEC00;
	s23 =	sadd.s32 @p1 $0x2, s20  }
0x4f: {  	s24 =	smul.u32 @p1 $0xAB, s23;
	_ =	sdelay $0x1  }
0x50: {  	s24 =	sshrl.u32 @p1 s24, $0xA  }
0x51: {  	s24 =	sand.u32 @p1 $0x3F, s24  }
0x52: {  	s24 =	smul.u32 @p1 $0x6, s24;
	_ =	sdelay $0x1  }
0x53: {  	s23 =	ssub.s32 @p1 s23, s24  }
0x54: {  	s23 =	sand.u32 @p1 $0xFF, s23  }
0x55: {  	s23 =	smul.u32 @p1 $0x5000, s23;
	_ =	sdelay $0x1  }
0x56: {  	s23 =	sshrl.u32 @p1 s23, $0x2  }
0x57: {  	s31 =	smul.u32 $0xAB, s20;
	s23 =	sadd.s32 @p1 $0x4000, s23  }
0x58: {  	[tilespmem:s23], [sflag:$0x1] =	stream.indirect.gather @p1 [spmem:s2], $0x80, s21, s13, $0xb8;
	[tilespmem:$0x1F800] =	vst v63  }
0x59: {  	s23 =	sshrl.u32 s31, $0xA  }
0x5a: {  	s23 =	sand.u32 $0x3F, s23  }
0x5b: {  	s23 =	smul.u32 $0x6, s23;
	_ =	sdelay $0x1  }
0x5c: {  	s23 =	ssub.s32 s20, s23  }
0x5d: {  	s20 =	sadd.s32 $0x1, s20;
	s23 =	sand.u32 $0xFF, s23  }
0x5e: {  	p0 =	sne.s32 s20, $0x7D;
	s23 =	smul.u32 $0x5000, s23  }
.Ltmp1:
0x5f: {  	_ =	swait.ge [sflag:s17], $0x1400;
	(pc) =	sbr.rel @p0 .LBB2_4-.Ltmp1, $4  }
0x60: {  	[sflag:s17] =	ssyncset.done $0x0;
	s23 =	sshrl.u32 s23, $0x2  }
0x61: {  	[sflag:s17] =	ssyncadd.s32 $0xFFFFEC00;
	s23 =	sadd.s32 $0x4000, s23  }
0x62: {  	[hbm4b:s22+s3] =	stream.linear.scatter [tilespmem:s23], [sflag:$0x2], $0x1400, $0x38;
	[tilespmem:$0x1F800] =	vst v63  }
0x63: {  	s21 =	sadd.s32 $0x80, s21;
	s22 =	sadd.s32 $0x280, s22  }
0x64: {  	_ =	swait.ge [sflag:s18], $0x1400  }
0x65: {  	[sflag:s18] =	ssyncset.done $0x0  }
0x66: {  	[sflag:s18] =	ssyncadd.s32 $0xFFFFEC00  }
0x67: {  	_ =	swait.ge [sflag:s18], $0x1400  }
0x68: {  	[sflag:s18] =	ssyncset.done $0x0  }
0x69: {  	s19 =	sadd.s32 $0x1, s19;
	[sflag:s18] =	ssyncadd.s32 $0xFFFFEC00  }
0x6a: {  	p0 =	sne.s32 s19, s8;
	_ =	swait.ge [sflag:s18], $0x1400  }
.Ltmp2:
0x6b: {  	[sflag:s18] =	ssyncset.done $0x0;
	(pc) =	sbr.rel @p0 .LBB2_1-.Ltmp2, $4  }
0x6c: {  	[sflag:s18] =	ssyncadd.s32 $0xFFFFEC00  }
0x6d: {  	_ =	swait.ge [sflag:s18], $0x1400  }
0x6e: {  	[sflag:s18] =	ssyncset.done $0x0  }
0x6f: {  	[sflag:s18] =	ssyncadd.s32 $0xFFFFEC00  }
0x70: {  	_ =	sfence.sel $0x180000  }
0x71: {  	[bflag:$0x0] =	sbarrier.arrive $0xFFFF  }
0x72: {  	p0 =	sne.s32 s1, $0x0;
	_ =	strace $0x90000053  }
0x73: {  	s0 =	sadd.s32 @!p0 $0x100000, s0;
	[bflag:$0x2] =	sbarrier.arrive $0xFFFF  }
0x74: {  	[sflag:s0] =	ssyncadd.tile.s32 @!p0 $0x1;
	_ =	shalt  }
.Lfunc_end2:
_tile_overlayer_lowered:
.L_overlay_start_2:
0x75: {  	(tag) =	ssettag $0x2  }
0x76: {  	s0 =	rddreg [dreg:$0x0];
	s2 =	stileid.u32  }
0x77: {  	s1 =	rddreg [dreg:$0x1];
	p0 =	sne.s32 s2, $0x0  }
0x78: {  	s3 =	rddreg [dreg:$0x2];
	[bflag:$0x3] =	sbarrier.arrive $0xFFFF;
	s2 =	simm.s32 @!p0 $0x1C03  }
0x79: {  	[timem:s3], [sflag:s2] =	dma.local @!p0 [hbm:s0], s1  }
0x7a: {  	s0 =	simm.s32 @!p0 $0x3  }
0x7b: {  	_ =	swait.ge @!p0 [sflag:s0], s1  }
0x7c: {  	s1 =	ssub.s32 @!p0 $0x0, s1;
	[sflag:s0] =	ssyncset.done @!p0 $0x0  }
0x7d: {  	[sflag:s0] =	ssyncadd.s32 @!p0 s1  }
0x7e: {  	[bflag:$0x3] =	sbarrier.arrive $0xFFFF  }
0x7f: {  	_ =	shalt  }

// kernel: kernel.30.cloned.1.call-start
scs
__scs_entry_jumppad:
0x0: {  	(pc) =	sbr.rel $0x88, $3  }
0x1: {  	(tag) =	ssettag $0x0;
	lr =	simm.s32 $0x1  }
0x2: {  	[smem:$0x3F78] =	sst lr;
	_ =	strace $0xD0000000  }
0x3: {  	_ = 	snop  }
0x4: {  	_ = 	snop  }
0x5: {  	_ = 	snop  }
0x6: {  	_ = 	snop  }
0x7: {  	_ = 	snop  }
__scs_overlays_trampoline_lowered:
0x8: {  	[smem:$0x3F87] =	sst s0  }
0x9: {  	[smem:$0x3F88] =	sst s1  }
0xa: {  	[smem:$0x3F89] =	sst s2  }
0xb: {  	[smem:$0x3F8A] =	sst s3  }
0xc: {  	[smem:$0x3F8B] =	sst s4  }
0xd: {  	[smem:$0x3F8C] =	sst s5  }
0xe: {  	[smem:$0x3F8D] =	sst s6  }
0xf: {  	[smem:$0x3F8E] =	sst s7  }
0x10: {  	[smem:$0x3F8F] =	sst s8  }
0x11: {  	[smem:$0x3F90] =	sst s9;
	s0 =	simm.s32 @!p0 $0x0  }
0x12: {  	s1 =	sld [smem:$0x3F76];
	s0 =	simm.s32 @p0 $0x1  }
0x13: {  	[smem:$0x3F91] =	sst s0;
	s0 =	simm.s32 @!p1 $0x0  }
0x14: {  	s2 =	sld [smem:$0x3F75];
	s0 =	simm.s32 @p1 $0x1  }
0x15: {  	[smem:$0x3F92] =	sst s0;
	s0 =	simm.s32 @!p2 $0x0  }
0x16: {  	s3 =	sld [smem:$0x3FDB];
	s0 =	simm.s32 @p2 $0x1  }
0x17: {  	s4 =	simm.s32 $0x1BF5;
	[smem:$0x3F94] =	sst s0  }
0x18: {  	s0 =	sld [smem:$0x3F77];
	_ =	swait.ge [sflag:s4], $0x0  }
0x19: {  	s7 =	sld [smem:$0x3F78]  }
0x1a: {  	s8 =	sadd.s32 $0xFFFFE003, lr  }
0x1b: {  	s9 =	sadd.s32 $0xFFFFFEF7, lr;
	s5 =	simm.s32 $0xFFFFFFFF;
	p2 =	slt.u32 s8, $0xFFFFF086  }
0x1c: {  	p1 =	slt.u32 s9, $0xF7A;
	s5 =	simm.s32 @!p2 $0x0  }
0x1d: {  	s5 =	simm.s32 @p1 $0x1;
	p0 =	seq.s32 s7, s2  }
0x1e: {  	s7 =	smul.u32 @!p0 $0xF7A, s2;
	p2 =	seq.s32 @!p0 s5, $0x0  }
0x1f: {  	s9 =	smul.u32 $0xF7A, s1;
	s8 =	simm.s32 @!p0 $0x1BF5;
	p2 =	por !p2, p0  }
0x20: {  	[sflag:s8] =	ssyncset.s32 @!p0 $0xFFFFF086;
	s6 =	sadd.s32 @!p0 s3, s7;
	s7 =	simm.s32 @!p0 $0x108  }
0x21: {  	s3 =	sadd.s32 s3, s9;
	s6 =	sadd.s32 @!p0 $0x88, s6;
	s7 =	simm.s32 @p2 $0x1082  }
0x22: {  	[simem:s7], [sflag:s8] =	dma.local @!p0 [hbm:s6], $0xF7A  }
0x23: {  	s9 =	sor.u32 $0xD0000000, s2;
	s6 =	simm.s32 $0x108;
	_ =	swait.ge @!p0 [sflag:s8], $0x0  }
0x24: {  	s3 =	sadd.s32 $0x88, s3;
	s6 =	simm.s32 @!p1 $0x1082;
	[sflag:s4] =	ssyncset.s32 $0xFFFFF086  }
0x25: {  	[simem:s6], [sflag:s4] =	dma.local [hbm:s3], $0xF7A  }
0x26: {  	[smem:$0x3F78] =	sst s1;
	(tag) =	ssettag s2;
	_ =	strace s9  }
0x27: {  	s1 =	sld [smem:$0x3F88]  }
0x28: {  	s2 =	sld [smem:$0x3F89]  }
0x29: {  	s4 =	sld [smem:$0x3F8B]  }
0x2a: {  	p0 =	seq.s32 s5, $0x0;
	s5 =	sld [smem:$0x3F8C]  }
0x2b: {  	s6 =	sld [smem:$0x3F8D]  }
0x2c: {  	s7 =	sld [smem:$0x3F8E]  }
0x2d: {  	s3 =	simm.s32 $0x108;
	s8 =	sld [smem:$0x3F8F]  }
0x2e: {  	s3 =	simm.s32 @!p0 $0x1082;
	s9 =	sld [smem:$0x3F90]  }
0x2f: {  	lr =	sadd.s32 s0, s3;
	s0 =	sld [smem:$0x3F87]  }
0x30: {  	s3 =	sld [smem:$0x3F8A]  }
0x31: {  	[smem:$0x3F93] =	sst s10  }
0x32: {  	s10 =	sld [smem:$0x3F91];
	_ =	sdelay $0x3  }
0x33: {  	p0 =	seq.s32 s10, $0x1;
	s10 =	sld [smem:$0x3F93];
	_ =	sdelay $0x3  }
0x34: {  	[smem:$0x3F93] =	sst s10  }
0x35: {  	s10 =	sld [smem:$0x3F92];
	_ =	sdelay $0x3  }
0x36: {  	p1 =	seq.s32 s10, $0x1;
	s10 =	sld [smem:$0x3F93];
	_ =	sdelay $0x3  }
0x37: {  	[smem:$0x3F93] =	sst s10  }
0x38: {  	s10 =	sld [smem:$0x3F94]  }
0x39: {  	_ = 	snop;
	(pc) =	sbr.ind lr, $3  }
0x3a: {  	_ = 	snop  }
0x3b: {  	_ = 	snop  }
0x3c: {  	p2 =	seq.s32 s10, $0x1;
	s10 =	sld [smem:$0x3F93]  }
0x3d: {  	_ =	shalt  }
0x3e: {  	_ =	shalt  }
0x3f: {  	_ =	shalt  }
0x40: {  	_ =	shalt  }
0x41: {  	_ =	shalt  }
0x42: {  	_ =	shalt  }
0x43: {  	_ =	shalt  }
0x44: {  	_ =	shalt  }
0x45: {  	_ =	shalt  }
0x46: {  	_ =	shalt  }
0x47: {  	_ =	shalt  }
0x48: {  	_ =	shalt  }
0x49: {  	_ =	shalt  }
0x4a: {  	_ =	shalt  }
0x4b: {  	_ =	shalt  }
0x4c: {  	_ =	shalt  }
0x4d: {  	_ =	shalt  }
0x4e: {  	_ =	shalt  }
0x4f: {  	_ =	shalt  }
0x50: {  	_ =	shalt  }
0x51: {  	_ =	shalt  }
0x52: {  	_ =	shalt  }
0x53: {  	_ =	shalt  }
0x54: {  	_ =	shalt  }
0x55: {  	_ =	shalt  }
0x56: {  	_ =	shalt  }
0x57: {  	_ =	shalt  }
0x58: {  	_ =	shalt  }
0x59: {  	_ =	shalt  }
0x5a: {  	_ =	shalt  }
0x5b: {  	_ =	shalt  }
0x5c: {  	_ =	shalt  }
0x5d: {  	_ =	shalt  }
0x5e: {  	_ =	shalt  }
0x5f: {  	_ =	shalt  }
0x60: {  	_ =	shalt  }
0x61: {  	_ =	shalt  }
0x62: {  	_ =	shalt  }
0x63: {  	_ =	shalt  }
0x64: {  	_ =	shalt  }
0x65: {  	_ =	shalt  }
0x66: {  	_ =	shalt  }
0x67: {  	_ =	shalt  }
0x68: {  	_ =	shalt  }
0x69: {  	_ =	shalt  }
0x6a: {  	_ =	shalt  }
0x6b: {  	_ =	shalt  }
0x6c: {  	_ =	shalt  }
0x6d: {  	_ =	shalt  }
0x6e: {  	_ =	shalt  }
0x6f: {  	_ =	shalt  }
0x70: {  	_ =	shalt  }
0x71: {  	_ =	shalt  }
0x72: {  	_ =	shalt  }
0x73: {  	_ =	shalt  }
0x74: {  	_ =	shalt  }
0x75: {  	_ =	shalt  }
0x76: {  	_ =	shalt  }
0x77: {  	_ =	shalt  }
0x78: {  	_ =	shalt  }
0x79: {  	_ =	shalt  }
0x7a: {  	_ =	shalt  }
0x7b: {  	_ =	shalt  }
0x7c: {  	_ =	shalt  }
0x7d: {  	_ =	shalt  }
0x7e: {  	_ =	shalt  }
0x7f: {  	_ =	shalt  }
0x80: {  	_ =	shalt  }
0x81: {  	_ =	shalt  }
0x82: {  	_ =	shalt  }
0x83: {  	_ =	shalt  }
0x84: {  	_ =	shalt  }
0x85: {  	_ =	shalt  }
0x86: {  	_ =	shalt  }
0x87: {  	_ =	shalt  }
.Lfunc_end0:
.L_simem_size_0:
called_computation.5_lowered:
.L_overlay_start_0:
0x88: {  	s2 =	sld [smem:$0x3FD9]  }
0x89: {  	s3 =	sld [smem:$0x3FFE];
	_ =	sdelay $0x1  }
0x8a: {  	s1 =	srdreg.scid  }
0x8b: {  	s0 =	sand.u32 $0x1, s1  }
0x8c: {  	s16 =	sshll.u32 s0, $0xA;
	s2 =	sadd.s32 s3, s2  }
0x8d: {  	s2 =	sadd.s32 s2, s16  }
0x8e: {  	[smem:$0x3F9F] =	sst s2  }
0x8f: {  	_ = 	snop  }
0x90: {  	(tm) =	ssettm $0x1  }
0x91: {  	s17 =	sld [smem:$0x3FFB];
	_ =	sdelay $0x3  }
0x92: {  	_ =	strace s17  }
0x93: {  	s2 =	sld [smem:$0x3FFC];
	_ =	sdelay $0x3  }
0x94: {  	_ =	strace s2  }
0x95: {  	s2 =	sld [smem:$0x3FFD];
	_ =	sdelay $0x3  }
0x96: {  	_ =	strace s2  }
0x97: {  	_ =	strace $0x8FFFFFFF  }
0x98: {  	s18 =	sld [smem:$0x3FDB];
	_ =	sdelay $0x1  }
0x99: {  	s19 =	simm.s32 $_scs_section_size  }
0x9a: {  	s4 =	simm.s32 $_size__tile_overlayer_lowered;
	s5 =	simm.s32 $_tile_overlayer_lowered  }
0x9b: {  	s22 =	simm.s32 $0x1BFF;
	s21 =	sshll.u32 s5, $0x1;
	s2 =	sadd.s32 s19, s18  }
0x9c: {  	s6 =	simm.s32 $0x0;
	s20 =	sshll.u32 s4, $0x1;
	s4 =	sadd.s32 s21, s2  }
0x9d: {  	[timem:s6], [sflag:s22] =	dma.local [hbm:s4], s20  }
0x9e: {  	_ =	swait.ge [sflag:s22], s20  }
0x9f: {  	s3 =	ssub.s32 $0x0, s20;
	[sflag:s22] =	ssyncset.done $0x0  }
0xa0: {  	[sflag:s22] =	ssyncadd.s32 s3;
	_ =	sdelay $0x1  }
0xa1: {  	s23 =	simm.s32 $0x1B8B  }
0xa2: {  	_ =	swait.ge [sflag:s23], $0x1  }
0xa3: {  	[sflag:s23] =	ssyncset.done $0x0  }
0xa4: {  	s25 =	simm.s32 $0x1B8E;
	s24 =	sld [smem:$0x3FFE];
	[sflag:s23] =	ssyncadd.s32 $0xFFFFFFFF  }
0xa5: {  	s26 =	simm.s32 $execute0_lowered;
	[smem:$0x3FD2] =	sst s25  }
0xa6: {  	s4 =	sshll.u32 s26, $0x1;
	_ =	strace $0x80000055;
	[dreg:$0x1] =	wrdreg $0xFFFFFFFF  }
0xa7: {  	s28 =	simm.s32 $_size_execute0_lowered;
	s2 =	sadd.s32 s2, s4;
	[dreg:$0x0] =	wrdreg $0x0  }
0xa8: {  	s4 =	sshll.u32 s28, $0x1;
	[dreg:$0x2] =	wrdreg s2  }
0xa9: {  	[dreg:$0x3] =	wrdreg s4  }
0xaa: {  	[dreg:$0x4] =	wrdreg $0xC0  }
0xab: {  	_ =	task [dreg:s6], $0x5FFFF  }
0xac: {  	[dreg:$0x1] =	wrdreg $0xFFFFFFFF  }
0xad: {  	[dreg:$0x0] =	wrdreg $0x60  }
0xae: {  	[dreg:$0x2] =	wrdreg s24  }
0xaf: {  	[dreg:$0x3] =	wrdreg $0xB8000  }
0xb0: {  	[dreg:$0x4] =	wrdreg $0x9  }
0xb1: {  	_ =	task.clear_ibuf [dreg:s6], $0x5FFFF;
	_ =	strace $0x90000055  }
0xb2: {  	s29 =	simm.s32 $0x9;
	_ =	strace $0x80000057  }
0xb3: {  	_ =	swait.ge [sflag:s29], $0x1  }
0xb4: {  	[sflag:s29] =	ssyncadd.s32 $0xFFFFFFFF  }
0xb5: {  	_ =	strace $0x90000057  }
0xb6: {  	_ =	sfence  }
0xb7: {  	s30 =	sld [smem:$0x0];
	_ =	sdelay $0x2  }
0xb8: {  	s31 =	sshll.u32 s1, $0xD;
	s1 =	sshrl.u32 s1, $0x2  }
0xb9: {  	s3 =	sand.u32 $0x4000, s31;
	s1 =	sadd.s32 s1, s30  }
0xba: {  	s0 =	sor.u32 s3, s0;
	s1 =	sshll.u32 s1, $0x11  }
0xbb: {  	s0 =	sor.u32 s1, s0  }
0xbc: {  	s0 =	sadd.s32 $0x8F2B, s0  }
0xbd: {  	[sflag:s0] =	ssyncadd.remote.s32 $0x1  }
0xbe: {  	_ =	sfence.sel $0xFFFF  }
0xbf: {  	[dreg:$0x0] =	wrdreg $0xFFFFFFFF;
	(pc) =	sbr.abs _section_cstart, $3  }
0xc0: {  	[dreg:$0x1] =	wrdreg $0xFFFFFFFF  }
0xc1: {  	_ =	task.clear_ibuf [dreg:s6], $0x2FFFF;
	_ =	strace $0x9FFFFFFF  }
0xc2: {  	(tm) =	ssettm $0x7FFFFFFF  }
0xc3: {  	_ =	shalt  }
tec
execute0_lowered:
.L_overlay_start_1:
0x0: {  	(tag) =	ssettag $0x1  }
0x1: {  	s4 =	rddreg [dreg:$0x0]  }
0x2: {  	s2 =	rddreg [dreg:$0x1]  }
0x3: {  	s0 =	rddreg [dreg:$0x2]  }
0x4: {  	s5 =	srdreg.scid;
	s1 =	stileid.u32  }
0x5: {  	s3 =	simm.s32 $0x0;
	s18 =	simm.s32 $0x4000;
	s19 =	simm.s32 $0x5400  }
0x6: {  	s20 =	simm.s32 $0x1;
	s8 =	sand.u32 $0x1, s5;
	s22 =	smul.u32 $0x14000, s1  }
0x7: {  	s21 =	sshll.u32 s1, $0x1;
	[smem:$0x7FF] =	sst s3;
	s12 =	smul.u32 $0x50000, s1  }
0x8: {  	s10 =	sadd.s32 $0xF46000, s4;
	s26 =	sshll.u32 s1, $0x6;
	s30 =	smul.u32 $0x4E200, s1  }
0x9: {  	s6 =	sor.u32 s8, s21;
	_ =	strace $0x80000056;
	s9 =	smul.u32 $0x140000, s8  }
0xa: {  	s24 =	ssub.s32 $0x2, s8;
	s17 =	smul.u32 $0x27100, s8;
	s21 =	simm.s32 $0x28  }
0xb: {  	s7 =	sshll.u32 s6, $0xC;
	s23 =	sshrl.u32 s22, $0x3;
	s28 =	smul.u32 $0x138800, s6  }
0xc: {  	s13 =	sshrl.u32 s24, $0x1;
	s25 =	sshrl.u32 s12, $0x2;
	s29 =	smul.u32 $0x27100, s6  }
0xd: {  	s12 =	sadd.s32 s30, s10;
	s11 =	sadd.s32 s7, s4;
	s5 =	sadd.s32 s22, s9  }
0xe: {  	s7 =	sadd.s32 s23, s4;
	s13 =	ssub.s32 s24, s13;
	s16 =	sadd.s32 s25, s2  }
0xf: {  	s31 =	sadd.s32 s17, s12;
	s17 =	simm.s32 $0x3;
	s22 =	simm.s32 $0x2  }
0x10: {  	s23 =	simm.s32 $0x0;
	s5 =	sshrl.u32 s5, $0x3;
	s6 =	sadd.s32 $0xA44000, s11  }
0x11: {  	s9 =	sshrl.u32 s28, $0x3;
	s13 =	smax.u32 s13, $0x1;
	s16 =	sshrl.u32 s16, $0x3  }
0x12: {  	s14 =	sadd.s32 s5, s4;
	s4 =	sadd.s32 $0x80000, s7;
	s5 =	sor.u32 $0x1C03, s26  }
0x13: {  	s7 =	sadd.s32 s10, s29;
	s15 =	sadd.s32 s10, s9;
	s9 =	sadd.s32 $0xA44800, s11  }
0x14: {  	s8 =	sadd.s32 $0x280, s15;
	s10 =	sadd.s32 $0x13880, s7;
	s11 =	sadd.s32 $0x13B00, s15  }
0x15: {  	s12 =	sadd.s32 $0x7E00, s14;
	s14 =	sadd.s32 $0x500, s31;
	s15 =	sadd.s32 $0x13D80, s31  }
.LBB2_1:
0x16: {  	[spmem:s16], [sflag:s5] =	dma.local [hbm:s4], $0x2800  }
0x17: {  	_ =	swait.ge [sflag:s17], $0x2800  }
0x18: {  	[sflag:s17] =	ssyncset.done $0x0  }
0x19: {  	[sflag:s17] =	ssyncadd.s32 $0xFFFFD800  }
0x1a: {  	[bflag:$0x0] =	sbarrier.arrive $0xFFFF  }
0x1b: {  	[tilespmem:s3], [sflag:$0x3] =	stream.linear.gather [hbm4b:s6+s3], $0x3E80, $0x38;
	[tilespmem:$0x1F800] =	vst v63  }
0x1c: {  	_ =	swait.ge [sflag:s17], $0x3E80  }
0x1d: {  	[sflag:s17] =	ssyncset.done $0x0  }
0x1e: {  	[sflag:s17] =	ssyncadd.s32 $0xFFFFC180  }
0x1f: {  	[tilespmem:s18], [sflag:$0x1] =	stream.linear.gather [hbm4b:s7+s3], $0x1400, $0x38;
	[tilespmem:$0x1F800] =	vst v63  }
0x20: {  	s24 =	smov.u32 s14;
	s25 =	simm.s32 $0x0;
	s26 =	simm.s32 $0x0  }
0x21: {  	[tilespmem:s19], [sflag:$0x1] =	stream.linear.gather [hbm4b:s8+s3], $0x1400, $0x38;
	[tilespmem:$0x1F800] =	vst v63  }
.LBB2_2:
0x22: {  	p0 =	slt.u32 s26, $0x4  }
0x23: {  	s28 =	simm.s32 @!p0 $0x2  }
0x24: {  	p1 =	sgt.u32 @!p0 s26, $0x7A;
	_ =	swait.ge @!p0 [sflag:s28], $0x1400  }
0x25: {  	p1 =	por p0, !p1;
	[sflag:s28] =	ssyncset.done @!p0 $0x0  }
0x26: {  	[sflag:s28] =	ssyncadd.s32 @!p0 $0xFFFFEC00;
	s28 =	sadd.s32 @p1 $0x2, s26  }
0x27: {  	s29 =	smul.u32 @p1 $0xAB, s28;
	_ =	sdelay $0x1  }
0x28: {  	s29 =	sshrl.u32 @p1 s29, $0xA  }
0x29: {  	s29 =	sand.u32 @p1 $0x3F, s29  }
0x2a: {  	s29 =	smul.u32 @p1 $0x6, s29;
	_ =	sdelay $0x1  }
0x2b: {  	s28 =	ssub.s32 @p1 s28, s29  }
0x2c: {  	s28 =	sand.u32 @p1 $0xFF, s28  }
0x2d: {  	s28 =	smul.u32 @p1 $0x5000, s28;
	_ =	sdelay $0x1  }
0x2e: {  	s28 =	sshrl.u32 @p1 s28, $0x2  }
0x2f: {  	s31 =	smul.u32 $0xAB, s26;
	s28 =	sadd.s32 @p1 $0x4000, s28  }
0x30: {  	[tilespmem:s28], [sflag:$0x1] =	stream.linear.gather @p1 [hbm4b:s24+s3], $0x1400, $0x38;
	[tilespmem:$0x1F800] =	vst v63  }
0x31: {  	s28 =	sshrl.u32 s31, $0xA  }
0x32: {  	s28 =	sand.u32 $0x3F, s28  }
0x33: {  	s28 =	smul.u32 $0x6, s28;
	_ =	sdelay $0x1  }
0x34: {  	s28 =	ssub.s32 s26, s28  }
0x35: {  	s26 =	sadd.s32 $0x1, s26;
	s28 =	sand.u32 $0xFF, s28  }
0x36: {  	p0 =	sne.s32 s26, $0x7D;
	s28 =	smul.u32 $0x5000, s28  }
.Ltmp0:
0x37: {  	_ =	swait.ge [sflag:s20], $0x1400;
	(pc) =	sbr.rel @p0 .LBB2_2-.Ltmp0, $4  }
0x38: {  	[sflag:s20] =	ssyncset.done $0x0;
	s28 =	sshrl.u32 s28, $0x2  }
0x39: {  	[sflag:s20] =	ssyncadd.s32 $0xFFFFEC00;
	s28 =	sadd.s32 $0x4000, s28  }
0x3a: {  	[spmem:s2] =	stream.indirect.scatter.add.f32 [tilespmem:s28], [sflag:$0x2], $0x80, s25, s21, $0xb8;
	[tilespmem:$0x1F800] =	vst v63  }
0x3b: {  	s24 =	sadd.s32 $0x280, s24;
	s25 =	sadd.s32 $0x80, s25  }
0x3c: {  	_ =	swait.ge [sflag:s22], $0x1400  }
0x3d: {  	[sflag:s22] =	ssyncset.done $0x0  }
0x3e: {  	[sflag:s22] =	ssyncadd.s32 $0xFFFFEC00  }
0x3f: {  	_ =	swait.ge [sflag:s22], $0x1400  }
0x40: {  	[sflag:s22] =	ssyncset.done $0x0  }
0x41: {  	[sflag:s22] =	ssyncadd.s32 $0xFFFFEC00  }
0x42: {  	_ =	swait.ge [sflag:s22], $0x1400  }
0x43: {  	[sflag:s22] =	ssyncset.done $0x0  }
0x44: {  	[sflag:s22] =	ssyncadd.s32 $0xFFFFEC00  }
0x45: {  	_ =	swait.ge [sflag:s22], $0x1400  }
0x46: {  	[sflag:s22] =	ssyncset.done $0x0  }
0x47: {  	s24 =	simm.s32 $0x0;
	[sflag:s22] =	ssyncadd.s32 $0xFFFFEC00  }
0x48: {  	[tilespmem:s24], [sflag:$0x3] =	stream.linear.gather [hbm4b:s9+s24], $0x3E80, $0x38;
	[tilespmem:$0x1F800] =	vst v63  }
0x49: {  	_ =	swait.ge [sflag:s17], $0x3E80  }
0x4a: {  	[sflag:s17] =	ssyncset.done $0x0  }
0x4b: {  	[sflag:s17] =	ssyncadd.s32 $0xFFFFC180  }
0x4c: {  	[tilespmem:s18], [sflag:$0x1] =	stream.linear.gather [hbm4b:s10+s24], $0x1400, $0x38;
	[tilespmem:$0x1F800] =	vst v63  }
0x4d: {  	s25 =	smov.u32 s15;
	s26 =	simm.s32 $0x0  }
0x4e: {  	[tilespmem:s19], [sflag:$0x1] =	stream.linear.gather [hbm4b:s11+s24], $0x1400, $0x38;
	[tilespmem:$0x1F800] =	vst v63  }
.LBB2_4:
0x4f: {  	p0 =	slt.u32 s26, $0x4  }
0x50: {  	s28 =	simm.s32 @!p0 $0x2  }
0x51: {  	p1 =	sgt.u32 @!p0 s26, $0x7A;
	_ =	swait.ge @!p0 [sflag:s28], $0x1400  }
0x52: {  	p1 =	por p0, !p1;
	[sflag:s28] =	ssyncset.done @!p0 $0x0  }
0x53: {  	[sflag:s28] =	ssyncadd.s32 @!p0 $0xFFFFEC00;
	s28 =	sadd.s32 @p1 $0x2, s26  }
0x54: {  	s29 =	smul.u32 @p1 $0xAB, s28;
	_ =	sdelay $0x1  }
0x55: {  	s29 =	sshrl.u32 @p1 s29, $0xA  }
0x56: {  	s29 =	sand.u32 @p1 $0x3F, s29  }
0x57: {  	s29 =	smul.u32 @p1 $0x6, s29;
	_ =	sdelay $0x1  }
0x58: {  	s28 =	ssub.s32 @p1 s28, s29  }
0x59: {  	s28 =	sand.u32 @p1 $0xFF, s28  }
0x5a: {  	s28 =	smul.u32 @p1 $0x5000, s28;
	_ =	sdelay $0x1  }
0x5b: {  	s28 =	sshrl.u32 @p1 s28, $0x2  }
0x5c: {  	s31 =	smul.u32 $0xAB, s26;
	s28 =	sadd.s32 @p1 $0x4000, s28  }
0x5d: {  	[tilespmem:s28], [sflag:$0x1] =	stream.linear.gather @p1 [hbm4b:s25+s3], $0x1400, $0x38;
	[tilespmem:$0x1F800] =	vst v63  }
0x5e: {  	s28 =	sshrl.u32 s31, $0xA  }
0x5f: {  	s28 =	sand.u32 $0x3F, s28  }
0x60: {  	s28 =	smul.u32 $0x6, s28;
	_ =	sdelay $0x1  }
0x61: {  	s28 =	ssub.s32 s26, s28  }
0x62: {  	s26 =	sadd.s32 $0x1, s26;
	s28 =	sand.u32 $0xFF, s28  }
0x63: {  	p0 =	sne.s32 s26, $0x7D;
	s28 =	smul.u32 $0x5000, s28  }
.Ltmp1:
0x64: {  	_ =	swait.ge [sflag:s20], $0x1400;
	(pc) =	sbr.rel @p0 .LBB2_4-.Ltmp1, $4  }
0x65: {  	[sflag:s20] =	ssyncset.done $0x0;
	s28 =	sshrl.u32 s28, $0x2  }
0x66: {  	[sflag:s20] =	ssyncadd.s32 $0xFFFFEC00;
	s28 =	sadd.s32 $0x4000, s28  }
0x67: {  	[spmem:s2] =	stream.indirect.scatter.add.f32 [tilespmem:s28], [sflag:$0x2], $0x80, s24, s21, $0xb8;
	[tilespmem:$0x1F800] =	vst v63  }
0x68: {  	s25 =	sadd.s32 $0x280, s25;
	s24 =	sadd.s32 $0x80, s24  }
0x69: {  	_ =	swait.ge [sflag:s22], $0x1400  }
0x6a: {  	[sflag:s22] =	ssyncset.done $0x0  }
0x6b: {  	[sflag:s22] =	ssyncadd.s32 $0xFFFFEC00  }
0x6c: {  	_ =	swait.ge [sflag:s22], $0x1400  }
0x6d: {  	[sflag:s22] =	ssyncset.done $0x0  }
0x6e: {  	[sflag:s22] =	ssyncadd.s32 $0xFFFFEC00  }
0x6f: {  	_ =	swait.ge [sflag:s22], $0x1400  }
0x70: {  	[sflag:s22] =	ssyncset.done $0x0  }
0x71: {  	[sflag:s22] =	ssyncadd.s32 $0xFFFFEC00  }
0x72: {  	_ =	swait.ge [sflag:s22], $0x1400  }
0x73: {  	s23 =	sadd.s32 $0x1, s23;
	[sflag:s22] =	ssyncset.done $0x0  }
0x74: {  	p0 =	sne.s32 s23, s13;
	[sflag:s22] =	ssyncadd.s32 $0xFFFFEC00  }
.Ltmp2:
0x75: {  	[bflag:$0x0] =	sbarrier.arrive $0xFFFF;
	(pc) =	sbr.rel @p0 .LBB2_1-.Ltmp2, $4  }
0x76: {  	[hbm:s12], [sflag:s5] =	dma.local [spmem:s16], $0x2800  }
0x77: {  	_ =	swait.ge [sflag:s17], $0x2800  }
0x78: {  	[sflag:s17] =	ssyncset.done $0x0  }
0x79: {  	[sflag:s17] =	ssyncadd.s32 $0xFFFFD800  }
0x7a: {  	_ =	sfence.sel $0x180000  }
0x7b: {  	[bflag:$0x0] =	sbarrier.arrive $0xFFFF  }
0x7c: {  	p0 =	sne.s32 s1, $0x0;
	_ =	strace $0x90000056  }
0x7d: {  	s0 =	sadd.s32 @!p0 $0x100000, s0;
	[bflag:$0x2] =	sbarrier.arrive $0xFFFF  }
0x7e: {  	[sflag:s0] =	ssyncadd.tile.s32 @!p0 $0x1;
	_ =	shalt  }
.Lfunc_end2:
_tile_overlayer_lowered:
.L_overlay_start_2:
0x7f: {  	(tag) =	ssettag $0x2  }
0x80: {  	s0 =	rddreg [dreg:$0x0];
	s2 =	stileid.u32  }
0x81: {  	s1 =	rddreg [dreg:$0x1];
	p0 =	sne.s32 s2, $0x0  }
0x82: {  	s3 =	rddreg [dreg:$0x2];
	[bflag:$0x3] =	sbarrier.arrive $0xFFFF;
	s2 =	simm.s32 @!p0 $0x1C03  }
0x83: {  	[timem:s3], [sflag:s2] =	dma.local @!p0 [hbm:s0], s1  }
0x84: {  	s0 =	simm.s32 @!p0 $0x3  }
0x85: {  	_ =	swait.ge @!p0 [sflag:s0], s1  }
0x86: {  	s1 =	ssub.s32 @!p0 $0x0, s1;
	[sflag:s0] =	ssyncset.done @!p0 $0x0  }
0x87: {  	[sflag:s0] =	ssyncadd.s32 @!p0 s1  }
0x88: {  	[bflag:$0x3] =	sbarrier.arrive $0xFFFF  }
0x89: {  	_ =	shalt  }

</sc_bundles>
